<compile_context>
chip_gen: v7x
topology: tpu7x:2x2x1
jax: 0.10.2.dev20260603
libtpu: 0.0.44.dev20260713+nightly
codegen_flags: <defaults>
</compile_context>

<pallas_src>
import functools

import jax
import jax.numpy as jnp
from jax import lax
from jax.experimental import pallas as pl
from jax.experimental.pallas import tpu as pltpu
from jax.experimental.pallas import tpu_sc as plsc

_VOCAB = 64
_LATENT = 64
_BATCH = 512
_SEQ = 2048
_NC = 2
_NS = 16
_L = 16
_NW = _NC * _NS
_ROWS = _BATCH // _NW
_CHUNKS = _SEQ // _L
_KL = _LATENT // _L
_HUNROLL = 8
_VUNROLL = 2


def _build_sc_kernel():
    mesh = plsc.VectorSubcoreMesh(core_axis_name="c", subcore_axis_name="s")

    @functools.partial(
        pl.kernel,
        mesh=mesh,
        out_type=jax.ShapeDtypeStruct((_BATCH, _LATENT), jnp.float32),
        compiler_params=pltpu.CompilerParams(needs_layout_passes=False),
        scratch_types=[
            pltpu.VMEM((_ROWS, _SEQ), jnp.int32),
            pltpu.VMEM((_VOCAB, _LATENT), jnp.float32),
            pltpu.VMEM((_ROWS * _VOCAB,), jnp.float32),
            pltpu.VMEM((_ROWS, _LATENT), jnp.float32),
        ],
    )
    def k(idx_hbm, table_hbm, out_hbm, idx_v, table_v, counts_v, out_v):
        wid = lax.axis_index("s") * _NC + lax.axis_index("c")
        base = wid * _ROWS
        pltpu.sync_copy(idx_hbm.at[pl.ds(base, _ROWS)], idx_v)
        pltpu.sync_copy(table_hbm, table_v)

        ones = jnp.ones((_L,), jnp.float32)
        zeros = jnp.zeros((_L,), jnp.float32)
        inv = jnp.full((_L,), 1.0 / _SEQ, jnp.float32)

        for j in range(_ROWS * _VOCAB // _L):
            counts_v[pl.ds(j * _L, _L)] = zeros

        for r in range(_ROWS):
            roff = jnp.full((_L,), r * _VOCAB, jnp.int32)

            def hist_body(i, c, r=r, roff=roff):
                for u in range(_HUNROLL):
                    vec = idx_v[r, pl.ds((i * _HUNROLL + u) * _L, _L)]
                    plsc.addupdate_scatter(counts_v, [vec + roff], ones)
                return c

            lax.fori_loop(0, _CHUNKS // _HUNROLL, hist_body, 0)

        for r in range(_ROWS):
            def mm_body(i, accs, r=r):
                for u in range(_VUNROLL):
                    v = i * _VUNROLL + u
                    cvec = plsc.load_gather(
                        counts_v, [jnp.full((_L,), r * _VOCAB, jnp.int32) + v])
                    accs = tuple(
                        accs[q] + cvec * table_v[v, pl.ds(q * _L, _L)]
                        for q in range(_KL)
                    )
                return accs

            accs = lax.fori_loop(
                0, _VOCAB // _VUNROLL, mm_body,
                tuple(zeros for _ in range(_KL)),
            )
            for q in range(_KL):
                out_v[r, pl.ds(q * _L, _L)] = accs[q] * inv

        pltpu.sync_copy(out_v, out_hbm.at[pl.ds(base, _ROWS)])

    return k


_SC_KERNEL = _build_sc_kernel()


def kernel(codon_indices, codon_table):
    return _SC_KERNEL(codon_indices.astype(jnp.int32),
                      codon_table.astype(jnp.float32))

# --- scband reference (transcript-rebuilt; emitter-appended) ---
"""Pipeline reference for scband-genome-encoder-66649302499875 (READ-ONLY COPY).

The authoritative reference and input builder live on the scoring server;
editing this copy changes nothing except your own understanding.
"""

import jax, jax.numpy as jnp
import numpy as np

VOCAB = 64
LATENT = 64
BATCH = 512
SEQ = 2048

def setup_inputs(seed: int = 0) -> dict:
    key = jax.random.key(seed)
    k_idx, k_tab = jax.random.split(key)
    codon_indices = jax.random.randint(k_idx, (BATCH, SEQ), 0, VOCAB, dtype=jnp.int64 if jax.config.jax_enable_x64 else jnp.int32)
    codon_table = jax.random.normal(k_tab, (VOCAB, LATENT), dtype=jnp.float32) * 0.02
    return {"codon_indices": codon_indices, "codon_table": codon_table}

def reference(codon_indices, codon_table):
    # TrainableCodonEncoder modeled as a learned embedding table lookup.
    batch_size, seq_len = codon_indices.shape
    flat_indices = codon_indices.reshape(-1)
    codon_embeddings = jnp.take(codon_table, flat_indices, axis=0)
    latent_dim = codon_embeddings.shape[-1]
    codon_embeddings = codon_embeddings.reshape(batch_size, seq_len, latent_dim)
    # pool_type == 'mean'
    genome_emb = jnp.mean(codon_embeddings, axis=1)
    return genome_emb

if __name__ == "__main__":
    import jax
    _d = setup_inputs()
    print(jax.jit(kernel)(*tuple(_d.values())))

</pallas_src>

<mosaic_0001>
#map = affine_map<(d0, d1) -> (0, 0)>
module attributes {stable_mosaic.version = 14 : i64} {
  func.func @k(%arg0: i32, %arg1: i32, %arg2: memref<512x2048xi32, #tpu.memory_space<hbm>>, %arg3: memref<64x64xf32, #tpu.memory_space<hbm>>, %arg4: memref<512x64xf32, #tpu.memory_space<hbm>>, %arg5: memref<16x2048xi32, #tpu.memory_space<vmem>>, %arg6: memref<64x64xf32, #tpu.memory_space<vmem>>, %arg7: memref<1024xf32, #tpu.memory_space<vmem>>, %arg8: memref<16x64xf32, #tpu.memory_space<vmem>>) attributes {dimension_semantics = [#tpu.dimension_semantics<core_parallel>, #tpu.dimension_semantics<subcore_parallel>], iteration_bounds = array<i64: 2, 16>, scalar_prefetch = 0 : i64, scratch_operands = 4 : i64, tpu.core_type = #tpu.core_type<sc_vector_subcore>, window_params = [{transform_indices = #map}, {transform_indices = #map}, {transform_indices = #map}]} {
    %mul3A = arith.constant 2 : i32
    %mul3A_0 = arith.muli %arg1, %mul3A : i32
    %add3A = arith.addi %mul3A_0, %arg0 : i32
    %mul3A_1 = arith.constant 16 : i32
    %mul3A_2 = arith.muli %add3A, %mul3A_1 : i32
    "tpu.region"() ({
      %run_scoped3A = tpu.sem_alloc : memref<!tpu.dma_semaphore, #tpu.memory_space<semaphore_mem>>
      %dma_start3A = arith.constant 0 : i32
      %dma_start3A_678 = tpu.memref_slice %arg2[%mul3A_2, %dma_start3A] : memref<512x2048xi32, #tpu.memory_space<hbm>> -> memref<16x2048xi32, #tpu.memory_space<hbm>>
      %dma_start3A_679 = arith.constant 0 : i32
      %dma_start3A_680 = tpu.memref_slice %arg2[%mul3A_2, %dma_start3A_679] : memref<512x2048xi32, #tpu.memory_space<hbm>> -> memref<16x2048xi32, #tpu.memory_space<hbm>>
      tpu.enqueue_dma source(%dma_start3A_680 : memref<16x2048xi32, #tpu.memory_space<hbm>>) target(%arg5 : memref<16x2048xi32, #tpu.memory_space<vmem>>) target_semaphore(%run_scoped3A : memref<!tpu.dma_semaphore, #tpu.memory_space<semaphore_mem>>)
      %dma_wait3A = arith.constant 0 : i32
      %dma_wait3A_681 = tpu.memref_slice %arg2[%mul3A_2, %dma_wait3A] : memref<512x2048xi32, #tpu.memory_space<hbm>> -> memref<16x2048xi32, #tpu.memory_space<hbm>>
      %dma_wait3A_682 = arith.constant 0 : i32
      %dma_wait3A_683 = tpu.memref_slice %arg2[%mul3A_2, %dma_wait3A_682] : memref<512x2048xi32, #tpu.memory_space<hbm>> -> memref<16x2048xi32, #tpu.memory_space<hbm>>
      tpu.wait_dma2 semaphore(%run_scoped3A : memref<!tpu.dma_semaphore, #tpu.memory_space<semaphore_mem>>) src(%dma_wait3A_683 : memref<16x2048xi32, #tpu.memory_space<hbm>>) dst(%arg5 : memref<16x2048xi32, #tpu.memory_space<vmem>>)
      tpu.yield
    }) : () -> ()
    "tpu.region"() ({
      %run_scoped3A = tpu.sem_alloc : memref<!tpu.dma_semaphore, #tpu.memory_space<semaphore_mem>>
      tpu.enqueue_dma source(%arg3 : memref<64x64xf32, #tpu.memory_space<hbm>>) target(%arg6 : memref<64x64xf32, #tpu.memory_space<vmem>>) target_semaphore(%run_scoped3A : memref<!tpu.dma_semaphore, #tpu.memory_space<semaphore_mem>>)
      tpu.wait_dma2 semaphore(%run_scoped3A : memref<!tpu.dma_semaphore, #tpu.memory_space<semaphore_mem>>) src(%arg3 : memref<64x64xf32, #tpu.memory_space<hbm>>) dst(%arg6 : memref<64x64xf32, #tpu.memory_space<vmem>>)
      tpu.yield
    }) : () -> ()
    %broadcast_in_dim3A = arith.constant 1.000000e+00 : f32
    %broadcast_in_dim3A_3 = vector.broadcast %broadcast_in_dim3A : f32 to vector<16xf32>
    %broadcast_in_dim3A_4 = arith.constant 0.000000e+00 : f32
    %broadcast_in_dim3A_5 = vector.broadcast %broadcast_in_dim3A_4 : f32 to vector<16xf32>
    %broadcast_in_dim3A_6 = arith.constant 4.8828125E-4 : f32
    %broadcast_in_dim3A_7 = vector.broadcast %broadcast_in_dim3A_6 : f32 to vector<16xf32>
    %swap3A = arith.constant 0 : index
    %swap3A_8 = tpu.vector_load %arg7[%swap3A] {strides = array<i32>} : memref<1024xf32, #tpu.memory_space<vmem>>, vector<16xf32>,
    tpu.vector_store %arg7[%swap3A], %broadcast_in_dim3A_5 {strides = array<i32>} : memref<1024xf32, #tpu.memory_space<vmem>>, vector<16xf32>,
    %swap3A_9 = arith.constant 16 : index
    %swap3A_10 = tpu.vector_load %arg7[%swap3A_9] {strides = array<i32>} : memref<1024xf32, #tpu.memory_space<vmem>>, vector<16xf32>,
    tpu.vector_store %arg7[%swap3A_9], %broadcast_in_dim3A_5 {strides = array<i32>} : memref<1024xf32, #tpu.memory_space<vmem>>, vector<16xf32>,
    %swap3A_11 = arith.constant 32 : index
    %swap3A_12 = tpu.vector_load %arg7[%swap3A_11] {strides = array<i32>} : memref<1024xf32, #tpu.memory_space<vmem>>, vector<16xf32>,
    tpu.vector_store %arg7[%swap3A_11], %broadcast_in_dim3A_5 {strides = array<i32>} : memref<1024xf32, #tpu.memory_space<vmem>>, vector<16xf32>,
    %swap3A_13 = arith.constant 48 : index
    %swap3A_14 = tpu.vector_load %arg7[%swap3A_13] {strides = array<i32>} : memref<1024xf32, #tpu.memory_space<vmem>>, vector<16xf32>,
    tpu.vector_store %arg7[%swap3A_13], %broadcast_in_dim3A_5 {strides = array<i32>} : memref<1024xf32, #tpu.memory_space<vmem>>, vector<16xf32>,
    %swap3A_15 = arith.constant 64 : index
    %swap3A_16 = tpu.vector_load %arg7[%swap3A_15] {strides = array<i32>} : memref<1024xf32, #tpu.memory_space<vmem>>, vector<16xf32>,
    tpu.vector_store %arg7[%swap3A_15], %broadcast_in_dim3A_5 {strides = array<i32>} : memref<1024xf32, #tpu.memory_space<vmem>>, vector<16xf32>,
    %swap3A_17 = arith.constant 80 : index
    %swap3A_18 = tpu.vector_load %arg7[%swap3A_17] {strides = array<i32>} : memref<1024xf32, #tpu.memory_space<vmem>>, vector<16xf32>,
    tpu.vector_store %arg7[%swap3A_17], %broadcast_in_dim3A_5 {strides = array<i32>} : memref<1024xf32, #tpu.memory_space<vmem>>, vector<16xf32>,
    %swap3A_19 = arith.constant 96 : index
    %swap3A_20 = tpu.vector_load %arg7[%swap3A_19] {strides = array<i32>} : memref<1024xf32, #tpu.memory_space<vmem>>, vector<16xf32>,
    tpu.vector_store %arg7[%swap3A_19], %broadcast_in_dim3A_5 {strides = array<i32>} : memref<1024xf32, #tpu.memory_space<vmem>>, vector<16xf32>,
    %swap3A_21 = arith.constant 112 : index
    %swap3A_22 = tpu.vector_load %arg7[%swap3A_21] {strides = array<i32>} : memref<1024xf32, #tpu.memory_space<vmem>>, vector<16xf32>,
    tpu.vector_store %arg7[%swap3A_21], %broadcast_in_dim3A_5 {strides = array<i32>} : memref<1024xf32, #tpu.memory_space<vmem>>, vector<16xf32>,
    %swap3A_23 = arith.constant 128 : index
    %swap3A_24 = tpu.vector_load %arg7[%swap3A_23] {strides = array<i32>} : memref<1024xf32, #tpu.memory_space<vmem>>, vector<16xf32>,
    tpu.vector_store %arg7[%swap3A_23], %broadcast_in_dim3A_5 {strides = array<i32>} : memref<1024xf32, #tpu.memory_space<vmem>>, vector<16xf32>,
    %swap3A_25 = arith.constant 144 : index
    %swap3A_26 = tpu.vector_load %arg7[%swap3A_25] {strides = array<i32>} : memref<1024xf32, #tpu.memory_space<vmem>>, vector<16xf32>,
    tpu.vector_store %arg7[%swap3A_25], %broadcast_in_dim3A_5 {strides = array<i32>} : memref<1024xf32, #tpu.memory_space<vmem>>, vector<16xf32>,
    %swap3A_27 = arith.constant 160 : index
    %swap3A_28 = tpu.vector_load %arg7[%swap3A_27] {strides = array<i32>} : memref<1024xf32, #tpu.memory_space<vmem>>, vector<16xf32>,
    tpu.vector_store %arg7[%swap3A_27], %broadcast_in_dim3A_5 {strides = array<i32>} : memref<1024xf32, #tpu.memory_space<vmem>>, vector<16xf32>,
    %swap3A_29 = arith.constant 176 : index
    %swap3A_30 = tpu.vector_load %arg7[%swap3A_29] {strides = array<i32>} : memref<1024xf32, #tpu.memory_space<vmem>>, vector<16xf32>,
    tpu.vector_store %arg7[%swap3A_29], %broadcast_in_dim3A_5 {strides = array<i32>} : memref<1024xf32, #tpu.memory_space<vmem>>, vector<16xf32>,
    %swap3A_31 = arith.constant 192 : index
    %swap3A_32 = tpu.vector_load %arg7[%swap3A_31] {strides = array<i32>} : memref<1024xf32, #tpu.memory_space<vmem>>, vector<16xf32>,
    tpu.vector_store %arg7[%swap3A_31], %broadcast_in_dim3A_5 {strides = array<i32>} : memref<1024xf32, #tpu.memory_space<vmem>>, vector<16xf32>,
    %swap3A_33 = arith.constant 208 : index
    %swap3A_34 = tpu.vector_load %arg7[%swap3A_33] {strides = array<i32>} : memref<1024xf32, #tpu.memory_space<vmem>>, vector<16xf32>,
    tpu.vector_store %arg7[%swap3A_33], %broadcast_in_dim3A_5 {strides = array<i32>} : memref<1024xf32, #tpu.memory_space<vmem>>, vector<16xf32>,
    %swap3A_35 = arith.constant 224 : index
    %swap3A_36 = tpu.vector_load %arg7[%swap3A_35] {strides = array<i32>} : memref<1024xf32, #tpu.memory_space<vmem>>, vector<16xf32>,
    tpu.vector_store %arg7[%swap3A_35], %broadcast_in_dim3A_5 {strides = array<i32>} : memref<1024xf32, #tpu.memory_space<vmem>>, vector<16xf32>,
    %swap3A_37 = arith.constant 240 : index
    %swap3A_38 = tpu.vector_load %arg7[%swap3A_37] {strides = array<i32>} : memref<1024xf32, #tpu.memory_space<vmem>>, vector<16xf32>,
    tpu.vector_store %arg7[%swap3A_37], %broadcast_in_dim3A_5 {strides = array<i32>} : memref<1024xf32, #tpu.memory_space<vmem>>, vector<16xf32>,
    %swap3A_39 = arith.constant 256 : index
    %swap3A_40 = tpu.vector_load %arg7[%swap3A_39] {strides = array<i32>} : memref<1024xf32, #tpu.memory_space<vmem>>, vector<16xf32>,
    tpu.vector_store %arg7[%swap3A_39], %broadcast_in_dim3A_5 {strides = array<i32>} : memref<1024xf32, #tpu.memory_space<vmem>>, vector<16xf32>,
    %swap3A_41 = arith.constant 272 : index
    %swap3A_42 = tpu.vector_load %arg7[%swap3A_41] {strides = array<i32>} : memref<1024xf32, #tpu.memory_space<vmem>>, vector<16xf32>,
    tpu.vector_store %arg7[%swap3A_41], %broadcast_in_dim3A_5 {strides = array<i32>} : memref<1024xf32, #tpu.memory_space<vmem>>, vector<16xf32>,
    %swap3A_43 = arith.constant 288 : index
    %swap3A_44 = tpu.vector_load %arg7[%swap3A_43] {strides = array<i32>} : memref<1024xf32, #tpu.memory_space<vmem>>, vector<16xf32>,
    tpu.vector_store %arg7[%swap3A_43], %broadcast_in_dim3A_5 {strides = array<i32>} : memref<1024xf32, #tpu.memory_space<vmem>>, vector<16xf32>,
    %swap3A_45 = arith.constant 304 : index
    %swap3A_46 = tpu.vector_load %arg7[%swap3A_45] {strides = array<i32>} : memref<1024xf32, #tpu.memory_space<vmem>>, vector<16xf32>,
    tpu.vector_store %arg7[%swap3A_45], %broadcast_in_dim3A_5 {strides = array<i32>} : memref<1024xf32, #tpu.memory_space<vmem>>, vector<16xf32>,
    %swap3A_47 = arith.constant 320 : index
    %swap3A_48 = tpu.vector_load %arg7[%swap3A_47] {strides = array<i32>} : memref<1024xf32, #tpu.memory_space<vmem>>, vector<16xf32>,
    tpu.vector_store %arg7[%swap3A_47], %broadcast_in_dim3A_5 {strides = array<i32>} : memref<1024xf32, #tpu.memory_space<vmem>>, vector<16xf32>,
    %swap3A_49 = arith.constant 336 : index
    %swap3A_50 = tpu.vector_load %arg7[%swap3A_49] {strides = array<i32>} : memref<1024xf32, #tpu.memory_space<vmem>>, vector<16xf32>,
    tpu.vector_store %arg7[%swap3A_49], %broadcast_in_dim3A_5 {strides = array<i32>} : memref<1024xf32, #tpu.memory_space<vmem>>, vector<16xf32>,
    %swap3A_51 = arith.constant 352 : index
    %swap3A_52 = tpu.vector_load %arg7[%swap3A_51] {strides = array<i32>} : memref<1024xf32, #tpu.memory_space<vmem>>, vector<16xf32>,
    tpu.vector_store %arg7[%swap3A_51], %broadcast_in_dim3A_5 {strides = array<i32>} : memref<1024xf32, #tpu.memory_space<vmem>>, vector<16xf32>,
    %swap3A_53 = arith.constant 368 : index
    %swap3A_54 = tpu.vector_load %arg7[%swap3A_53] {strides = array<i32>} : memref<1024xf32, #tpu.memory_space<vmem>>, vector<16xf32>,
    tpu.vector_store %arg7[%swap3A_53], %broadcast_in_dim3A_5 {strides = array<i32>} : memref<1024xf32, #tpu.memory_space<vmem>>, vector<16xf32>,
    %swap3A_55 = arith.constant 384 : index
    %swap3A_56 = tpu.vector_load %arg7[%swap3A_55] {strides = array<i32>} : memref<1024xf32, #tpu.memory_space<vmem>>, vector<16xf32>,
    tpu.vector_store %arg7[%swap3A_55], %broadcast_in_dim3A_5 {strides = array<i32>} : memref<1024xf32, #tpu.memory_space<vmem>>, vector<16xf32>,
    %swap3A_57 = arith.constant 400 : index
    %swap3A_58 = tpu.vector_load %arg7[%swap3A_57] {strides = array<i32>} : memref<1024xf32, #tpu.memory_space<vmem>>, vector<16xf32>,
    tpu.vector_store %arg7[%swap3A_57], %broadcast_in_dim3A_5 {strides = array<i32>} : memref<1024xf32, #tpu.memory_space<vmem>>, vector<16xf32>,
    %swap3A_59 = arith.constant 416 : index
    %swap3A_60 = tpu.vector_load %arg7[%swap3A_59] {strides = array<i32>} : memref<1024xf32, #tpu.memory_space<vmem>>, vector<16xf32>,
    tpu.vector_store %arg7[%swap3A_59], %broadcast_in_dim3A_5 {strides = array<i32>} : memref<1024xf32, #tpu.memory_space<vmem>>, vector<16xf32>,
    %swap3A_61 = arith.constant 432 : index
    %swap3A_62 = tpu.vector_load %arg7[%swap3A_61] {strides = array<i32>} : memref<1024xf32, #tpu.memory_space<vmem>>, vector<16xf32>,
    tpu.vector_store %arg7[%swap3A_61], %broadcast_in_dim3A_5 {strides = array<i32>} : memref<1024xf32, #tpu.memory_space<vmem>>, vector<16xf32>,
    %swap3A_63 = arith.constant 448 : index
    %swap3A_64 = tpu.vector_load %arg7[%swap3A_63] {strides = array<i32>} : memref<1024xf32, #tpu.memory_space<vmem>>, vector<16xf32>,
    tpu.vector_store %arg7[%swap3A_63], %broadcast_in_dim3A_5 {strides = array<i32>} : memref<1024xf32, #tpu.memory_space<vmem>>, vector<16xf32>,
    %swap3A_65 = arith.constant 464 : index
    %swap3A_66 = tpu.vector_load %arg7[%swap3A_65] {strides = array<i32>} : memref<1024xf32, #tpu.memory_space<vmem>>, vector<16xf32>,
    tpu.vector_store %arg7[%swap3A_65], %broadcast_in_dim3A_5 {strides = array<i32>} : memref<1024xf32, #tpu.memory_space<vmem>>, vector<16xf32>,
    %swap3A_67 = arith.constant 480 : index
    %swap3A_68 = tpu.vector_load %arg7[%swap3A_67] {strides = array<i32>} : memref<1024xf32, #tpu.memory_space<vmem>>, vector<16xf32>,
    tpu.vector_store %arg7[%swap3A_67], %broadcast_in_dim3A_5 {strides = array<i32>} : memref<1024xf32, #tpu.memory_space<vmem>>, vector<16xf32>,
    %swap3A_69 = arith.constant 496 : index
    %swap3A_70 = tpu.vector_load %arg7[%swap3A_69] {strides = array<i32>} : memref<1024xf32, #tpu.memory_space<vmem>>, vector<16xf32>,
    tpu.vector_store %arg7[%swap3A_69], %broadcast_in_dim3A_5 {strides = array<i32>} : memref<1024xf32, #tpu.memory_space<vmem>>, vector<16xf32>,
    %swap3A_71 = arith.constant 512 : index
    %swap3A_72 = tpu.vector_load %arg7[%swap3A_71] {strides = array<i32>} : memref<1024xf32, #tpu.memory_space<vmem>>, vector<16xf32>,
    tpu.vector_store %arg7[%swap3A_71], %broadcast_in_dim3A_5 {strides = array<i32>} : memref<1024xf32, #tpu.memory_space<vmem>>, vector<16xf32>,
    %swap3A_73 = arith.constant 528 : index
    %swap3A_74 = tpu.vector_load %arg7[%swap3A_73] {strides = array<i32>} : memref<1024xf32, #tpu.memory_space<vmem>>, vector<16xf32>,
    tpu.vector_store %arg7[%swap3A_73], %broadcast_in_dim3A_5 {strides = array<i32>} : memref<1024xf32, #tpu.memory_space<vmem>>, vector<16xf32>,
    %swap3A_75 = arith.constant 544 : index
    %swap3A_76 = tpu.vector_load %arg7[%swap3A_75] {strides = array<i32>} : memref<1024xf32, #tpu.memory_space<vmem>>, vector<16xf32>,
    tpu.vector_store %arg7[%swap3A_75], %broadcast_in_dim3A_5 {strides = array<i32>} : memref<1024xf32, #tpu.memory_space<vmem>>, vector<16xf32>,
    %swap3A_77 = arith.constant 560 : index
    %swap3A_78 = tpu.vector_load %arg7[%swap3A_77] {strides = array<i32>} : memref<1024xf32, #tpu.memory_space<vmem>>, vector<16xf32>,
    tpu.vector_store %arg7[%swap3A_77], %broadcast_in_dim3A_5 {strides = array<i32>} : memref<1024xf32, #tpu.memory_space<vmem>>, vector<16xf32>,
    %swap3A_79 = arith.constant 576 : index
    %swap3A_80 = tpu.vector_load %arg7[%swap3A_79] {strides = array<i32>} : memref<1024xf32, #tpu.memory_space<vmem>>, vector<16xf32>,
    tpu.vector_store %arg7[%swap3A_79], %broadcast_in_dim3A_5 {strides = array<i32>} : memref<1024xf32, #tpu.memory_space<vmem>>, vector<16xf32>,
    %swap3A_81 = arith.constant 592 : index
    %swap3A_82 = tpu.vector_load %arg7[%swap3A_81] {strides = array<i32>} : memref<1024xf32, #tpu.memory_space<vmem>>, vector<16xf32>,
    tpu.vector_store %arg7[%swap3A_81], %broadcast_in_dim3A_5 {strides = array<i32>} : memref<1024xf32, #tpu.memory_space<vmem>>, vector<16xf32>,
    %swap3A_83 = arith.constant 608 : index
    %swap3A_84 = tpu.vector_load %arg7[%swap3A_83] {strides = array<i32>} : memref<1024xf32, #tpu.memory_space<vmem>>, vector<16xf32>,
    tpu.vector_store %arg7[%swap3A_83], %broadcast_in_dim3A_5 {strides = array<i32>} : memref<1024xf32, #tpu.memory_space<vmem>>, vector<16xf32>,
    %swap3A_85 = arith.constant 624 : index
    %swap3A_86 = tpu.vector_load %arg7[%swap3A_85] {strides = array<i32>} : memref<1024xf32, #tpu.memory_space<vmem>>, vector<16xf32>,
    tpu.vector_store %arg7[%swap3A_85], %broadcast_in_dim3A_5 {strides = array<i32>} : memref<1024xf32, #tpu.memory_space<vmem>>, vector<16xf32>,
    %swap3A_87 = arith.constant 640 : index
    %swap3A_88 = tpu.vector_load %arg7[%swap3A_87] {strides = array<i32>} : memref<1024xf32, #tpu.memory_space<vmem>>, vector<16xf32>,
    tpu.vector_store %arg7[%swap3A_87], %broadcast_in_dim3A_5 {strides = array<i32>} : memref<1024xf32, #tpu.memory_space<vmem>>, vector<16xf32>,
    %swap3A_89 = arith.constant 656 : index
    %swap3A_90 = tpu.vector_load %arg7[%swap3A_89] {strides = array<i32>} : memref<1024xf32, #tpu.memory_space<vmem>>, vector<16xf32>,
    tpu.vector_store %arg7[%swap3A_89], %broadcast_in_dim3A_5 {strides = array<i32>} : memref<1024xf32, #tpu.memory_space<vmem>>, vector<16xf32>,
    %swap3A_91 = arith.constant 672 : index
    %swap3A_92 = tpu.vector_load %arg7[%swap3A_91] {strides = array<i32>} : memref<1024xf32, #tpu.memory_space<vmem>>, vector<16xf32>,
    tpu.vector_store %arg7[%swap3A_91], %broadcast_in_dim3A_5 {strides = array<i32>} : memref<1024xf32, #tpu.memory_space<vmem>>, vector<16xf32>,
    %swap3A_93 = arith.constant 688 : index
    %swap3A_94 = tpu.vector_load %arg7[%swap3A_93] {strides = array<i32>} : memref<1024xf32, #tpu.memory_space<vmem>>, vector<16xf32>,
    tpu.vector_store %arg7[%swap3A_93], %broadcast_in_dim3A_5 {strides = array<i32>} : memref<1024xf32, #tpu.memory_space<vmem>>, vector<16xf32>,
    %swap3A_95 = arith.constant 704 : index
    %swap3A_96 = tpu.vector_load %arg7[%swap3A_95] {strides = array<i32>} : memref<1024xf32, #tpu.memory_space<vmem>>, vector<16xf32>,
    tpu.vector_store %arg7[%swap3A_95], %broadcast_in_dim3A_5 {strides = array<i32>} : memref<1024xf32, #tpu.memory_space<vmem>>, vector<16xf32>,
    %swap3A_97 = arith.constant 720 : index
    %swap3A_98 = tpu.vector_load %arg7[%swap3A_97] {strides = array<i32>} : memref<1024xf32, #tpu.memory_space<vmem>>, vector<16xf32>,
    tpu.vector_store %arg7[%swap3A_97], %broadcast_in_dim3A_5 {strides = array<i32>} : memref<1024xf32, #tpu.memory_space<vmem>>, vector<16xf32>,
    %swap3A_99 = arith.constant 736 : index
    %swap3A_100 = tpu.vector_load %arg7[%swap3A_99] {strides = array<i32>} : memref<1024xf32, #tpu.memory_space<vmem>>, vector<16xf32>,
    tpu.vector_store %arg7[%swap3A_99], %broadcast_in_dim3A_5 {strides = array<i32>} : memref<1024xf32, #tpu.memory_space<vmem>>, vector<16xf32>,
    %swap3A_101 = arith.constant 752 : index
    %swap3A_102 = tpu.vector_load %arg7[%swap3A_101] {strides = array<i32>} : memref<1024xf32, #tpu.memory_space<vmem>>, vector<16xf32>,
    tpu.vector_store %arg7[%swap3A_101], %broadcast_in_dim3A_5 {strides = array<i32>} : memref<1024xf32, #tpu.memory_space<vmem>>, vector<16xf32>,
    %swap3A_103 = arith.constant 768 : index
    %swap3A_104 = tpu.vector_load %arg7[%swap3A_103] {strides = array<i32>} : memref<1024xf32, #tpu.memory_space<vmem>>, vector<16xf32>,
    tpu.vector_store %arg7[%swap3A_103], %broadcast_in_dim3A_5 {strides = array<i32>} : memref<1024xf32, #tpu.memory_space<vmem>>, vector<16xf32>,
    %swap3A_105 = arith.constant 784 : index
    %swap3A_106 = tpu.vector_load %arg7[%swap3A_105] {strides = array<i32>} : memref<1024xf32, #tpu.memory_space<vmem>>, vector<16xf32>,
    tpu.vector_store %arg7[%swap3A_105], %broadcast_in_dim3A_5 {strides = array<i32>} : memref<1024xf32, #tpu.memory_space<vmem>>, vector<16xf32>,
    %swap3A_107 = arith.constant 800 : index
    %swap3A_108 = tpu.vector_load %arg7[%swap3A_107] {strides = array<i32>} : memref<1024xf32, #tpu.memory_space<vmem>>, vector<16xf32>,
    tpu.vector_store %arg7[%swap3A_107], %broadcast_in_dim3A_5 {strides = array<i32>} : memref<1024xf32, #tpu.memory_space<vmem>>, vector<16xf32>,
    %swap3A_109 = arith.constant 816 : index
    %swap3A_110 = tpu.vector_load %arg7[%swap3A_109] {strides = array<i32>} : memref<1024xf32, #tpu.memory_space<vmem>>, vector<16xf32>,
    tpu.vector_store %arg7[%swap3A_109], %broadcast_in_dim3A_5 {strides = array<i32>} : memref<1024xf32, #tpu.memory_space<vmem>>, vector<16xf32>,
    %swap3A_111 = arith.constant 832 : index
    %swap3A_112 = tpu.vector_load %arg7[%swap3A_111] {strides = array<i32>} : memref<1024xf32, #tpu.memory_space<vmem>>, vector<16xf32>,
    tpu.vector_store %arg7[%swap3A_111], %broadcast_in_dim3A_5 {strides = array<i32>} : memref<1024xf32, #tpu.memory_space<vmem>>, vector<16xf32>,
    %swap3A_113 = arith.constant 848 : index
    %swap3A_114 = tpu.vector_load %arg7[%swap3A_113] {strides = array<i32>} : memref<1024xf32, #tpu.memory_space<vmem>>, vector<16xf32>,
    tpu.vector_store %arg7[%swap3A_113], %broadcast_in_dim3A_5 {strides = array<i32>} : memref<1024xf32, #tpu.memory_space<vmem>>, vector<16xf32>,
    %swap3A_115 = arith.constant 864 : index
    %swap3A_116 = tpu.vector_load %arg7[%swap3A_115] {strides = array<i32>} : memref<1024xf32, #tpu.memory_space<vmem>>, vector<16xf32>,
    tpu.vector_store %arg7[%swap3A_115], %broadcast_in_dim3A_5 {strides = array<i32>} : memref<1024xf32, #tpu.memory_space<vmem>>, vector<16xf32>,
    %swap3A_117 = arith.constant 880 : index
    %swap3A_118 = tpu.vector_load %arg7[%swap3A_117] {strides = array<i32>} : memref<1024xf32, #tpu.memory_space<vmem>>, vector<16xf32>,
    tpu.vector_store %arg7[%swap3A_117], %broadcast_in_dim3A_5 {strides = array<i32>} : memref<1024xf32, #tpu.memory_space<vmem>>, vector<16xf32>,
    %swap3A_119 = arith.constant 896 : index
    %swap3A_120 = tpu.vector_load %arg7[%swap3A_119] {strides = array<i32>} : memref<1024xf32, #tpu.memory_space<vmem>>, vector<16xf32>,
    tpu.vector_store %arg7[%swap3A_119], %broadcast_in_dim3A_5 {strides = array<i32>} : memref<1024xf32, #tpu.memory_space<vmem>>, vector<16xf32>,
    %swap3A_121 = arith.constant 912 : index
    %swap3A_122 = tpu.vector_load %arg7[%swap3A_121] {strides = array<i32>} : memref<1024xf32, #tpu.memory_space<vmem>>, vector<16xf32>,
    tpu.vector_store %arg7[%swap3A_121], %broadcast_in_dim3A_5 {strides = array<i32>} : memref<1024xf32, #tpu.memory_space<vmem>>, vector<16xf32>,
    %swap3A_123 = arith.constant 928 : index
    %swap3A_124 = tpu.vector_load %arg7[%swap3A_123] {strides = array<i32>} : memref<1024xf32, #tpu.memory_space<vmem>>, vector<16xf32>,
    tpu.vector_store %arg7[%swap3A_123], %broadcast_in_dim3A_5 {strides = array<i32>} : memref<1024xf32, #tpu.memory_space<vmem>>, vector<16xf32>,
    %swap3A_125 = arith.constant 944 : index
    %swap3A_126 = tpu.vector_load %arg7[%swap3A_125] {strides = array<i32>} : memref<1024xf32, #tpu.memory_space<vmem>>, vector<16xf32>,
    tpu.vector_store %arg7[%swap3A_125], %broadcast_in_dim3A_5 {strides = array<i32>} : memref<1024xf32, #tpu.memory_space<vmem>>, vector<16xf32>,
    %swap3A_127 = arith.constant 960 : index
    %swap3A_128 = tpu.vector_load %arg7[%swap3A_127] {strides = array<i32>} : memref<1024xf32, #tpu.memory_space<vmem>>, vector<16xf32>,
    tpu.vector_store %arg7[%swap3A_127], %broadcast_in_dim3A_5 {strides = array<i32>} : memref<1024xf32, #tpu.memory_space<vmem>>, vector<16xf32>,
    %swap3A_129 = arith.constant 976 : index
    %swap3A_130 = tpu.vector_load %arg7[%swap3A_129] {strides = array<i32>} : memref<1024xf32, #tpu.memory_space<vmem>>, vector<16xf32>,
    tpu.vector_store %arg7[%swap3A_129], %broadcast_in_dim3A_5 {strides = array<i32>} : memref<1024xf32, #tpu.memory_space<vmem>>, vector<16xf32>,
    %swap3A_131 = arith.constant 992 : index
    %swap3A_132 = tpu.vector_load %arg7[%swap3A_131] {strides = array<i32>} : memref<1024xf32, #tpu.memory_space<vmem>>, vector<16xf32>,
    tpu.vector_store %arg7[%swap3A_131], %broadcast_in_dim3A_5 {strides = array<i32>} : memref<1024xf32, #tpu.memory_space<vmem>>, vector<16xf32>,
    %swap3A_133 = arith.constant 1008 : index
    %swap3A_134 = tpu.vector_load %arg7[%swap3A_133] {strides = array<i32>} : memref<1024xf32, #tpu.memory_space<vmem>>, vector<16xf32>,
    tpu.vector_store %arg7[%swap3A_133], %broadcast_in_dim3A_5 {strides = array<i32>} : memref<1024xf32, #tpu.memory_space<vmem>>, vector<16xf32>,
    %broadcast_in_dim3A_135 = arith.constant 0 : i32
    %broadcast_in_dim3A_136 = vector.broadcast %broadcast_in_dim3A_135 : i32 to vector<16xi32>
    %scan3A = arith.constant 0 : i32
    %scan3A_137 = arith.constant 0 : i32
    %scan3A_138 = arith.constant 16 : i32
    %scan3A_139 = arith.addi %scan3A_137, %scan3A_138 : i32
    %scan3A_140 = arith.constant 1 : i32
    scf.for %scan3A_678 = %scan3A_137 to %scan3A_139 step %scan3A_140  : i32 {
      %mul3A_679 = arith.constant 8 : i32
      %mul3A_680 = arith.muli %scan3A_678, %mul3A_679 : i32
      %add3A_681 = arith.constant 0 : i32
      %add3A_682 = arith.addi %mul3A_680, %add3A_681 : i32
      %mul3A_683 = arith.constant 16 : i32
      %mul3A_684 = arith.muli %add3A_682, %mul3A_683 : i32
      %get3A = arith.constant 0 : i32
      %get3A_685 = arith.index_cast %get3A : i32 to index
      %get3A_686 = arith.index_cast %mul3A_684 : i32 to index
      %get3A_687 = tpu.vector_load %arg5[%get3A_685, %get3A_686] {strides = array<i32>} : memref<16x2048xi32, #tpu.memory_space<vmem>>, vector<16xi32>,
      %add3A_688 = arith.addi %get3A_687, %broadcast_in_dim3A_136 : vector<16xi32>
      tpu.vector_store_idx %arg7[%add3A_688], %broadcast_in_dim3A_3 {add = true} : memref<1024xf32, #tpu.memory_space<vmem>>[vector<16xi32>], vector<16xf32>,
      %mul3A_689 = arith.constant 8 : i32
      %mul3A_690 = arith.muli %scan3A_678, %mul3A_689 : i32
      %add3A_691 = arith.constant 1 : i32
      %add3A_692 = arith.addi %mul3A_690, %add3A_691 : i32
      %mul3A_693 = arith.constant 16 : i32
      %mul3A_694 = arith.muli %add3A_692, %mul3A_693 : i32
      %get3A_695 = arith.constant 0 : i32
      %get3A_696 = arith.index_cast %get3A_695 : i32 to index
      %get3A_697 = arith.index_cast %mul3A_694 : i32 to index
      %get3A_698 = tpu.vector_load %arg5[%get3A_696, %get3A_697] {strides = array<i32>} : memref<16x2048xi32, #tpu.memory_space<vmem>>, vector<16xi32>,
      %add3A_699 = arith.addi %get3A_698, %broadcast_in_dim3A_136 : vector<16xi32>
      tpu.vector_store_idx %arg7[%add3A_699], %broadcast_in_dim3A_3 {add = true} : memref<1024xf32, #tpu.memory_space<vmem>>[vector<16xi32>], vector<16xf32>,
      %mul3A_700 = arith.constant 8 : i32
      %mul3A_701 = arith.muli %scan3A_678, %mul3A_700 : i32
      %add3A_702 = arith.constant 2 : i32
      %add3A_703 = arith.addi %mul3A_701, %add3A_702 : i32
      %mul3A_704 = arith.constant 16 : i32
      %mul3A_705 = arith.muli %add3A_703, %mul3A_704 : i32
      %get3A_706 = arith.constant 0 : i32
      %get3A_707 = arith.index_cast %get3A_706 : i32 to index
      %get3A_708 = arith.index_cast %mul3A_705 : i32 to index
      %get3A_709 = tpu.vector_load %arg5[%get3A_707, %get3A_708] {strides = array<i32>} : memref<16x2048xi32, #tpu.memory_space<vmem>>, vector<16xi32>,
      %add3A_710 = arith.addi %get3A_709, %broadcast_in_dim3A_136 : vector<16xi32>
      tpu.vector_store_idx %arg7[%add3A_710], %broadcast_in_dim3A_3 {add = true} : memref<1024xf32, #tpu.memory_space<vmem>>[vector<16xi32>], vector<16xf32>,
      %mul3A_711 = arith.constant 8 : i32
      %mul3A_712 = arith.muli %scan3A_678, %mul3A_711 : i32
      %add3A_713 = arith.constant 3 : i32
      %add3A_714 = arith.addi %mul3A_712, %add3A_713 : i32
      %mul3A_715 = arith.constant 16 : i32
      %mul3A_716 = arith.muli %add3A_714, %mul3A_715 : i32
      %get3A_717 = arith.constant 0 : i32
      %get3A_718 = arith.index_cast %get3A_717 : i32 to index
      %get3A_719 = arith.index_cast %mul3A_716 : i32 to index
      %get3A_720 = tpu.vector_load %arg5[%get3A_718, %get3A_719] {strides = array<i32>} : memref<16x2048xi32, #tpu.memory_space<vmem>>, vector<16xi32>,
      %add3A_721 = arith.addi %get3A_720, %broadcast_in_dim3A_136 : vector<16xi32>
      tpu.vector_store_idx %arg7[%add3A_721], %broadcast_in_dim3A_3 {add = true} : memref<1024xf32, #tpu.memory_space<vmem>>[vector<16xi32>], vector<16xf32>,
      %mul3A_722 = arith.constant 8 : i32
      %mul3A_723 = arith.muli %scan3A_678, %mul3A_722 : i32
      %add3A_724 = arith.constant 4 : i32
      %add3A_725 = arith.addi %mul3A_723, %add3A_724 : i32
      %mul3A_726 = arith.constant 16 : i32
      %mul3A_727 = arith.muli %add3A_725, %mul3A_726 : i32
      %get3A_728 = arith.constant 0 : i32
      %get3A_729 = arith.index_cast %get3A_728 : i32 to index
      %get3A_730 = arith.index_cast %mul3A_727 : i32 to index
      %get3A_731 = tpu.vector_load %arg5[%get3A_729, %get3A_730] {strides = array<i32>} : memref<16x2048xi32, #tpu.memory_space<vmem>>, vector<16xi32>,
      %add3A_732 = arith.addi %get3A_731, %broadcast_in_dim3A_136 : vector<16xi32>
      tpu.vector_store_idx %arg7[%add3A_732], %broadcast_in_dim3A_3 {add = true} : memref<1024xf32, #tpu.memory_space<vmem>>[vector<16xi32>], vector<16xf32>,
      %mul3A_733 = arith.constant 8 : i32
      %mul3A_734 = arith.muli %scan3A_678, %mul3A_733 : i32
      %add3A_735 = arith.constant 5 : i32
      %add3A_736 = arith.addi %mul3A_734, %add3A_735 : i32
      %mul3A_737 = arith.constant 16 : i32
      %mul3A_738 = arith.muli %add3A_736, %mul3A_737 : i32
      %get3A_739 = arith.constant 0 : i32
      %get3A_740 = arith.index_cast %get3A_739 : i32 to index
      %get3A_741 = arith.index_cast %mul3A_738 : i32 to index
      %get3A_742 = tpu.vector_load %arg5[%get3A_740, %get3A_741] {strides = array<i32>} : memref<16x2048xi32, #tpu.memory_space<vmem>>, vector<16xi32>,
      %add3A_743 = arith.addi %get3A_742, %broadcast_in_dim3A_136 : vector<16xi32>
      tpu.vector_store_idx %arg7[%add3A_743], %broadcast_in_dim3A_3 {add = true} : memref<1024xf32, #tpu.memory_space<vmem>>[vector<16xi32>], vector<16xf32>,
      %mul3A_744 = arith.constant 8 : i32
      %mul3A_745 = arith.muli %scan3A_678, %mul3A_744 : i32
      %add3A_746 = arith.constant 6 : i32
      %add3A_747 = arith.addi %mul3A_745, %add3A_746 : i32
      %mul3A_748 = arith.constant 16 : i32
      %mul3A_749 = arith.muli %add3A_747, %mul3A_748 : i32
      %get3A_750 = arith.constant 0 : i32
      %get3A_751 = arith.index_cast %get3A_750 : i32 to index
      %get3A_752 = arith.index_cast %mul3A_749 : i32 to index
      %get3A_753 = tpu.vector_load %arg5[%get3A_751, %get3A_752] {strides = array<i32>} : memref<16x2048xi32, #tpu.memory_space<vmem>>, vector<16xi32>,
      %add3A_754 = arith.addi %get3A_753, %broadcast_in_dim3A_136 : vector<16xi32>
      tpu.vector_store_idx %arg7[%add3A_754], %broadcast_in_dim3A_3 {add = true} : memref<1024xf32, #tpu.memory_space<vmem>>[vector<16xi32>], vector<16xf32>,
      %mul3A_755 = arith.constant 8 : i32
      %mul3A_756 = arith.muli %scan3A_678, %mul3A_755 : i32
      %add3A_757 = arith.constant 7 : i32
      %add3A_758 = arith.addi %mul3A_756, %add3A_757 : i32
      %mul3A_759 = arith.constant 16 : i32
      %mul3A_760 = arith.muli %add3A_758, %mul3A_759 : i32
      %get3A_761 = arith.constant 0 : i32
      %get3A_762 = arith.index_cast %get3A_761 : i32 to index
      %get3A_763 = arith.index_cast %mul3A_760 : i32 to index
      %get3A_764 = tpu.vector_load %arg5[%get3A_762, %get3A_763] {strides = array<i32>} : memref<16x2048xi32, #tpu.memory_space<vmem>>, vector<16xi32>,
      %add3A_765 = arith.addi %get3A_764, %broadcast_in_dim3A_136 : vector<16xi32>
      tpu.vector_store_idx %arg7[%add3A_765], %broadcast_in_dim3A_3 {add = true} : memref<1024xf32, #tpu.memory_space<vmem>>[vector<16xi32>], vector<16xf32>,
    }
    %scan3A_141 = arith.constant 16 : i32
    %broadcast_in_dim3A_142 = arith.constant 64 : i32
    %broadcast_in_dim3A_143 = vector.broadcast %broadcast_in_dim3A_142 : i32 to vector<16xi32>
    %scan3A_144 = arith.constant 0 : i32
    %scan3A_145 = arith.constant 0 : i32
    %scan3A_146 = arith.constant 16 : i32
    %scan3A_147 = arith.addi %scan3A_145, %scan3A_146 : i32
    %scan3A_148 = arith.constant 1 : i32
    scf.for %scan3A_678 = %scan3A_145 to %scan3A_147 step %scan3A_148  : i32 {
      %mul3A_679 = arith.constant 8 : i32
      %mul3A_680 = arith.muli %scan3A_678, %mul3A_679 : i32
      %add3A_681 = arith.constant 0 : i32
      %add3A_682 = arith.addi %mul3A_680, %add3A_681 : i32
      %mul3A_683 = arith.constant 16 : i32
      %mul3A_684 = arith.muli %add3A_682, %mul3A_683 : i32
      %get3A = arith.constant 1 : i32
      %get3A_685 = arith.index_cast %get3A : i32 to index
      %get3A_686 = arith.index_cast %mul3A_684 : i32 to index
      %get3A_687 = tpu.vector_load %arg5[%get3A_685, %get3A_686] {strides = array<i32>} : memref<16x2048xi32, #tpu.memory_space<vmem>>, vector<16xi32>,
      %add3A_688 = arith.addi %get3A_687, %broadcast_in_dim3A_143 : vector<16xi32>
      tpu.vector_store_idx %arg7[%add3A_688], %broadcast_in_dim3A_3 {add = true} : memref<1024xf32, #tpu.memory_space<vmem>>[vector<16xi32>], vector<16xf32>,
      %mul3A_689 = arith.constant 8 : i32
      %mul3A_690 = arith.muli %scan3A_678, %mul3A_689 : i32
      %add3A_691 = arith.constant 1 : i32
      %add3A_692 = arith.addi %mul3A_690, %add3A_691 : i32
      %mul3A_693 = arith.constant 16 : i32
      %mul3A_694 = arith.muli %add3A_692, %mul3A_693 : i32
      %get3A_695 = arith.constant 1 : i32
      %get3A_696 = arith.index_cast %get3A_695 : i32 to index
      %get3A_697 = arith.index_cast %mul3A_694 : i32 to index
      %get3A_698 = tpu.vector_load %arg5[%get3A_696, %get3A_697] {strides = array<i32>} : memref<16x2048xi32, #tpu.memory_space<vmem>>, vector<16xi32>,
      %add3A_699 = arith.addi %get3A_698, %broadcast_in_dim3A_143 : vector<16xi32>
      tpu.vector_store_idx %arg7[%add3A_699], %broadcast_in_dim3A_3 {add = true} : memref<1024xf32, #tpu.memory_space<vmem>>[vector<16xi32>], vector<16xf32>,
      %mul3A_700 = arith.constant 8 : i32
      %mul3A_701 = arith.muli %scan3A_678, %mul3A_700 : i32
      %add3A_702 = arith.constant 2 : i32
      %add3A_703 = arith.addi %mul3A_701, %add3A_702 : i32
      %mul3A_704 = arith.constant 16 : i32
      %mul3A_705 = arith.muli %add3A_703, %mul3A_704 : i32
      %get3A_706 = arith.constant 1 : i32
      %get3A_707 = arith.index_cast %get3A_706 : i32 to index
      %get3A_708 = arith.index_cast %mul3A_705 : i32 to index
      %get3A_709 = tpu.vector_load %arg5[%get3A_707, %get3A_708] {strides = array<i32>} : memref<16x2048xi32, #tpu.memory_space<vmem>>, vector<16xi32>,
      %add3A_710 = arith.addi %get3A_709, %broadcast_in_dim3A_143 : vector<16xi32>
      tpu.vector_store_idx %arg7[%add3A_710], %broadcast_in_dim3A_3 {add = true} : memref<1024xf32, #tpu.memory_space<vmem>>[vector<16xi32>], vector<16xf32>,
      %mul3A_711 = arith.constant 8 : i32
      %mul3A_712 = arith.muli %scan3A_678, %mul3A_711 : i32
      %add3A_713 = arith.constant 3 : i32
      %add3A_714 = arith.addi %mul3A_712, %add3A_713 : i32
      %mul3A_715 = arith.constant 16 : i32
      %mul3A_716 = arith.muli %add3A_714, %mul3A_715 : i32
      %get3A_717 = arith.constant 1 : i32
      %get3A_718 = arith.index_cast %get3A_717 : i32 to index
      %get3A_719 = arith.index_cast %mul3A_716 : i32 to index
      %get3A_720 = tpu.vector_load %arg5[%get3A_718, %get3A_719] {strides = array<i32>} : memref<16x2048xi32, #tpu.memory_space<vmem>>, vector<16xi32>,
      %add3A_721 = arith.addi %get3A_720, %broadcast_in_dim3A_143 : vector<16xi32>
      tpu.vector_store_idx %arg7[%add3A_721], %broadcast_in_dim3A_3 {add = true} : memref<1024xf32, #tpu.memory_space<vmem>>[vector<16xi32>], vector<16xf32>,
      %mul3A_722 = arith.constant 8 : i32
      %mul3A_723 = arith.muli %scan3A_678, %mul3A_722 : i32
      %add3A_724 = arith.constant 4 : i32
      %add3A_725 = arith.addi %mul3A_723, %add3A_724 : i32
      %mul3A_726 = arith.constant 16 : i32
      %mul3A_727 = arith.muli %add3A_725, %mul3A_726 : i32
      %get3A_728 = arith.constant 1 : i32
      %get3A_729 = arith.index_cast %get3A_728 : i32 to index
      %get3A_730 = arith.index_cast %mul3A_727 : i32 to index
      %get3A_731 = tpu.vector_load %arg5[%get3A_729, %get3A_730] {strides = array<i32>} : memref<16x2048xi32, #tpu.memory_space<vmem>>, vector<16xi32>,
      %add3A_732 = arith.addi %get3A_731, %broadcast_in_dim3A_143 : vector<16xi32>
      tpu.vector_store_idx %arg7[%add3A_732], %broadcast_in_dim3A_3 {add = true} : memref<1024xf32, #tpu.memory_space<vmem>>[vector<16xi32>], vector<16xf32>,
      %mul3A_733 = arith.constant 8 : i32
      %mul3A_734 = arith.muli %scan3A_678, %mul3A_733 : i32
      %add3A_735 = arith.constant 5 : i32
      %add3A_736 = arith.addi %mul3A_734, %add3A_735 : i32
      %mul3A_737 = arith.constant 16 : i32
      %mul3A_738 = arith.muli %add3A_736, %mul3A_737 : i32
      %get3A_739 = arith.constant 1 : i32
      %get3A_740 = arith.index_cast %get3A_739 : i32 to index
      %get3A_741 = arith.index_cast %mul3A_738 : i32 to index
      %get3A_742 = tpu.vector_load %arg5[%get3A_740, %get3A_741] {strides = array<i32>} : memref<16x2048xi32, #tpu.memory_space<vmem>>, vector<16xi32>,
      %add3A_743 = arith.addi %get3A_742, %broadcast_in_dim3A_143 : vector<16xi32>
      tpu.vector_store_idx %arg7[%add3A_743], %broadcast_in_dim3A_3 {add = true} : memref<1024xf32, #tpu.memory_space<vmem>>[vector<16xi32>], vector<16xf32>,
      %mul3A_744 = arith.constant 8 : i32
      %mul3A_745 = arith.muli %scan3A_678, %mul3A_744 : i32
      %add3A_746 = arith.constant 6 : i32
      %add3A_747 = arith.addi %mul3A_745, %add3A_746 : i32
      %mul3A_748 = arith.constant 16 : i32
      %mul3A_749 = arith.muli %add3A_747, %mul3A_748 : i32
      %get3A_750 = arith.constant 1 : i32
      %get3A_751 = arith.index_cast %get3A_750 : i32 to index
      %get3A_752 = arith.index_cast %mul3A_749 : i32 to index
      %get3A_753 = tpu.vector_load %arg5[%get3A_751, %get3A_752] {strides = array<i32>} : memref<16x2048xi32, #tpu.memory_space<vmem>>, vector<16xi32>,
      %add3A_754 = arith.addi %get3A_753, %broadcast_in_dim3A_143 : vector<16xi32>
      tpu.vector_store_idx %arg7[%add3A_754], %broadcast_in_dim3A_3 {add = true} : memref<1024xf32, #tpu.memory_space<vmem>>[vector<16xi32>], vector<16xf32>,
      %mul3A_755 = arith.constant 8 : i32
      %mul3A_756 = arith.muli %scan3A_678, %mul3A_755 : i32
      %add3A_757 = arith.constant 7 : i32
      %add3A_758 = arith.addi %mul3A_756, %add3A_757 : i32
      %mul3A_759 = arith.constant 16 : i32
      %mul3A_760 = arith.muli %add3A_758, %mul3A_759 : i32
      %get3A_761 = arith.constant 1 : i32
      %get3A_762 = arith.index_cast %get3A_761 : i32 to index
      %get3A_763 = arith.index_cast %mul3A_760 : i32 to index
      %get3A_764 = tpu.vector_load %arg5[%get3A_762, %get3A_763] {strides = array<i32>} : memref<16x2048xi32, #tpu.memory_space<vmem>>, vector<16xi32>,
      %add3A_765 = arith.addi %get3A_764, %broadcast_in_dim3A_143 : vector<16xi32>
      tpu.vector_store_idx %arg7[%add3A_765], %broadcast_in_dim3A_3 {add = true} : memref<1024xf32, #tpu.memory_space<vmem>>[vector<16xi32>], vector<16xf32>,
    }
    %scan3A_149 = arith.constant 16 : i32
    %broadcast_in_dim3A_150 = arith.constant 128 : i32
    %broadcast_in_dim3A_151 = vector.broadcast %broadcast_in_dim3A_150 : i32 to vector<16xi32>
    %scan3A_152 = arith.constant 0 : i32
    %scan3A_153 = arith.constant 0 : i32
    %scan3A_154 = arith.constant 16 : i32
    %scan3A_155 = arith.addi %scan3A_153, %scan3A_154 : i32
    %scan3A_156 = arith.constant 1 : i32
    scf.for %scan3A_678 = %scan3A_153 to %scan3A_155 step %scan3A_156  : i32 {
      %mul3A_679 = arith.constant 8 : i32
      %mul3A_680 = arith.muli %scan3A_678, %mul3A_679 : i32
      %add3A_681 = arith.constant 0 : i32
      %add3A_682 = arith.addi %mul3A_680, %add3A_681 : i32
      %mul3A_683 = arith.constant 16 : i32
      %mul3A_684 = arith.muli %add3A_682, %mul3A_683 : i32
      %get3A = arith.constant 2 : i32
      %get3A_685 = arith.index_cast %get3A : i32 to index
      %get3A_686 = arith.index_cast %mul3A_684 : i32 to index
      %get3A_687 = tpu.vector_load %arg5[%get3A_685, %get3A_686] {strides = array<i32>} : memref<16x2048xi32, #tpu.memory_space<vmem>>, vector<16xi32>,
      %add3A_688 = arith.addi %get3A_687, %broadcast_in_dim3A_151 : vector<16xi32>
      tpu.vector_store_idx %arg7[%add3A_688], %broadcast_in_dim3A_3 {add = true} : memref<1024xf32, #tpu.memory_space<vmem>>[vector<16xi32>], vector<16xf32>,
      %mul3A_689 = arith.constant 8 : i32
      %mul3A_690 = arith.muli %scan3A_678, %mul3A_689 : i32
      %add3A_691 = arith.constant 1 : i32
      %add3A_692 = arith.addi %mul3A_690, %add3A_691 : i32
      %mul3A_693 = arith.constant 16 : i32
      %mul3A_694 = arith.muli %add3A_692, %mul3A_693 : i32
      %get3A_695 = arith.constant 2 : i32
      %get3A_696 = arith.index_cast %get3A_695 : i32 to index
      %get3A_697 = arith.index_cast %mul3A_694 : i32 to index
      %get3A_698 = tpu.vector_load %arg5[%get3A_696, %get3A_697] {strides = array<i32>} : memref<16x2048xi32, #tpu.memory_space<vmem>>, vector<16xi32>,
      %add3A_699 = arith.addi %get3A_698, %broadcast_in_dim3A_151 : vector<16xi32>
      tpu.vector_store_idx %arg7[%add3A_699], %broadcast_in_dim3A_3 {add = true} : memref<1024xf32, #tpu.memory_space<vmem>>[vector<16xi32>], vector<16xf32>,
      %mul3A_700 = arith.constant 8 : i32
      %mul3A_701 = arith.muli %scan3A_678, %mul3A_700 : i32
      %add3A_702 = arith.constant 2 : i32
      %add3A_703 = arith.addi %mul3A_701, %add3A_702 : i32
      %mul3A_704 = arith.constant 16 : i32
      %mul3A_705 = arith.muli %add3A_703, %mul3A_704 : i32
      %get3A_706 = arith.constant 2 : i32
      %get3A_707 = arith.index_cast %get3A_706 : i32 to index
      %get3A_708 = arith.index_cast %mul3A_705 : i32 to index
      %get3A_709 = tpu.vector_load %arg5[%get3A_707, %get3A_708] {strides = array<i32>} : memref<16x2048xi32, #tpu.memory_space<vmem>>, vector<16xi32>,
      %add3A_710 = arith.addi %get3A_709, %broadcast_in_dim3A_151 : vector<16xi32>
      tpu.vector_store_idx %arg7[%add3A_710], %broadcast_in_dim3A_3 {add = true} : memref<1024xf32, #tpu.memory_space<vmem>>[vector<16xi32>], vector<16xf32>,
      %mul3A_711 = arith.constant 8 : i32
      %mul3A_712 = arith.muli %scan3A_678, %mul3A_711 : i32
      %add3A_713 = arith.constant 3 : i32
      %add3A_714 = arith.addi %mul3A_712, %add3A_713 : i32
      %mul3A_715 = arith.constant 16 : i32
      %mul3A_716 = arith.muli %add3A_714, %mul3A_715 : i32
      %get3A_717 = arith.constant 2 : i32
      %get3A_718 = arith.index_cast %get3A_717 : i32 to index
      %get3A_719 = arith.index_cast %mul3A_716 : i32 to index
      %get3A_720 = tpu.vector_load %arg5[%get3A_718, %get3A_719] {strides = array<i32>} : memref<16x2048xi32, #tpu.memory_space<vmem>>, vector<16xi32>,
      %add3A_721 = arith.addi %get3A_720, %broadcast_in_dim3A_151 : vector<16xi32>
      tpu.vector_store_idx %arg7[%add3A_721], %broadcast_in_dim3A_3 {add = true} : memref<1024xf32, #tpu.memory_space<vmem>>[vector<16xi32>], vector<16xf32>,
      %mul3A_722 = arith.constant 8 : i32
      %mul3A_723 = arith.muli %scan3A_678, %mul3A_722 : i32
      %add3A_724 = arith.constant 4 : i32
      %add3A_725 = arith.addi %mul3A_723, %add3A_724 : i32
      %mul3A_726 = arith.constant 16 : i32
      %mul3A_727 = arith.muli %add3A_725, %mul3A_726 : i32
      %get3A_728 = arith.constant 2 : i32
      %get3A_729 = arith.index_cast %get3A_728 : i32 to index
      %get3A_730 = arith.index_cast %mul3A_727 : i32 to index
      %get3A_731 = tpu.vector_load %arg5[%get3A_729, %get3A_730] {strides = array<i32>} : memref<16x2048xi32, #tpu.memory_space<vmem>>, vector<16xi32>,
      %add3A_732 = arith.addi %get3A_731, %broadcast_in_dim3A_151 : vector<16xi32>
      tpu.vector_store_idx %arg7[%add3A_732], %broadcast_in_dim3A_3 {add = true} : memref<1024xf32, #tpu.memory_space<vmem>>[vector<16xi32>], vector<16xf32>,
      %mul3A_733 = arith.constant 8 : i32
      %mul3A_734 = arith.muli %scan3A_678, %mul3A_733 : i32
      %add3A_735 = arith.constant 5 : i32
      %add3A_736 = arith.addi %mul3A_734, %add3A_735 : i32
      %mul3A_737 = arith.constant 16 : i32
      %mul3A_738 = arith.muli %add3A_736, %mul3A_737 : i32
      %get3A_739 = arith.constant 2 : i32
      %get3A_740 = arith.index_cast %get3A_739 : i32 to index
      %get3A_741 = arith.index_cast %mul3A_738 : i32 to index
      %get3A_742 = tpu.vector_load %arg5[%get3A_740, %get3A_741] {strides = array<i32>} : memref<16x2048xi32, #tpu.memory_space<vmem>>, vector<16xi32>,
      %add3A_743 = arith.addi %get3A_742, %broadcast_in_dim3A_151 : vector<16xi32>
      tpu.vector_store_idx %arg7[%add3A_743], %broadcast_in_dim3A_3 {add = true} : memref<1024xf32, #tpu.memory_space<vmem>>[vector<16xi32>], vector<16xf32>,
      %mul3A_744 = arith.constant 8 : i32
      %mul3A_745 = arith.muli %scan3A_678, %mul3A_744 : i32
      %add3A_746 = arith.constant 6 : i32
      %add3A_747 = arith.addi %mul3A_745, %add3A_746 : i32
      %mul3A_748 = arith.constant 16 : i32
      %mul3A_749 = arith.muli %add3A_747, %mul3A_748 : i32
      %get3A_750 = arith.constant 2 : i32
      %get3A_751 = arith.index_cast %get3A_750 : i32 to index
      %get3A_752 = arith.index_cast %mul3A_749 : i32 to index
      %get3A_753 = tpu.vector_load %arg5[%get3A_751, %get3A_752] {strides = array<i32>} : memref<16x2048xi32, #tpu.memory_space<vmem>>, vector<16xi32>,
      %add3A_754 = arith.addi %get3A_753, %broadcast_in_dim3A_151 : vector<16xi32>
      tpu.vector_store_idx %arg7[%add3A_754], %broadcast_in_dim3A_3 {add = true} : memref<1024xf32, #tpu.memory_space<vmem>>[vector<16xi32>], vector<16xf32>,
      %mul3A_755 = arith.constant 8 : i32
      %mul3A_756 = arith.muli %scan3A_678, %mul3A_755 : i32
      %add3A_757 = arith.constant 7 : i32
      %add3A_758 = arith.addi %mul3A_756, %add3A_757 : i32
      %mul3A_759 = arith.constant 16 : i32
      %mul3A_760 = arith.muli %add3A_758, %mul3A_759 : i32
      %get3A_761 = arith.constant 2 : i32
      %get3A_762 = arith.index_cast %get3A_761 : i32 to index
      %get3A_763 = arith.index_cast %mul3A_760 : i32 to index
      %get3A_764 = tpu.vector_load %arg5[%get3A_762, %get3A_763] {strides = array<i32>} : memref<16x2048xi32, #tpu.memory_space<vmem>>, vector<16xi32>,
      %add3A_765 = arith.addi %get3A_764, %broadcast_in_dim3A_151 : vector<16xi32>
      tpu.vector_store_idx %arg7[%add3A_765], %broadcast_in_dim3A_3 {add = true} : memref<1024xf32, #tpu.memory_space<vmem>>[vector<16xi32>], vector<16xf32>,
    }
    %scan3A_157 = arith.constant 16 : i32
    %broadcast_in_dim3A_158 = arith.constant 192 : i32
    %broadcast_in_dim3A_159 = vector.broadcast %broadcast_in_dim3A_158 : i32 to vector<16xi32>
    %scan3A_160 = arith.constant 0 : i32
    %scan3A_161 = arith.constant 0 : i32
    %scan3A_162 = arith.constant 16 : i32
    %scan3A_163 = arith.addi %scan3A_161, %scan3A_162 : i32
    %scan3A_164 = arith.constant 1 : i32
    scf.for %scan3A_678 = %scan3A_161 to %scan3A_163 step %scan3A_164  : i32 {
      %mul3A_679 = arith.constant 8 : i32
      %mul3A_680 = arith.muli %scan3A_678, %mul3A_679 : i32
      %add3A_681 = arith.constant 0 : i32
      %add3A_682 = arith.addi %mul3A_680, %add3A_681 : i32
      %mul3A_683 = arith.constant 16 : i32
      %mul3A_684 = arith.muli %add3A_682, %mul3A_683 : i32
      %get3A = arith.constant 3 : i32
      %get3A_685 = arith.index_cast %get3A : i32 to index
      %get3A_686 = arith.index_cast %mul3A_684 : i32 to index
      %get3A_687 = tpu.vector_load %arg5[%get3A_685, %get3A_686] {strides = array<i32>} : memref<16x2048xi32, #tpu.memory_space<vmem>>, vector<16xi32>,
      %add3A_688 = arith.addi %get3A_687, %broadcast_in_dim3A_159 : vector<16xi32>
      tpu.vector_store_idx %arg7[%add3A_688], %broadcast_in_dim3A_3 {add = true} : memref<1024xf32, #tpu.memory_space<vmem>>[vector<16xi32>], vector<16xf32>,
      %mul3A_689 = arith.constant 8 : i32
      %mul3A_690 = arith.muli %scan3A_678, %mul3A_689 : i32
      %add3A_691 = arith.constant 1 : i32
      %add3A_692 = arith.addi %mul3A_690, %add3A_691 : i32
      %mul3A_693 = arith.constant 16 : i32
      %mul3A_694 = arith.muli %add3A_692, %mul3A_693 : i32
      %get3A_695 = arith.constant 3 : i32
      %get3A_696 = arith.index_cast %get3A_695 : i32 to index
      %get3A_697 = arith.index_cast %mul3A_694 : i32 to index
      %get3A_698 = tpu.vector_load %arg5[%get3A_696, %get3A_697] {strides = array<i32>} : memref<16x2048xi32, #tpu.memory_space<vmem>>, vector<16xi32>,
      %add3A_699 = arith.addi %get3A_698, %broadcast_in_dim3A_159 : vector<16xi32>
      tpu.vector_store_idx %arg7[%add3A_699], %broadcast_in_dim3A_3 {add = true} : memref<1024xf32, #tpu.memory_space<vmem>>[vector<16xi32>], vector<16xf32>,
      %mul3A_700 = arith.constant 8 : i32
      %mul3A_701 = arith.muli %scan3A_678, %mul3A_700 : i32
      %add3A_702 = arith.constant 2 : i32
      %add3A_703 = arith.addi %mul3A_701, %add3A_702 : i32
      %mul3A_704 = arith.constant 16 : i32
      %mul3A_705 = arith.muli %add3A_703, %mul3A_704 : i32
      %get3A_706 = arith.constant 3 : i32
      %get3A_707 = arith.index_cast %get3A_706 : i32 to index
      %get3A_708 = arith.index_cast %mul3A_705 : i32 to index
      %get3A_709 = tpu.vector_load %arg5[%get3A_707, %get3A_708] {strides = array<i32>} : memref<16x2048xi32, #tpu.memory_space<vmem>>, vector<16xi32>,
      %add3A_710 = arith.addi %get3A_709, %broadcast_in_dim3A_159 : vector<16xi32>
      tpu.vector_store_idx %arg7[%add3A_710], %broadcast_in_dim3A_3 {add = true} : memref<1024xf32, #tpu.memory_space<vmem>>[vector<16xi32>], vector<16xf32>,
      %mul3A_711 = arith.constant 8 : i32
      %mul3A_712 = arith.muli %scan3A_678, %mul3A_711 : i32
      %add3A_713 = arith.constant 3 : i32
      %add3A_714 = arith.addi %mul3A_712, %add3A_713 : i32
      %mul3A_715 = arith.constant 16 : i32
      %mul3A_716 = arith.muli %add3A_714, %mul3A_715 : i32
      %get3A_717 = arith.constant 3 : i32
      %get3A_718 = arith.index_cast %get3A_717 : i32 to index
      %get3A_719 = arith.index_cast %mul3A_716 : i32 to index
      %get3A_720 = tpu.vector_load %arg5[%get3A_718, %get3A_719] {strides = array<i32>} : memref<16x2048xi32, #tpu.memory_space<vmem>>, vector<16xi32>,
      %add3A_721 = arith.addi %get3A_720, %broadcast_in_dim3A_159 : vector<16xi32>
      tpu.vector_store_idx %arg7[%add3A_721], %broadcast_in_dim3A_3 {add = true} : memref<1024xf32, #tpu.memory_space<vmem>>[vector<16xi32>], vector<16xf32>,
      %mul3A_722 = arith.constant 8 : i32
      %mul3A_723 = arith.muli %scan3A_678, %mul3A_722 : i32
      %add3A_724 = arith.constant 4 : i32
      %add3A_725 = arith.addi %mul3A_723, %add3A_724 : i32
      %mul3A_726 = arith.constant 16 : i32
      %mul3A_727 = arith.muli %add3A_725, %mul3A_726 : i32
      %get3A_728 = arith.constant 3 : i32
      %get3A_729 = arith.index_cast %get3A_728 : i32 to index
      %get3A_730 = arith.index_cast %mul3A_727 : i32 to index
      %get3A_731 = tpu.vector_load %arg5[%get3A_729, %get3A_730] {strides = array<i32>} : memref<16x2048xi32, #tpu.memory_space<vmem>>, vector<16xi32>,
      %add3A_732 = arith.addi %get3A_731, %broadcast_in_dim3A_159 : vector<16xi32>
      tpu.vector_store_idx %arg7[%add3A_732], %broadcast_in_dim3A_3 {add = true} : memref<1024xf32, #tpu.memory_space<vmem>>[vector<16xi32>], vector<16xf32>,
      %mul3A_733 = arith.constant 8 : i32
      %mul3A_734 = arith.muli %scan3A_678, %mul3A_733 : i32
      %add3A_735 = arith.constant 5 : i32
      %add3A_736 = arith.addi %mul3A_734, %add3A_735 : i32
      %mul3A_737 = arith.constant 16 : i32
      %mul3A_738 = arith.muli %add3A_736, %mul3A_737 : i32
      %get3A_739 = arith.constant 3 : i32
      %get3A_740 = arith.index_cast %get3A_739 : i32 to index
      %get3A_741 = arith.index_cast %mul3A_738 : i32 to index
      %get3A_742 = tpu.vector_load %arg5[%get3A_740, %get3A_741] {strides = array<i32>} : memref<16x2048xi32, #tpu.memory_space<vmem>>, vector<16xi32>,
      %add3A_743 = arith.addi %get3A_742, %broadcast_in_dim3A_159 : vector<16xi32>
      tpu.vector_store_idx %arg7[%add3A_743], %broadcast_in_dim3A_3 {add = true} : memref<1024xf32, #tpu.memory_space<vmem>>[vector<16xi32>], vector<16xf32>,
      %mul3A_744 = arith.constant 8 : i32
      %mul3A_745 = arith.muli %scan3A_678, %mul3A_744 : i32
      %add3A_746 = arith.constant 6 : i32
      %add3A_747 = arith.addi %mul3A_745, %add3A_746 : i32
      %mul3A_748 = arith.constant 16 : i32
      %mul3A_749 = arith.muli %add3A_747, %mul3A_748 : i32
      %get3A_750 = arith.constant 3 : i32
      %get3A_751 = arith.index_cast %get3A_750 : i32 to index
      %get3A_752 = arith.index_cast %mul3A_749 : i32 to index
      %get3A_753 = tpu.vector_load %arg5[%get3A_751, %get3A_752] {strides = array<i32>} : memref<16x2048xi32, #tpu.memory_space<vmem>>, vector<16xi32>,
      %add3A_754 = arith.addi %get3A_753, %broadcast_in_dim3A_159 : vector<16xi32>
      tpu.vector_store_idx %arg7[%add3A_754], %broadcast_in_dim3A_3 {add = true} : memref<1024xf32, #tpu.memory_space<vmem>>[vector<16xi32>], vector<16xf32>,
      %mul3A_755 = arith.constant 8 : i32
      %mul3A_756 = arith.muli %scan3A_678, %mul3A_755 : i32
      %add3A_757 = arith.constant 7 : i32
      %add3A_758 = arith.addi %mul3A_756, %add3A_757 : i32
      %mul3A_759 = arith.constant 16 : i32
      %mul3A_760 = arith.muli %add3A_758, %mul3A_759 : i32
      %get3A_761 = arith.constant 3 : i32
      %get3A_762 = arith.index_cast %get3A_761 : i32 to index
      %get3A_763 = arith.index_cast %mul3A_760 : i32 to index
      %get3A_764 = tpu.vector_load %arg5[%get3A_762, %get3A_763] {strides = array<i32>} : memref<16x2048xi32, #tpu.memory_space<vmem>>, vector<16xi32>,
      %add3A_765 = arith.addi %get3A_764, %broadcast_in_dim3A_159 : vector<16xi32>
      tpu.vector_store_idx %arg7[%add3A_765], %broadcast_in_dim3A_3 {add = true} : memref<1024xf32, #tpu.memory_space<vmem>>[vector<16xi32>], vector<16xf32>,
    }
    %scan3A_165 = arith.constant 16 : i32
    %broadcast_in_dim3A_166 = arith.constant 256 : i32
    %broadcast_in_dim3A_167 = vector.broadcast %broadcast_in_dim3A_166 : i32 to vector<16xi32>
    %scan3A_168 = arith.constant 0 : i32
    %scan3A_169 = arith.constant 0 : i32
    %scan3A_170 = arith.constant 16 : i32
    %scan3A_171 = arith.addi %scan3A_169, %scan3A_170 : i32
    %scan3A_172 = arith.constant 1 : i32
    scf.for %scan3A_678 = %scan3A_169 to %scan3A_171 step %scan3A_172  : i32 {
      %mul3A_679 = arith.constant 8 : i32
      %mul3A_680 = arith.muli %scan3A_678, %mul3A_679 : i32
      %add3A_681 = arith.constant 0 : i32
      %add3A_682 = arith.addi %mul3A_680, %add3A_681 : i32
      %mul3A_683 = arith.constant 16 : i32
      %mul3A_684 = arith.muli %add3A_682, %mul3A_683 : i32
      %get3A = arith.constant 4 : i32
      %get3A_685 = arith.index_cast %get3A : i32 to index
      %get3A_686 = arith.index_cast %mul3A_684 : i32 to index
      %get3A_687 = tpu.vector_load %arg5[%get3A_685, %get3A_686] {strides = array<i32>} : memref<16x2048xi32, #tpu.memory_space<vmem>>, vector<16xi32>,
      %add3A_688 = arith.addi %get3A_687, %broadcast_in_dim3A_167 : vector<16xi32>
      tpu.vector_store_idx %arg7[%add3A_688], %broadcast_in_dim3A_3 {add = true} : memref<1024xf32, #tpu.memory_space<vmem>>[vector<16xi32>], vector<16xf32>,
      %mul3A_689 = arith.constant 8 : i32
      %mul3A_690 = arith.muli %scan3A_678, %mul3A_689 : i32
      %add3A_691 = arith.constant 1 : i32
      %add3A_692 = arith.addi %mul3A_690, %add3A_691 : i32
      %mul3A_693 = arith.constant 16 : i32
      %mul3A_694 = arith.muli %add3A_692, %mul3A_693 : i32
      %get3A_695 = arith.constant 4 : i32
      %get3A_696 = arith.index_cast %get3A_695 : i32 to index
      %get3A_697 = arith.index_cast %mul3A_694 : i32 to index
      %get3A_698 = tpu.vector_load %arg5[%get3A_696, %get3A_697] {strides = array<i32>} : memref<16x2048xi32, #tpu.memory_space<vmem>>, vector<16xi32>,
      %add3A_699 = arith.addi %get3A_698, %broadcast_in_dim3A_167 : vector<16xi32>
      tpu.vector_store_idx %arg7[%add3A_699], %broadcast_in_dim3A_3 {add = true} : memref<1024xf32, #tpu.memory_space<vmem>>[vector<16xi32>], vector<16xf32>,
      %mul3A_700 = arith.constant 8 : i32
      %mul3A_701 = arith.muli %scan3A_678, %mul3A_700 : i32
      %add3A_702 = arith.constant 2 : i32
      %add3A_703 = arith.addi %mul3A_701, %add3A_702 : i32
      %mul3A_704 = arith.constant 16 : i32
      %mul3A_705 = arith.muli %add3A_703, %mul3A_704 : i32
      %get3A_706 = arith.constant 4 : i32
      %get3A_707 = arith.index_cast %get3A_706 : i32 to index
      %get3A_708 = arith.index_cast %mul3A_705 : i32 to index
      %get3A_709 = tpu.vector_load %arg5[%get3A_707, %get3A_708] {strides = array<i32>} : memref<16x2048xi32, #tpu.memory_space<vmem>>, vector<16xi32>,
      %add3A_710 = arith.addi %get3A_709, %broadcast_in_dim3A_167 : vector<16xi32>
      tpu.vector_store_idx %arg7[%add3A_710], %broadcast_in_dim3A_3 {add = true} : memref<1024xf32, #tpu.memory_space<vmem>>[vector<16xi32>], vector<16xf32>,
      %mul3A_711 = arith.constant 8 : i32
      %mul3A_712 = arith.muli %scan3A_678, %mul3A_711 : i32
      %add3A_713 = arith.constant 3 : i32
      %add3A_714 = arith.addi %mul3A_712, %add3A_713 : i32
      %mul3A_715 = arith.constant 16 : i32
      %mul3A_716 = arith.muli %add3A_714, %mul3A_715 : i32
      %get3A_717 = arith.constant 4 : i32
      %get3A_718 = arith.index_cast %get3A_717 : i32 to index
      %get3A_719 = arith.index_cast %mul3A_716 : i32 to index
      %get3A_720 = tpu.vector_load %arg5[%get3A_718, %get3A_719] {strides = array<i32>} : memref<16x2048xi32, #tpu.memory_space<vmem>>, vector<16xi32>,
      %add3A_721 = arith.addi %get3A_720, %broadcast_in_dim3A_167 : vector<16xi32>
      tpu.vector_store_idx %arg7[%add3A_721], %broadcast_in_dim3A_3 {add = true} : memref<1024xf32, #tpu.memory_space<vmem>>[vector<16xi32>], vector<16xf32>,
      %mul3A_722 = arith.constant 8 : i32
      %mul3A_723 = arith.muli %scan3A_678, %mul3A_722 : i32
      %add3A_724 = arith.constant 4 : i32
      %add3A_725 = arith.addi %mul3A_723, %add3A_724 : i32
      %mul3A_726 = arith.constant 16 : i32
      %mul3A_727 = arith.muli %add3A_725, %mul3A_726 : i32
      %get3A_728 = arith.constant 4 : i32
      %get3A_729 = arith.index_cast %get3A_728 : i32 to index
      %get3A_730 = arith.index_cast %mul3A_727 : i32 to index
      %get3A_731 = tpu.vector_load %arg5[%get3A_729, %get3A_730] {strides = array<i32>} : memref<16x2048xi32, #tpu.memory_space<vmem>>, vector<16xi32>,
      %add3A_732 = arith.addi %get3A_731, %broadcast_in_dim3A_167 : vector<16xi32>
      tpu.vector_store_idx %arg7[%add3A_732], %broadcast_in_dim3A_3 {add = true} : memref<1024xf32, #tpu.memory_space<vmem>>[vector<16xi32>], vector<16xf32>,
      %mul3A_733 = arith.constant 8 : i32
      %mul3A_734 = arith.muli %scan3A_678, %mul3A_733 : i32
      %add3A_735 = arith.constant 5 : i32
      %add3A_736 = arith.addi %mul3A_734, %add3A_735 : i32
      %mul3A_737 = arith.constant 16 : i32
      %mul3A_738 = arith.muli %add3A_736, %mul3A_737 : i32
      %get3A_739 = arith.constant 4 : i32
      %get3A_740 = arith.index_cast %get3A_739 : i32 to index
      %get3A_741 = arith.index_cast %mul3A_738 : i32 to index
      %get3A_742 = tpu.vector_load %arg5[%get3A_740, %get3A_741] {strides = array<i32>} : memref<16x2048xi32, #tpu.memory_space<vmem>>, vector<16xi32>,
      %add3A_743 = arith.addi %get3A_742, %broadcast_in_dim3A_167 : vector<16xi32>
      tpu.vector_store_idx %arg7[%add3A_743], %broadcast_in_dim3A_3 {add = true} : memref<1024xf32, #tpu.memory_space<vmem>>[vector<16xi32>], vector<16xf32>,
      %mul3A_744 = arith.constant 8 : i32
      %mul3A_745 = arith.muli %scan3A_678, %mul3A_744 : i32
      %add3A_746 = arith.constant 6 : i32
      %add3A_747 = arith.addi %mul3A_745, %add3A_746 : i32
      %mul3A_748 = arith.constant 16 : i32
      %mul3A_749 = arith.muli %add3A_747, %mul3A_748 : i32
      %get3A_750 = arith.constant 4 : i32
      %get3A_751 = arith.index_cast %get3A_750 : i32 to index
      %get3A_752 = arith.index_cast %mul3A_749 : i32 to index
      %get3A_753 = tpu.vector_load %arg5[%get3A_751, %get3A_752] {strides = array<i32>} : memref<16x2048xi32, #tpu.memory_space<vmem>>, vector<16xi32>,
      %add3A_754 = arith.addi %get3A_753, %broadcast_in_dim3A_167 : vector<16xi32>
      tpu.vector_store_idx %arg7[%add3A_754], %broadcast_in_dim3A_3 {add = true} : memref<1024xf32, #tpu.memory_space<vmem>>[vector<16xi32>], vector<16xf32>,
      %mul3A_755 = arith.constant 8 : i32
      %mul3A_756 = arith.muli %scan3A_678, %mul3A_755 : i32
      %add3A_757 = arith.constant 7 : i32
      %add3A_758 = arith.addi %mul3A_756, %add3A_757 : i32
      %mul3A_759 = arith.constant 16 : i32
      %mul3A_760 = arith.muli %add3A_758, %mul3A_759 : i32
      %get3A_761 = arith.constant 4 : i32
      %get3A_762 = arith.index_cast %get3A_761 : i32 to index
      %get3A_763 = arith.index_cast %mul3A_760 : i32 to index
      %get3A_764 = tpu.vector_load %arg5[%get3A_762, %get3A_763] {strides = array<i32>} : memref<16x2048xi32, #tpu.memory_space<vmem>>, vector<16xi32>,
      %add3A_765 = arith.addi %get3A_764, %broadcast_in_dim3A_167 : vector<16xi32>
      tpu.vector_store_idx %arg7[%add3A_765], %broadcast_in_dim3A_3 {add = true} : memref<1024xf32, #tpu.memory_space<vmem>>[vector<16xi32>], vector<16xf32>,
    }
    %scan3A_173 = arith.constant 16 : i32
    %broadcast_in_dim3A_174 = arith.constant 320 : i32
    %broadcast_in_dim3A_175 = vector.broadcast %broadcast_in_dim3A_174 : i32 to vector<16xi32>
    %scan3A_176 = arith.constant 0 : i32
    %scan3A_177 = arith.constant 0 : i32
    %scan3A_178 = arith.constant 16 : i32
    %scan3A_179 = arith.addi %scan3A_177, %scan3A_178 : i32
    %scan3A_180 = arith.constant 1 : i32
    scf.for %scan3A_678 = %scan3A_177 to %scan3A_179 step %scan3A_180  : i32 {
      %mul3A_679 = arith.constant 8 : i32
      %mul3A_680 = arith.muli %scan3A_678, %mul3A_679 : i32
      %add3A_681 = arith.constant 0 : i32
      %add3A_682 = arith.addi %mul3A_680, %add3A_681 : i32
      %mul3A_683 = arith.constant 16 : i32
      %mul3A_684 = arith.muli %add3A_682, %mul3A_683 : i32
      %get3A = arith.constant 5 : i32
      %get3A_685 = arith.index_cast %get3A : i32 to index
      %get3A_686 = arith.index_cast %mul3A_684 : i32 to index
      %get3A_687 = tpu.vector_load %arg5[%get3A_685, %get3A_686] {strides = array<i32>} : memref<16x2048xi32, #tpu.memory_space<vmem>>, vector<16xi32>,
      %add3A_688 = arith.addi %get3A_687, %broadcast_in_dim3A_175 : vector<16xi32>
      tpu.vector_store_idx %arg7[%add3A_688], %broadcast_in_dim3A_3 {add = true} : memref<1024xf32, #tpu.memory_space<vmem>>[vector<16xi32>], vector<16xf32>,
      %mul3A_689 = arith.constant 8 : i32
      %mul3A_690 = arith.muli %scan3A_678, %mul3A_689 : i32
      %add3A_691 = arith.constant 1 : i32
      %add3A_692 = arith.addi %mul3A_690, %add3A_691 : i32
      %mul3A_693 = arith.constant 16 : i32
      %mul3A_694 = arith.muli %add3A_692, %mul3A_693 : i32
      %get3A_695 = arith.constant 5 : i32
      %get3A_696 = arith.index_cast %get3A_695 : i32 to index
      %get3A_697 = arith.index_cast %mul3A_694 : i32 to index
      %get3A_698 = tpu.vector_load %arg5[%get3A_696, %get3A_697] {strides = array<i32>} : memref<16x2048xi32, #tpu.memory_space<vmem>>, vector<16xi32>,
      %add3A_699 = arith.addi %get3A_698, %broadcast_in_dim3A_175 : vector<16xi32>
      tpu.vector_store_idx %arg7[%add3A_699], %broadcast_in_dim3A_3 {add = true} : memref<1024xf32, #tpu.memory_space<vmem>>[vector<16xi32>], vector<16xf32>,
      %mul3A_700 = arith.constant 8 : i32
      %mul3A_701 = arith.muli %scan3A_678, %mul3A_700 : i32
      %add3A_702 = arith.constant 2 : i32
      %add3A_703 = arith.addi %mul3A_701, %add3A_702 : i32
      %mul3A_704 = arith.constant 16 : i32
      %mul3A_705 = arith.muli %add3A_703, %mul3A_704 : i32
      %get3A_706 = arith.constant 5 : i32
      %get3A_707 = arith.index_cast %get3A_706 : i32 to index
      %get3A_708 = arith.index_cast %mul3A_705 : i32 to index
      %get3A_709 = tpu.vector_load %arg5[%get3A_707, %get3A_708] {strides = array<i32>} : memref<16x2048xi32, #tpu.memory_space<vmem>>, vector<16xi32>,
      %add3A_710 = arith.addi %get3A_709, %broadcast_in_dim3A_175 : vector<16xi32>
      tpu.vector_store_idx %arg7[%add3A_710], %broadcast_in_dim3A_3 {add = true} : memref<1024xf32, #tpu.memory_space<vmem>>[vector<16xi32>], vector<16xf32>,
      %mul3A_711 = arith.constant 8 : i32
      %mul3A_712 = arith.muli %scan3A_678, %mul3A_711 : i32
      %add3A_713 = arith.constant 3 : i32
      %add3A_714 = arith.addi %mul3A_712, %add3A_713 : i32
      %mul3A_715 = arith.constant 16 : i32
      %mul3A_716 = arith.muli %add3A_714, %mul3A_715 : i32
      %get3A_717 = arith.constant 5 : i32
      %get3A_718 = arith.index_cast %get3A_717 : i32 to index
      %get3A_719 = arith.index_cast %mul3A_716 : i32 to index
      %get3A_720 = tpu.vector_load %arg5[%get3A_718, %get3A_719] {strides = array<i32>} : memref<16x2048xi32, #tpu.memory_space<vmem>>, vector<16xi32>,
      %add3A_721 = arith.addi %get3A_720, %broadcast_in_dim3A_175 : vector<16xi32>
      tpu.vector_store_idx %arg7[%add3A_721], %broadcast_in_dim3A_3 {add = true} : memref<1024xf32, #tpu.memory_space<vmem>>[vector<16xi32>], vector<16xf32>,
      %mul3A_722 = arith.constant 8 : i32
      %mul3A_723 = arith.muli %scan3A_678, %mul3A_722 : i32
      %add3A_724 = arith.constant 4 : i32
      %add3A_725 = arith.addi %mul3A_723, %add3A_724 : i32
      %mul3A_726 = arith.constant 16 : i32
      %mul3A_727 = arith.muli %add3A_725, %mul3A_726 : i32
      %get3A_728 = arith.constant 5 : i32
      %get3A_729 = arith.index_cast %get3A_728 : i32 to index
      %get3A_730 = arith.index_cast %mul3A_727 : i32 to index
      %get3A_731 = tpu.vector_load %arg5[%get3A_729, %get3A_730] {strides = array<i32>} : memref<16x2048xi32, #tpu.memory_space<vmem>>, vector<16xi32>,
      %add3A_732 = arith.addi %get3A_731, %broadcast_in_dim3A_175 : vector<16xi32>
      tpu.vector_store_idx %arg7[%add3A_732], %broadcast_in_dim3A_3 {add = true} : memref<1024xf32, #tpu.memory_space<vmem>>[vector<16xi32>], vector<16xf32>,
      %mul3A_733 = arith.constant 8 : i32
      %mul3A_734 = arith.muli %scan3A_678, %mul3A_733 : i32
      %add3A_735 = arith.constant 5 : i32
      %add3A_736 = arith.addi %mul3A_734, %add3A_735 : i32
      %mul3A_737 = arith.constant 16 : i32
      %mul3A_738 = arith.muli %add3A_736, %mul3A_737 : i32
      %get3A_739 = arith.constant 5 : i32
      %get3A_740 = arith.index_cast %get3A_739 : i32 to index
      %get3A_741 = arith.index_cast %mul3A_738 : i32 to index
      %get3A_742 = tpu.vector_load %arg5[%get3A_740, %get3A_741] {strides = array<i32>} : memref<16x2048xi32, #tpu.memory_space<vmem>>, vector<16xi32>,
      %add3A_743 = arith.addi %get3A_742, %broadcast_in_dim3A_175 : vector<16xi32>
      tpu.vector_store_idx %arg7[%add3A_743], %broadcast_in_dim3A_3 {add = true} : memref<1024xf32, #tpu.memory_space<vmem>>[vector<16xi32>], vector<16xf32>,
      %mul3A_744 = arith.constant 8 : i32
      %mul3A_745 = arith.muli %scan3A_678, %mul3A_744 : i32
      %add3A_746 = arith.constant 6 : i32
      %add3A_747 = arith.addi %mul3A_745, %add3A_746 : i32
      %mul3A_748 = arith.constant 16 : i32
      %mul3A_749 = arith.muli %add3A_747, %mul3A_748 : i32
      %get3A_750 = arith.constant 5 : i32
      %get3A_751 = arith.index_cast %get3A_750 : i32 to index
      %get3A_752 = arith.index_cast %mul3A_749 : i32 to index
      %get3A_753 = tpu.vector_load %arg5[%get3A_751, %get3A_752] {strides = array<i32>} : memref<16x2048xi32, #tpu.memory_space<vmem>>, vector<16xi32>,
      %add3A_754 = arith.addi %get3A_753, %broadcast_in_dim3A_175 : vector<16xi32>
      tpu.vector_store_idx %arg7[%add3A_754], %broadcast_in_dim3A_3 {add = true} : memref<1024xf32, #tpu.memory_space<vmem>>[vector<16xi32>], vector<16xf32>,
      %mul3A_755 = arith.constant 8 : i32
      %mul3A_756 = arith.muli %scan3A_678, %mul3A_755 : i32
      %add3A_757 = arith.constant 7 : i32
      %add3A_758 = arith.addi %mul3A_756, %add3A_757 : i32
      %mul3A_759 = arith.constant 16 : i32
      %mul3A_760 = arith.muli %add3A_758, %mul3A_759 : i32
      %get3A_761 = arith.constant 5 : i32
      %get3A_762 = arith.index_cast %get3A_761 : i32 to index
      %get3A_763 = arith.index_cast %mul3A_760 : i32 to index
      %get3A_764 = tpu.vector_load %arg5[%get3A_762, %get3A_763] {strides = array<i32>} : memref<16x2048xi32, #tpu.memory_space<vmem>>, vector<16xi32>,
      %add3A_765 = arith.addi %get3A_764, %broadcast_in_dim3A_175 : vector<16xi32>
      tpu.vector_store_idx %arg7[%add3A_765], %broadcast_in_dim3A_3 {add = true} : memref<1024xf32, #tpu.memory_space<vmem>>[vector<16xi32>], vector<16xf32>,
    }
    %scan3A_181 = arith.constant 16 : i32
    %broadcast_in_dim3A_182 = arith.constant 384 : i32
    %broadcast_in_dim3A_183 = vector.broadcast %broadcast_in_dim3A_182 : i32 to vector<16xi32>
    %scan3A_184 = arith.constant 0 : i32
    %scan3A_185 = arith.constant 0 : i32
    %scan3A_186 = arith.constant 16 : i32
    %scan3A_187 = arith.addi %scan3A_185, %scan3A_186 : i32
    %scan3A_188 = arith.constant 1 : i32
    scf.for %scan3A_678 = %scan3A_185 to %scan3A_187 step %scan3A_188  : i32 {
      %mul3A_679 = arith.constant 8 : i32
      %mul3A_680 = arith.muli %scan3A_678, %mul3A_679 : i32
      %add3A_681 = arith.constant 0 : i32
      %add3A_682 = arith.addi %mul3A_680, %add3A_681 : i32
      %mul3A_683 = arith.constant 16 : i32
      %mul3A_684 = arith.muli %add3A_682, %mul3A_683 : i32
      %get3A = arith.constant 6 : i32
      %get3A_685 = arith.index_cast %get3A : i32 to index
      %get3A_686 = arith.index_cast %mul3A_684 : i32 to index
      %get3A_687 = tpu.vector_load %arg5[%get3A_685, %get3A_686] {strides = array<i32>} : memref<16x2048xi32, #tpu.memory_space<vmem>>, vector<16xi32>,
      %add3A_688 = arith.addi %get3A_687, %broadcast_in_dim3A_183 : vector<16xi32>
      tpu.vector_store_idx %arg7[%add3A_688], %broadcast_in_dim3A_3 {add = true} : memref<1024xf32, #tpu.memory_space<vmem>>[vector<16xi32>], vector<16xf32>,
      %mul3A_689 = arith.constant 8 : i32
      %mul3A_690 = arith.muli %scan3A_678, %mul3A_689 : i32
      %add3A_691 = arith.constant 1 : i32
      %add3A_692 = arith.addi %mul3A_690, %add3A_691 : i32
      %mul3A_693 = arith.constant 16 : i32
      %mul3A_694 = arith.muli %add3A_692, %mul3A_693 : i32
      %get3A_695 = arith.constant 6 : i32
      %get3A_696 = arith.index_cast %get3A_695 : i32 to index
      %get3A_697 = arith.index_cast %mul3A_694 : i32 to index
      %get3A_698 = tpu.vector_load %arg5[%get3A_696, %get3A_697] {strides = array<i32>} : memref<16x2048xi32, #tpu.memory_space<vmem>>, vector<16xi32>,
      %add3A_699 = arith.addi %get3A_698, %broadcast_in_dim3A_183 : vector<16xi32>
      tpu.vector_store_idx %arg7[%add3A_699], %broadcast_in_dim3A_3 {add = true} : memref<1024xf32, #tpu.memory_space<vmem>>[vector<16xi32>], vector<16xf32>,
      %mul3A_700 = arith.constant 8 : i32
      %mul3A_701 = arith.muli %scan3A_678, %mul3A_700 : i32
      %add3A_702 = arith.constant 2 : i32
      %add3A_703 = arith.addi %mul3A_701, %add3A_702 : i32
      %mul3A_704 = arith.constant 16 : i32
      %mul3A_705 = arith.muli %add3A_703, %mul3A_704 : i32
      %get3A_706 = arith.constant 6 : i32
      %get3A_707 = arith.index_cast %get3A_706 : i32 to index
      %get3A_708 = arith.index_cast %mul3A_705 : i32 to index
      %get3A_709 = tpu.vector_load %arg5[%get3A_707, %get3A_708] {strides = array<i32>} : memref<16x2048xi32, #tpu.memory_space<vmem>>, vector<16xi32>,
      %add3A_710 = arith.addi %get3A_709, %broadcast_in_dim3A_183 : vector<16xi32>
      tpu.vector_store_idx %arg7[%add3A_710], %broadcast_in_dim3A_3 {add = true} : memref<1024xf32, #tpu.memory_space<vmem>>[vector<16xi32>], vector<16xf32>,
      %mul3A_711 = arith.constant 8 : i32
      %mul3A_712 = arith.muli %scan3A_678, %mul3A_711 : i32
      %add3A_713 = arith.constant 3 : i32
      %add3A_714 = arith.addi %mul3A_712, %add3A_713 : i32
      %mul3A_715 = arith.constant 16 : i32
      %mul3A_716 = arith.muli %add3A_714, %mul3A_715 : i32
      %get3A_717 = arith.constant 6 : i32
      %get3A_718 = arith.index_cast %get3A_717 : i32 to index
      %get3A_719 = arith.index_cast %mul3A_716 : i32 to index
      %get3A_720 = tpu.vector_load %arg5[%get3A_718, %get3A_719] {strides = array<i32>} : memref<16x2048xi32, #tpu.memory_space<vmem>>, vector<16xi32>,
      %add3A_721 = arith.addi %get3A_720, %broadcast_in_dim3A_183 : vector<16xi32>
      tpu.vector_store_idx %arg7[%add3A_721], %broadcast_in_dim3A_3 {add = true} : memref<1024xf32, #tpu.memory_space<vmem>>[vector<16xi32>], vector<16xf32>,
      %mul3A_722 = arith.constant 8 : i32
      %mul3A_723 = arith.muli %scan3A_678, %mul3A_722 : i32
      %add3A_724 = arith.constant 4 : i32
      %add3A_725 = arith.addi %mul3A_723, %add3A_724 : i32
      %mul3A_726 = arith.constant 16 : i32
      %mul3A_727 = arith.muli %add3A_725, %mul3A_726 : i32
      %get3A_728 = arith.constant 6 : i32
      %get3A_729 = arith.index_cast %get3A_728 : i32 to index
      %get3A_730 = arith.index_cast %mul3A_727 : i32 to index
      %get3A_731 = tpu.vector_load %arg5[%get3A_729, %get3A_730] {strides = array<i32>} : memref<16x2048xi32, #tpu.memory_space<vmem>>, vector<16xi32>,
      %add3A_732 = arith.addi %get3A_731, %broadcast_in_dim3A_183 : vector<16xi32>
      tpu.vector_store_idx %arg7[%add3A_732], %broadcast_in_dim3A_3 {add = true} : memref<1024xf32, #tpu.memory_space<vmem>>[vector<16xi32>], vector<16xf32>,
      %mul3A_733 = arith.constant 8 : i32
      %mul3A_734 = arith.muli %scan3A_678, %mul3A_733 : i32
      %add3A_735 = arith.constant 5 : i32
      %add3A_736 = arith.addi %mul3A_734, %add3A_735 : i32
      %mul3A_737 = arith.constant 16 : i32
      %mul3A_738 = arith.muli %add3A_736, %mul3A_737 : i32
      %get3A_739 = arith.constant 6 : i32
      %get3A_740 = arith.index_cast %get3A_739 : i32 to index
      %get3A_741 = arith.index_cast %mul3A_738 : i32 to index
      %get3A_742 = tpu.vector_load %arg5[%get3A_740, %get3A_741] {strides = array<i32>} : memref<16x2048xi32, #tpu.memory_space<vmem>>, vector<16xi32>,
      %add3A_743 = arith.addi %get3A_742, %broadcast_in_dim3A_183 : vector<16xi32>
      tpu.vector_store_idx %arg7[%add3A_743], %broadcast_in_dim3A_3 {add = true} : memref<1024xf32, #tpu.memory_space<vmem>>[vector<16xi32>], vector<16xf32>,
      %mul3A_744 = arith.constant 8 : i32
      %mul3A_745 = arith.muli %scan3A_678, %mul3A_744 : i32
      %add3A_746 = arith.constant 6 : i32
      %add3A_747 = arith.addi %mul3A_745, %add3A_746 : i32
      %mul3A_748 = arith.constant 16 : i32
      %mul3A_749 = arith.muli %add3A_747, %mul3A_748 : i32
      %get3A_750 = arith.constant 6 : i32
      %get3A_751 = arith.index_cast %get3A_750 : i32 to index
      %get3A_752 = arith.index_cast %mul3A_749 : i32 to index
      %get3A_753 = tpu.vector_load %arg5[%get3A_751, %get3A_752] {strides = array<i32>} : memref<16x2048xi32, #tpu.memory_space<vmem>>, vector<16xi32>,
      %add3A_754 = arith.addi %get3A_753, %broadcast_in_dim3A_183 : vector<16xi32>
      tpu.vector_store_idx %arg7[%add3A_754], %broadcast_in_dim3A_3 {add = true} : memref<1024xf32, #tpu.memory_space<vmem>>[vector<16xi32>], vector<16xf32>,
      %mul3A_755 = arith.constant 8 : i32
      %mul3A_756 = arith.muli %scan3A_678, %mul3A_755 : i32
      %add3A_757 = arith.constant 7 : i32
      %add3A_758 = arith.addi %mul3A_756, %add3A_757 : i32
      %mul3A_759 = arith.constant 16 : i32
      %mul3A_760 = arith.muli %add3A_758, %mul3A_759 : i32
      %get3A_761 = arith.constant 6 : i32
      %get3A_762 = arith.index_cast %get3A_761 : i32 to index
      %get3A_763 = arith.index_cast %mul3A_760 : i32 to index
      %get3A_764 = tpu.vector_load %arg5[%get3A_762, %get3A_763] {strides = array<i32>} : memref<16x2048xi32, #tpu.memory_space<vmem>>, vector<16xi32>,
      %add3A_765 = arith.addi %get3A_764, %broadcast_in_dim3A_183 : vector<16xi32>
      tpu.vector_store_idx %arg7[%add3A_765], %broadcast_in_dim3A_3 {add = true} : memref<1024xf32, #tpu.memory_space<vmem>>[vector<16xi32>], vector<16xf32>,
    }
    %scan3A_189 = arith.constant 16 : i32
    %broadcast_in_dim3A_190 = arith.constant 448 : i32
    %broadcast_in_dim3A_191 = vector.broadcast %broadcast_in_dim3A_190 : i32 to vector<16xi32>
    %scan3A_192 = arith.constant 0 : i32
    %scan3A_193 = arith.constant 0 : i32
    %scan3A_194 = arith.constant 16 : i32
    %scan3A_195 = arith.addi %scan3A_193, %scan3A_194 : i32
    %scan3A_196 = arith.constant 1 : i32
    scf.for %scan3A_678 = %scan3A_193 to %scan3A_195 step %scan3A_196  : i32 {
      %mul3A_679 = arith.constant 8 : i32
      %mul3A_680 = arith.muli %scan3A_678, %mul3A_679 : i32
      %add3A_681 = arith.constant 0 : i32
      %add3A_682 = arith.addi %mul3A_680, %add3A_681 : i32
      %mul3A_683 = arith.constant 16 : i32
      %mul3A_684 = arith.muli %add3A_682, %mul3A_683 : i32
      %get3A = arith.constant 7 : i32
      %get3A_685 = arith.index_cast %get3A : i32 to index
      %get3A_686 = arith.index_cast %mul3A_684 : i32 to index
      %get3A_687 = tpu.vector_load %arg5[%get3A_685, %get3A_686] {strides = array<i32>} : memref<16x2048xi32, #tpu.memory_space<vmem>>, vector<16xi32>,
      %add3A_688 = arith.addi %get3A_687, %broadcast_in_dim3A_191 : vector<16xi32>
      tpu.vector_store_idx %arg7[%add3A_688], %broadcast_in_dim3A_3 {add = true} : memref<1024xf32, #tpu.memory_space<vmem>>[vector<16xi32>], vector<16xf32>,
      %mul3A_689 = arith.constant 8 : i32
      %mul3A_690 = arith.muli %scan3A_678, %mul3A_689 : i32
      %add3A_691 = arith.constant 1 : i32
      %add3A_692 = arith.addi %mul3A_690, %add3A_691 : i32
      %mul3A_693 = arith.constant 16 : i32
      %mul3A_694 = arith.muli %add3A_692, %mul3A_693 : i32
      %get3A_695 = arith.constant 7 : i32
      %get3A_696 = arith.index_cast %get3A_695 : i32 to index
      %get3A_697 = arith.index_cast %mul3A_694 : i32 to index
      %get3A_698 = tpu.vector_load %arg5[%get3A_696, %get3A_697] {strides = array<i32>} : memref<16x2048xi32, #tpu.memory_space<vmem>>, vector<16xi32>,
      %add3A_699 = arith.addi %get3A_698, %broadcast_in_dim3A_191 : vector<16xi32>
      tpu.vector_store_idx %arg7[%add3A_699], %broadcast_in_dim3A_3 {add = true} : memref<1024xf32, #tpu.memory_space<vmem>>[vector<16xi32>], vector<16xf32>,
      %mul3A_700 = arith.constant 8 : i32
      %mul3A_701 = arith.muli %scan3A_678, %mul3A_700 : i32
      %add3A_702 = arith.constant 2 : i32
      %add3A_703 = arith.addi %mul3A_701, %add3A_702 : i32
      %mul3A_704 = arith.constant 16 : i32
      %mul3A_705 = arith.muli %add3A_703, %mul3A_704 : i32
      %get3A_706 = arith.constant 7 : i32
      %get3A_707 = arith.index_cast %get3A_706 : i32 to index
      %get3A_708 = arith.index_cast %mul3A_705 : i32 to index
      %get3A_709 = tpu.vector_load %arg5[%get3A_707, %get3A_708] {strides = array<i32>} : memref<16x2048xi32, #tpu.memory_space<vmem>>, vector<16xi32>,
      %add3A_710 = arith.addi %get3A_709, %broadcast_in_dim3A_191 : vector<16xi32>
      tpu.vector_store_idx %arg7[%add3A_710], %broadcast_in_dim3A_3 {add = true} : memref<1024xf32, #tpu.memory_space<vmem>>[vector<16xi32>], vector<16xf32>,
      %mul3A_711 = arith.constant 8 : i32
      %mul3A_712 = arith.muli %scan3A_678, %mul3A_711 : i32
      %add3A_713 = arith.constant 3 : i32
      %add3A_714 = arith.addi %mul3A_712, %add3A_713 : i32
      %mul3A_715 = arith.constant 16 : i32
      %mul3A_716 = arith.muli %add3A_714, %mul3A_715 : i32
      %get3A_717 = arith.constant 7 : i32
      %get3A_718 = arith.index_cast %get3A_717 : i32 to index
      %get3A_719 = arith.index_cast %mul3A_716 : i32 to index
      %get3A_720 = tpu.vector_load %arg5[%get3A_718, %get3A_719] {strides = array<i32>} : memref<16x2048xi32, #tpu.memory_space<vmem>>, vector<16xi32>,
      %add3A_721 = arith.addi %get3A_720, %broadcast_in_dim3A_191 : vector<16xi32>
      tpu.vector_store_idx %arg7[%add3A_721], %broadcast_in_dim3A_3 {add = true} : memref<1024xf32, #tpu.memory_space<vmem>>[vector<16xi32>], vector<16xf32>,
      %mul3A_722 = arith.constant 8 : i32
      %mul3A_723 = arith.muli %scan3A_678, %mul3A_722 : i32
      %add3A_724 = arith.constant 4 : i32
      %add3A_725 = arith.addi %mul3A_723, %add3A_724 : i32
      %mul3A_726 = arith.constant 16 : i32
      %mul3A_727 = arith.muli %add3A_725, %mul3A_726 : i32
      %get3A_728 = arith.constant 7 : i32
      %get3A_729 = arith.index_cast %get3A_728 : i32 to index
      %get3A_730 = arith.index_cast %mul3A_727 : i32 to index
      %get3A_731 = tpu.vector_load %arg5[%get3A_729, %get3A_730] {strides = array<i32>} : memref<16x2048xi32, #tpu.memory_space<vmem>>, vector<16xi32>,
      %add3A_732 = arith.addi %get3A_731, %broadcast_in_dim3A_191 : vector<16xi32>
      tpu.vector_store_idx %arg7[%add3A_732], %broadcast_in_dim3A_3 {add = true} : memref<1024xf32, #tpu.memory_space<vmem>>[vector<16xi32>], vector<16xf32>,
      %mul3A_733 = arith.constant 8 : i32
      %mul3A_734 = arith.muli %scan3A_678, %mul3A_733 : i32
      %add3A_735 = arith.constant 5 : i32
      %add3A_736 = arith.addi %mul3A_734, %add3A_735 : i32
      %mul3A_737 = arith.constant 16 : i32
      %mul3A_738 = arith.muli %add3A_736, %mul3A_737 : i32
      %get3A_739 = arith.constant 7 : i32
      %get3A_740 = arith.index_cast %get3A_739 : i32 to index
      %get3A_741 = arith.index_cast %mul3A_738 : i32 to index
      %get3A_742 = tpu.vector_load %arg5[%get3A_740, %get3A_741] {strides = array<i32>} : memref<16x2048xi32, #tpu.memory_space<vmem>>, vector<16xi32>,
      %add3A_743 = arith.addi %get3A_742, %broadcast_in_dim3A_191 : vector<16xi32>
      tpu.vector_store_idx %arg7[%add3A_743], %broadcast_in_dim3A_3 {add = true} : memref<1024xf32, #tpu.memory_space<vmem>>[vector<16xi32>], vector<16xf32>,
      %mul3A_744 = arith.constant 8 : i32
      %mul3A_745 = arith.muli %scan3A_678, %mul3A_744 : i32
      %add3A_746 = arith.constant 6 : i32
      %add3A_747 = arith.addi %mul3A_745, %add3A_746 : i32
      %mul3A_748 = arith.constant 16 : i32
      %mul3A_749 = arith.muli %add3A_747, %mul3A_748 : i32
      %get3A_750 = arith.constant 7 : i32
      %get3A_751 = arith.index_cast %get3A_750 : i32 to index
      %get3A_752 = arith.index_cast %mul3A_749 : i32 to index
      %get3A_753 = tpu.vector_load %arg5[%get3A_751, %get3A_752] {strides = array<i32>} : memref<16x2048xi32, #tpu.memory_space<vmem>>, vector<16xi32>,
      %add3A_754 = arith.addi %get3A_753, %broadcast_in_dim3A_191 : vector<16xi32>
      tpu.vector_store_idx %arg7[%add3A_754], %broadcast_in_dim3A_3 {add = true} : memref<1024xf32, #tpu.memory_space<vmem>>[vector<16xi32>], vector<16xf32>,
      %mul3A_755 = arith.constant 8 : i32
      %mul3A_756 = arith.muli %scan3A_678, %mul3A_755 : i32
      %add3A_757 = arith.constant 7 : i32
      %add3A_758 = arith.addi %mul3A_756, %add3A_757 : i32
      %mul3A_759 = arith.constant 16 : i32
      %mul3A_760 = arith.muli %add3A_758, %mul3A_759 : i32
      %get3A_761 = arith.constant 7 : i32
      %get3A_762 = arith.index_cast %get3A_761 : i32 to index
      %get3A_763 = arith.index_cast %mul3A_760 : i32 to index
      %get3A_764 = tpu.vector_load %arg5[%get3A_762, %get3A_763] {strides = array<i32>} : memref<16x2048xi32, #tpu.memory_space<vmem>>, vector<16xi32>,
      %add3A_765 = arith.addi %get3A_764, %broadcast_in_dim3A_191 : vector<16xi32>
      tpu.vector_store_idx %arg7[%add3A_765], %broadcast_in_dim3A_3 {add = true} : memref<1024xf32, #tpu.memory_space<vmem>>[vector<16xi32>], vector<16xf32>,
    }
    %scan3A_197 = arith.constant 16 : i32
    %broadcast_in_dim3A_198 = arith.constant 512 : i32
    %broadcast_in_dim3A_199 = vector.broadcast %broadcast_in_dim3A_198 : i32 to vector<16xi32>
    %scan3A_200 = arith.constant 0 : i32
    %scan3A_201 = arith.constant 0 : i32
    %scan3A_202 = arith.constant 16 : i32
    %scan3A_203 = arith.addi %scan3A_201, %scan3A_202 : i32
    %scan3A_204 = arith.constant 1 : i32
    scf.for %scan3A_678 = %scan3A_201 to %scan3A_203 step %scan3A_204  : i32 {
      %mul3A_679 = arith.constant 8 : i32
      %mul3A_680 = arith.muli %scan3A_678, %mul3A_679 : i32
      %add3A_681 = arith.constant 0 : i32
      %add3A_682 = arith.addi %mul3A_680, %add3A_681 : i32
      %mul3A_683 = arith.constant 16 : i32
      %mul3A_684 = arith.muli %add3A_682, %mul3A_683 : i32
      %get3A = arith.constant 8 : i32
      %get3A_685 = arith.index_cast %get3A : i32 to index
      %get3A_686 = arith.index_cast %mul3A_684 : i32 to index
      %get3A_687 = tpu.vector_load %arg5[%get3A_685, %get3A_686] {strides = array<i32>} : memref<16x2048xi32, #tpu.memory_space<vmem>>, vector<16xi32>,
      %add3A_688 = arith.addi %get3A_687, %broadcast_in_dim3A_199 : vector<16xi32>
      tpu.vector_store_idx %arg7[%add3A_688], %broadcast_in_dim3A_3 {add = true} : memref<1024xf32, #tpu.memory_space<vmem>>[vector<16xi32>], vector<16xf32>,
      %mul3A_689 = arith.constant 8 : i32
      %mul3A_690 = arith.muli %scan3A_678, %mul3A_689 : i32
      %add3A_691 = arith.constant 1 : i32
      %add3A_692 = arith.addi %mul3A_690, %add3A_691 : i32
      %mul3A_693 = arith.constant 16 : i32
      %mul3A_694 = arith.muli %add3A_692, %mul3A_693 : i32
      %get3A_695 = arith.constant 8 : i32
      %get3A_696 = arith.index_cast %get3A_695 : i32 to index
      %get3A_697 = arith.index_cast %mul3A_694 : i32 to index
      %get3A_698 = tpu.vector_load %arg5[%get3A_696, %get3A_697] {strides = array<i32>} : memref<16x2048xi32, #tpu.memory_space<vmem>>, vector<16xi32>,
      %add3A_699 = arith.addi %get3A_698, %broadcast_in_dim3A_199 : vector<16xi32>
      tpu.vector_store_idx %arg7[%add3A_699], %broadcast_in_dim3A_3 {add = true} : memref<1024xf32, #tpu.memory_space<vmem>>[vector<16xi32>], vector<16xf32>,
      %mul3A_700 = arith.constant 8 : i32
      %mul3A_701 = arith.muli %scan3A_678, %mul3A_700 : i32
      %add3A_702 = arith.constant 2 : i32
      %add3A_703 = arith.addi %mul3A_701, %add3A_702 : i32
      %mul3A_704 = arith.constant 16 : i32
      %mul3A_705 = arith.muli %add3A_703, %mul3A_704 : i32
      %get3A_706 = arith.constant 8 : i32
      %get3A_707 = arith.index_cast %get3A_706 : i32 to index
      %get3A_708 = arith.index_cast %mul3A_705 : i32 to index
      %get3A_709 = tpu.vector_load %arg5[%get3A_707, %get3A_708] {strides = array<i32>} : memref<16x2048xi32, #tpu.memory_space<vmem>>, vector<16xi32>,
      %add3A_710 = arith.addi %get3A_709, %broadcast_in_dim3A_199 : vector<16xi32>
      tpu.vector_store_idx %arg7[%add3A_710], %broadcast_in_dim3A_3 {add = true} : memref<1024xf32, #tpu.memory_space<vmem>>[vector<16xi32>], vector<16xf32>,
      %mul3A_711 = arith.constant 8 : i32
      %mul3A_712 = arith.muli %scan3A_678, %mul3A_711 : i32
      %add3A_713 = arith.constant 3 : i32
      %add3A_714 = arith.addi %mul3A_712, %add3A_713 : i32
      %mul3A_715 = arith.constant 16 : i32
      %mul3A_716 = arith.muli %add3A_714, %mul3A_715 : i32
      %get3A_717 = arith.constant 8 : i32
      %get3A_718 = arith.index_cast %get3A_717 : i32 to index
      %get3A_719 = arith.index_cast %mul3A_716 : i32 to index
      %get3A_720 = tpu.vector_load %arg5[%get3A_718, %get3A_719] {strides = array<i32>} : memref<16x2048xi32, #tpu.memory_space<vmem>>, vector<16xi32>,
      %add3A_721 = arith.addi %get3A_720, %broadcast_in_dim3A_199 : vector<16xi32>
      tpu.vector_store_idx %arg7[%add3A_721], %broadcast_in_dim3A_3 {add = true} : memref<1024xf32, #tpu.memory_space<vmem>>[vector<16xi32>], vector<16xf32>,
      %mul3A_722 = arith.constant 8 : i32
      %mul3A_723 = arith.muli %scan3A_678, %mul3A_722 : i32
      %add3A_724 = arith.constant 4 : i32
      %add3A_725 = arith.addi %mul3A_723, %add3A_724 : i32
      %mul3A_726 = arith.constant 16 : i32
      %mul3A_727 = arith.muli %add3A_725, %mul3A_726 : i32
      %get3A_728 = arith.constant 8 : i32
      %get3A_729 = arith.index_cast %get3A_728 : i32 to index
      %get3A_730 = arith.index_cast %mul3A_727 : i32 to index
      %get3A_731 = tpu.vector_load %arg5[%get3A_729, %get3A_730] {strides = array<i32>} : memref<16x2048xi32, #tpu.memory_space<vmem>>, vector<16xi32>,
      %add3A_732 = arith.addi %get3A_731, %broadcast_in_dim3A_199 : vector<16xi32>
      tpu.vector_store_idx %arg7[%add3A_732], %broadcast_in_dim3A_3 {add = true} : memref<1024xf32, #tpu.memory_space<vmem>>[vector<16xi32>], vector<16xf32>,
      %mul3A_733 = arith.constant 8 : i32
      %mul3A_734 = arith.muli %scan3A_678, %mul3A_733 : i32
      %add3A_735 = arith.constant 5 : i32
      %add3A_736 = arith.addi %mul3A_734, %add3A_735 : i32
      %mul3A_737 = arith.constant 16 : i32
      %mul3A_738 = arith.muli %add3A_736, %mul3A_737 : i32
      %get3A_739 = arith.constant 8 : i32
      %get3A_740 = arith.index_cast %get3A_739 : i32 to index
      %get3A_741 = arith.index_cast %mul3A_738 : i32 to index
      %get3A_742 = tpu.vector_load %arg5[%get3A_740, %get3A_741] {strides = array<i32>} : memref<16x2048xi32, #tpu.memory_space<vmem>>, vector<16xi32>,
      %add3A_743 = arith.addi %get3A_742, %broadcast_in_dim3A_199 : vector<16xi32>
      tpu.vector_store_idx %arg7[%add3A_743], %broadcast_in_dim3A_3 {add = true} : memref<1024xf32, #tpu.memory_space<vmem>>[vector<16xi32>], vector<16xf32>,
      %mul3A_744 = arith.constant 8 : i32
      %mul3A_745 = arith.muli %scan3A_678, %mul3A_744 : i32
      %add3A_746 = arith.constant 6 : i32
      %add3A_747 = arith.addi %mul3A_745, %add3A_746 : i32
      %mul3A_748 = arith.constant 16 : i32
      %mul3A_749 = arith.muli %add3A_747, %mul3A_748 : i32
      %get3A_750 = arith.constant 8 : i32
      %get3A_751 = arith.index_cast %get3A_750 : i32 to index
      %get3A_752 = arith.index_cast %mul3A_749 : i32 to index
      %get3A_753 = tpu.vector_load %arg5[%get3A_751, %get3A_752] {strides = array<i32>} : memref<16x2048xi32, #tpu.memory_space<vmem>>, vector<16xi32>,
      %add3A_754 = arith.addi %get3A_753, %broadcast_in_dim3A_199 : vector<16xi32>
      tpu.vector_store_idx %arg7[%add3A_754], %broadcast_in_dim3A_3 {add = true} : memref<1024xf32, #tpu.memory_space<vmem>>[vector<16xi32>], vector<16xf32>,
      %mul3A_755 = arith.constant 8 : i32
      %mul3A_756 = arith.muli %scan3A_678, %mul3A_755 : i32
      %add3A_757 = arith.constant 7 : i32
      %add3A_758 = arith.addi %mul3A_756, %add3A_757 : i32
      %mul3A_759 = arith.constant 16 : i32
      %mul3A_760 = arith.muli %add3A_758, %mul3A_759 : i32
      %get3A_761 = arith.constant 8 : i32
      %get3A_762 = arith.index_cast %get3A_761 : i32 to index
      %get3A_763 = arith.index_cast %mul3A_760 : i32 to index
      %get3A_764 = tpu.vector_load %arg5[%get3A_762, %get3A_763] {strides = array<i32>} : memref<16x2048xi32, #tpu.memory_space<vmem>>, vector<16xi32>,
      %add3A_765 = arith.addi %get3A_764, %broadcast_in_dim3A_199 : vector<16xi32>
      tpu.vector_store_idx %arg7[%add3A_765], %broadcast_in_dim3A_3 {add = true} : memref<1024xf32, #tpu.memory_space<vmem>>[vector<16xi32>], vector<16xf32>,
    }
    %scan3A_205 = arith.constant 16 : i32
    %broadcast_in_dim3A_206 = arith.constant 576 : i32
    %broadcast_in_dim3A_207 = vector.broadcast %broadcast_in_dim3A_206 : i32 to vector<16xi32>
    %scan3A_208 = arith.constant 0 : i32
    %scan3A_209 = arith.constant 0 : i32
    %scan3A_210 = arith.constant 16 : i32
    %scan3A_211 = arith.addi %scan3A_209, %scan3A_210 : i32
    %scan3A_212 = arith.constant 1 : i32
    scf.for %scan3A_678 = %scan3A_209 to %scan3A_211 step %scan3A_212  : i32 {
      %mul3A_679 = arith.constant 8 : i32
      %mul3A_680 = arith.muli %scan3A_678, %mul3A_679 : i32
      %add3A_681 = arith.constant 0 : i32
      %add3A_682 = arith.addi %mul3A_680, %add3A_681 : i32
      %mul3A_683 = arith.constant 16 : i32
      %mul3A_684 = arith.muli %add3A_682, %mul3A_683 : i32
      %get3A = arith.constant 9 : i32
      %get3A_685 = arith.index_cast %get3A : i32 to index
      %get3A_686 = arith.index_cast %mul3A_684 : i32 to index
      %get3A_687 = tpu.vector_load %arg5[%get3A_685, %get3A_686] {strides = array<i32>} : memref<16x2048xi32, #tpu.memory_space<vmem>>, vector<16xi32>,
      %add3A_688 = arith.addi %get3A_687, %broadcast_in_dim3A_207 : vector<16xi32>
      tpu.vector_store_idx %arg7[%add3A_688], %broadcast_in_dim3A_3 {add = true} : memref<1024xf32, #tpu.memory_space<vmem>>[vector<16xi32>], vector<16xf32>,
      %mul3A_689 = arith.constant 8 : i32
      %mul3A_690 = arith.muli %scan3A_678, %mul3A_689 : i32
      %add3A_691 = arith.constant 1 : i32
      %add3A_692 = arith.addi %mul3A_690, %add3A_691 : i32
      %mul3A_693 = arith.constant 16 : i32
      %mul3A_694 = arith.muli %add3A_692, %mul3A_693 : i32
      %get3A_695 = arith.constant 9 : i32
      %get3A_696 = arith.index_cast %get3A_695 : i32 to index
      %get3A_697 = arith.index_cast %mul3A_694 : i32 to index
      %get3A_698 = tpu.vector_load %arg5[%get3A_696, %get3A_697] {strides = array<i32>} : memref<16x2048xi32, #tpu.memory_space<vmem>>, vector<16xi32>,
      %add3A_699 = arith.addi %get3A_698, %broadcast_in_dim3A_207 : vector<16xi32>
      tpu.vector_store_idx %arg7[%add3A_699], %broadcast_in_dim3A_3 {add = true} : memref<1024xf32, #tpu.memory_space<vmem>>[vector<16xi32>], vector<16xf32>,
      %mul3A_700 = arith.constant 8 : i32
      %mul3A_701 = arith.muli %scan3A_678, %mul3A_700 : i32
      %add3A_702 = arith.constant 2 : i32
      %add3A_703 = arith.addi %mul3A_701, %add3A_702 : i32
      %mul3A_704 = arith.constant 16 : i32
      %mul3A_705 = arith.muli %add3A_703, %mul3A_704 : i32
      %get3A_706 = arith.constant 9 : i32
      %get3A_707 = arith.index_cast %get3A_706 : i32 to index
      %get3A_708 = arith.index_cast %mul3A_705 : i32 to index
      %get3A_709 = tpu.vector_load %arg5[%get3A_707, %get3A_708] {strides = array<i32>} : memref<16x2048xi32, #tpu.memory_space<vmem>>, vector<16xi32>,
      %add3A_710 = arith.addi %get3A_709, %broadcast_in_dim3A_207 : vector<16xi32>
      tpu.vector_store_idx %arg7[%add3A_710], %broadcast_in_dim3A_3 {add = true} : memref<1024xf32, #tpu.memory_space<vmem>>[vector<16xi32>], vector<16xf32>,
      %mul3A_711 = arith.constant 8 : i32
      %mul3A_712 = arith.muli %scan3A_678, %mul3A_711 : i32
      %add3A_713 = arith.constant 3 : i32
      %add3A_714 = arith.addi %mul3A_712, %add3A_713 : i32
      %mul3A_715 = arith.constant 16 : i32
      %mul3A_716 = arith.muli %add3A_714, %mul3A_715 : i32
      %get3A_717 = arith.constant 9 : i32
      %get3A_718 = arith.index_cast %get3A_717 : i32 to index
      %get3A_719 = arith.index_cast %mul3A_716 : i32 to index
      %get3A_720 = tpu.vector_load %arg5[%get3A_718, %get3A_719] {strides = array<i32>} : memref<16x2048xi32, #tpu.memory_space<vmem>>, vector<16xi32>,
      %add3A_721 = arith.addi %get3A_720, %broadcast_in_dim3A_207 : vector<16xi32>
      tpu.vector_store_idx %arg7[%add3A_721], %broadcast_in_dim3A_3 {add = true} : memref<1024xf32, #tpu.memory_space<vmem>>[vector<16xi32>], vector<16xf32>,
      %mul3A_722 = arith.constant 8 : i32
      %mul3A_723 = arith.muli %scan3A_678, %mul3A_722 : i32
      %add3A_724 = arith.constant 4 : i32
      %add3A_725 = arith.addi %mul3A_723, %add3A_724 : i32
      %mul3A_726 = arith.constant 16 : i32
      %mul3A_727 = arith.muli %add3A_725, %mul3A_726 : i32
      %get3A_728 = arith.constant 9 : i32
      %get3A_729 = arith.index_cast %get3A_728 : i32 to index
      %get3A_730 = arith.index_cast %mul3A_727 : i32 to index
      %get3A_731 = tpu.vector_load %arg5[%get3A_729, %get3A_730] {strides = array<i32>} : memref<16x2048xi32, #tpu.memory_space<vmem>>, vector<16xi32>,
      %add3A_732 = arith.addi %get3A_731, %broadcast_in_dim3A_207 : vector<16xi32>
      tpu.vector_store_idx %arg7[%add3A_732], %broadcast_in_dim3A_3 {add = true} : memref<1024xf32, #tpu.memory_space<vmem>>[vector<16xi32>], vector<16xf32>,
      %mul3A_733 = arith.constant 8 : i32
      %mul3A_734 = arith.muli %scan3A_678, %mul3A_733 : i32
      %add3A_735 = arith.constant 5 : i32
      %add3A_736 = arith.addi %mul3A_734, %add3A_735 : i32
      %mul3A_737 = arith.constant 16 : i32
      %mul3A_738 = arith.muli %add3A_736, %mul3A_737 : i32
      %get3A_739 = arith.constant 9 : i32
      %get3A_740 = arith.index_cast %get3A_739 : i32 to index
      %get3A_741 = arith.index_cast %mul3A_738 : i32 to index
      %get3A_742 = tpu.vector_load %arg5[%get3A_740, %get3A_741] {strides = array<i32>} : memref<16x2048xi32, #tpu.memory_space<vmem>>, vector<16xi32>,
      %add3A_743 = arith.addi %get3A_742, %broadcast_in_dim3A_207 : vector<16xi32>
      tpu.vector_store_idx %arg7[%add3A_743], %broadcast_in_dim3A_3 {add = true} : memref<1024xf32, #tpu.memory_space<vmem>>[vector<16xi32>], vector<16xf32>,
      %mul3A_744 = arith.constant 8 : i32
      %mul3A_745 = arith.muli %scan3A_678, %mul3A_744 : i32
      %add3A_746 = arith.constant 6 : i32
      %add3A_747 = arith.addi %mul3A_745, %add3A_746 : i32
      %mul3A_748 = arith.constant 16 : i32
      %mul3A_749 = arith.muli %add3A_747, %mul3A_748 : i32
      %get3A_750 = arith.constant 9 : i32
      %get3A_751 = arith.index_cast %get3A_750 : i32 to index
      %get3A_752 = arith.index_cast %mul3A_749 : i32 to index
      %get3A_753 = tpu.vector_load %arg5[%get3A_751, %get3A_752] {strides = array<i32>} : memref<16x2048xi32, #tpu.memory_space<vmem>>, vector<16xi32>,
      %add3A_754 = arith.addi %get3A_753, %broadcast_in_dim3A_207 : vector<16xi32>
      tpu.vector_store_idx %arg7[%add3A_754], %broadcast_in_dim3A_3 {add = true} : memref<1024xf32, #tpu.memory_space<vmem>>[vector<16xi32>], vector<16xf32>,
      %mul3A_755 = arith.constant 8 : i32
      %mul3A_756 = arith.muli %scan3A_678, %mul3A_755 : i32
      %add3A_757 = arith.constant 7 : i32
      %add3A_758 = arith.addi %mul3A_756, %add3A_757 : i32
      %mul3A_759 = arith.constant 16 : i32
      %mul3A_760 = arith.muli %add3A_758, %mul3A_759 : i32
      %get3A_761 = arith.constant 9 : i32
      %get3A_762 = arith.index_cast %get3A_761 : i32 to index
      %get3A_763 = arith.index_cast %mul3A_760 : i32 to index
      %get3A_764 = tpu.vector_load %arg5[%get3A_762, %get3A_763] {strides = array<i32>} : memref<16x2048xi32, #tpu.memory_space<vmem>>, vector<16xi32>,
      %add3A_765 = arith.addi %get3A_764, %broadcast_in_dim3A_207 : vector<16xi32>
      tpu.vector_store_idx %arg7[%add3A_765], %broadcast_in_dim3A_3 {add = true} : memref<1024xf32, #tpu.memory_space<vmem>>[vector<16xi32>], vector<16xf32>,
    }
    %scan3A_213 = arith.constant 16 : i32
    %broadcast_in_dim3A_214 = arith.constant 640 : i32
    %broadcast_in_dim3A_215 = vector.broadcast %broadcast_in_dim3A_214 : i32 to vector<16xi32>
    %scan3A_216 = arith.constant 0 : i32
    %scan3A_217 = arith.constant 0 : i32
    %scan3A_218 = arith.constant 16 : i32
    %scan3A_219 = arith.addi %scan3A_217, %scan3A_218 : i32
    %scan3A_220 = arith.constant 1 : i32
    scf.for %scan3A_678 = %scan3A_217 to %scan3A_219 step %scan3A_220  : i32 {
      %mul3A_679 = arith.constant 8 : i32
      %mul3A_680 = arith.muli %scan3A_678, %mul3A_679 : i32
      %add3A_681 = arith.constant 0 : i32
      %add3A_682 = arith.addi %mul3A_680, %add3A_681 : i32
      %mul3A_683 = arith.constant 16 : i32
      %mul3A_684 = arith.muli %add3A_682, %mul3A_683 : i32
      %get3A = arith.constant 10 : i32
      %get3A_685 = arith.index_cast %get3A : i32 to index
      %get3A_686 = arith.index_cast %mul3A_684 : i32 to index
      %get3A_687 = tpu.vector_load %arg5[%get3A_685, %get3A_686] {strides = array<i32>} : memref<16x2048xi32, #tpu.memory_space<vmem>>, vector<16xi32>,
      %add3A_688 = arith.addi %get3A_687, %broadcast_in_dim3A_215 : vector<16xi32>
      tpu.vector_store_idx %arg7[%add3A_688], %broadcast_in_dim3A_3 {add = true} : memref<1024xf32, #tpu.memory_space<vmem>>[vector<16xi32>], vector<16xf32>,
      %mul3A_689 = arith.constant 8 : i32
      %mul3A_690 = arith.muli %scan3A_678, %mul3A_689 : i32
      %add3A_691 = arith.constant 1 : i32
      %add3A_692 = arith.addi %mul3A_690, %add3A_691 : i32
      %mul3A_693 = arith.constant 16 : i32
      %mul3A_694 = arith.muli %add3A_692, %mul3A_693 : i32
      %get3A_695 = arith.constant 10 : i32
      %get3A_696 = arith.index_cast %get3A_695 : i32 to index
      %get3A_697 = arith.index_cast %mul3A_694 : i32 to index
      %get3A_698 = tpu.vector_load %arg5[%get3A_696, %get3A_697] {strides = array<i32>} : memref<16x2048xi32, #tpu.memory_space<vmem>>, vector<16xi32>,
      %add3A_699 = arith.addi %get3A_698, %broadcast_in_dim3A_215 : vector<16xi32>
      tpu.vector_store_idx %arg7[%add3A_699], %broadcast_in_dim3A_3 {add = true} : memref<1024xf32, #tpu.memory_space<vmem>>[vector<16xi32>], vector<16xf32>,
      %mul3A_700 = arith.constant 8 : i32
      %mul3A_701 = arith.muli %scan3A_678, %mul3A_700 : i32
      %add3A_702 = arith.constant 2 : i32
      %add3A_703 = arith.addi %mul3A_701, %add3A_702 : i32
      %mul3A_704 = arith.constant 16 : i32
      %mul3A_705 = arith.muli %add3A_703, %mul3A_704 : i32
      %get3A_706 = arith.constant 10 : i32
      %get3A_707 = arith.index_cast %get3A_706 : i32 to index
      %get3A_708 = arith.index_cast %mul3A_705 : i32 to index
      %get3A_709 = tpu.vector_load %arg5[%get3A_707, %get3A_708] {strides = array<i32>} : memref<16x2048xi32, #tpu.memory_space<vmem>>, vector<16xi32>,
      %add3A_710 = arith.addi %get3A_709, %broadcast_in_dim3A_215 : vector<16xi32>
      tpu.vector_store_idx %arg7[%add3A_710], %broadcast_in_dim3A_3 {add = true} : memref<1024xf32, #tpu.memory_space<vmem>>[vector<16xi32>], vector<16xf32>,
      %mul3A_711 = arith.constant 8 : i32
      %mul3A_712 = arith.muli %scan3A_678, %mul3A_711 : i32
      %add3A_713 = arith.constant 3 : i32
      %add3A_714 = arith.addi %mul3A_712, %add3A_713 : i32
      %mul3A_715 = arith.constant 16 : i32
      %mul3A_716 = arith.muli %add3A_714, %mul3A_715 : i32
      %get3A_717 = arith.constant 10 : i32
      %get3A_718 = arith.index_cast %get3A_717 : i32 to index
      %get3A_719 = arith.index_cast %mul3A_716 : i32 to index
      %get3A_720 = tpu.vector_load %arg5[%get3A_718, %get3A_719] {strides = array<i32>} : memref<16x2048xi32, #tpu.memory_space<vmem>>, vector<16xi32>,
      %add3A_721 = arith.addi %get3A_720, %broadcast_in_dim3A_215 : vector<16xi32>
      tpu.vector_store_idx %arg7[%add3A_721], %broadcast_in_dim3A_3 {add = true} : memref<1024xf32, #tpu.memory_space<vmem>>[vector<16xi32>], vector<16xf32>,
      %mul3A_722 = arith.constant 8 : i32
      %mul3A_723 = arith.muli %scan3A_678, %mul3A_722 : i32
      %add3A_724 = arith.constant 4 : i32
      %add3A_725 = arith.addi %mul3A_723, %add3A_724 : i32
      %mul3A_726 = arith.constant 16 : i32
      %mul3A_727 = arith.muli %add3A_725, %mul3A_726 : i32
      %get3A_728 = arith.constant 10 : i32
      %get3A_729 = arith.index_cast %get3A_728 : i32 to index
      %get3A_730 = arith.index_cast %mul3A_727 : i32 to index
      %get3A_731 = tpu.vector_load %arg5[%get3A_729, %get3A_730] {strides = array<i32>} : memref<16x2048xi32, #tpu.memory_space<vmem>>, vector<16xi32>,
      %add3A_732 = arith.addi %get3A_731, %broadcast_in_dim3A_215 : vector<16xi32>
      tpu.vector_store_idx %arg7[%add3A_732], %broadcast_in_dim3A_3 {add = true} : memref<1024xf32, #tpu.memory_space<vmem>>[vector<16xi32>], vector<16xf32>,
      %mul3A_733 = arith.constant 8 : i32
      %mul3A_734 = arith.muli %scan3A_678, %mul3A_733 : i32
      %add3A_735 = arith.constant 5 : i32
      %add3A_736 = arith.addi %mul3A_734, %add3A_735 : i32
      %mul3A_737 = arith.constant 16 : i32
      %mul3A_738 = arith.muli %add3A_736, %mul3A_737 : i32
      %get3A_739 = arith.constant 10 : i32
      %get3A_740 = arith.index_cast %get3A_739 : i32 to index
      %get3A_741 = arith.index_cast %mul3A_738 : i32 to index
      %get3A_742 = tpu.vector_load %arg5[%get3A_740, %get3A_741] {strides = array<i32>} : memref<16x2048xi32, #tpu.memory_space<vmem>>, vector<16xi32>,
      %add3A_743 = arith.addi %get3A_742, %broadcast_in_dim3A_215 : vector<16xi32>
      tpu.vector_store_idx %arg7[%add3A_743], %broadcast_in_dim3A_3 {add = true} : memref<1024xf32, #tpu.memory_space<vmem>>[vector<16xi32>], vector<16xf32>,
      %mul3A_744 = arith.constant 8 : i32
      %mul3A_745 = arith.muli %scan3A_678, %mul3A_744 : i32
      %add3A_746 = arith.constant 6 : i32
      %add3A_747 = arith.addi %mul3A_745, %add3A_746 : i32
      %mul3A_748 = arith.constant 16 : i32
      %mul3A_749 = arith.muli %add3A_747, %mul3A_748 : i32
      %get3A_750 = arith.constant 10 : i32
      %get3A_751 = arith.index_cast %get3A_750 : i32 to index
      %get3A_752 = arith.index_cast %mul3A_749 : i32 to index
      %get3A_753 = tpu.vector_load %arg5[%get3A_751, %get3A_752] {strides = array<i32>} : memref<16x2048xi32, #tpu.memory_space<vmem>>, vector<16xi32>,
      %add3A_754 = arith.addi %get3A_753, %broadcast_in_dim3A_215 : vector<16xi32>
      tpu.vector_store_idx %arg7[%add3A_754], %broadcast_in_dim3A_3 {add = true} : memref<1024xf32, #tpu.memory_space<vmem>>[vector<16xi32>], vector<16xf32>,
      %mul3A_755 = arith.constant 8 : i32
      %mul3A_756 = arith.muli %scan3A_678, %mul3A_755 : i32
      %add3A_757 = arith.constant 7 : i32
      %add3A_758 = arith.addi %mul3A_756, %add3A_757 : i32
      %mul3A_759 = arith.constant 16 : i32
      %mul3A_760 = arith.muli %add3A_758, %mul3A_759 : i32
      %get3A_761 = arith.constant 10 : i32
      %get3A_762 = arith.index_cast %get3A_761 : i32 to index
      %get3A_763 = arith.index_cast %mul3A_760 : i32 to index
      %get3A_764 = tpu.vector_load %arg5[%get3A_762, %get3A_763] {strides = array<i32>} : memref<16x2048xi32, #tpu.memory_space<vmem>>, vector<16xi32>,
      %add3A_765 = arith.addi %get3A_764, %broadcast_in_dim3A_215 : vector<16xi32>
      tpu.vector_store_idx %arg7[%add3A_765], %broadcast_in_dim3A_3 {add = true} : memref<1024xf32, #tpu.memory_space<vmem>>[vector<16xi32>], vector<16xf32>,
    }
    %scan3A_221 = arith.constant 16 : i32
    %broadcast_in_dim3A_222 = arith.constant 704 : i32
    %broadcast_in_dim3A_223 = vector.broadcast %broadcast_in_dim3A_222 : i32 to vector<16xi32>
    %scan3A_224 = arith.constant 0 : i32
    %scan3A_225 = arith.constant 0 : i32
    %scan3A_226 = arith.constant 16 : i32
    %scan3A_227 = arith.addi %scan3A_225, %scan3A_226 : i32
    %scan3A_228 = arith.constant 1 : i32
    scf.for %scan3A_678 = %scan3A_225 to %scan3A_227 step %scan3A_228  : i32 {
      %mul3A_679 = arith.constant 8 : i32
      %mul3A_680 = arith.muli %scan3A_678, %mul3A_679 : i32
      %add3A_681 = arith.constant 0 : i32
      %add3A_682 = arith.addi %mul3A_680, %add3A_681 : i32
      %mul3A_683 = arith.constant 16 : i32
      %mul3A_684 = arith.muli %add3A_682, %mul3A_683 : i32
      %get3A = arith.constant 11 : i32
      %get3A_685 = arith.index_cast %get3A : i32 to index
      %get3A_686 = arith.index_cast %mul3A_684 : i32 to index
      %get3A_687 = tpu.vector_load %arg5[%get3A_685, %get3A_686] {strides = array<i32>} : memref<16x2048xi32, #tpu.memory_space<vmem>>, vector<16xi32>,
      %add3A_688 = arith.addi %get3A_687, %broadcast_in_dim3A_223 : vector<16xi32>
      tpu.vector_store_idx %arg7[%add3A_688], %broadcast_in_dim3A_3 {add = true} : memref<1024xf32, #tpu.memory_space<vmem>>[vector<16xi32>], vector<16xf32>,
      %mul3A_689 = arith.constant 8 : i32
      %mul3A_690 = arith.muli %scan3A_678, %mul3A_689 : i32
      %add3A_691 = arith.constant 1 : i32
      %add3A_692 = arith.addi %mul3A_690, %add3A_691 : i32
      %mul3A_693 = arith.constant 16 : i32
      %mul3A_694 = arith.muli %add3A_692, %mul3A_693 : i32
      %get3A_695 = arith.constant 11 : i32
      %get3A_696 = arith.index_cast %get3A_695 : i32 to index
      %get3A_697 = arith.index_cast %mul3A_694 : i32 to index
      %get3A_698 = tpu.vector_load %arg5[%get3A_696, %get3A_697] {strides = array<i32>} : memref<16x2048xi32, #tpu.memory_space<vmem>>, vector<16xi32>,
      %add3A_699 = arith.addi %get3A_698, %broadcast_in_dim3A_223 : vector<16xi32>
      tpu.vector_store_idx %arg7[%add3A_699], %broadcast_in_dim3A_3 {add = true} : memref<1024xf32, #tpu.memory_space<vmem>>[vector<16xi32>], vector<16xf32>,
      %mul3A_700 = arith.constant 8 : i32
      %mul3A_701 = arith.muli %scan3A_678, %mul3A_700 : i32
      %add3A_702 = arith.constant 2 : i32
      %add3A_703 = arith.addi %mul3A_701, %add3A_702 : i32
      %mul3A_704 = arith.constant 16 : i32
      %mul3A_705 = arith.muli %add3A_703, %mul3A_704 : i32
      %get3A_706 = arith.constant 11 : i32
      %get3A_707 = arith.index_cast %get3A_706 : i32 to index
      %get3A_708 = arith.index_cast %mul3A_705 : i32 to index
      %get3A_709 = tpu.vector_load %arg5[%get3A_707, %get3A_708] {strides = array<i32>} : memref<16x2048xi32, #tpu.memory_space<vmem>>, vector<16xi32>,
      %add3A_710 = arith.addi %get3A_709, %broadcast_in_dim3A_223 : vector<16xi32>
      tpu.vector_store_idx %arg7[%add3A_710], %broadcast_in_dim3A_3 {add = true} : memref<1024xf32, #tpu.memory_space<vmem>>[vector<16xi32>], vector<16xf32>,
      %mul3A_711 = arith.constant 8 : i32
      %mul3A_712 = arith.muli %scan3A_678, %mul3A_711 : i32
      %add3A_713 = arith.constant 3 : i32
      %add3A_714 = arith.addi %mul3A_712, %add3A_713 : i32
      %mul3A_715 = arith.constant 16 : i32
      %mul3A_716 = arith.muli %add3A_714, %mul3A_715 : i32
      %get3A_717 = arith.constant 11 : i32
      %get3A_718 = arith.index_cast %get3A_717 : i32 to index
      %get3A_719 = arith.index_cast %mul3A_716 : i32 to index
      %get3A_720 = tpu.vector_load %arg5[%get3A_718, %get3A_719] {strides = array<i32>} : memref<16x2048xi32, #tpu.memory_space<vmem>>, vector<16xi32>,
      %add3A_721 = arith.addi %get3A_720, %broadcast_in_dim3A_223 : vector<16xi32>
      tpu.vector_store_idx %arg7[%add3A_721], %broadcast_in_dim3A_3 {add = true} : memref<1024xf32, #tpu.memory_space<vmem>>[vector<16xi32>], vector<16xf32>,
      %mul3A_722 = arith.constant 8 : i32
      %mul3A_723 = arith.muli %scan3A_678, %mul3A_722 : i32
      %add3A_724 = arith.constant 4 : i32
      %add3A_725 = arith.addi %mul3A_723, %add3A_724 : i32
      %mul3A_726 = arith.constant 16 : i32
      %mul3A_727 = arith.muli %add3A_725, %mul3A_726 : i32
      %get3A_728 = arith.constant 11 : i32
      %get3A_729 = arith.index_cast %get3A_728 : i32 to index
      %get3A_730 = arith.index_cast %mul3A_727 : i32 to index
      %get3A_731 = tpu.vector_load %arg5[%get3A_729, %get3A_730] {strides = array<i32>} : memref<16x2048xi32, #tpu.memory_space<vmem>>, vector<16xi32>,
      %add3A_732 = arith.addi %get3A_731, %broadcast_in_dim3A_223 : vector<16xi32>
      tpu.vector_store_idx %arg7[%add3A_732], %broadcast_in_dim3A_3 {add = true} : memref<1024xf32, #tpu.memory_space<vmem>>[vector<16xi32>], vector<16xf32>,
      %mul3A_733 = arith.constant 8 : i32
      %mul3A_734 = arith.muli %scan3A_678, %mul3A_733 : i32
      %add3A_735 = arith.constant 5 : i32
      %add3A_736 = arith.addi %mul3A_734, %add3A_735 : i32
      %mul3A_737 = arith.constant 16 : i32
      %mul3A_738 = arith.muli %add3A_736, %mul3A_737 : i32
      %get3A_739 = arith.constant 11 : i32
      %get3A_740 = arith.index_cast %get3A_739 : i32 to index
      %get3A_741 = arith.index_cast %mul3A_738 : i32 to index
      %get3A_742 = tpu.vector_load %arg5[%get3A_740, %get3A_741] {strides = array<i32>} : memref<16x2048xi32, #tpu.memory_space<vmem>>, vector<16xi32>,
      %add3A_743 = arith.addi %get3A_742, %broadcast_in_dim3A_223 : vector<16xi32>
      tpu.vector_store_idx %arg7[%add3A_743], %broadcast_in_dim3A_3 {add = true} : memref<1024xf32, #tpu.memory_space<vmem>>[vector<16xi32>], vector<16xf32>,
      %mul3A_744 = arith.constant 8 : i32
      %mul3A_745 = arith.muli %scan3A_678, %mul3A_744 : i32
      %add3A_746 = arith.constant 6 : i32
      %add3A_747 = arith.addi %mul3A_745, %add3A_746 : i32
      %mul3A_748 = arith.constant 16 : i32
      %mul3A_749 = arith.muli %add3A_747, %mul3A_748 : i32
      %get3A_750 = arith.constant 11 : i32
      %get3A_751 = arith.index_cast %get3A_750 : i32 to index
      %get3A_752 = arith.index_cast %mul3A_749 : i32 to index
      %get3A_753 = tpu.vector_load %arg5[%get3A_751, %get3A_752] {strides = array<i32>} : memref<16x2048xi32, #tpu.memory_space<vmem>>, vector<16xi32>,
      %add3A_754 = arith.addi %get3A_753, %broadcast_in_dim3A_223 : vector<16xi32>
      tpu.vector_store_idx %arg7[%add3A_754], %broadcast_in_dim3A_3 {add = true} : memref<1024xf32, #tpu.memory_space<vmem>>[vector<16xi32>], vector<16xf32>,
      %mul3A_755 = arith.constant 8 : i32
      %mul3A_756 = arith.muli %scan3A_678, %mul3A_755 : i32
      %add3A_757 = arith.constant 7 : i32
      %add3A_758 = arith.addi %mul3A_756, %add3A_757 : i32
      %mul3A_759 = arith.constant 16 : i32
      %mul3A_760 = arith.muli %add3A_758, %mul3A_759 : i32
      %get3A_761 = arith.constant 11 : i32
      %get3A_762 = arith.index_cast %get3A_761 : i32 to index
      %get3A_763 = arith.index_cast %mul3A_760 : i32 to index
      %get3A_764 = tpu.vector_load %arg5[%get3A_762, %get3A_763] {strides = array<i32>} : memref<16x2048xi32, #tpu.memory_space<vmem>>, vector<16xi32>,
      %add3A_765 = arith.addi %get3A_764, %broadcast_in_dim3A_223 : vector<16xi32>
      tpu.vector_store_idx %arg7[%add3A_765], %broadcast_in_dim3A_3 {add = true} : memref<1024xf32, #tpu.memory_space<vmem>>[vector<16xi32>], vector<16xf32>,
    }
    %scan3A_229 = arith.constant 16 : i32
    %broadcast_in_dim3A_230 = arith.constant 768 : i32
    %broadcast_in_dim3A_231 = vector.broadcast %broadcast_in_dim3A_230 : i32 to vector<16xi32>
    %scan3A_232 = arith.constant 0 : i32
    %scan3A_233 = arith.constant 0 : i32
    %scan3A_234 = arith.constant 16 : i32
    %scan3A_235 = arith.addi %scan3A_233, %scan3A_234 : i32
    %scan3A_236 = arith.constant 1 : i32
    scf.for %scan3A_678 = %scan3A_233 to %scan3A_235 step %scan3A_236  : i32 {
      %mul3A_679 = arith.constant 8 : i32
      %mul3A_680 = arith.muli %scan3A_678, %mul3A_679 : i32
      %add3A_681 = arith.constant 0 : i32
      %add3A_682 = arith.addi %mul3A_680, %add3A_681 : i32
      %mul3A_683 = arith.constant 16 : i32
      %mul3A_684 = arith.muli %add3A_682, %mul3A_683 : i32
      %get3A = arith.constant 12 : i32
      %get3A_685 = arith.index_cast %get3A : i32 to index
      %get3A_686 = arith.index_cast %mul3A_684 : i32 to index
      %get3A_687 = tpu.vector_load %arg5[%get3A_685, %get3A_686] {strides = array<i32>} : memref<16x2048xi32, #tpu.memory_space<vmem>>, vector<16xi32>,
      %add3A_688 = arith.addi %get3A_687, %broadcast_in_dim3A_231 : vector<16xi32>
      tpu.vector_store_idx %arg7[%add3A_688], %broadcast_in_dim3A_3 {add = true} : memref<1024xf32, #tpu.memory_space<vmem>>[vector<16xi32>], vector<16xf32>,
      %mul3A_689 = arith.constant 8 : i32
      %mul3A_690 = arith.muli %scan3A_678, %mul3A_689 : i32
      %add3A_691 = arith.constant 1 : i32
      %add3A_692 = arith.addi %mul3A_690, %add3A_691 : i32
      %mul3A_693 = arith.constant 16 : i32
      %mul3A_694 = arith.muli %add3A_692, %mul3A_693 : i32
      %get3A_695 = arith.constant 12 : i32
      %get3A_696 = arith.index_cast %get3A_695 : i32 to index
      %get3A_697 = arith.index_cast %mul3A_694 : i32 to index
      %get3A_698 = tpu.vector_load %arg5[%get3A_696, %get3A_697] {strides = array<i32>} : memref<16x2048xi32, #tpu.memory_space<vmem>>, vector<16xi32>,
      %add3A_699 = arith.addi %get3A_698, %broadcast_in_dim3A_231 : vector<16xi32>
      tpu.vector_store_idx %arg7[%add3A_699], %broadcast_in_dim3A_3 {add = true} : memref<1024xf32, #tpu.memory_space<vmem>>[vector<16xi32>], vector<16xf32>,
      %mul3A_700 = arith.constant 8 : i32
      %mul3A_701 = arith.muli %scan3A_678, %mul3A_700 : i32
      %add3A_702 = arith.constant 2 : i32
      %add3A_703 = arith.addi %mul3A_701, %add3A_702 : i32
      %mul3A_704 = arith.constant 16 : i32
      %mul3A_705 = arith.muli %add3A_703, %mul3A_704 : i32
      %get3A_706 = arith.constant 12 : i32
      %get3A_707 = arith.index_cast %get3A_706 : i32 to index
      %get3A_708 = arith.index_cast %mul3A_705 : i32 to index
      %get3A_709 = tpu.vector_load %arg5[%get3A_707, %get3A_708] {strides = array<i32>} : memref<16x2048xi32, #tpu.memory_space<vmem>>, vector<16xi32>,
      %add3A_710 = arith.addi %get3A_709, %broadcast_in_dim3A_231 : vector<16xi32>
      tpu.vector_store_idx %arg7[%add3A_710], %broadcast_in_dim3A_3 {add = true} : memref<1024xf32, #tpu.memory_space<vmem>>[vector<16xi32>], vector<16xf32>,
      %mul3A_711 = arith.constant 8 : i32
      %mul3A_712 = arith.muli %scan3A_678, %mul3A_711 : i32
      %add3A_713 = arith.constant 3 : i32
      %add3A_714 = arith.addi %mul3A_712, %add3A_713 : i32
      %mul3A_715 = arith.constant 16 : i32
      %mul3A_716 = arith.muli %add3A_714, %mul3A_715 : i32
      %get3A_717 = arith.constant 12 : i32
      %get3A_718 = arith.index_cast %get3A_717 : i32 to index
      %get3A_719 = arith.index_cast %mul3A_716 : i32 to index
      %get3A_720 = tpu.vector_load %arg5[%get3A_718, %get3A_719] {strides = array<i32>} : memref<16x2048xi32, #tpu.memory_space<vmem>>, vector<16xi32>,
      %add3A_721 = arith.addi %get3A_720, %broadcast_in_dim3A_231 : vector<16xi32>
      tpu.vector_store_idx %arg7[%add3A_721], %broadcast_in_dim3A_3 {add = true} : memref<1024xf32, #tpu.memory_space<vmem>>[vector<16xi32>], vector<16xf32>,
      %mul3A_722 = arith.constant 8 : i32
      %mul3A_723 = arith.muli %scan3A_678, %mul3A_722 : i32
      %add3A_724 = arith.constant 4 : i32
      %add3A_725 = arith.addi %mul3A_723, %add3A_724 : i32
      %mul3A_726 = arith.constant 16 : i32
      %mul3A_727 = arith.muli %add3A_725, %mul3A_726 : i32
      %get3A_728 = arith.constant 12 : i32
      %get3A_729 = arith.index_cast %get3A_728 : i32 to index
      %get3A_730 = arith.index_cast %mul3A_727 : i32 to index
      %get3A_731 = tpu.vector_load %arg5[%get3A_729, %get3A_730] {strides = array<i32>} : memref<16x2048xi32, #tpu.memory_space<vmem>>, vector<16xi32>,
      %add3A_732 = arith.addi %get3A_731, %broadcast_in_dim3A_231 : vector<16xi32>
      tpu.vector_store_idx %arg7[%add3A_732], %broadcast_in_dim3A_3 {add = true} : memref<1024xf32, #tpu.memory_space<vmem>>[vector<16xi32>], vector<16xf32>,
      %mul3A_733 = arith.constant 8 : i32
      %mul3A_734 = arith.muli %scan3A_678, %mul3A_733 : i32
      %add3A_735 = arith.constant 5 : i32
      %add3A_736 = arith.addi %mul3A_734, %add3A_735 : i32
      %mul3A_737 = arith.constant 16 : i32
      %mul3A_738 = arith.muli %add3A_736, %mul3A_737 : i32
      %get3A_739 = arith.constant 12 : i32
      %get3A_740 = arith.index_cast %get3A_739 : i32 to index
      %get3A_741 = arith.index_cast %mul3A_738 : i32 to index
      %get3A_742 = tpu.vector_load %arg5[%get3A_740, %get3A_741] {strides = array<i32>} : memref<16x2048xi32, #tpu.memory_space<vmem>>, vector<16xi32>,
      %add3A_743 = arith.addi %get3A_742, %broadcast_in_dim3A_231 : vector<16xi32>
      tpu.vector_store_idx %arg7[%add3A_743], %broadcast_in_dim3A_3 {add = true} : memref<1024xf32, #tpu.memory_space<vmem>>[vector<16xi32>], vector<16xf32>,
      %mul3A_744 = arith.constant 8 : i32
      %mul3A_745 = arith.muli %scan3A_678, %mul3A_744 : i32
      %add3A_746 = arith.constant 6 : i32
      %add3A_747 = arith.addi %mul3A_745, %add3A_746 : i32
      %mul3A_748 = arith.constant 16 : i32
      %mul3A_749 = arith.muli %add3A_747, %mul3A_748 : i32
      %get3A_750 = arith.constant 12 : i32
      %get3A_751 = arith.index_cast %get3A_750 : i32 to index
      %get3A_752 = arith.index_cast %mul3A_749 : i32 to index
      %get3A_753 = tpu.vector_load %arg5[%get3A_751, %get3A_752] {strides = array<i32>} : memref<16x2048xi32, #tpu.memory_space<vmem>>, vector<16xi32>,
      %add3A_754 = arith.addi %get3A_753, %broadcast_in_dim3A_231 : vector<16xi32>
      tpu.vector_store_idx %arg7[%add3A_754], %broadcast_in_dim3A_3 {add = true} : memref<1024xf32, #tpu.memory_space<vmem>>[vector<16xi32>], vector<16xf32>,
      %mul3A_755 = arith.constant 8 : i32
      %mul3A_756 = arith.muli %scan3A_678, %mul3A_755 : i32
      %add3A_757 = arith.constant 7 : i32
      %add3A_758 = arith.addi %mul3A_756, %add3A_757 : i32
      %mul3A_759 = arith.constant 16 : i32
      %mul3A_760 = arith.muli %add3A_758, %mul3A_759 : i32
      %get3A_761 = arith.constant 12 : i32
      %get3A_762 = arith.index_cast %get3A_761 : i32 to index
      %get3A_763 = arith.index_cast %mul3A_760 : i32 to index
      %get3A_764 = tpu.vector_load %arg5[%get3A_762, %get3A_763] {strides = array<i32>} : memref<16x2048xi32, #tpu.memory_space<vmem>>, vector<16xi32>,
      %add3A_765 = arith.addi %get3A_764, %broadcast_in_dim3A_231 : vector<16xi32>
      tpu.vector_store_idx %arg7[%add3A_765], %broadcast_in_dim3A_3 {add = true} : memref<1024xf32, #tpu.memory_space<vmem>>[vector<16xi32>], vector<16xf32>,
    }
    %scan3A_237 = arith.constant 16 : i32
    %broadcast_in_dim3A_238 = arith.constant 832 : i32
    %broadcast_in_dim3A_239 = vector.broadcast %broadcast_in_dim3A_238 : i32 to vector<16xi32>
    %scan3A_240 = arith.constant 0 : i32
    %scan3A_241 = arith.constant 0 : i32
    %scan3A_242 = arith.constant 16 : i32
    %scan3A_243 = arith.addi %scan3A_241, %scan3A_242 : i32
    %scan3A_244 = arith.constant 1 : i32
    scf.for %scan3A_678 = %scan3A_241 to %scan3A_243 step %scan3A_244  : i32 {
      %mul3A_679 = arith.constant 8 : i32
      %mul3A_680 = arith.muli %scan3A_678, %mul3A_679 : i32
      %add3A_681 = arith.constant 0 : i32
      %add3A_682 = arith.addi %mul3A_680, %add3A_681 : i32
      %mul3A_683 = arith.constant 16 : i32
      %mul3A_684 = arith.muli %add3A_682, %mul3A_683 : i32
      %get3A = arith.constant 13 : i32
      %get3A_685 = arith.index_cast %get3A : i32 to index
      %get3A_686 = arith.index_cast %mul3A_684 : i32 to index
      %get3A_687 = tpu.vector_load %arg5[%get3A_685, %get3A_686] {strides = array<i32>} : memref<16x2048xi32, #tpu.memory_space<vmem>>, vector<16xi32>,
      %add3A_688 = arith.addi %get3A_687, %broadcast_in_dim3A_239 : vector<16xi32>
      tpu.vector_store_idx %arg7[%add3A_688], %broadcast_in_dim3A_3 {add = true} : memref<1024xf32, #tpu.memory_space<vmem>>[vector<16xi32>], vector<16xf32>,
      %mul3A_689 = arith.constant 8 : i32
      %mul3A_690 = arith.muli %scan3A_678, %mul3A_689 : i32
      %add3A_691 = arith.constant 1 : i32
      %add3A_692 = arith.addi %mul3A_690, %add3A_691 : i32
      %mul3A_693 = arith.constant 16 : i32
      %mul3A_694 = arith.muli %add3A_692, %mul3A_693 : i32
      %get3A_695 = arith.constant 13 : i32
      %get3A_696 = arith.index_cast %get3A_695 : i32 to index
      %get3A_697 = arith.index_cast %mul3A_694 : i32 to index
      %get3A_698 = tpu.vector_load %arg5[%get3A_696, %get3A_697] {strides = array<i32>} : memref<16x2048xi32, #tpu.memory_space<vmem>>, vector<16xi32>,
      %add3A_699 = arith.addi %get3A_698, %broadcast_in_dim3A_239 : vector<16xi32>
      tpu.vector_store_idx %arg7[%add3A_699], %broadcast_in_dim3A_3 {add = true} : memref<1024xf32, #tpu.memory_space<vmem>>[vector<16xi32>], vector<16xf32>,
      %mul3A_700 = arith.constant 8 : i32
      %mul3A_701 = arith.muli %scan3A_678, %mul3A_700 : i32
      %add3A_702 = arith.constant 2 : i32
      %add3A_703 = arith.addi %mul3A_701, %add3A_702 : i32
      %mul3A_704 = arith.constant 16 : i32
      %mul3A_705 = arith.muli %add3A_703, %mul3A_704 : i32
      %get3A_706 = arith.constant 13 : i32
      %get3A_707 = arith.index_cast %get3A_706 : i32 to index
      %get3A_708 = arith.index_cast %mul3A_705 : i32 to index
      %get3A_709 = tpu.vector_load %arg5[%get3A_707, %get3A_708] {strides = array<i32>} : memref<16x2048xi32, #tpu.memory_space<vmem>>, vector<16xi32>,
      %add3A_710 = arith.addi %get3A_709, %broadcast_in_dim3A_239 : vector<16xi32>
      tpu.vector_store_idx %arg7[%add3A_710], %broadcast_in_dim3A_3 {add = true} : memref<1024xf32, #tpu.memory_space<vmem>>[vector<16xi32>], vector<16xf32>,
      %mul3A_711 = arith.constant 8 : i32
      %mul3A_712 = arith.muli %scan3A_678, %mul3A_711 : i32
      %add3A_713 = arith.constant 3 : i32
      %add3A_714 = arith.addi %mul3A_712, %add3A_713 : i32
      %mul3A_715 = arith.constant 16 : i32
      %mul3A_716 = arith.muli %add3A_714, %mul3A_715 : i32
      %get3A_717 = arith.constant 13 : i32
      %get3A_718 = arith.index_cast %get3A_717 : i32 to index
      %get3A_719 = arith.index_cast %mul3A_716 : i32 to index
      %get3A_720 = tpu.vector_load %arg5[%get3A_718, %get3A_719] {strides = array<i32>} : memref<16x2048xi32, #tpu.memory_space<vmem>>, vector<16xi32>,
      %add3A_721 = arith.addi %get3A_720, %broadcast_in_dim3A_239 : vector<16xi32>
      tpu.vector_store_idx %arg7[%add3A_721], %broadcast_in_dim3A_3 {add = true} : memref<1024xf32, #tpu.memory_space<vmem>>[vector<16xi32>], vector<16xf32>,
      %mul3A_722 = arith.constant 8 : i32
      %mul3A_723 = arith.muli %scan3A_678, %mul3A_722 : i32
      %add3A_724 = arith.constant 4 : i32
      %add3A_725 = arith.addi %mul3A_723, %add3A_724 : i32
      %mul3A_726 = arith.constant 16 : i32
      %mul3A_727 = arith.muli %add3A_725, %mul3A_726 : i32
      %get3A_728 = arith.constant 13 : i32
      %get3A_729 = arith.index_cast %get3A_728 : i32 to index
      %get3A_730 = arith.index_cast %mul3A_727 : i32 to index
      %get3A_731 = tpu.vector_load %arg5[%get3A_729, %get3A_730] {strides = array<i32>} : memref<16x2048xi32, #tpu.memory_space<vmem>>, vector<16xi32>,
      %add3A_732 = arith.addi %get3A_731, %broadcast_in_dim3A_239 : vector<16xi32>
      tpu.vector_store_idx %arg7[%add3A_732], %broadcast_in_dim3A_3 {add = true} : memref<1024xf32, #tpu.memory_space<vmem>>[vector<16xi32>], vector<16xf32>,
      %mul3A_733 = arith.constant 8 : i32
      %mul3A_734 = arith.muli %scan3A_678, %mul3A_733 : i32
      %add3A_735 = arith.constant 5 : i32
      %add3A_736 = arith.addi %mul3A_734, %add3A_735 : i32
      %mul3A_737 = arith.constant 16 : i32
      %mul3A_738 = arith.muli %add3A_736, %mul3A_737 : i32
      %get3A_739 = arith.constant 13 : i32
      %get3A_740 = arith.index_cast %get3A_739 : i32 to index
      %get3A_741 = arith.index_cast %mul3A_738 : i32 to index
      %get3A_742 = tpu.vector_load %arg5[%get3A_740, %get3A_741] {strides = array<i32>} : memref<16x2048xi32, #tpu.memory_space<vmem>>, vector<16xi32>,
      %add3A_743 = arith.addi %get3A_742, %broadcast_in_dim3A_239 : vector<16xi32>
      tpu.vector_store_idx %arg7[%add3A_743], %broadcast_in_dim3A_3 {add = true} : memref<1024xf32, #tpu.memory_space<vmem>>[vector<16xi32>], vector<16xf32>,
      %mul3A_744 = arith.constant 8 : i32
      %mul3A_745 = arith.muli %scan3A_678, %mul3A_744 : i32
      %add3A_746 = arith.constant 6 : i32
      %add3A_747 = arith.addi %mul3A_745, %add3A_746 : i32
      %mul3A_748 = arith.constant 16 : i32
      %mul3A_749 = arith.muli %add3A_747, %mul3A_748 : i32
      %get3A_750 = arith.constant 13 : i32
      %get3A_751 = arith.index_cast %get3A_750 : i32 to index
      %get3A_752 = arith.index_cast %mul3A_749 : i32 to index
      %get3A_753 = tpu.vector_load %arg5[%get3A_751, %get3A_752] {strides = array<i32>} : memref<16x2048xi32, #tpu.memory_space<vmem>>, vector<16xi32>,
      %add3A_754 = arith.addi %get3A_753, %broadcast_in_dim3A_239 : vector<16xi32>
      tpu.vector_store_idx %arg7[%add3A_754], %broadcast_in_dim3A_3 {add = true} : memref<1024xf32, #tpu.memory_space<vmem>>[vector<16xi32>], vector<16xf32>,
      %mul3A_755 = arith.constant 8 : i32
      %mul3A_756 = arith.muli %scan3A_678, %mul3A_755 : i32
      %add3A_757 = arith.constant 7 : i32
      %add3A_758 = arith.addi %mul3A_756, %add3A_757 : i32
      %mul3A_759 = arith.constant 16 : i32
      %mul3A_760 = arith.muli %add3A_758, %mul3A_759 : i32
      %get3A_761 = arith.constant 13 : i32
      %get3A_762 = arith.index_cast %get3A_761 : i32 to index
      %get3A_763 = arith.index_cast %mul3A_760 : i32 to index
      %get3A_764 = tpu.vector_load %arg5[%get3A_762, %get3A_763] {strides = array<i32>} : memref<16x2048xi32, #tpu.memory_space<vmem>>, vector<16xi32>,
      %add3A_765 = arith.addi %get3A_764, %broadcast_in_dim3A_239 : vector<16xi32>
      tpu.vector_store_idx %arg7[%add3A_765], %broadcast_in_dim3A_3 {add = true} : memref<1024xf32, #tpu.memory_space<vmem>>[vector<16xi32>], vector<16xf32>,
    }
    %scan3A_245 = arith.constant 16 : i32
    %broadcast_in_dim3A_246 = arith.constant 896 : i32
    %broadcast_in_dim3A_247 = vector.broadcast %broadcast_in_dim3A_246 : i32 to vector<16xi32>
    %scan3A_248 = arith.constant 0 : i32
    %scan3A_249 = arith.constant 0 : i32
    %scan3A_250 = arith.constant 16 : i32
    %scan3A_251 = arith.addi %scan3A_249, %scan3A_250 : i32
    %scan3A_252 = arith.constant 1 : i32
    scf.for %scan3A_678 = %scan3A_249 to %scan3A_251 step %scan3A_252  : i32 {
      %mul3A_679 = arith.constant 8 : i32
      %mul3A_680 = arith.muli %scan3A_678, %mul3A_679 : i32
      %add3A_681 = arith.constant 0 : i32
      %add3A_682 = arith.addi %mul3A_680, %add3A_681 : i32
      %mul3A_683 = arith.constant 16 : i32
      %mul3A_684 = arith.muli %add3A_682, %mul3A_683 : i32
      %get3A = arith.constant 14 : i32
      %get3A_685 = arith.index_cast %get3A : i32 to index
      %get3A_686 = arith.index_cast %mul3A_684 : i32 to index
      %get3A_687 = tpu.vector_load %arg5[%get3A_685, %get3A_686] {strides = array<i32>} : memref<16x2048xi32, #tpu.memory_space<vmem>>, vector<16xi32>,
      %add3A_688 = arith.addi %get3A_687, %broadcast_in_dim3A_247 : vector<16xi32>
      tpu.vector_store_idx %arg7[%add3A_688], %broadcast_in_dim3A_3 {add = true} : memref<1024xf32, #tpu.memory_space<vmem>>[vector<16xi32>], vector<16xf32>,
      %mul3A_689 = arith.constant 8 : i32
      %mul3A_690 = arith.muli %scan3A_678, %mul3A_689 : i32
      %add3A_691 = arith.constant 1 : i32
      %add3A_692 = arith.addi %mul3A_690, %add3A_691 : i32
      %mul3A_693 = arith.constant 16 : i32
      %mul3A_694 = arith.muli %add3A_692, %mul3A_693 : i32
      %get3A_695 = arith.constant 14 : i32
      %get3A_696 = arith.index_cast %get3A_695 : i32 to index
      %get3A_697 = arith.index_cast %mul3A_694 : i32 to index
      %get3A_698 = tpu.vector_load %arg5[%get3A_696, %get3A_697] {strides = array<i32>} : memref<16x2048xi32, #tpu.memory_space<vmem>>, vector<16xi32>,
      %add3A_699 = arith.addi %get3A_698, %broadcast_in_dim3A_247 : vector<16xi32>
      tpu.vector_store_idx %arg7[%add3A_699], %broadcast_in_dim3A_3 {add = true} : memref<1024xf32, #tpu.memory_space<vmem>>[vector<16xi32>], vector<16xf32>,
      %mul3A_700 = arith.constant 8 : i32
      %mul3A_701 = arith.muli %scan3A_678, %mul3A_700 : i32
      %add3A_702 = arith.constant 2 : i32
      %add3A_703 = arith.addi %mul3A_701, %add3A_702 : i32
      %mul3A_704 = arith.constant 16 : i32
      %mul3A_705 = arith.muli %add3A_703, %mul3A_704 : i32
      %get3A_706 = arith.constant 14 : i32
      %get3A_707 = arith.index_cast %get3A_706 : i32 to index
      %get3A_708 = arith.index_cast %mul3A_705 : i32 to index
      %get3A_709 = tpu.vector_load %arg5[%get3A_707, %get3A_708] {strides = array<i32>} : memref<16x2048xi32, #tpu.memory_space<vmem>>, vector<16xi32>,
      %add3A_710 = arith.addi %get3A_709, %broadcast_in_dim3A_247 : vector<16xi32>
      tpu.vector_store_idx %arg7[%add3A_710], %broadcast_in_dim3A_3 {add = true} : memref<1024xf32, #tpu.memory_space<vmem>>[vector<16xi32>], vector<16xf32>,
      %mul3A_711 = arith.constant 8 : i32
      %mul3A_712 = arith.muli %scan3A_678, %mul3A_711 : i32
      %add3A_713 = arith.constant 3 : i32
      %add3A_714 = arith.addi %mul3A_712, %add3A_713 : i32
      %mul3A_715 = arith.constant 16 : i32
      %mul3A_716 = arith.muli %add3A_714, %mul3A_715 : i32
      %get3A_717 = arith.constant 14 : i32
      %get3A_718 = arith.index_cast %get3A_717 : i32 to index
      %get3A_719 = arith.index_cast %mul3A_716 : i32 to index
      %get3A_720 = tpu.vector_load %arg5[%get3A_718, %get3A_719] {strides = array<i32>} : memref<16x2048xi32, #tpu.memory_space<vmem>>, vector<16xi32>,
      %add3A_721 = arith.addi %get3A_720, %broadcast_in_dim3A_247 : vector<16xi32>
      tpu.vector_store_idx %arg7[%add3A_721], %broadcast_in_dim3A_3 {add = true} : memref<1024xf32, #tpu.memory_space<vmem>>[vector<16xi32>], vector<16xf32>,
      %mul3A_722 = arith.constant 8 : i32
      %mul3A_723 = arith.muli %scan3A_678, %mul3A_722 : i32
      %add3A_724 = arith.constant 4 : i32
      %add3A_725 = arith.addi %mul3A_723, %add3A_724 : i32
      %mul3A_726 = arith.constant 16 : i32
      %mul3A_727 = arith.muli %add3A_725, %mul3A_726 : i32
      %get3A_728 = arith.constant 14 : i32
      %get3A_729 = arith.index_cast %get3A_728 : i32 to index
      %get3A_730 = arith.index_cast %mul3A_727 : i32 to index
      %get3A_731 = tpu.vector_load %arg5[%get3A_729, %get3A_730] {strides = array<i32>} : memref<16x2048xi32, #tpu.memory_space<vmem>>, vector<16xi32>,
      %add3A_732 = arith.addi %get3A_731, %broadcast_in_dim3A_247 : vector<16xi32>
      tpu.vector_store_idx %arg7[%add3A_732], %broadcast_in_dim3A_3 {add = true} : memref<1024xf32, #tpu.memory_space<vmem>>[vector<16xi32>], vector<16xf32>,
      %mul3A_733 = arith.constant 8 : i32
      %mul3A_734 = arith.muli %scan3A_678, %mul3A_733 : i32
      %add3A_735 = arith.constant 5 : i32
      %add3A_736 = arith.addi %mul3A_734, %add3A_735 : i32
      %mul3A_737 = arith.constant 16 : i32
      %mul3A_738 = arith.muli %add3A_736, %mul3A_737 : i32
      %get3A_739 = arith.constant 14 : i32
      %get3A_740 = arith.index_cast %get3A_739 : i32 to index
      %get3A_741 = arith.index_cast %mul3A_738 : i32 to index
      %get3A_742 = tpu.vector_load %arg5[%get3A_740, %get3A_741] {strides = array<i32>} : memref<16x2048xi32, #tpu.memory_space<vmem>>, vector<16xi32>,
      %add3A_743 = arith.addi %get3A_742, %broadcast_in_dim3A_247 : vector<16xi32>
      tpu.vector_store_idx %arg7[%add3A_743], %broadcast_in_dim3A_3 {add = true} : memref<1024xf32, #tpu.memory_space<vmem>>[vector<16xi32>], vector<16xf32>,
      %mul3A_744 = arith.constant 8 : i32
      %mul3A_745 = arith.muli %scan3A_678, %mul3A_744 : i32
      %add3A_746 = arith.constant 6 : i32
      %add3A_747 = arith.addi %mul3A_745, %add3A_746 : i32
      %mul3A_748 = arith.constant 16 : i32
      %mul3A_749 = arith.muli %add3A_747, %mul3A_748 : i32
      %get3A_750 = arith.constant 14 : i32
      %get3A_751 = arith.index_cast %get3A_750 : i32 to index
      %get3A_752 = arith.index_cast %mul3A_749 : i32 to index
      %get3A_753 = tpu.vector_load %arg5[%get3A_751, %get3A_752] {strides = array<i32>} : memref<16x2048xi32, #tpu.memory_space<vmem>>, vector<16xi32>,
      %add3A_754 = arith.addi %get3A_753, %broadcast_in_dim3A_247 : vector<16xi32>
      tpu.vector_store_idx %arg7[%add3A_754], %broadcast_in_dim3A_3 {add = true} : memref<1024xf32, #tpu.memory_space<vmem>>[vector<16xi32>], vector<16xf32>,
      %mul3A_755 = arith.constant 8 : i32
      %mul3A_756 = arith.muli %scan3A_678, %mul3A_755 : i32
      %add3A_757 = arith.constant 7 : i32
      %add3A_758 = arith.addi %mul3A_756, %add3A_757 : i32
      %mul3A_759 = arith.constant 16 : i32
      %mul3A_760 = arith.muli %add3A_758, %mul3A_759 : i32
      %get3A_761 = arith.constant 14 : i32
      %get3A_762 = arith.index_cast %get3A_761 : i32 to index
      %get3A_763 = arith.index_cast %mul3A_760 : i32 to index
      %get3A_764 = tpu.vector_load %arg5[%get3A_762, %get3A_763] {strides = array<i32>} : memref<16x2048xi32, #tpu.memory_space<vmem>>, vector<16xi32>,
      %add3A_765 = arith.addi %get3A_764, %broadcast_in_dim3A_247 : vector<16xi32>
      tpu.vector_store_idx %arg7[%add3A_765], %broadcast_in_dim3A_3 {add = true} : memref<1024xf32, #tpu.memory_space<vmem>>[vector<16xi32>], vector<16xf32>,
    }
    %scan3A_253 = arith.constant 16 : i32
    %broadcast_in_dim3A_254 = arith.constant 960 : i32
    %broadcast_in_dim3A_255 = vector.broadcast %broadcast_in_dim3A_254 : i32 to vector<16xi32>
    %scan3A_256 = arith.constant 0 : i32
    %scan3A_257 = arith.constant 0 : i32
    %scan3A_258 = arith.constant 16 : i32
    %scan3A_259 = arith.addi %scan3A_257, %scan3A_258 : i32
    %scan3A_260 = arith.constant 1 : i32
    scf.for %scan3A_678 = %scan3A_257 to %scan3A_259 step %scan3A_260  : i32 {
      %mul3A_679 = arith.constant 8 : i32
      %mul3A_680 = arith.muli %scan3A_678, %mul3A_679 : i32
      %add3A_681 = arith.constant 0 : i32
      %add3A_682 = arith.addi %mul3A_680, %add3A_681 : i32
      %mul3A_683 = arith.constant 16 : i32
      %mul3A_684 = arith.muli %add3A_682, %mul3A_683 : i32
      %get3A = arith.constant 15 : i32
      %get3A_685 = arith.index_cast %get3A : i32 to index
      %get3A_686 = arith.index_cast %mul3A_684 : i32 to index
      %get3A_687 = tpu.vector_load %arg5[%get3A_685, %get3A_686] {strides = array<i32>} : memref<16x2048xi32, #tpu.memory_space<vmem>>, vector<16xi32>,
      %add3A_688 = arith.addi %get3A_687, %broadcast_in_dim3A_255 : vector<16xi32>
      tpu.vector_store_idx %arg7[%add3A_688], %broadcast_in_dim3A_3 {add = true} : memref<1024xf32, #tpu.memory_space<vmem>>[vector<16xi32>], vector<16xf32>,
      %mul3A_689 = arith.constant 8 : i32
      %mul3A_690 = arith.muli %scan3A_678, %mul3A_689 : i32
      %add3A_691 = arith.constant 1 : i32
      %add3A_692 = arith.addi %mul3A_690, %add3A_691 : i32
      %mul3A_693 = arith.constant 16 : i32
      %mul3A_694 = arith.muli %add3A_692, %mul3A_693 : i32
      %get3A_695 = arith.constant 15 : i32
      %get3A_696 = arith.index_cast %get3A_695 : i32 to index
      %get3A_697 = arith.index_cast %mul3A_694 : i32 to index
      %get3A_698 = tpu.vector_load %arg5[%get3A_696, %get3A_697] {strides = array<i32>} : memref<16x2048xi32, #tpu.memory_space<vmem>>, vector<16xi32>,
      %add3A_699 = arith.addi %get3A_698, %broadcast_in_dim3A_255 : vector<16xi32>
      tpu.vector_store_idx %arg7[%add3A_699], %broadcast_in_dim3A_3 {add = true} : memref<1024xf32, #tpu.memory_space<vmem>>[vector<16xi32>], vector<16xf32>,
      %mul3A_700 = arith.constant 8 : i32
      %mul3A_701 = arith.muli %scan3A_678, %mul3A_700 : i32
      %add3A_702 = arith.constant 2 : i32
      %add3A_703 = arith.addi %mul3A_701, %add3A_702 : i32
      %mul3A_704 = arith.constant 16 : i32
      %mul3A_705 = arith.muli %add3A_703, %mul3A_704 : i32
      %get3A_706 = arith.constant 15 : i32
      %get3A_707 = arith.index_cast %get3A_706 : i32 to index
      %get3A_708 = arith.index_cast %mul3A_705 : i32 to index
      %get3A_709 = tpu.vector_load %arg5[%get3A_707, %get3A_708] {strides = array<i32>} : memref<16x2048xi32, #tpu.memory_space<vmem>>, vector<16xi32>,
      %add3A_710 = arith.addi %get3A_709, %broadcast_in_dim3A_255 : vector<16xi32>
      tpu.vector_store_idx %arg7[%add3A_710], %broadcast_in_dim3A_3 {add = true} : memref<1024xf32, #tpu.memory_space<vmem>>[vector<16xi32>], vector<16xf32>,
      %mul3A_711 = arith.constant 8 : i32
      %mul3A_712 = arith.muli %scan3A_678, %mul3A_711 : i32
      %add3A_713 = arith.constant 3 : i32
      %add3A_714 = arith.addi %mul3A_712, %add3A_713 : i32
      %mul3A_715 = arith.constant 16 : i32
      %mul3A_716 = arith.muli %add3A_714, %mul3A_715 : i32
      %get3A_717 = arith.constant 15 : i32
      %get3A_718 = arith.index_cast %get3A_717 : i32 to index
      %get3A_719 = arith.index_cast %mul3A_716 : i32 to index
      %get3A_720 = tpu.vector_load %arg5[%get3A_718, %get3A_719] {strides = array<i32>} : memref<16x2048xi32, #tpu.memory_space<vmem>>, vector<16xi32>,
      %add3A_721 = arith.addi %get3A_720, %broadcast_in_dim3A_255 : vector<16xi32>
      tpu.vector_store_idx %arg7[%add3A_721], %broadcast_in_dim3A_3 {add = true} : memref<1024xf32, #tpu.memory_space<vmem>>[vector<16xi32>], vector<16xf32>,
      %mul3A_722 = arith.constant 8 : i32
      %mul3A_723 = arith.muli %scan3A_678, %mul3A_722 : i32
      %add3A_724 = arith.constant 4 : i32
      %add3A_725 = arith.addi %mul3A_723, %add3A_724 : i32
      %mul3A_726 = arith.constant 16 : i32
      %mul3A_727 = arith.muli %add3A_725, %mul3A_726 : i32
      %get3A_728 = arith.constant 15 : i32
      %get3A_729 = arith.index_cast %get3A_728 : i32 to index
      %get3A_730 = arith.index_cast %mul3A_727 : i32 to index
      %get3A_731 = tpu.vector_load %arg5[%get3A_729, %get3A_730] {strides = array<i32>} : memref<16x2048xi32, #tpu.memory_space<vmem>>, vector<16xi32>,
      %add3A_732 = arith.addi %get3A_731, %broadcast_in_dim3A_255 : vector<16xi32>
      tpu.vector_store_idx %arg7[%add3A_732], %broadcast_in_dim3A_3 {add = true} : memref<1024xf32, #tpu.memory_space<vmem>>[vector<16xi32>], vector<16xf32>,
      %mul3A_733 = arith.constant 8 : i32
      %mul3A_734 = arith.muli %scan3A_678, %mul3A_733 : i32
      %add3A_735 = arith.constant 5 : i32
      %add3A_736 = arith.addi %mul3A_734, %add3A_735 : i32
      %mul3A_737 = arith.constant 16 : i32
      %mul3A_738 = arith.muli %add3A_736, %mul3A_737 : i32
      %get3A_739 = arith.constant 15 : i32
      %get3A_740 = arith.index_cast %get3A_739 : i32 to index
      %get3A_741 = arith.index_cast %mul3A_738 : i32 to index
      %get3A_742 = tpu.vector_load %arg5[%get3A_740, %get3A_741] {strides = array<i32>} : memref<16x2048xi32, #tpu.memory_space<vmem>>, vector<16xi32>,
      %add3A_743 = arith.addi %get3A_742, %broadcast_in_dim3A_255 : vector<16xi32>
      tpu.vector_store_idx %arg7[%add3A_743], %broadcast_in_dim3A_3 {add = true} : memref<1024xf32, #tpu.memory_space<vmem>>[vector<16xi32>], vector<16xf32>,
      %mul3A_744 = arith.constant 8 : i32
      %mul3A_745 = arith.muli %scan3A_678, %mul3A_744 : i32
      %add3A_746 = arith.constant 6 : i32
      %add3A_747 = arith.addi %mul3A_745, %add3A_746 : i32
      %mul3A_748 = arith.constant 16 : i32
      %mul3A_749 = arith.muli %add3A_747, %mul3A_748 : i32
      %get3A_750 = arith.constant 15 : i32
      %get3A_751 = arith.index_cast %get3A_750 : i32 to index
      %get3A_752 = arith.index_cast %mul3A_749 : i32 to index
      %get3A_753 = tpu.vector_load %arg5[%get3A_751, %get3A_752] {strides = array<i32>} : memref<16x2048xi32, #tpu.memory_space<vmem>>, vector<16xi32>,
      %add3A_754 = arith.addi %get3A_753, %broadcast_in_dim3A_255 : vector<16xi32>
      tpu.vector_store_idx %arg7[%add3A_754], %broadcast_in_dim3A_3 {add = true} : memref<1024xf32, #tpu.memory_space<vmem>>[vector<16xi32>], vector<16xf32>,
      %mul3A_755 = arith.constant 8 : i32
      %mul3A_756 = arith.muli %scan3A_678, %mul3A_755 : i32
      %add3A_757 = arith.constant 7 : i32
      %add3A_758 = arith.addi %mul3A_756, %add3A_757 : i32
      %mul3A_759 = arith.constant 16 : i32
      %mul3A_760 = arith.muli %add3A_758, %mul3A_759 : i32
      %get3A_761 = arith.constant 15 : i32
      %get3A_762 = arith.index_cast %get3A_761 : i32 to index
      %get3A_763 = arith.index_cast %mul3A_760 : i32 to index
      %get3A_764 = tpu.vector_load %arg5[%get3A_762, %get3A_763] {strides = array<i32>} : memref<16x2048xi32, #tpu.memory_space<vmem>>, vector<16xi32>,
      %add3A_765 = arith.addi %get3A_764, %broadcast_in_dim3A_255 : vector<16xi32>
      tpu.vector_store_idx %arg7[%add3A_765], %broadcast_in_dim3A_3 {add = true} : memref<1024xf32, #tpu.memory_space<vmem>>[vector<16xi32>], vector<16xf32>,
    }
    %scan3A_261 = arith.constant 16 : i32
    %scan3A_262 = arith.constant 0 : i32
    %scan3A_263 = arith.constant 32 : i32
    %scan3A_264 = arith.addi %scan3A_262, %scan3A_263 : i32
    %scan3A_265 = arith.constant 1 : i32
    %scan3A_266:4 = scf.for %scan3A_678 = %scan3A_262 to %scan3A_264 step %scan3A_265 iter_args(%scan3A_679 = %broadcast_in_dim3A_5, %scan3A_680 = %broadcast_in_dim3A_5, %scan3A_681 = %broadcast_in_dim3A_5, %scan3A_682 = %broadcast_in_dim3A_5) -> (vector<16xf32>, vector<16xf32>, vector<16xf32>, vector<16xf32>)  : i32 {
      %mul3A_683 = arith.constant 2 : i32
      %mul3A_684 = arith.muli %scan3A_678, %mul3A_683 : i32
      %add3A_685 = arith.constant 0 : i32
      %add3A_686 = arith.addi %mul3A_684, %add3A_685 : i32
      %broadcast_in_dim3A_687 = arith.constant 0 : i32
      %broadcast_in_dim3A_688 = vector.broadcast %broadcast_in_dim3A_687 : i32 to vector<16xi32>
      %add3A_689 = vector.broadcast %add3A_686 : i32 to vector<16xi32>
      %add3A_690 = arith.addi %broadcast_in_dim3A_688, %add3A_689 : vector<16xi32>
      %gather3A = tpu.vector_load_idx %arg7[%add3A_690] : memref<1024xf32, #tpu.memory_space<vmem>>[vector<16xi32>], vector<16xf32>,
      %get3A = arith.index_cast %add3A_686 : i32 to index
      %get3A_691 = arith.constant 0 : index
      %get3A_692 = tpu.vector_load %arg6[%get3A, %get3A_691] {strides = array<i32>} : memref<64x64xf32, #tpu.memory_space<vmem>>, vector<16xf32>,
      %mul3A_693 = arith.mulf %gather3A, %get3A_692 : vector<16xf32>
      %add3A_694 = arith.addf %scan3A_679, %mul3A_693 : vector<16xf32>
      %get3A_695 = arith.index_cast %add3A_686 : i32 to index
      %get3A_696 = arith.constant 16 : index
      %get3A_697 = tpu.vector_load %arg6[%get3A_695, %get3A_696] {strides = array<i32>} : memref<64x64xf32, #tpu.memory_space<vmem>>, vector<16xf32>,
      %mul3A_698 = arith.mulf %gather3A, %get3A_697 : vector<16xf32>
      %add3A_699 = arith.addf %scan3A_680, %mul3A_698 : vector<16xf32>
      %get3A_700 = arith.index_cast %add3A_686 : i32 to index
      %get3A_701 = arith.constant 32 : index
      %get3A_702 = tpu.vector_load %arg6[%get3A_700, %get3A_701] {strides = array<i32>} : memref<64x64xf32, #tpu.memory_space<vmem>>, vector<16xf32>,
      %mul3A_703 = arith.mulf %gather3A, %get3A_702 : vector<16xf32>
      %add3A_704 = arith.addf %scan3A_681, %mul3A_703 : vector<16xf32>
      %get3A_705 = arith.index_cast %add3A_686 : i32 to index
      %get3A_706 = arith.constant 48 : index
      %get3A_707 = tpu.vector_load %arg6[%get3A_705, %get3A_706] {strides = array<i32>} : memref<64x64xf32, #tpu.memory_space<vmem>>, vector<16xf32>,
      %mul3A_708 = arith.mulf %gather3A, %get3A_707 : vector<16xf32>
      %add3A_709 = arith.addf %scan3A_682, %mul3A_708 : vector<16xf32>
      %mul3A_710 = arith.constant 2 : i32
      %mul3A_711 = arith.muli %scan3A_678, %mul3A_710 : i32
      %add3A_712 = arith.constant 1 : i32
      %add3A_713 = arith.addi %mul3A_711, %add3A_712 : i32
      %broadcast_in_dim3A_714 = arith.constant 0 : i32
      %broadcast_in_dim3A_715 = vector.broadcast %broadcast_in_dim3A_714 : i32 to vector<16xi32>
      %add3A_716 = vector.broadcast %add3A_713 : i32 to vector<16xi32>
      %add3A_717 = arith.addi %broadcast_in_dim3A_715, %add3A_716 : vector<16xi32>
      %gather3A_718 = tpu.vector_load_idx %arg7[%add3A_717] : memref<1024xf32, #tpu.memory_space<vmem>>[vector<16xi32>], vector<16xf32>,
      %get3A_719 = arith.index_cast %add3A_713 : i32 to index
      %get3A_720 = arith.constant 0 : index
      %get3A_721 = tpu.vector_load %arg6[%get3A_719, %get3A_720] {strides = array<i32>} : memref<64x64xf32, #tpu.memory_space<vmem>>, vector<16xf32>,
      %mul3A_722 = arith.mulf %gather3A_718, %get3A_721 : vector<16xf32>
      %add3A_723 = arith.addf %add3A_694, %mul3A_722 : vector<16xf32>
      %get3A_724 = arith.index_cast %add3A_713 : i32 to index
      %get3A_725 = arith.constant 16 : index
      %get3A_726 = tpu.vector_load %arg6[%get3A_724, %get3A_725] {strides = array<i32>} : memref<64x64xf32, #tpu.memory_space<vmem>>, vector<16xf32>,
      %mul3A_727 = arith.mulf %gather3A_718, %get3A_726 : vector<16xf32>
      %add3A_728 = arith.addf %add3A_699, %mul3A_727 : vector<16xf32>
      %get3A_729 = arith.index_cast %add3A_713 : i32 to index
      %get3A_730 = arith.constant 32 : index
      %get3A_731 = tpu.vector_load %arg6[%get3A_729, %get3A_730] {strides = array<i32>} : memref<64x64xf32, #tpu.memory_space<vmem>>, vector<16xf32>,
      %mul3A_732 = arith.mulf %gather3A_718, %get3A_731 : vector<16xf32>
      %add3A_733 = arith.addf %add3A_704, %mul3A_732 : vector<16xf32>
      %get3A_734 = arith.index_cast %add3A_713 : i32 to index
      %get3A_735 = arith.constant 48 : index
      %get3A_736 = tpu.vector_load %arg6[%get3A_734, %get3A_735] {strides = array<i32>} : memref<64x64xf32, #tpu.memory_space<vmem>>, vector<16xf32>,
      %mul3A_737 = arith.mulf %gather3A_718, %get3A_736 : vector<16xf32>
      %add3A_738 = arith.addf %add3A_709, %mul3A_737 : vector<16xf32>
      scf.yield %add3A_723, %add3A_728, %add3A_733, %add3A_738 : vector<16xf32>, vector<16xf32>, vector<16xf32>, vector<16xf32>
    }
    %scan3A_267 = arith.constant 32 : i32
    %mul3A_268 = arith.mulf %scan3A_266#0, %broadcast_in_dim3A_7 : vector<16xf32>
    %swap3A_269 = arith.constant 0 : i32
    %swap3A_270 = arith.index_cast %swap3A_269 : i32 to index
    %swap3A_271 = arith.constant 0 : index
    %swap3A_272 = tpu.vector_load %arg8[%swap3A_270, %swap3A_271] {strides = array<i32>} : memref<16x64xf32, #tpu.memory_space<vmem>>, vector<16xf32>,
    tpu.vector_store %arg8[%swap3A_270, %swap3A_271], %mul3A_268 {strides = array<i32>} : memref<16x64xf32, #tpu.memory_space<vmem>>, vector<16xf32>,
    %mul3A_273 = arith.mulf %scan3A_266#1, %broadcast_in_dim3A_7 : vector<16xf32>
    %swap3A_274 = arith.constant 0 : i32
    %swap3A_275 = arith.index_cast %swap3A_274 : i32 to index
    %swap3A_276 = arith.constant 16 : index
    %swap3A_277 = tpu.vector_load %arg8[%swap3A_275, %swap3A_276] {strides = array<i32>} : memref<16x64xf32, #tpu.memory_space<vmem>>, vector<16xf32>,
    tpu.vector_store %arg8[%swap3A_275, %swap3A_276], %mul3A_273 {strides = array<i32>} : memref<16x64xf32, #tpu.memory_space<vmem>>, vector<16xf32>,
    %mul3A_278 = arith.mulf %scan3A_266#2, %broadcast_in_dim3A_7 : vector<16xf32>
    %swap3A_279 = arith.constant 0 : i32
    %swap3A_280 = arith.index_cast %swap3A_279 : i32 to index
    %swap3A_281 = arith.constant 32 : index
    %swap3A_282 = tpu.vector_load %arg8[%swap3A_280, %swap3A_281] {strides = array<i32>} : memref<16x64xf32, #tpu.memory_space<vmem>>, vector<16xf32>,
    tpu.vector_store %arg8[%swap3A_280, %swap3A_281], %mul3A_278 {strides = array<i32>} : memref<16x64xf32, #tpu.memory_space<vmem>>, vector<16xf32>,
    %mul3A_283 = arith.mulf %scan3A_266#3, %broadcast_in_dim3A_7 : vector<16xf32>
    %swap3A_284 = arith.constant 0 : i32
    %swap3A_285 = arith.index_cast %swap3A_284 : i32 to index
    %swap3A_286 = arith.constant 48 : index
    %swap3A_287 = tpu.vector_load %arg8[%swap3A_285, %swap3A_286] {strides = array<i32>} : memref<16x64xf32, #tpu.memory_space<vmem>>, vector<16xf32>,
    tpu.vector_store %arg8[%swap3A_285, %swap3A_286], %mul3A_283 {strides = array<i32>} : memref<16x64xf32, #tpu.memory_space<vmem>>, vector<16xf32>,
    %scan3A_288 = arith.constant 0 : i32
    %scan3A_289 = arith.constant 32 : i32
    %scan3A_290 = arith.addi %scan3A_288, %scan3A_289 : i32
    %scan3A_291 = arith.constant 1 : i32
    %scan3A_292:4 = scf.for %scan3A_678 = %scan3A_288 to %scan3A_290 step %scan3A_291 iter_args(%scan3A_679 = %broadcast_in_dim3A_5, %scan3A_680 = %broadcast_in_dim3A_5, %scan3A_681 = %broadcast_in_dim3A_5, %scan3A_682 = %broadcast_in_dim3A_5) -> (vector<16xf32>, vector<16xf32>, vector<16xf32>, vector<16xf32>)  : i32 {
      %mul3A_683 = arith.constant 2 : i32
      %mul3A_684 = arith.muli %scan3A_678, %mul3A_683 : i32
      %add3A_685 = arith.constant 0 : i32
      %add3A_686 = arith.addi %mul3A_684, %add3A_685 : i32
      %broadcast_in_dim3A_687 = arith.constant 64 : i32
      %broadcast_in_dim3A_688 = vector.broadcast %broadcast_in_dim3A_687 : i32 to vector<16xi32>
      %add3A_689 = vector.broadcast %add3A_686 : i32 to vector<16xi32>
      %add3A_690 = arith.addi %broadcast_in_dim3A_688, %add3A_689 : vector<16xi32>
      %gather3A = tpu.vector_load_idx %arg7[%add3A_690] : memref<1024xf32, #tpu.memory_space<vmem>>[vector<16xi32>], vector<16xf32>,
      %get3A = arith.index_cast %add3A_686 : i32 to index
      %get3A_691 = arith.constant 0 : index
      %get3A_692 = tpu.vector_load %arg6[%get3A, %get3A_691] {strides = array<i32>} : memref<64x64xf32, #tpu.memory_space<vmem>>, vector<16xf32>,
      %mul3A_693 = arith.mulf %gather3A, %get3A_692 : vector<16xf32>
      %add3A_694 = arith.addf %scan3A_679, %mul3A_693 : vector<16xf32>
      %get3A_695 = arith.index_cast %add3A_686 : i32 to index
      %get3A_696 = arith.constant 16 : index
      %get3A_697 = tpu.vector_load %arg6[%get3A_695, %get3A_696] {strides = array<i32>} : memref<64x64xf32, #tpu.memory_space<vmem>>, vector<16xf32>,
      %mul3A_698 = arith.mulf %gather3A, %get3A_697 : vector<16xf32>
      %add3A_699 = arith.addf %scan3A_680, %mul3A_698 : vector<16xf32>
      %get3A_700 = arith.index_cast %add3A_686 : i32 to index
      %get3A_701 = arith.constant 32 : index
      %get3A_702 = tpu.vector_load %arg6[%get3A_700, %get3A_701] {strides = array<i32>} : memref<64x64xf32, #tpu.memory_space<vmem>>, vector<16xf32>,
      %mul3A_703 = arith.mulf %gather3A, %get3A_702 : vector<16xf32>
      %add3A_704 = arith.addf %scan3A_681, %mul3A_703 : vector<16xf32>
      %get3A_705 = arith.index_cast %add3A_686 : i32 to index
      %get3A_706 = arith.constant 48 : index
      %get3A_707 = tpu.vector_load %arg6[%get3A_705, %get3A_706] {strides = array<i32>} : memref<64x64xf32, #tpu.memory_space<vmem>>, vector<16xf32>,
      %mul3A_708 = arith.mulf %gather3A, %get3A_707 : vector<16xf32>
      %add3A_709 = arith.addf %scan3A_682, %mul3A_708 : vector<16xf32>
      %mul3A_710 = arith.constant 2 : i32
      %mul3A_711 = arith.muli %scan3A_678, %mul3A_710 : i32
      %add3A_712 = arith.constant 1 : i32
      %add3A_713 = arith.addi %mul3A_711, %add3A_712 : i32
      %broadcast_in_dim3A_714 = arith.constant 64 : i32
      %broadcast_in_dim3A_715 = vector.broadcast %broadcast_in_dim3A_714 : i32 to vector<16xi32>
      %add3A_716 = vector.broadcast %add3A_713 : i32 to vector<16xi32>
      %add3A_717 = arith.addi %broadcast_in_dim3A_715, %add3A_716 : vector<16xi32>
      %gather3A_718 = tpu.vector_load_idx %arg7[%add3A_717] : memref<1024xf32, #tpu.memory_space<vmem>>[vector<16xi32>], vector<16xf32>,
      %get3A_719 = arith.index_cast %add3A_713 : i32 to index
      %get3A_720 = arith.constant 0 : index
      %get3A_721 = tpu.vector_load %arg6[%get3A_719, %get3A_720] {strides = array<i32>} : memref<64x64xf32, #tpu.memory_space<vmem>>, vector<16xf32>,
      %mul3A_722 = arith.mulf %gather3A_718, %get3A_721 : vector<16xf32>
      %add3A_723 = arith.addf %add3A_694, %mul3A_722 : vector<16xf32>
      %get3A_724 = arith.index_cast %add3A_713 : i32 to index
      %get3A_725 = arith.constant 16 : index
      %get3A_726 = tpu.vector_load %arg6[%get3A_724, %get3A_725] {strides = array<i32>} : memref<64x64xf32, #tpu.memory_space<vmem>>, vector<16xf32>,
      %mul3A_727 = arith.mulf %gather3A_718, %get3A_726 : vector<16xf32>
      %add3A_728 = arith.addf %add3A_699, %mul3A_727 : vector<16xf32>
      %get3A_729 = arith.index_cast %add3A_713 : i32 to index
      %get3A_730 = arith.constant 32 : index
      %get3A_731 = tpu.vector_load %arg6[%get3A_729, %get3A_730] {strides = array<i32>} : memref<64x64xf32, #tpu.memory_space<vmem>>, vector<16xf32>,
      %mul3A_732 = arith.mulf %gather3A_718, %get3A_731 : vector<16xf32>
      %add3A_733 = arith.addf %add3A_704, %mul3A_732 : vector<16xf32>
      %get3A_734 = arith.index_cast %add3A_713 : i32 to index
      %get3A_735 = arith.constant 48 : index
      %get3A_736 = tpu.vector_load %arg6[%get3A_734, %get3A_735] {strides = array<i32>} : memref<64x64xf32, #tpu.memory_space<vmem>>, vector<16xf32>,
      %mul3A_737 = arith.mulf %gather3A_718, %get3A_736 : vector<16xf32>
      %add3A_738 = arith.addf %add3A_709, %mul3A_737 : vector<16xf32>
      scf.yield %add3A_723, %add3A_728, %add3A_733, %add3A_738 : vector<16xf32>, vector<16xf32>, vector<16xf32>, vector<16xf32>
    }
    %scan3A_293 = arith.constant 32 : i32
    %mul3A_294 = arith.mulf %scan3A_292#0, %broadcast_in_dim3A_7 : vector<16xf32>
    %swap3A_295 = arith.constant 1 : i32
    %swap3A_296 = arith.index_cast %swap3A_295 : i32 to index
    %swap3A_297 = arith.constant 0 : index
    %swap3A_298 = tpu.vector_load %arg8[%swap3A_296, %swap3A_297] {strides = array<i32>} : memref<16x64xf32, #tpu.memory_space<vmem>>, vector<16xf32>,
    tpu.vector_store %arg8[%swap3A_296, %swap3A_297], %mul3A_294 {strides = array<i32>} : memref<16x64xf32, #tpu.memory_space<vmem>>, vector<16xf32>,
    %mul3A_299 = arith.mulf %scan3A_292#1, %broadcast_in_dim3A_7 : vector<16xf32>
    %swap3A_300 = arith.constant 1 : i32
    %swap3A_301 = arith.index_cast %swap3A_300 : i32 to index
    %swap3A_302 = arith.constant 16 : index
    %swap3A_303 = tpu.vector_load %arg8[%swap3A_301, %swap3A_302] {strides = array<i32>} : memref<16x64xf32, #tpu.memory_space<vmem>>, vector<16xf32>,
    tpu.vector_store %arg8[%swap3A_301, %swap3A_302], %mul3A_299 {strides = array<i32>} : memref<16x64xf32, #tpu.memory_space<vmem>>, vector<16xf32>,
    %mul3A_304 = arith.mulf %scan3A_292#2, %broadcast_in_dim3A_7 : vector<16xf32>
    %swap3A_305 = arith.constant 1 : i32
    %swap3A_306 = arith.index_cast %swap3A_305 : i32 to index
    %swap3A_307 = arith.constant 32 : index
    %swap3A_308 = tpu.vector_load %arg8[%swap3A_306, %swap3A_307] {strides = array<i32>} : memref<16x64xf32, #tpu.memory_space<vmem>>, vector<16xf32>,
    tpu.vector_store %arg8[%swap3A_306, %swap3A_307], %mul3A_304 {strides = array<i32>} : memref<16x64xf32, #tpu.memory_space<vmem>>, vector<16xf32>,
    %mul3A_309 = arith.mulf %scan3A_292#3, %broadcast_in_dim3A_7 : vector<16xf32>
    %swap3A_310 = arith.constant 1 : i32
    %swap3A_311 = arith.index_cast %swap3A_310 : i32 to index
    %swap3A_312 = arith.constant 48 : index
    %swap3A_313 = tpu.vector_load %arg8[%swap3A_311, %swap3A_312] {strides = array<i32>} : memref<16x64xf32, #tpu.memory_space<vmem>>, vector<16xf32>,
    tpu.vector_store %arg8[%swap3A_311, %swap3A_312], %mul3A_309 {strides = array<i32>} : memref<16x64xf32, #tpu.memory_space<vmem>>, vector<16xf32>,
    %scan3A_314 = arith.constant 0 : i32
    %scan3A_315 = arith.constant 32 : i32
    %scan3A_316 = arith.addi %scan3A_314, %scan3A_315 : i32
    %scan3A_317 = arith.constant 1 : i32
    %scan3A_318:4 = scf.for %scan3A_678 = %scan3A_314 to %scan3A_316 step %scan3A_317 iter_args(%scan3A_679 = %broadcast_in_dim3A_5, %scan3A_680 = %broadcast_in_dim3A_5, %scan3A_681 = %broadcast_in_dim3A_5, %scan3A_682 = %broadcast_in_dim3A_5) -> (vector<16xf32>, vector<16xf32>, vector<16xf32>, vector<16xf32>)  : i32 {
      %mul3A_683 = arith.constant 2 : i32
      %mul3A_684 = arith.muli %scan3A_678, %mul3A_683 : i32
      %add3A_685 = arith.constant 0 : i32
      %add3A_686 = arith.addi %mul3A_684, %add3A_685 : i32
      %broadcast_in_dim3A_687 = arith.constant 128 : i32
      %broadcast_in_dim3A_688 = vector.broadcast %broadcast_in_dim3A_687 : i32 to vector<16xi32>
      %add3A_689 = vector.broadcast %add3A_686 : i32 to vector<16xi32>
      %add3A_690 = arith.addi %broadcast_in_dim3A_688, %add3A_689 : vector<16xi32>
      %gather3A = tpu.vector_load_idx %arg7[%add3A_690] : memref<1024xf32, #tpu.memory_space<vmem>>[vector<16xi32>], vector<16xf32>,
      %get3A = arith.index_cast %add3A_686 : i32 to index
      %get3A_691 = arith.constant 0 : index
      %get3A_692 = tpu.vector_load %arg6[%get3A, %get3A_691] {strides = array<i32>} : memref<64x64xf32, #tpu.memory_space<vmem>>, vector<16xf32>,
      %mul3A_693 = arith.mulf %gather3A, %get3A_692 : vector<16xf32>
      %add3A_694 = arith.addf %scan3A_679, %mul3A_693 : vector<16xf32>
      %get3A_695 = arith.index_cast %add3A_686 : i32 to index
      %get3A_696 = arith.constant 16 : index
      %get3A_697 = tpu.vector_load %arg6[%get3A_695, %get3A_696] {strides = array<i32>} : memref<64x64xf32, #tpu.memory_space<vmem>>, vector<16xf32>,
      %mul3A_698 = arith.mulf %gather3A, %get3A_697 : vector<16xf32>
      %add3A_699 = arith.addf %scan3A_680, %mul3A_698 : vector<16xf32>
      %get3A_700 = arith.index_cast %add3A_686 : i32 to index
      %get3A_701 = arith.constant 32 : index
      %get3A_702 = tpu.vector_load %arg6[%get3A_700, %get3A_701] {strides = array<i32>} : memref<64x64xf32, #tpu.memory_space<vmem>>, vector<16xf32>,
      %mul3A_703 = arith.mulf %gather3A, %get3A_702 : vector<16xf32>
      %add3A_704 = arith.addf %scan3A_681, %mul3A_703 : vector<16xf32>
      %get3A_705 = arith.index_cast %add3A_686 : i32 to index
      %get3A_706 = arith.constant 48 : index
      %get3A_707 = tpu.vector_load %arg6[%get3A_705, %get3A_706] {strides = array<i32>} : memref<64x64xf32, #tpu.memory_space<vmem>>, vector<16xf32>,
      %mul3A_708 = arith.mulf %gather3A, %get3A_707 : vector<16xf32>
      %add3A_709 = arith.addf %scan3A_682, %mul3A_708 : vector<16xf32>
      %mul3A_710 = arith.constant 2 : i32
      %mul3A_711 = arith.muli %scan3A_678, %mul3A_710 : i32
      %add3A_712 = arith.constant 1 : i32
      %add3A_713 = arith.addi %mul3A_711, %add3A_712 : i32
      %broadcast_in_dim3A_714 = arith.constant 128 : i32
      %broadcast_in_dim3A_715 = vector.broadcast %broadcast_in_dim3A_714 : i32 to vector<16xi32>
      %add3A_716 = vector.broadcast %add3A_713 : i32 to vector<16xi32>
      %add3A_717 = arith.addi %broadcast_in_dim3A_715, %add3A_716 : vector<16xi32>
      %gather3A_718 = tpu.vector_load_idx %arg7[%add3A_717] : memref<1024xf32, #tpu.memory_space<vmem>>[vector<16xi32>], vector<16xf32>,
      %get3A_719 = arith.index_cast %add3A_713 : i32 to index
      %get3A_720 = arith.constant 0 : index
      %get3A_721 = tpu.vector_load %arg6[%get3A_719, %get3A_720] {strides = array<i32>} : memref<64x64xf32, #tpu.memory_space<vmem>>, vector<16xf32>,
      %mul3A_722 = arith.mulf %gather3A_718, %get3A_721 : vector<16xf32>
      %add3A_723 = arith.addf %add3A_694, %mul3A_722 : vector<16xf32>
      %get3A_724 = arith.index_cast %add3A_713 : i32 to index
      %get3A_725 = arith.constant 16 : index
      %get3A_726 = tpu.vector_load %arg6[%get3A_724, %get3A_725] {strides = array<i32>} : memref<64x64xf32, #tpu.memory_space<vmem>>, vector<16xf32>,
      %mul3A_727 = arith.mulf %gather3A_718, %get3A_726 : vector<16xf32>
      %add3A_728 = arith.addf %add3A_699, %mul3A_727 : vector<16xf32>
      %get3A_729 = arith.index_cast %add3A_713 : i32 to index
      %get3A_730 = arith.constant 32 : index
      %get3A_731 = tpu.vector_load %arg6[%get3A_729, %get3A_730] {strides = array<i32>} : memref<64x64xf32, #tpu.memory_space<vmem>>, vector<16xf32>,
      %mul3A_732 = arith.mulf %gather3A_718, %get3A_731 : vector<16xf32>
      %add3A_733 = arith.addf %add3A_704, %mul3A_732 : vector<16xf32>
      %get3A_734 = arith.index_cast %add3A_713 : i32 to index
      %get3A_735 = arith.constant 48 : index
      %get3A_736 = tpu.vector_load %arg6[%get3A_734, %get3A_735] {strides = array<i32>} : memref<64x64xf32, #tpu.memory_space<vmem>>, vector<16xf32>,
      %mul3A_737 = arith.mulf %gather3A_718, %get3A_736 : vector<16xf32>
      %add3A_738 = arith.addf %add3A_709, %mul3A_737 : vector<16xf32>
      scf.yield %add3A_723, %add3A_728, %add3A_733, %add3A_738 : vector<16xf32>, vector<16xf32>, vector<16xf32>, vector<16xf32>
    }
    %scan3A_319 = arith.constant 32 : i32
    %mul3A_320 = arith.mulf %scan3A_318#0, %broadcast_in_dim3A_7 : vector<16xf32>
    %swap3A_321 = arith.constant 2 : i32
    %swap3A_322 = arith.index_cast %swap3A_321 : i32 to index
    %swap3A_323 = arith.constant 0 : index
    %swap3A_324 = tpu.vector_load %arg8[%swap3A_322, %swap3A_323] {strides = array<i32>} : memref<16x64xf32, #tpu.memory_space<vmem>>, vector<16xf32>,
    tpu.vector_store %arg8[%swap3A_322, %swap3A_323], %mul3A_320 {strides = array<i32>} : memref<16x64xf32, #tpu.memory_space<vmem>>, vector<16xf32>,
    %mul3A_325 = arith.mulf %scan3A_318#1, %broadcast_in_dim3A_7 : vector<16xf32>
    %swap3A_326 = arith.constant 2 : i32
    %swap3A_327 = arith.index_cast %swap3A_326 : i32 to index
    %swap3A_328 = arith.constant 16 : index
    %swap3A_329 = tpu.vector_load %arg8[%swap3A_327, %swap3A_328] {strides = array<i32>} : memref<16x64xf32, #tpu.memory_space<vmem>>, vector<16xf32>,
    tpu.vector_store %arg8[%swap3A_327, %swap3A_328], %mul3A_325 {strides = array<i32>} : memref<16x64xf32, #tpu.memory_space<vmem>>, vector<16xf32>,
    %mul3A_330 = arith.mulf %scan3A_318#2, %broadcast_in_dim3A_7 : vector<16xf32>
    %swap3A_331 = arith.constant 2 : i32
    %swap3A_332 = arith.index_cast %swap3A_331 : i32 to index
    %swap3A_333 = arith.constant 32 : index
    %swap3A_334 = tpu.vector_load %arg8[%swap3A_332, %swap3A_333] {strides = array<i32>} : memref<16x64xf32, #tpu.memory_space<vmem>>, vector<16xf32>,
    tpu.vector_store %arg8[%swap3A_332, %swap3A_333], %mul3A_330 {strides = array<i32>} : memref<16x64xf32, #tpu.memory_space<vmem>>, vector<16xf32>,
    %mul3A_335 = arith.mulf %scan3A_318#3, %broadcast_in_dim3A_7 : vector<16xf32>
    %swap3A_336 = arith.constant 2 : i32
    %swap3A_337 = arith.index_cast %swap3A_336 : i32 to index
    %swap3A_338 = arith.constant 48 : index
    %swap3A_339 = tpu.vector_load %arg8[%swap3A_337, %swap3A_338] {strides = array<i32>} : memref<16x64xf32, #tpu.memory_space<vmem>>, vector<16xf32>,
    tpu.vector_store %arg8[%swap3A_337, %swap3A_338], %mul3A_335 {strides = array<i32>} : memref<16x64xf32, #tpu.memory_space<vmem>>, vector<16xf32>,
    %scan3A_340 = arith.constant 0 : i32
    %scan3A_341 = arith.constant 32 : i32
    %scan3A_342 = arith.addi %scan3A_340, %scan3A_341 : i32
    %scan3A_343 = arith.constant 1 : i32
    %scan3A_344:4 = scf.for %scan3A_678 = %scan3A_340 to %scan3A_342 step %scan3A_343 iter_args(%scan3A_679 = %broadcast_in_dim3A_5, %scan3A_680 = %broadcast_in_dim3A_5, %scan3A_681 = %broadcast_in_dim3A_5, %scan3A_682 = %broadcast_in_dim3A_5) -> (vector<16xf32>, vector<16xf32>, vector<16xf32>, vector<16xf32>)  : i32 {
      %mul3A_683 = arith.constant 2 : i32
      %mul3A_684 = arith.muli %scan3A_678, %mul3A_683 : i32
      %add3A_685 = arith.constant 0 : i32
      %add3A_686 = arith.addi %mul3A_684, %add3A_685 : i32
      %broadcast_in_dim3A_687 = arith.constant 192 : i32
      %broadcast_in_dim3A_688 = vector.broadcast %broadcast_in_dim3A_687 : i32 to vector<16xi32>
      %add3A_689 = vector.broadcast %add3A_686 : i32 to vector<16xi32>
      %add3A_690 = arith.addi %broadcast_in_dim3A_688, %add3A_689 : vector<16xi32>
      %gather3A = tpu.vector_load_idx %arg7[%add3A_690] : memref<1024xf32, #tpu.memory_space<vmem>>[vector<16xi32>], vector<16xf32>,
      %get3A = arith.index_cast %add3A_686 : i32 to index
      %get3A_691 = arith.constant 0 : index
      %get3A_692 = tpu.vector_load %arg6[%get3A, %get3A_691] {strides = array<i32>} : memref<64x64xf32, #tpu.memory_space<vmem>>, vector<16xf32>,
      %mul3A_693 = arith.mulf %gather3A, %get3A_692 : vector<16xf32>
      %add3A_694 = arith.addf %scan3A_679, %mul3A_693 : vector<16xf32>
      %get3A_695 = arith.index_cast %add3A_686 : i32 to index
      %get3A_696 = arith.constant 16 : index
      %get3A_697 = tpu.vector_load %arg6[%get3A_695, %get3A_696] {strides = array<i32>} : memref<64x64xf32, #tpu.memory_space<vmem>>, vector<16xf32>,
      %mul3A_698 = arith.mulf %gather3A, %get3A_697 : vector<16xf32>
      %add3A_699 = arith.addf %scan3A_680, %mul3A_698 : vector<16xf32>
      %get3A_700 = arith.index_cast %add3A_686 : i32 to index
      %get3A_701 = arith.constant 32 : index
      %get3A_702 = tpu.vector_load %arg6[%get3A_700, %get3A_701] {strides = array<i32>} : memref<64x64xf32, #tpu.memory_space<vmem>>, vector<16xf32>,
      %mul3A_703 = arith.mulf %gather3A, %get3A_702 : vector<16xf32>
      %add3A_704 = arith.addf %scan3A_681, %mul3A_703 : vector<16xf32>
      %get3A_705 = arith.index_cast %add3A_686 : i32 to index
      %get3A_706 = arith.constant 48 : index
      %get3A_707 = tpu.vector_load %arg6[%get3A_705, %get3A_706] {strides = array<i32>} : memref<64x64xf32, #tpu.memory_space<vmem>>, vector<16xf32>,
      %mul3A_708 = arith.mulf %gather3A, %get3A_707 : vector<16xf32>
      %add3A_709 = arith.addf %scan3A_682, %mul3A_708 : vector<16xf32>
      %mul3A_710 = arith.constant 2 : i32
      %mul3A_711 = arith.muli %scan3A_678, %mul3A_710 : i32
      %add3A_712 = arith.constant 1 : i32
      %add3A_713 = arith.addi %mul3A_711, %add3A_712 : i32
      %broadcast_in_dim3A_714 = arith.constant 192 : i32
      %broadcast_in_dim3A_715 = vector.broadcast %broadcast_in_dim3A_714 : i32 to vector<16xi32>
      %add3A_716 = vector.broadcast %add3A_713 : i32 to vector<16xi32>
      %add3A_717 = arith.addi %broadcast_in_dim3A_715, %add3A_716 : vector<16xi32>
      %gather3A_718 = tpu.vector_load_idx %arg7[%add3A_717] : memref<1024xf32, #tpu.memory_space<vmem>>[vector<16xi32>], vector<16xf32>,
      %get3A_719 = arith.index_cast %add3A_713 : i32 to index
      %get3A_720 = arith.constant 0 : index
      %get3A_721 = tpu.vector_load %arg6[%get3A_719, %get3A_720] {strides = array<i32>} : memref<64x64xf32, #tpu.memory_space<vmem>>, vector<16xf32>,
      %mul3A_722 = arith.mulf %gather3A_718, %get3A_721 : vector<16xf32>
      %add3A_723 = arith.addf %add3A_694, %mul3A_722 : vector<16xf32>
      %get3A_724 = arith.index_cast %add3A_713 : i32 to index
      %get3A_725 = arith.constant 16 : index
      %get3A_726 = tpu.vector_load %arg6[%get3A_724, %get3A_725] {strides = array<i32>} : memref<64x64xf32, #tpu.memory_space<vmem>>, vector<16xf32>,
      %mul3A_727 = arith.mulf %gather3A_718, %get3A_726 : vector<16xf32>
      %add3A_728 = arith.addf %add3A_699, %mul3A_727 : vector<16xf32>
      %get3A_729 = arith.index_cast %add3A_713 : i32 to index
      %get3A_730 = arith.constant 32 : index
      %get3A_731 = tpu.vector_load %arg6[%get3A_729, %get3A_730] {strides = array<i32>} : memref<64x64xf32, #tpu.memory_space<vmem>>, vector<16xf32>,
      %mul3A_732 = arith.mulf %gather3A_718, %get3A_731 : vector<16xf32>
      %add3A_733 = arith.addf %add3A_704, %mul3A_732 : vector<16xf32>
      %get3A_734 = arith.index_cast %add3A_713 : i32 to index
      %get3A_735 = arith.constant 48 : index
      %get3A_736 = tpu.vector_load %arg6[%get3A_734, %get3A_735] {strides = array<i32>} : memref<64x64xf32, #tpu.memory_space<vmem>>, vector<16xf32>,
      %mul3A_737 = arith.mulf %gather3A_718, %get3A_736 : vector<16xf32>
      %add3A_738 = arith.addf %add3A_709, %mul3A_737 : vector<16xf32>
      scf.yield %add3A_723, %add3A_728, %add3A_733, %add3A_738 : vector<16xf32>, vector<16xf32>, vector<16xf32>, vector<16xf32>
    }
    %scan3A_345 = arith.constant 32 : i32
    %mul3A_346 = arith.mulf %scan3A_344#0, %broadcast_in_dim3A_7 : vector<16xf32>
    %swap3A_347 = arith.constant 3 : i32
    %swap3A_348 = arith.index_cast %swap3A_347 : i32 to index
    %swap3A_349 = arith.constant 0 : index
    %swap3A_350 = tpu.vector_load %arg8[%swap3A_348, %swap3A_349] {strides = array<i32>} : memref<16x64xf32, #tpu.memory_space<vmem>>, vector<16xf32>,
    tpu.vector_store %arg8[%swap3A_348, %swap3A_349], %mul3A_346 {strides = array<i32>} : memref<16x64xf32, #tpu.memory_space<vmem>>, vector<16xf32>,
    %mul3A_351 = arith.mulf %scan3A_344#1, %broadcast_in_dim3A_7 : vector<16xf32>
    %swap3A_352 = arith.constant 3 : i32
    %swap3A_353 = arith.index_cast %swap3A_352 : i32 to index
    %swap3A_354 = arith.constant 16 : index
    %swap3A_355 = tpu.vector_load %arg8[%swap3A_353, %swap3A_354] {strides = array<i32>} : memref<16x64xf32, #tpu.memory_space<vmem>>, vector<16xf32>,
    tpu.vector_store %arg8[%swap3A_353, %swap3A_354], %mul3A_351 {strides = array<i32>} : memref<16x64xf32, #tpu.memory_space<vmem>>, vector<16xf32>,
    %mul3A_356 = arith.mulf %scan3A_344#2, %broadcast_in_dim3A_7 : vector<16xf32>
    %swap3A_357 = arith.constant 3 : i32
    %swap3A_358 = arith.index_cast %swap3A_357 : i32 to index
    %swap3A_359 = arith.constant 32 : index
    %swap3A_360 = tpu.vector_load %arg8[%swap3A_358, %swap3A_359] {strides = array<i32>} : memref<16x64xf32, #tpu.memory_space<vmem>>, vector<16xf32>,
    tpu.vector_store %arg8[%swap3A_358, %swap3A_359], %mul3A_356 {strides = array<i32>} : memref<16x64xf32, #tpu.memory_space<vmem>>, vector<16xf32>,
    %mul3A_361 = arith.mulf %scan3A_344#3, %broadcast_in_dim3A_7 : vector<16xf32>
    %swap3A_362 = arith.constant 3 : i32
    %swap3A_363 = arith.index_cast %swap3A_362 : i32 to index
    %swap3A_364 = arith.constant 48 : index
    %swap3A_365 = tpu.vector_load %arg8[%swap3A_363, %swap3A_364] {strides = array<i32>} : memref<16x64xf32, #tpu.memory_space<vmem>>, vector<16xf32>,
    tpu.vector_store %arg8[%swap3A_363, %swap3A_364], %mul3A_361 {strides = array<i32>} : memref<16x64xf32, #tpu.memory_space<vmem>>, vector<16xf32>,
    %scan3A_366 = arith.constant 0 : i32
    %scan3A_367 = arith.constant 32 : i32
    %scan3A_368 = arith.addi %scan3A_366, %scan3A_367 : i32
    %scan3A_369 = arith.constant 1 : i32
    %scan3A_370:4 = scf.for %scan3A_678 = %scan3A_366 to %scan3A_368 step %scan3A_369 iter_args(%scan3A_679 = %broadcast_in_dim3A_5, %scan3A_680 = %broadcast_in_dim3A_5, %scan3A_681 = %broadcast_in_dim3A_5, %scan3A_682 = %broadcast_in_dim3A_5) -> (vector<16xf32>, vector<16xf32>, vector<16xf32>, vector<16xf32>)  : i32 {
      %mul3A_683 = arith.constant 2 : i32
      %mul3A_684 = arith.muli %scan3A_678, %mul3A_683 : i32
      %add3A_685 = arith.constant 0 : i32
      %add3A_686 = arith.addi %mul3A_684, %add3A_685 : i32
      %broadcast_in_dim3A_687 = arith.constant 256 : i32
      %broadcast_in_dim3A_688 = vector.broadcast %broadcast_in_dim3A_687 : i32 to vector<16xi32>
      %add3A_689 = vector.broadcast %add3A_686 : i32 to vector<16xi32>
      %add3A_690 = arith.addi %broadcast_in_dim3A_688, %add3A_689 : vector<16xi32>
      %gather3A = tpu.vector_load_idx %arg7[%add3A_690] : memref<1024xf32, #tpu.memory_space<vmem>>[vector<16xi32>], vector<16xf32>,
      %get3A = arith.index_cast %add3A_686 : i32 to index
      %get3A_691 = arith.constant 0 : index
      %get3A_692 = tpu.vector_load %arg6[%get3A, %get3A_691] {strides = array<i32>} : memref<64x64xf32, #tpu.memory_space<vmem>>, vector<16xf32>,
      %mul3A_693 = arith.mulf %gather3A, %get3A_692 : vector<16xf32>
      %add3A_694 = arith.addf %scan3A_679, %mul3A_693 : vector<16xf32>
      %get3A_695 = arith.index_cast %add3A_686 : i32 to index
      %get3A_696 = arith.constant 16 : index
      %get3A_697 = tpu.vector_load %arg6[%get3A_695, %get3A_696] {strides = array<i32>} : memref<64x64xf32, #tpu.memory_space<vmem>>, vector<16xf32>,
      %mul3A_698 = arith.mulf %gather3A, %get3A_697 : vector<16xf32>
      %add3A_699 = arith.addf %scan3A_680, %mul3A_698 : vector<16xf32>
      %get3A_700 = arith.index_cast %add3A_686 : i32 to index
      %get3A_701 = arith.constant 32 : index
      %get3A_702 = tpu.vector_load %arg6[%get3A_700, %get3A_701] {strides = array<i32>} : memref<64x64xf32, #tpu.memory_space<vmem>>, vector<16xf32>,
      %mul3A_703 = arith.mulf %gather3A, %get3A_702 : vector<16xf32>
      %add3A_704 = arith.addf %scan3A_681, %mul3A_703 : vector<16xf32>
      %get3A_705 = arith.index_cast %add3A_686 : i32 to index
      %get3A_706 = arith.constant 48 : index
      %get3A_707 = tpu.vector_load %arg6[%get3A_705, %get3A_706] {strides = array<i32>} : memref<64x64xf32, #tpu.memory_space<vmem>>, vector<16xf32>,
      %mul3A_708 = arith.mulf %gather3A, %get3A_707 : vector<16xf32>
      %add3A_709 = arith.addf %scan3A_682, %mul3A_708 : vector<16xf32>
      %mul3A_710 = arith.constant 2 : i32
      %mul3A_711 = arith.muli %scan3A_678, %mul3A_710 : i32
      %add3A_712 = arith.constant 1 : i32
      %add3A_713 = arith.addi %mul3A_711, %add3A_712 : i32
      %broadcast_in_dim3A_714 = arith.constant 256 : i32
      %broadcast_in_dim3A_715 = vector.broadcast %broadcast_in_dim3A_714 : i32 to vector<16xi32>
      %add3A_716 = vector.broadcast %add3A_713 : i32 to vector<16xi32>
      %add3A_717 = arith.addi %broadcast_in_dim3A_715, %add3A_716 : vector<16xi32>
      %gather3A_718 = tpu.vector_load_idx %arg7[%add3A_717] : memref<1024xf32, #tpu.memory_space<vmem>>[vector<16xi32>], vector<16xf32>,
      %get3A_719 = arith.index_cast %add3A_713 : i32 to index
      %get3A_720 = arith.constant 0 : index
      %get3A_721 = tpu.vector_load %arg6[%get3A_719, %get3A_720] {strides = array<i32>} : memref<64x64xf32, #tpu.memory_space<vmem>>, vector<16xf32>,
      %mul3A_722 = arith.mulf %gather3A_718, %get3A_721 : vector<16xf32>
      %add3A_723 = arith.addf %add3A_694, %mul3A_722 : vector<16xf32>
      %get3A_724 = arith.index_cast %add3A_713 : i32 to index
      %get3A_725 = arith.constant 16 : index
      %get3A_726 = tpu.vector_load %arg6[%get3A_724, %get3A_725] {strides = array<i32>} : memref<64x64xf32, #tpu.memory_space<vmem>>, vector<16xf32>,
      %mul3A_727 = arith.mulf %gather3A_718, %get3A_726 : vector<16xf32>
      %add3A_728 = arith.addf %add3A_699, %mul3A_727 : vector<16xf32>
      %get3A_729 = arith.index_cast %add3A_713 : i32 to index
      %get3A_730 = arith.constant 32 : index
      %get3A_731 = tpu.vector_load %arg6[%get3A_729, %get3A_730] {strides = array<i32>} : memref<64x64xf32, #tpu.memory_space<vmem>>, vector<16xf32>,
      %mul3A_732 = arith.mulf %gather3A_718, %get3A_731 : vector<16xf32>
      %add3A_733 = arith.addf %add3A_704, %mul3A_732 : vector<16xf32>
      %get3A_734 = arith.index_cast %add3A_713 : i32 to index
      %get3A_735 = arith.constant 48 : index
      %get3A_736 = tpu.vector_load %arg6[%get3A_734, %get3A_735] {strides = array<i32>} : memref<64x64xf32, #tpu.memory_space<vmem>>, vector<16xf32>,
      %mul3A_737 = arith.mulf %gather3A_718, %get3A_736 : vector<16xf32>
      %add3A_738 = arith.addf %add3A_709, %mul3A_737 : vector<16xf32>
      scf.yield %add3A_723, %add3A_728, %add3A_733, %add3A_738 : vector<16xf32>, vector<16xf32>, vector<16xf32>, vector<16xf32>
    }
    %scan3A_371 = arith.constant 32 : i32
    %mul3A_372 = arith.mulf %scan3A_370#0, %broadcast_in_dim3A_7 : vector<16xf32>
    %swap3A_373 = arith.constant 4 : i32
    %swap3A_374 = arith.index_cast %swap3A_373 : i32 to index
    %swap3A_375 = arith.constant 0 : index
    %swap3A_376 = tpu.vector_load %arg8[%swap3A_374, %swap3A_375] {strides = array<i32>} : memref<16x64xf32, #tpu.memory_space<vmem>>, vector<16xf32>,
    tpu.vector_store %arg8[%swap3A_374, %swap3A_375], %mul3A_372 {strides = array<i32>} : memref<16x64xf32, #tpu.memory_space<vmem>>, vector<16xf32>,
    %mul3A_377 = arith.mulf %scan3A_370#1, %broadcast_in_dim3A_7 : vector<16xf32>
    %swap3A_378 = arith.constant 4 : i32
    %swap3A_379 = arith.index_cast %swap3A_378 : i32 to index
    %swap3A_380 = arith.constant 16 : index
    %swap3A_381 = tpu.vector_load %arg8[%swap3A_379, %swap3A_380] {strides = array<i32>} : memref<16x64xf32, #tpu.memory_space<vmem>>, vector<16xf32>,
    tpu.vector_store %arg8[%swap3A_379, %swap3A_380], %mul3A_377 {strides = array<i32>} : memref<16x64xf32, #tpu.memory_space<vmem>>, vector<16xf32>,
    %mul3A_382 = arith.mulf %scan3A_370#2, %broadcast_in_dim3A_7 : vector<16xf32>
    %swap3A_383 = arith.constant 4 : i32
    %swap3A_384 = arith.index_cast %swap3A_383 : i32 to index
    %swap3A_385 = arith.constant 32 : index
    %swap3A_386 = tpu.vector_load %arg8[%swap3A_384, %swap3A_385] {strides = array<i32>} : memref<16x64xf32, #tpu.memory_space<vmem>>, vector<16xf32>,
    tpu.vector_store %arg8[%swap3A_384, %swap3A_385], %mul3A_382 {strides = array<i32>} : memref<16x64xf32, #tpu.memory_space<vmem>>, vector<16xf32>,
    %mul3A_387 = arith.mulf %scan3A_370#3, %broadcast_in_dim3A_7 : vector<16xf32>
    %swap3A_388 = arith.constant 4 : i32
    %swap3A_389 = arith.index_cast %swap3A_388 : i32 to index
    %swap3A_390 = arith.constant 48 : index
    %swap3A_391 = tpu.vector_load %arg8[%swap3A_389, %swap3A_390] {strides = array<i32>} : memref<16x64xf32, #tpu.memory_space<vmem>>, vector<16xf32>,
    tpu.vector_store %arg8[%swap3A_389, %swap3A_390], %mul3A_387 {strides = array<i32>} : memref<16x64xf32, #tpu.memory_space<vmem>>, vector<16xf32>,
    %scan3A_392 = arith.constant 0 : i32
    %scan3A_393 = arith.constant 32 : i32
    %scan3A_394 = arith.addi %scan3A_392, %scan3A_393 : i32
    %scan3A_395 = arith.constant 1 : i32
    %scan3A_396:4 = scf.for %scan3A_678 = %scan3A_392 to %scan3A_394 step %scan3A_395 iter_args(%scan3A_679 = %broadcast_in_dim3A_5, %scan3A_680 = %broadcast_in_dim3A_5, %scan3A_681 = %broadcast_in_dim3A_5, %scan3A_682 = %broadcast_in_dim3A_5) -> (vector<16xf32>, vector<16xf32>, vector<16xf32>, vector<16xf32>)  : i32 {
      %mul3A_683 = arith.constant 2 : i32
      %mul3A_684 = arith.muli %scan3A_678, %mul3A_683 : i32
      %add3A_685 = arith.constant 0 : i32
      %add3A_686 = arith.addi %mul3A_684, %add3A_685 : i32
      %broadcast_in_dim3A_687 = arith.constant 320 : i32
      %broadcast_in_dim3A_688 = vector.broadcast %broadcast_in_dim3A_687 : i32 to vector<16xi32>
      %add3A_689 = vector.broadcast %add3A_686 : i32 to vector<16xi32>
      %add3A_690 = arith.addi %broadcast_in_dim3A_688, %add3A_689 : vector<16xi32>
      %gather3A = tpu.vector_load_idx %arg7[%add3A_690] : memref<1024xf32, #tpu.memory_space<vmem>>[vector<16xi32>], vector<16xf32>,
      %get3A = arith.index_cast %add3A_686 : i32 to index
      %get3A_691 = arith.constant 0 : index
      %get3A_692 = tpu.vector_load %arg6[%get3A, %get3A_691] {strides = array<i32>} : memref<64x64xf32, #tpu.memory_space<vmem>>, vector<16xf32>,
      %mul3A_693 = arith.mulf %gather3A, %get3A_692 : vector<16xf32>
      %add3A_694 = arith.addf %scan3A_679, %mul3A_693 : vector<16xf32>
      %get3A_695 = arith.index_cast %add3A_686 : i32 to index
      %get3A_696 = arith.constant 16 : index
      %get3A_697 = tpu.vector_load %arg6[%get3A_695, %get3A_696] {strides = array<i32>} : memref<64x64xf32, #tpu.memory_space<vmem>>, vector<16xf32>,
      %mul3A_698 = arith.mulf %gather3A, %get3A_697 : vector<16xf32>
      %add3A_699 = arith.addf %scan3A_680, %mul3A_698 : vector<16xf32>
      %get3A_700 = arith.index_cast %add3A_686 : i32 to index
      %get3A_701 = arith.constant 32 : index
      %get3A_702 = tpu.vector_load %arg6[%get3A_700, %get3A_701] {strides = array<i32>} : memref<64x64xf32, #tpu.memory_space<vmem>>, vector<16xf32>,
      %mul3A_703 = arith.mulf %gather3A, %get3A_702 : vector<16xf32>
      %add3A_704 = arith.addf %scan3A_681, %mul3A_703 : vector<16xf32>
      %get3A_705 = arith.index_cast %add3A_686 : i32 to index
      %get3A_706 = arith.constant 48 : index
      %get3A_707 = tpu.vector_load %arg6[%get3A_705, %get3A_706] {strides = array<i32>} : memref<64x64xf32, #tpu.memory_space<vmem>>, vector<16xf32>,
      %mul3A_708 = arith.mulf %gather3A, %get3A_707 : vector<16xf32>
      %add3A_709 = arith.addf %scan3A_682, %mul3A_708 : vector<16xf32>
      %mul3A_710 = arith.constant 2 : i32
      %mul3A_711 = arith.muli %scan3A_678, %mul3A_710 : i32
      %add3A_712 = arith.constant 1 : i32
      %add3A_713 = arith.addi %mul3A_711, %add3A_712 : i32
      %broadcast_in_dim3A_714 = arith.constant 320 : i32
      %broadcast_in_dim3A_715 = vector.broadcast %broadcast_in_dim3A_714 : i32 to vector<16xi32>
      %add3A_716 = vector.broadcast %add3A_713 : i32 to vector<16xi32>
      %add3A_717 = arith.addi %broadcast_in_dim3A_715, %add3A_716 : vector<16xi32>
      %gather3A_718 = tpu.vector_load_idx %arg7[%add3A_717] : memref<1024xf32, #tpu.memory_space<vmem>>[vector<16xi32>], vector<16xf32>,
      %get3A_719 = arith.index_cast %add3A_713 : i32 to index
      %get3A_720 = arith.constant 0 : index
      %get3A_721 = tpu.vector_load %arg6[%get3A_719, %get3A_720] {strides = array<i32>} : memref<64x64xf32, #tpu.memory_space<vmem>>, vector<16xf32>,
      %mul3A_722 = arith.mulf %gather3A_718, %get3A_721 : vector<16xf32>
      %add3A_723 = arith.addf %add3A_694, %mul3A_722 : vector<16xf32>
      %get3A_724 = arith.index_cast %add3A_713 : i32 to index
      %get3A_725 = arith.constant 16 : index
      %get3A_726 = tpu.vector_load %arg6[%get3A_724, %get3A_725] {strides = array<i32>} : memref<64x64xf32, #tpu.memory_space<vmem>>, vector<16xf32>,
      %mul3A_727 = arith.mulf %gather3A_718, %get3A_726 : vector<16xf32>
      %add3A_728 = arith.addf %add3A_699, %mul3A_727 : vector<16xf32>
      %get3A_729 = arith.index_cast %add3A_713 : i32 to index
      %get3A_730 = arith.constant 32 : index
      %get3A_731 = tpu.vector_load %arg6[%get3A_729, %get3A_730] {strides = array<i32>} : memref<64x64xf32, #tpu.memory_space<vmem>>, vector<16xf32>,
      %mul3A_732 = arith.mulf %gather3A_718, %get3A_731 : vector<16xf32>
      %add3A_733 = arith.addf %add3A_704, %mul3A_732 : vector<16xf32>
      %get3A_734 = arith.index_cast %add3A_713 : i32 to index
      %get3A_735 = arith.constant 48 : index
      %get3A_736 = tpu.vector_load %arg6[%get3A_734, %get3A_735] {strides = array<i32>} : memref<64x64xf32, #tpu.memory_space<vmem>>, vector<16xf32>,
      %mul3A_737 = arith.mulf %gather3A_718, %get3A_736 : vector<16xf32>
      %add3A_738 = arith.addf %add3A_709, %mul3A_737 : vector<16xf32>
      scf.yield %add3A_723, %add3A_728, %add3A_733, %add3A_738 : vector<16xf32>, vector<16xf32>, vector<16xf32>, vector<16xf32>
    }
    %scan3A_397 = arith.constant 32 : i32
    %mul3A_398 = arith.mulf %scan3A_396#0, %broadcast_in_dim3A_7 : vector<16xf32>
    %swap3A_399 = arith.constant 5 : i32
    %swap3A_400 = arith.index_cast %swap3A_399 : i32 to index
    %swap3A_401 = arith.constant 0 : index
    %swap3A_402 = tpu.vector_load %arg8[%swap3A_400, %swap3A_401] {strides = array<i32>} : memref<16x64xf32, #tpu.memory_space<vmem>>, vector<16xf32>,
    tpu.vector_store %arg8[%swap3A_400, %swap3A_401], %mul3A_398 {strides = array<i32>} : memref<16x64xf32, #tpu.memory_space<vmem>>, vector<16xf32>,
    %mul3A_403 = arith.mulf %scan3A_396#1, %broadcast_in_dim3A_7 : vector<16xf32>
    %swap3A_404 = arith.constant 5 : i32
    %swap3A_405 = arith.index_cast %swap3A_404 : i32 to index
    %swap3A_406 = arith.constant 16 : index
    %swap3A_407 = tpu.vector_load %arg8[%swap3A_405, %swap3A_406] {strides = array<i32>} : memref<16x64xf32, #tpu.memory_space<vmem>>, vector<16xf32>,
    tpu.vector_store %arg8[%swap3A_405, %swap3A_406], %mul3A_403 {strides = array<i32>} : memref<16x64xf32, #tpu.memory_space<vmem>>, vector<16xf32>,
    %mul3A_408 = arith.mulf %scan3A_396#2, %broadcast_in_dim3A_7 : vector<16xf32>
    %swap3A_409 = arith.constant 5 : i32
    %swap3A_410 = arith.index_cast %swap3A_409 : i32 to index
    %swap3A_411 = arith.constant 32 : index
    %swap3A_412 = tpu.vector_load %arg8[%swap3A_410, %swap3A_411] {strides = array<i32>} : memref<16x64xf32, #tpu.memory_space<vmem>>, vector<16xf32>,
    tpu.vector_store %arg8[%swap3A_410, %swap3A_411], %mul3A_408 {strides = array<i32>} : memref<16x64xf32, #tpu.memory_space<vmem>>, vector<16xf32>,
    %mul3A_413 = arith.mulf %scan3A_396#3, %broadcast_in_dim3A_7 : vector<16xf32>
    %swap3A_414 = arith.constant 5 : i32
    %swap3A_415 = arith.index_cast %swap3A_414 : i32 to index
    %swap3A_416 = arith.constant 48 : index
    %swap3A_417 = tpu.vector_load %arg8[%swap3A_415, %swap3A_416] {strides = array<i32>} : memref<16x64xf32, #tpu.memory_space<vmem>>, vector<16xf32>,
    tpu.vector_store %arg8[%swap3A_415, %swap3A_416], %mul3A_413 {strides = array<i32>} : memref<16x64xf32, #tpu.memory_space<vmem>>, vector<16xf32>,
    %scan3A_418 = arith.constant 0 : i32
    %scan3A_419 = arith.constant 32 : i32
    %scan3A_420 = arith.addi %scan3A_418, %scan3A_419 : i32
    %scan3A_421 = arith.constant 1 : i32
    %scan3A_422:4 = scf.for %scan3A_678 = %scan3A_418 to %scan3A_420 step %scan3A_421 iter_args(%scan3A_679 = %broadcast_in_dim3A_5, %scan3A_680 = %broadcast_in_dim3A_5, %scan3A_681 = %broadcast_in_dim3A_5, %scan3A_682 = %broadcast_in_dim3A_5) -> (vector<16xf32>, vector<16xf32>, vector<16xf32>, vector<16xf32>)  : i32 {
      %mul3A_683 = arith.constant 2 : i32
      %mul3A_684 = arith.muli %scan3A_678, %mul3A_683 : i32
      %add3A_685 = arith.constant 0 : i32
      %add3A_686 = arith.addi %mul3A_684, %add3A_685 : i32
      %broadcast_in_dim3A_687 = arith.constant 384 : i32
      %broadcast_in_dim3A_688 = vector.broadcast %broadcast_in_dim3A_687 : i32 to vector<16xi32>
      %add3A_689 = vector.broadcast %add3A_686 : i32 to vector<16xi32>
      %add3A_690 = arith.addi %broadcast_in_dim3A_688, %add3A_689 : vector<16xi32>
      %gather3A = tpu.vector_load_idx %arg7[%add3A_690] : memref<1024xf32, #tpu.memory_space<vmem>>[vector<16xi32>], vector<16xf32>,
      %get3A = arith.index_cast %add3A_686 : i32 to index
      %get3A_691 = arith.constant 0 : index
      %get3A_692 = tpu.vector_load %arg6[%get3A, %get3A_691] {strides = array<i32>} : memref<64x64xf32, #tpu.memory_space<vmem>>, vector<16xf32>,
      %mul3A_693 = arith.mulf %gather3A, %get3A_692 : vector<16xf32>
      %add3A_694 = arith.addf %scan3A_679, %mul3A_693 : vector<16xf32>
      %get3A_695 = arith.index_cast %add3A_686 : i32 to index
      %get3A_696 = arith.constant 16 : index
      %get3A_697 = tpu.vector_load %arg6[%get3A_695, %get3A_696] {strides = array<i32>} : memref<64x64xf32, #tpu.memory_space<vmem>>, vector<16xf32>,
      %mul3A_698 = arith.mulf %gather3A, %get3A_697 : vector<16xf32>
      %add3A_699 = arith.addf %scan3A_680, %mul3A_698 : vector<16xf32>
      %get3A_700 = arith.index_cast %add3A_686 : i32 to index
      %get3A_701 = arith.constant 32 : index
      %get3A_702 = tpu.vector_load %arg6[%get3A_700, %get3A_701] {strides = array<i32>} : memref<64x64xf32, #tpu.memory_space<vmem>>, vector<16xf32>,
      %mul3A_703 = arith.mulf %gather3A, %get3A_702 : vector<16xf32>
      %add3A_704 = arith.addf %scan3A_681, %mul3A_703 : vector<16xf32>
      %get3A_705 = arith.index_cast %add3A_686 : i32 to index
      %get3A_706 = arith.constant 48 : index
      %get3A_707 = tpu.vector_load %arg6[%get3A_705, %get3A_706] {strides = array<i32>} : memref<64x64xf32, #tpu.memory_space<vmem>>, vector<16xf32>,
      %mul3A_708 = arith.mulf %gather3A, %get3A_707 : vector<16xf32>
      %add3A_709 = arith.addf %scan3A_682, %mul3A_708 : vector<16xf32>
      %mul3A_710 = arith.constant 2 : i32
      %mul3A_711 = arith.muli %scan3A_678, %mul3A_710 : i32
      %add3A_712 = arith.constant 1 : i32
      %add3A_713 = arith.addi %mul3A_711, %add3A_712 : i32
      %broadcast_in_dim3A_714 = arith.constant 384 : i32
      %broadcast_in_dim3A_715 = vector.broadcast %broadcast_in_dim3A_714 : i32 to vector<16xi32>
      %add3A_716 = vector.broadcast %add3A_713 : i32 to vector<16xi32>
      %add3A_717 = arith.addi %broadcast_in_dim3A_715, %add3A_716 : vector<16xi32>
      %gather3A_718 = tpu.vector_load_idx %arg7[%add3A_717] : memref<1024xf32, #tpu.memory_space<vmem>>[vector<16xi32>], vector<16xf32>,
      %get3A_719 = arith.index_cast %add3A_713 : i32 to index
      %get3A_720 = arith.constant 0 : index
      %get3A_721 = tpu.vector_load %arg6[%get3A_719, %get3A_720] {strides = array<i32>} : memref<64x64xf32, #tpu.memory_space<vmem>>, vector<16xf32>,
      %mul3A_722 = arith.mulf %gather3A_718, %get3A_721 : vector<16xf32>
      %add3A_723 = arith.addf %add3A_694, %mul3A_722 : vector<16xf32>
      %get3A_724 = arith.index_cast %add3A_713 : i32 to index
      %get3A_725 = arith.constant 16 : index
      %get3A_726 = tpu.vector_load %arg6[%get3A_724, %get3A_725] {strides = array<i32>} : memref<64x64xf32, #tpu.memory_space<vmem>>, vector<16xf32>,
      %mul3A_727 = arith.mulf %gather3A_718, %get3A_726 : vector<16xf32>
      %add3A_728 = arith.addf %add3A_699, %mul3A_727 : vector<16xf32>
      %get3A_729 = arith.index_cast %add3A_713 : i32 to index
      %get3A_730 = arith.constant 32 : index
      %get3A_731 = tpu.vector_load %arg6[%get3A_729, %get3A_730] {strides = array<i32>} : memref<64x64xf32, #tpu.memory_space<vmem>>, vector<16xf32>,
      %mul3A_732 = arith.mulf %gather3A_718, %get3A_731 : vector<16xf32>
      %add3A_733 = arith.addf %add3A_704, %mul3A_732 : vector<16xf32>
      %get3A_734 = arith.index_cast %add3A_713 : i32 to index
      %get3A_735 = arith.constant 48 : index
      %get3A_736 = tpu.vector_load %arg6[%get3A_734, %get3A_735] {strides = array<i32>} : memref<64x64xf32, #tpu.memory_space<vmem>>, vector<16xf32>,
      %mul3A_737 = arith.mulf %gather3A_718, %get3A_736 : vector<16xf32>
      %add3A_738 = arith.addf %add3A_709, %mul3A_737 : vector<16xf32>
      scf.yield %add3A_723, %add3A_728, %add3A_733, %add3A_738 : vector<16xf32>, vector<16xf32>, vector<16xf32>, vector<16xf32>
    }
    %scan3A_423 = arith.constant 32 : i32
    %mul3A_424 = arith.mulf %scan3A_422#0, %broadcast_in_dim3A_7 : vector<16xf32>
    %swap3A_425 = arith.constant 6 : i32
    %swap3A_426 = arith.index_cast %swap3A_425 : i32 to index
    %swap3A_427 = arith.constant 0 : index
    %swap3A_428 = tpu.vector_load %arg8[%swap3A_426, %swap3A_427] {strides = array<i32>} : memref<16x64xf32, #tpu.memory_space<vmem>>, vector<16xf32>,
    tpu.vector_store %arg8[%swap3A_426, %swap3A_427], %mul3A_424 {strides = array<i32>} : memref<16x64xf32, #tpu.memory_space<vmem>>, vector<16xf32>,
    %mul3A_429 = arith.mulf %scan3A_422#1, %broadcast_in_dim3A_7 : vector<16xf32>
    %swap3A_430 = arith.constant 6 : i32
    %swap3A_431 = arith.index_cast %swap3A_430 : i32 to index
    %swap3A_432 = arith.constant 16 : index
    %swap3A_433 = tpu.vector_load %arg8[%swap3A_431, %swap3A_432] {strides = array<i32>} : memref<16x64xf32, #tpu.memory_space<vmem>>, vector<16xf32>,
    tpu.vector_store %arg8[%swap3A_431, %swap3A_432], %mul3A_429 {strides = array<i32>} : memref<16x64xf32, #tpu.memory_space<vmem>>, vector<16xf32>,
    %mul3A_434 = arith.mulf %scan3A_422#2, %broadcast_in_dim3A_7 : vector<16xf32>
    %swap3A_435 = arith.constant 6 : i32
    %swap3A_436 = arith.index_cast %swap3A_435 : i32 to index
    %swap3A_437 = arith.constant 32 : index
    %swap3A_438 = tpu.vector_load %arg8[%swap3A_436, %swap3A_437] {strides = array<i32>} : memref<16x64xf32, #tpu.memory_space<vmem>>, vector<16xf32>,
    tpu.vector_store %arg8[%swap3A_436, %swap3A_437], %mul3A_434 {strides = array<i32>} : memref<16x64xf32, #tpu.memory_space<vmem>>, vector<16xf32>,
    %mul3A_439 = arith.mulf %scan3A_422#3, %broadcast_in_dim3A_7 : vector<16xf32>
    %swap3A_440 = arith.constant 6 : i32
    %swap3A_441 = arith.index_cast %swap3A_440 : i32 to index
    %swap3A_442 = arith.constant 48 : index
    %swap3A_443 = tpu.vector_load %arg8[%swap3A_441, %swap3A_442] {strides = array<i32>} : memref<16x64xf32, #tpu.memory_space<vmem>>, vector<16xf32>,
    tpu.vector_store %arg8[%swap3A_441, %swap3A_442], %mul3A_439 {strides = array<i32>} : memref<16x64xf32, #tpu.memory_space<vmem>>, vector<16xf32>,
    %scan3A_444 = arith.constant 0 : i32
    %scan3A_445 = arith.constant 32 : i32
    %scan3A_446 = arith.addi %scan3A_444, %scan3A_445 : i32
    %scan3A_447 = arith.constant 1 : i32
    %scan3A_448:4 = scf.for %scan3A_678 = %scan3A_444 to %scan3A_446 step %scan3A_447 iter_args(%scan3A_679 = %broadcast_in_dim3A_5, %scan3A_680 = %broadcast_in_dim3A_5, %scan3A_681 = %broadcast_in_dim3A_5, %scan3A_682 = %broadcast_in_dim3A_5) -> (vector<16xf32>, vector<16xf32>, vector<16xf32>, vector<16xf32>)  : i32 {
      %mul3A_683 = arith.constant 2 : i32
      %mul3A_684 = arith.muli %scan3A_678, %mul3A_683 : i32
      %add3A_685 = arith.constant 0 : i32
      %add3A_686 = arith.addi %mul3A_684, %add3A_685 : i32
      %broadcast_in_dim3A_687 = arith.constant 448 : i32
      %broadcast_in_dim3A_688 = vector.broadcast %broadcast_in_dim3A_687 : i32 to vector<16xi32>
      %add3A_689 = vector.broadcast %add3A_686 : i32 to vector<16xi32>
      %add3A_690 = arith.addi %broadcast_in_dim3A_688, %add3A_689 : vector<16xi32>
      %gather3A = tpu.vector_load_idx %arg7[%add3A_690] : memref<1024xf32, #tpu.memory_space<vmem>>[vector<16xi32>], vector<16xf32>,
      %get3A = arith.index_cast %add3A_686 : i32 to index
      %get3A_691 = arith.constant 0 : index
      %get3A_692 = tpu.vector_load %arg6[%get3A, %get3A_691] {strides = array<i32>} : memref<64x64xf32, #tpu.memory_space<vmem>>, vector<16xf32>,
      %mul3A_693 = arith.mulf %gather3A, %get3A_692 : vector<16xf32>
      %add3A_694 = arith.addf %scan3A_679, %mul3A_693 : vector<16xf32>
      %get3A_695 = arith.index_cast %add3A_686 : i32 to index
      %get3A_696 = arith.constant 16 : index
      %get3A_697 = tpu.vector_load %arg6[%get3A_695, %get3A_696] {strides = array<i32>} : memref<64x64xf32, #tpu.memory_space<vmem>>, vector<16xf32>,
      %mul3A_698 = arith.mulf %gather3A, %get3A_697 : vector<16xf32>
      %add3A_699 = arith.addf %scan3A_680, %mul3A_698 : vector<16xf32>
      %get3A_700 = arith.index_cast %add3A_686 : i32 to index
      %get3A_701 = arith.constant 32 : index
      %get3A_702 = tpu.vector_load %arg6[%get3A_700, %get3A_701] {strides = array<i32>} : memref<64x64xf32, #tpu.memory_space<vmem>>, vector<16xf32>,
      %mul3A_703 = arith.mulf %gather3A, %get3A_702 : vector<16xf32>
      %add3A_704 = arith.addf %scan3A_681, %mul3A_703 : vector<16xf32>
      %get3A_705 = arith.index_cast %add3A_686 : i32 to index
      %get3A_706 = arith.constant 48 : index
      %get3A_707 = tpu.vector_load %arg6[%get3A_705, %get3A_706] {strides = array<i32>} : memref<64x64xf32, #tpu.memory_space<vmem>>, vector<16xf32>,
      %mul3A_708 = arith.mulf %gather3A, %get3A_707 : vector<16xf32>
      %add3A_709 = arith.addf %scan3A_682, %mul3A_708 : vector<16xf32>
      %mul3A_710 = arith.constant 2 : i32
      %mul3A_711 = arith.muli %scan3A_678, %mul3A_710 : i32
      %add3A_712 = arith.constant 1 : i32
      %add3A_713 = arith.addi %mul3A_711, %add3A_712 : i32
      %broadcast_in_dim3A_714 = arith.constant 448 : i32
      %broadcast_in_dim3A_715 = vector.broadcast %broadcast_in_dim3A_714 : i32 to vector<16xi32>
      %add3A_716 = vector.broadcast %add3A_713 : i32 to vector<16xi32>
      %add3A_717 = arith.addi %broadcast_in_dim3A_715, %add3A_716 : vector<16xi32>
      %gather3A_718 = tpu.vector_load_idx %arg7[%add3A_717] : memref<1024xf32, #tpu.memory_space<vmem>>[vector<16xi32>], vector<16xf32>,
      %get3A_719 = arith.index_cast %add3A_713 : i32 to index
      %get3A_720 = arith.constant 0 : index
      %get3A_721 = tpu.vector_load %arg6[%get3A_719, %get3A_720] {strides = array<i32>} : memref<64x64xf32, #tpu.memory_space<vmem>>, vector<16xf32>,
      %mul3A_722 = arith.mulf %gather3A_718, %get3A_721 : vector<16xf32>
      %add3A_723 = arith.addf %add3A_694, %mul3A_722 : vector<16xf32>
      %get3A_724 = arith.index_cast %add3A_713 : i32 to index
      %get3A_725 = arith.constant 16 : index
      %get3A_726 = tpu.vector_load %arg6[%get3A_724, %get3A_725] {strides = array<i32>} : memref<64x64xf32, #tpu.memory_space<vmem>>, vector<16xf32>,
      %mul3A_727 = arith.mulf %gather3A_718, %get3A_726 : vector<16xf32>
      %add3A_728 = arith.addf %add3A_699, %mul3A_727 : vector<16xf32>
      %get3A_729 = arith.index_cast %add3A_713 : i32 to index
      %get3A_730 = arith.constant 32 : index
      %get3A_731 = tpu.vector_load %arg6[%get3A_729, %get3A_730] {strides = array<i32>} : memref<64x64xf32, #tpu.memory_space<vmem>>, vector<16xf32>,
      %mul3A_732 = arith.mulf %gather3A_718, %get3A_731 : vector<16xf32>
      %add3A_733 = arith.addf %add3A_704, %mul3A_732 : vector<16xf32>
      %get3A_734 = arith.index_cast %add3A_713 : i32 to index
      %get3A_735 = arith.constant 48 : index
      %get3A_736 = tpu.vector_load %arg6[%get3A_734, %get3A_735] {strides = array<i32>} : memref<64x64xf32, #tpu.memory_space<vmem>>, vector<16xf32>,
      %mul3A_737 = arith.mulf %gather3A_718, %get3A_736 : vector<16xf32>
      %add3A_738 = arith.addf %add3A_709, %mul3A_737 : vector<16xf32>
      scf.yield %add3A_723, %add3A_728, %add3A_733, %add3A_738 : vector<16xf32>, vector<16xf32>, vector<16xf32>, vector<16xf32>
    }
    %scan3A_449 = arith.constant 32 : i32
    %mul3A_450 = arith.mulf %scan3A_448#0, %broadcast_in_dim3A_7 : vector<16xf32>
    %swap3A_451 = arith.constant 7 : i32
    %swap3A_452 = arith.index_cast %swap3A_451 : i32 to index
    %swap3A_453 = arith.constant 0 : index
    %swap3A_454 = tpu.vector_load %arg8[%swap3A_452, %swap3A_453] {strides = array<i32>} : memref<16x64xf32, #tpu.memory_space<vmem>>, vector<16xf32>,
    tpu.vector_store %arg8[%swap3A_452, %swap3A_453], %mul3A_450 {strides = array<i32>} : memref<16x64xf32, #tpu.memory_space<vmem>>, vector<16xf32>,
    %mul3A_455 = arith.mulf %scan3A_448#1, %broadcast_in_dim3A_7 : vector<16xf32>
    %swap3A_456 = arith.constant 7 : i32
    %swap3A_457 = arith.index_cast %swap3A_456 : i32 to index
    %swap3A_458 = arith.constant 16 : index
    %swap3A_459 = tpu.vector_load %arg8[%swap3A_457, %swap3A_458] {strides = array<i32>} : memref<16x64xf32, #tpu.memory_space<vmem>>, vector<16xf32>,
    tpu.vector_store %arg8[%swap3A_457, %swap3A_458], %mul3A_455 {strides = array<i32>} : memref<16x64xf32, #tpu.memory_space<vmem>>, vector<16xf32>,
    %mul3A_460 = arith.mulf %scan3A_448#2, %broadcast_in_dim3A_7 : vector<16xf32>
    %swap3A_461 = arith.constant 7 : i32
    %swap3A_462 = arith.index_cast %swap3A_461 : i32 to index
    %swap3A_463 = arith.constant 32 : index
    %swap3A_464 = tpu.vector_load %arg8[%swap3A_462, %swap3A_463] {strides = array<i32>} : memref<16x64xf32, #tpu.memory_space<vmem>>, vector<16xf32>,
    tpu.vector_store %arg8[%swap3A_462, %swap3A_463], %mul3A_460 {strides = array<i32>} : memref<16x64xf32, #tpu.memory_space<vmem>>, vector<16xf32>,
    %mul3A_465 = arith.mulf %scan3A_448#3, %broadcast_in_dim3A_7 : vector<16xf32>
    %swap3A_466 = arith.constant 7 : i32
    %swap3A_467 = arith.index_cast %swap3A_466 : i32 to index
    %swap3A_468 = arith.constant 48 : index
    %swap3A_469 = tpu.vector_load %arg8[%swap3A_467, %swap3A_468] {strides = array<i32>} : memref<16x64xf32, #tpu.memory_space<vmem>>, vector<16xf32>,
    tpu.vector_store %arg8[%swap3A_467, %swap3A_468], %mul3A_465 {strides = array<i32>} : memref<16x64xf32, #tpu.memory_space<vmem>>, vector<16xf32>,
    %scan3A_470 = arith.constant 0 : i32
    %scan3A_471 = arith.constant 32 : i32
    %scan3A_472 = arith.addi %scan3A_470, %scan3A_471 : i32
    %scan3A_473 = arith.constant 1 : i32
    %scan3A_474:4 = scf.for %scan3A_678 = %scan3A_470 to %scan3A_472 step %scan3A_473 iter_args(%scan3A_679 = %broadcast_in_dim3A_5, %scan3A_680 = %broadcast_in_dim3A_5, %scan3A_681 = %broadcast_in_dim3A_5, %scan3A_682 = %broadcast_in_dim3A_5) -> (vector<16xf32>, vector<16xf32>, vector<16xf32>, vector<16xf32>)  : i32 {
      %mul3A_683 = arith.constant 2 : i32
      %mul3A_684 = arith.muli %scan3A_678, %mul3A_683 : i32
      %add3A_685 = arith.constant 0 : i32
      %add3A_686 = arith.addi %mul3A_684, %add3A_685 : i32
      %broadcast_in_dim3A_687 = arith.constant 512 : i32
      %broadcast_in_dim3A_688 = vector.broadcast %broadcast_in_dim3A_687 : i32 to vector<16xi32>
      %add3A_689 = vector.broadcast %add3A_686 : i32 to vector<16xi32>
      %add3A_690 = arith.addi %broadcast_in_dim3A_688, %add3A_689 : vector<16xi32>
      %gather3A = tpu.vector_load_idx %arg7[%add3A_690] : memref<1024xf32, #tpu.memory_space<vmem>>[vector<16xi32>], vector<16xf32>,
      %get3A = arith.index_cast %add3A_686 : i32 to index
      %get3A_691 = arith.constant 0 : index
      %get3A_692 = tpu.vector_load %arg6[%get3A, %get3A_691] {strides = array<i32>} : memref<64x64xf32, #tpu.memory_space<vmem>>, vector<16xf32>,
      %mul3A_693 = arith.mulf %gather3A, %get3A_692 : vector<16xf32>
      %add3A_694 = arith.addf %scan3A_679, %mul3A_693 : vector<16xf32>
      %get3A_695 = arith.index_cast %add3A_686 : i32 to index
      %get3A_696 = arith.constant 16 : index
      %get3A_697 = tpu.vector_load %arg6[%get3A_695, %get3A_696] {strides = array<i32>} : memref<64x64xf32, #tpu.memory_space<vmem>>, vector<16xf32>,
      %mul3A_698 = arith.mulf %gather3A, %get3A_697 : vector<16xf32>
      %add3A_699 = arith.addf %scan3A_680, %mul3A_698 : vector<16xf32>
      %get3A_700 = arith.index_cast %add3A_686 : i32 to index
      %get3A_701 = arith.constant 32 : index
      %get3A_702 = tpu.vector_load %arg6[%get3A_700, %get3A_701] {strides = array<i32>} : memref<64x64xf32, #tpu.memory_space<vmem>>, vector<16xf32>,
      %mul3A_703 = arith.mulf %gather3A, %get3A_702 : vector<16xf32>
      %add3A_704 = arith.addf %scan3A_681, %mul3A_703 : vector<16xf32>
      %get3A_705 = arith.index_cast %add3A_686 : i32 to index
      %get3A_706 = arith.constant 48 : index
      %get3A_707 = tpu.vector_load %arg6[%get3A_705, %get3A_706] {strides = array<i32>} : memref<64x64xf32, #tpu.memory_space<vmem>>, vector<16xf32>,
      %mul3A_708 = arith.mulf %gather3A, %get3A_707 : vector<16xf32>
      %add3A_709 = arith.addf %scan3A_682, %mul3A_708 : vector<16xf32>
      %mul3A_710 = arith.constant 2 : i32
      %mul3A_711 = arith.muli %scan3A_678, %mul3A_710 : i32
      %add3A_712 = arith.constant 1 : i32
      %add3A_713 = arith.addi %mul3A_711, %add3A_712 : i32
      %broadcast_in_dim3A_714 = arith.constant 512 : i32
      %broadcast_in_dim3A_715 = vector.broadcast %broadcast_in_dim3A_714 : i32 to vector<16xi32>
      %add3A_716 = vector.broadcast %add3A_713 : i32 to vector<16xi32>
      %add3A_717 = arith.addi %broadcast_in_dim3A_715, %add3A_716 : vector<16xi32>
      %gather3A_718 = tpu.vector_load_idx %arg7[%add3A_717] : memref<1024xf32, #tpu.memory_space<vmem>>[vector<16xi32>], vector<16xf32>,
      %get3A_719 = arith.index_cast %add3A_713 : i32 to index
      %get3A_720 = arith.constant 0 : index
      %get3A_721 = tpu.vector_load %arg6[%get3A_719, %get3A_720] {strides = array<i32>} : memref<64x64xf32, #tpu.memory_space<vmem>>, vector<16xf32>,
      %mul3A_722 = arith.mulf %gather3A_718, %get3A_721 : vector<16xf32>
      %add3A_723 = arith.addf %add3A_694, %mul3A_722 : vector<16xf32>
      %get3A_724 = arith.index_cast %add3A_713 : i32 to index
      %get3A_725 = arith.constant 16 : index
      %get3A_726 = tpu.vector_load %arg6[%get3A_724, %get3A_725] {strides = array<i32>} : memref<64x64xf32, #tpu.memory_space<vmem>>, vector<16xf32>,
      %mul3A_727 = arith.mulf %gather3A_718, %get3A_726 : vector<16xf32>
      %add3A_728 = arith.addf %add3A_699, %mul3A_727 : vector<16xf32>
      %get3A_729 = arith.index_cast %add3A_713 : i32 to index
      %get3A_730 = arith.constant 32 : index
      %get3A_731 = tpu.vector_load %arg6[%get3A_729, %get3A_730] {strides = array<i32>} : memref<64x64xf32, #tpu.memory_space<vmem>>, vector<16xf32>,
      %mul3A_732 = arith.mulf %gather3A_718, %get3A_731 : vector<16xf32>
      %add3A_733 = arith.addf %add3A_704, %mul3A_732 : vector<16xf32>
      %get3A_734 = arith.index_cast %add3A_713 : i32 to index
      %get3A_735 = arith.constant 48 : index
      %get3A_736 = tpu.vector_load %arg6[%get3A_734, %get3A_735] {strides = array<i32>} : memref<64x64xf32, #tpu.memory_space<vmem>>, vector<16xf32>,
      %mul3A_737 = arith.mulf %gather3A_718, %get3A_736 : vector<16xf32>
      %add3A_738 = arith.addf %add3A_709, %mul3A_737 : vector<16xf32>
      scf.yield %add3A_723, %add3A_728, %add3A_733, %add3A_738 : vector<16xf32>, vector<16xf32>, vector<16xf32>, vector<16xf32>
    }
    %scan3A_475 = arith.constant 32 : i32
    %mul3A_476 = arith.mulf %scan3A_474#0, %broadcast_in_dim3A_7 : vector<16xf32>
    %swap3A_477 = arith.constant 8 : i32
    %swap3A_478 = arith.index_cast %swap3A_477 : i32 to index
    %swap3A_479 = arith.constant 0 : index
    %swap3A_480 = tpu.vector_load %arg8[%swap3A_478, %swap3A_479] {strides = array<i32>} : memref<16x64xf32, #tpu.memory_space<vmem>>, vector<16xf32>,
    tpu.vector_store %arg8[%swap3A_478, %swap3A_479], %mul3A_476 {strides = array<i32>} : memref<16x64xf32, #tpu.memory_space<vmem>>, vector<16xf32>,
    %mul3A_481 = arith.mulf %scan3A_474#1, %broadcast_in_dim3A_7 : vector<16xf32>
    %swap3A_482 = arith.constant 8 : i32
    %swap3A_483 = arith.index_cast %swap3A_482 : i32 to index
    %swap3A_484 = arith.constant 16 : index
    %swap3A_485 = tpu.vector_load %arg8[%swap3A_483, %swap3A_484] {strides = array<i32>} : memref<16x64xf32, #tpu.memory_space<vmem>>, vector<16xf32>,
    tpu.vector_store %arg8[%swap3A_483, %swap3A_484], %mul3A_481 {strides = array<i32>} : memref<16x64xf32, #tpu.memory_space<vmem>>, vector<16xf32>,
    %mul3A_486 = arith.mulf %scan3A_474#2, %broadcast_in_dim3A_7 : vector<16xf32>
    %swap3A_487 = arith.constant 8 : i32
    %swap3A_488 = arith.index_cast %swap3A_487 : i32 to index
    %swap3A_489 = arith.constant 32 : index
    %swap3A_490 = tpu.vector_load %arg8[%swap3A_488, %swap3A_489] {strides = array<i32>} : memref<16x64xf32, #tpu.memory_space<vmem>>, vector<16xf32>,
    tpu.vector_store %arg8[%swap3A_488, %swap3A_489], %mul3A_486 {strides = array<i32>} : memref<16x64xf32, #tpu.memory_space<vmem>>, vector<16xf32>,
    %mul3A_491 = arith.mulf %scan3A_474#3, %broadcast_in_dim3A_7 : vector<16xf32>
    %swap3A_492 = arith.constant 8 : i32
    %swap3A_493 = arith.index_cast %swap3A_492 : i32 to index
    %swap3A_494 = arith.constant 48 : index
    %swap3A_495 = tpu.vector_load %arg8[%swap3A_493, %swap3A_494] {strides = array<i32>} : memref<16x64xf32, #tpu.memory_space<vmem>>, vector<16xf32>,
    tpu.vector_store %arg8[%swap3A_493, %swap3A_494], %mul3A_491 {strides = array<i32>} : memref<16x64xf32, #tpu.memory_space<vmem>>, vector<16xf32>,
    %scan3A_496 = arith.constant 0 : i32
    %scan3A_497 = arith.constant 32 : i32
    %scan3A_498 = arith.addi %scan3A_496, %scan3A_497 : i32
    %scan3A_499 = arith.constant 1 : i32
    %scan3A_500:4 = scf.for %scan3A_678 = %scan3A_496 to %scan3A_498 step %scan3A_499 iter_args(%scan3A_679 = %broadcast_in_dim3A_5, %scan3A_680 = %broadcast_in_dim3A_5, %scan3A_681 = %broadcast_in_dim3A_5, %scan3A_682 = %broadcast_in_dim3A_5) -> (vector<16xf32>, vector<16xf32>, vector<16xf32>, vector<16xf32>)  : i32 {
      %mul3A_683 = arith.constant 2 : i32
      %mul3A_684 = arith.muli %scan3A_678, %mul3A_683 : i32
      %add3A_685 = arith.constant 0 : i32
      %add3A_686 = arith.addi %mul3A_684, %add3A_685 : i32
      %broadcast_in_dim3A_687 = arith.constant 576 : i32
      %broadcast_in_dim3A_688 = vector.broadcast %broadcast_in_dim3A_687 : i32 to vector<16xi32>
      %add3A_689 = vector.broadcast %add3A_686 : i32 to vector<16xi32>
      %add3A_690 = arith.addi %broadcast_in_dim3A_688, %add3A_689 : vector<16xi32>
      %gather3A = tpu.vector_load_idx %arg7[%add3A_690] : memref<1024xf32, #tpu.memory_space<vmem>>[vector<16xi32>], vector<16xf32>,
      %get3A = arith.index_cast %add3A_686 : i32 to index
      %get3A_691 = arith.constant 0 : index
      %get3A_692 = tpu.vector_load %arg6[%get3A, %get3A_691] {strides = array<i32>} : memref<64x64xf32, #tpu.memory_space<vmem>>, vector<16xf32>,
      %mul3A_693 = arith.mulf %gather3A, %get3A_692 : vector<16xf32>
      %add3A_694 = arith.addf %scan3A_679, %mul3A_693 : vector<16xf32>
      %get3A_695 = arith.index_cast %add3A_686 : i32 to index
      %get3A_696 = arith.constant 16 : index
      %get3A_697 = tpu.vector_load %arg6[%get3A_695, %get3A_696] {strides = array<i32>} : memref<64x64xf32, #tpu.memory_space<vmem>>, vector<16xf32>,
      %mul3A_698 = arith.mulf %gather3A, %get3A_697 : vector<16xf32>
      %add3A_699 = arith.addf %scan3A_680, %mul3A_698 : vector<16xf32>
      %get3A_700 = arith.index_cast %add3A_686 : i32 to index
      %get3A_701 = arith.constant 32 : index
      %get3A_702 = tpu.vector_load %arg6[%get3A_700, %get3A_701] {strides = array<i32>} : memref<64x64xf32, #tpu.memory_space<vmem>>, vector<16xf32>,
      %mul3A_703 = arith.mulf %gather3A, %get3A_702 : vector<16xf32>
      %add3A_704 = arith.addf %scan3A_681, %mul3A_703 : vector<16xf32>
      %get3A_705 = arith.index_cast %add3A_686 : i32 to index
      %get3A_706 = arith.constant 48 : index
      %get3A_707 = tpu.vector_load %arg6[%get3A_705, %get3A_706] {strides = array<i32>} : memref<64x64xf32, #tpu.memory_space<vmem>>, vector<16xf32>,
      %mul3A_708 = arith.mulf %gather3A, %get3A_707 : vector<16xf32>
      %add3A_709 = arith.addf %scan3A_682, %mul3A_708 : vector<16xf32>
      %mul3A_710 = arith.constant 2 : i32
      %mul3A_711 = arith.muli %scan3A_678, %mul3A_710 : i32
      %add3A_712 = arith.constant 1 : i32
      %add3A_713 = arith.addi %mul3A_711, %add3A_712 : i32
      %broadcast_in_dim3A_714 = arith.constant 576 : i32
      %broadcast_in_dim3A_715 = vector.broadcast %broadcast_in_dim3A_714 : i32 to vector<16xi32>
      %add3A_716 = vector.broadcast %add3A_713 : i32 to vector<16xi32>
      %add3A_717 = arith.addi %broadcast_in_dim3A_715, %add3A_716 : vector<16xi32>
      %gather3A_718 = tpu.vector_load_idx %arg7[%add3A_717] : memref<1024xf32, #tpu.memory_space<vmem>>[vector<16xi32>], vector<16xf32>,
      %get3A_719 = arith.index_cast %add3A_713 : i32 to index
      %get3A_720 = arith.constant 0 : index
      %get3A_721 = tpu.vector_load %arg6[%get3A_719, %get3A_720] {strides = array<i32>} : memref<64x64xf32, #tpu.memory_space<vmem>>, vector<16xf32>,
      %mul3A_722 = arith.mulf %gather3A_718, %get3A_721 : vector<16xf32>
      %add3A_723 = arith.addf %add3A_694, %mul3A_722 : vector<16xf32>
      %get3A_724 = arith.index_cast %add3A_713 : i32 to index
      %get3A_725 = arith.constant 16 : index
      %get3A_726 = tpu.vector_load %arg6[%get3A_724, %get3A_725] {strides = array<i32>} : memref<64x64xf32, #tpu.memory_space<vmem>>, vector<16xf32>,
      %mul3A_727 = arith.mulf %gather3A_718, %get3A_726 : vector<16xf32>
      %add3A_728 = arith.addf %add3A_699, %mul3A_727 : vector<16xf32>
      %get3A_729 = arith.index_cast %add3A_713 : i32 to index
      %get3A_730 = arith.constant 32 : index
      %get3A_731 = tpu.vector_load %arg6[%get3A_729, %get3A_730] {strides = array<i32>} : memref<64x64xf32, #tpu.memory_space<vmem>>, vector<16xf32>,
      %mul3A_732 = arith.mulf %gather3A_718, %get3A_731 : vector<16xf32>
      %add3A_733 = arith.addf %add3A_704, %mul3A_732 : vector<16xf32>
      %get3A_734 = arith.index_cast %add3A_713 : i32 to index
      %get3A_735 = arith.constant 48 : index
      %get3A_736 = tpu.vector_load %arg6[%get3A_734, %get3A_735] {strides = array<i32>} : memref<64x64xf32, #tpu.memory_space<vmem>>, vector<16xf32>,
      %mul3A_737 = arith.mulf %gather3A_718, %get3A_736 : vector<16xf32>
      %add3A_738 = arith.addf %add3A_709, %mul3A_737 : vector<16xf32>
      scf.yield %add3A_723, %add3A_728, %add3A_733, %add3A_738 : vector<16xf32>, vector<16xf32>, vector<16xf32>, vector<16xf32>
    }
    %scan3A_501 = arith.constant 32 : i32
    %mul3A_502 = arith.mulf %scan3A_500#0, %broadcast_in_dim3A_7 : vector<16xf32>
    %swap3A_503 = arith.constant 9 : i32
    %swap3A_504 = arith.index_cast %swap3A_503 : i32 to index
    %swap3A_505 = arith.constant 0 : index
    %swap3A_506 = tpu.vector_load %arg8[%swap3A_504, %swap3A_505] {strides = array<i32>} : memref<16x64xf32, #tpu.memory_space<vmem>>, vector<16xf32>,
    tpu.vector_store %arg8[%swap3A_504, %swap3A_505], %mul3A_502 {strides = array<i32>} : memref<16x64xf32, #tpu.memory_space<vmem>>, vector<16xf32>,
    %mul3A_507 = arith.mulf %scan3A_500#1, %broadcast_in_dim3A_7 : vector<16xf32>
    %swap3A_508 = arith.constant 9 : i32
    %swap3A_509 = arith.index_cast %swap3A_508 : i32 to index
    %swap3A_510 = arith.constant 16 : index
    %swap3A_511 = tpu.vector_load %arg8[%swap3A_509, %swap3A_510] {strides = array<i32>} : memref<16x64xf32, #tpu.memory_space<vmem>>, vector<16xf32>,
    tpu.vector_store %arg8[%swap3A_509, %swap3A_510], %mul3A_507 {strides = array<i32>} : memref<16x64xf32, #tpu.memory_space<vmem>>, vector<16xf32>,
    %mul3A_512 = arith.mulf %scan3A_500#2, %broadcast_in_dim3A_7 : vector<16xf32>
    %swap3A_513 = arith.constant 9 : i32
    %swap3A_514 = arith.index_cast %swap3A_513 : i32 to index
    %swap3A_515 = arith.constant 32 : index
    %swap3A_516 = tpu.vector_load %arg8[%swap3A_514, %swap3A_515] {strides = array<i32>} : memref<16x64xf32, #tpu.memory_space<vmem>>, vector<16xf32>,
    tpu.vector_store %arg8[%swap3A_514, %swap3A_515], %mul3A_512 {strides = array<i32>} : memref<16x64xf32, #tpu.memory_space<vmem>>, vector<16xf32>,
    %mul3A_517 = arith.mulf %scan3A_500#3, %broadcast_in_dim3A_7 : vector<16xf32>
    %swap3A_518 = arith.constant 9 : i32
    %swap3A_519 = arith.index_cast %swap3A_518 : i32 to index
    %swap3A_520 = arith.constant 48 : index
    %swap3A_521 = tpu.vector_load %arg8[%swap3A_519, %swap3A_520] {strides = array<i32>} : memref<16x64xf32, #tpu.memory_space<vmem>>, vector<16xf32>,
    tpu.vector_store %arg8[%swap3A_519, %swap3A_520], %mul3A_517 {strides = array<i32>} : memref<16x64xf32, #tpu.memory_space<vmem>>, vector<16xf32>,
    %scan3A_522 = arith.constant 0 : i32
    %scan3A_523 = arith.constant 32 : i32
    %scan3A_524 = arith.addi %scan3A_522, %scan3A_523 : i32
    %scan3A_525 = arith.constant 1 : i32
    %scan3A_526:4 = scf.for %scan3A_678 = %scan3A_522 to %scan3A_524 step %scan3A_525 iter_args(%scan3A_679 = %broadcast_in_dim3A_5, %scan3A_680 = %broadcast_in_dim3A_5, %scan3A_681 = %broadcast_in_dim3A_5, %scan3A_682 = %broadcast_in_dim3A_5) -> (vector<16xf32>, vector<16xf32>, vector<16xf32>, vector<16xf32>)  : i32 {
      %mul3A_683 = arith.constant 2 : i32
      %mul3A_684 = arith.muli %scan3A_678, %mul3A_683 : i32
      %add3A_685 = arith.constant 0 : i32
      %add3A_686 = arith.addi %mul3A_684, %add3A_685 : i32
      %broadcast_in_dim3A_687 = arith.constant 640 : i32
      %broadcast_in_dim3A_688 = vector.broadcast %broadcast_in_dim3A_687 : i32 to vector<16xi32>
      %add3A_689 = vector.broadcast %add3A_686 : i32 to vector<16xi32>
      %add3A_690 = arith.addi %broadcast_in_dim3A_688, %add3A_689 : vector<16xi32>
      %gather3A = tpu.vector_load_idx %arg7[%add3A_690] : memref<1024xf32, #tpu.memory_space<vmem>>[vector<16xi32>], vector<16xf32>,
      %get3A = arith.index_cast %add3A_686 : i32 to index
      %get3A_691 = arith.constant 0 : index
      %get3A_692 = tpu.vector_load %arg6[%get3A, %get3A_691] {strides = array<i32>} : memref<64x64xf32, #tpu.memory_space<vmem>>, vector<16xf32>,
      %mul3A_693 = arith.mulf %gather3A, %get3A_692 : vector<16xf32>
      %add3A_694 = arith.addf %scan3A_679, %mul3A_693 : vector<16xf32>
      %get3A_695 = arith.index_cast %add3A_686 : i32 to index
      %get3A_696 = arith.constant 16 : index
      %get3A_697 = tpu.vector_load %arg6[%get3A_695, %get3A_696] {strides = array<i32>} : memref<64x64xf32, #tpu.memory_space<vmem>>, vector<16xf32>,
      %mul3A_698 = arith.mulf %gather3A, %get3A_697 : vector<16xf32>
      %add3A_699 = arith.addf %scan3A_680, %mul3A_698 : vector<16xf32>
      %get3A_700 = arith.index_cast %add3A_686 : i32 to index
      %get3A_701 = arith.constant 32 : index
      %get3A_702 = tpu.vector_load %arg6[%get3A_700, %get3A_701] {strides = array<i32>} : memref<64x64xf32, #tpu.memory_space<vmem>>, vector<16xf32>,
      %mul3A_703 = arith.mulf %gather3A, %get3A_702 : vector<16xf32>
      %add3A_704 = arith.addf %scan3A_681, %mul3A_703 : vector<16xf32>
      %get3A_705 = arith.index_cast %add3A_686 : i32 to index
      %get3A_706 = arith.constant 48 : index
      %get3A_707 = tpu.vector_load %arg6[%get3A_705, %get3A_706] {strides = array<i32>} : memref<64x64xf32, #tpu.memory_space<vmem>>, vector<16xf32>,
      %mul3A_708 = arith.mulf %gather3A, %get3A_707 : vector<16xf32>
      %add3A_709 = arith.addf %scan3A_682, %mul3A_708 : vector<16xf32>
      %mul3A_710 = arith.constant 2 : i32
      %mul3A_711 = arith.muli %scan3A_678, %mul3A_710 : i32
      %add3A_712 = arith.constant 1 : i32
      %add3A_713 = arith.addi %mul3A_711, %add3A_712 : i32
      %broadcast_in_dim3A_714 = arith.constant 640 : i32
      %broadcast_in_dim3A_715 = vector.broadcast %broadcast_in_dim3A_714 : i32 to vector<16xi32>
      %add3A_716 = vector.broadcast %add3A_713 : i32 to vector<16xi32>
      %add3A_717 = arith.addi %broadcast_in_dim3A_715, %add3A_716 : vector<16xi32>
      %gather3A_718 = tpu.vector_load_idx %arg7[%add3A_717] : memref<1024xf32, #tpu.memory_space<vmem>>[vector<16xi32>], vector<16xf32>,
      %get3A_719 = arith.index_cast %add3A_713 : i32 to index
      %get3A_720 = arith.constant 0 : index
      %get3A_721 = tpu.vector_load %arg6[%get3A_719, %get3A_720] {strides = array<i32>} : memref<64x64xf32, #tpu.memory_space<vmem>>, vector<16xf32>,
      %mul3A_722 = arith.mulf %gather3A_718, %get3A_721 : vector<16xf32>
      %add3A_723 = arith.addf %add3A_694, %mul3A_722 : vector<16xf32>
      %get3A_724 = arith.index_cast %add3A_713 : i32 to index
      %get3A_725 = arith.constant 16 : index
      %get3A_726 = tpu.vector_load %arg6[%get3A_724, %get3A_725] {strides = array<i32>} : memref<64x64xf32, #tpu.memory_space<vmem>>, vector<16xf32>,
      %mul3A_727 = arith.mulf %gather3A_718, %get3A_726 : vector<16xf32>
      %add3A_728 = arith.addf %add3A_699, %mul3A_727 : vector<16xf32>
      %get3A_729 = arith.index_cast %add3A_713 : i32 to index
      %get3A_730 = arith.constant 32 : index
      %get3A_731 = tpu.vector_load %arg6[%get3A_729, %get3A_730] {strides = array<i32>} : memref<64x64xf32, #tpu.memory_space<vmem>>, vector<16xf32>,
      %mul3A_732 = arith.mulf %gather3A_718, %get3A_731 : vector<16xf32>
      %add3A_733 = arith.addf %add3A_704, %mul3A_732 : vector<16xf32>
      %get3A_734 = arith.index_cast %add3A_713 : i32 to index
      %get3A_735 = arith.constant 48 : index
      %get3A_736 = tpu.vector_load %arg6[%get3A_734, %get3A_735] {strides = array<i32>} : memref<64x64xf32, #tpu.memory_space<vmem>>, vector<16xf32>,
      %mul3A_737 = arith.mulf %gather3A_718, %get3A_736 : vector<16xf32>
      %add3A_738 = arith.addf %add3A_709, %mul3A_737 : vector<16xf32>
      scf.yield %add3A_723, %add3A_728, %add3A_733, %add3A_738 : vector<16xf32>, vector<16xf32>, vector<16xf32>, vector<16xf32>
    }
    %scan3A_527 = arith.constant 32 : i32
    %mul3A_528 = arith.mulf %scan3A_526#0, %broadcast_in_dim3A_7 : vector<16xf32>
    %swap3A_529 = arith.constant 10 : i32
    %swap3A_530 = arith.index_cast %swap3A_529 : i32 to index
    %swap3A_531 = arith.constant 0 : index
    %swap3A_532 = tpu.vector_load %arg8[%swap3A_530, %swap3A_531] {strides = array<i32>} : memref<16x64xf32, #tpu.memory_space<vmem>>, vector<16xf32>,
    tpu.vector_store %arg8[%swap3A_530, %swap3A_531], %mul3A_528 {strides = array<i32>} : memref<16x64xf32, #tpu.memory_space<vmem>>, vector<16xf32>,
    %mul3A_533 = arith.mulf %scan3A_526#1, %broadcast_in_dim3A_7 : vector<16xf32>
    %swap3A_534 = arith.constant 10 : i32
    %swap3A_535 = arith.index_cast %swap3A_534 : i32 to index
    %swap3A_536 = arith.constant 16 : index
    %swap3A_537 = tpu.vector_load %arg8[%swap3A_535, %swap3A_536] {strides = array<i32>} : memref<16x64xf32, #tpu.memory_space<vmem>>, vector<16xf32>,
    tpu.vector_store %arg8[%swap3A_535, %swap3A_536], %mul3A_533 {strides = array<i32>} : memref<16x64xf32, #tpu.memory_space<vmem>>, vector<16xf32>,
    %mul3A_538 = arith.mulf %scan3A_526#2, %broadcast_in_dim3A_7 : vector<16xf32>
    %swap3A_539 = arith.constant 10 : i32
    %swap3A_540 = arith.index_cast %swap3A_539 : i32 to index
    %swap3A_541 = arith.constant 32 : index
    %swap3A_542 = tpu.vector_load %arg8[%swap3A_540, %swap3A_541] {strides = array<i32>} : memref<16x64xf32, #tpu.memory_space<vmem>>, vector<16xf32>,
    tpu.vector_store %arg8[%swap3A_540, %swap3A_541], %mul3A_538 {strides = array<i32>} : memref<16x64xf32, #tpu.memory_space<vmem>>, vector<16xf32>,
    %mul3A_543 = arith.mulf %scan3A_526#3, %broadcast_in_dim3A_7 : vector<16xf32>
    %swap3A_544 = arith.constant 10 : i32
    %swap3A_545 = arith.index_cast %swap3A_544 : i32 to index
    %swap3A_546 = arith.constant 48 : index
    %swap3A_547 = tpu.vector_load %arg8[%swap3A_545, %swap3A_546] {strides = array<i32>} : memref<16x64xf32, #tpu.memory_space<vmem>>, vector<16xf32>,
    tpu.vector_store %arg8[%swap3A_545, %swap3A_546], %mul3A_543 {strides = array<i32>} : memref<16x64xf32, #tpu.memory_space<vmem>>, vector<16xf32>,
    %scan3A_548 = arith.constant 0 : i32
    %scan3A_549 = arith.constant 32 : i32
    %scan3A_550 = arith.addi %scan3A_548, %scan3A_549 : i32
    %scan3A_551 = arith.constant 1 : i32
    %scan3A_552:4 = scf.for %scan3A_678 = %scan3A_548 to %scan3A_550 step %scan3A_551 iter_args(%scan3A_679 = %broadcast_in_dim3A_5, %scan3A_680 = %broadcast_in_dim3A_5, %scan3A_681 = %broadcast_in_dim3A_5, %scan3A_682 = %broadcast_in_dim3A_5) -> (vector<16xf32>, vector<16xf32>, vector<16xf32>, vector<16xf32>)  : i32 {
      %mul3A_683 = arith.constant 2 : i32
      %mul3A_684 = arith.muli %scan3A_678, %mul3A_683 : i32
      %add3A_685 = arith.constant 0 : i32
      %add3A_686 = arith.addi %mul3A_684, %add3A_685 : i32
      %broadcast_in_dim3A_687 = arith.constant 704 : i32
      %broadcast_in_dim3A_688 = vector.broadcast %broadcast_in_dim3A_687 : i32 to vector<16xi32>
      %add3A_689 = vector.broadcast %add3A_686 : i32 to vector<16xi32>
      %add3A_690 = arith.addi %broadcast_in_dim3A_688, %add3A_689 : vector<16xi32>
      %gather3A = tpu.vector_load_idx %arg7[%add3A_690] : memref<1024xf32, #tpu.memory_space<vmem>>[vector<16xi32>], vector<16xf32>,
      %get3A = arith.index_cast %add3A_686 : i32 to index
      %get3A_691 = arith.constant 0 : index
      %get3A_692 = tpu.vector_load %arg6[%get3A, %get3A_691] {strides = array<i32>} : memref<64x64xf32, #tpu.memory_space<vmem>>, vector<16xf32>,
      %mul3A_693 = arith.mulf %gather3A, %get3A_692 : vector<16xf32>
      %add3A_694 = arith.addf %scan3A_679, %mul3A_693 : vector<16xf32>
      %get3A_695 = arith.index_cast %add3A_686 : i32 to index
      %get3A_696 = arith.constant 16 : index
      %get3A_697 = tpu.vector_load %arg6[%get3A_695, %get3A_696] {strides = array<i32>} : memref<64x64xf32, #tpu.memory_space<vmem>>, vector<16xf32>,
      %mul3A_698 = arith.mulf %gather3A, %get3A_697 : vector<16xf32>
      %add3A_699 = arith.addf %scan3A_680, %mul3A_698 : vector<16xf32>
      %get3A_700 = arith.index_cast %add3A_686 : i32 to index
      %get3A_701 = arith.constant 32 : index
      %get3A_702 = tpu.vector_load %arg6[%get3A_700, %get3A_701] {strides = array<i32>} : memref<64x64xf32, #tpu.memory_space<vmem>>, vector<16xf32>,
      %mul3A_703 = arith.mulf %gather3A, %get3A_702 : vector<16xf32>
      %add3A_704 = arith.addf %scan3A_681, %mul3A_703 : vector<16xf32>
      %get3A_705 = arith.index_cast %add3A_686 : i32 to index
      %get3A_706 = arith.constant 48 : index
      %get3A_707 = tpu.vector_load %arg6[%get3A_705, %get3A_706] {strides = array<i32>} : memref<64x64xf32, #tpu.memory_space<vmem>>, vector<16xf32>,
      %mul3A_708 = arith.mulf %gather3A, %get3A_707 : vector<16xf32>
      %add3A_709 = arith.addf %scan3A_682, %mul3A_708 : vector<16xf32>
      %mul3A_710 = arith.constant 2 : i32
      %mul3A_711 = arith.muli %scan3A_678, %mul3A_710 : i32
      %add3A_712 = arith.constant 1 : i32
      %add3A_713 = arith.addi %mul3A_711, %add3A_712 : i32
      %broadcast_in_dim3A_714 = arith.constant 704 : i32
      %broadcast_in_dim3A_715 = vector.broadcast %broadcast_in_dim3A_714 : i32 to vector<16xi32>
      %add3A_716 = vector.broadcast %add3A_713 : i32 to vector<16xi32>
      %add3A_717 = arith.addi %broadcast_in_dim3A_715, %add3A_716 : vector<16xi32>
      %gather3A_718 = tpu.vector_load_idx %arg7[%add3A_717] : memref<1024xf32, #tpu.memory_space<vmem>>[vector<16xi32>], vector<16xf32>,
      %get3A_719 = arith.index_cast %add3A_713 : i32 to index
      %get3A_720 = arith.constant 0 : index
      %get3A_721 = tpu.vector_load %arg6[%get3A_719, %get3A_720] {strides = array<i32>} : memref<64x64xf32, #tpu.memory_space<vmem>>, vector<16xf32>,
      %mul3A_722 = arith.mulf %gather3A_718, %get3A_721 : vector<16xf32>
      %add3A_723 = arith.addf %add3A_694, %mul3A_722 : vector<16xf32>
      %get3A_724 = arith.index_cast %add3A_713 : i32 to index
      %get3A_725 = arith.constant 16 : index
      %get3A_726 = tpu.vector_load %arg6[%get3A_724, %get3A_725] {strides = array<i32>} : memref<64x64xf32, #tpu.memory_space<vmem>>, vector<16xf32>,
      %mul3A_727 = arith.mulf %gather3A_718, %get3A_726 : vector<16xf32>
      %add3A_728 = arith.addf %add3A_699, %mul3A_727 : vector<16xf32>
      %get3A_729 = arith.index_cast %add3A_713 : i32 to index
      %get3A_730 = arith.constant 32 : index
      %get3A_731 = tpu.vector_load %arg6[%get3A_729, %get3A_730] {strides = array<i32>} : memref<64x64xf32, #tpu.memory_space<vmem>>, vector<16xf32>,
      %mul3A_732 = arith.mulf %gather3A_718, %get3A_731 : vector<16xf32>
      %add3A_733 = arith.addf %add3A_704, %mul3A_732 : vector<16xf32>
      %get3A_734 = arith.index_cast %add3A_713 : i32 to index
      %get3A_735 = arith.constant 48 : index
      %get3A_736 = tpu.vector_load %arg6[%get3A_734, %get3A_735] {strides = array<i32>} : memref<64x64xf32, #tpu.memory_space<vmem>>, vector<16xf32>,
      %mul3A_737 = arith.mulf %gather3A_718, %get3A_736 : vector<16xf32>
      %add3A_738 = arith.addf %add3A_709, %mul3A_737 : vector<16xf32>
      scf.yield %add3A_723, %add3A_728, %add3A_733, %add3A_738 : vector<16xf32>, vector<16xf32>, vector<16xf32>, vector<16xf32>
    }
    %scan3A_553 = arith.constant 32 : i32
    %mul3A_554 = arith.mulf %scan3A_552#0, %broadcast_in_dim3A_7 : vector<16xf32>
    %swap3A_555 = arith.constant 11 : i32
    %swap3A_556 = arith.index_cast %swap3A_555 : i32 to index
    %swap3A_557 = arith.constant 0 : index
    %swap3A_558 = tpu.vector_load %arg8[%swap3A_556, %swap3A_557] {strides = array<i32>} : memref<16x64xf32, #tpu.memory_space<vmem>>, vector<16xf32>,
    tpu.vector_store %arg8[%swap3A_556, %swap3A_557], %mul3A_554 {strides = array<i32>} : memref<16x64xf32, #tpu.memory_space<vmem>>, vector<16xf32>,
    %mul3A_559 = arith.mulf %scan3A_552#1, %broadcast_in_dim3A_7 : vector<16xf32>
    %swap3A_560 = arith.constant 11 : i32
    %swap3A_561 = arith.index_cast %swap3A_560 : i32 to index
    %swap3A_562 = arith.constant 16 : index
    %swap3A_563 = tpu.vector_load %arg8[%swap3A_561, %swap3A_562] {strides = array<i32>} : memref<16x64xf32, #tpu.memory_space<vmem>>, vector<16xf32>,
    tpu.vector_store %arg8[%swap3A_561, %swap3A_562], %mul3A_559 {strides = array<i32>} : memref<16x64xf32, #tpu.memory_space<vmem>>, vector<16xf32>,
    %mul3A_564 = arith.mulf %scan3A_552#2, %broadcast_in_dim3A_7 : vector<16xf32>
    %swap3A_565 = arith.constant 11 : i32
    %swap3A_566 = arith.index_cast %swap3A_565 : i32 to index
    %swap3A_567 = arith.constant 32 : index
    %swap3A_568 = tpu.vector_load %arg8[%swap3A_566, %swap3A_567] {strides = array<i32>} : memref<16x64xf32, #tpu.memory_space<vmem>>, vector<16xf32>,
    tpu.vector_store %arg8[%swap3A_566, %swap3A_567], %mul3A_564 {strides = array<i32>} : memref<16x64xf32, #tpu.memory_space<vmem>>, vector<16xf32>,
    %mul3A_569 = arith.mulf %scan3A_552#3, %broadcast_in_dim3A_7 : vector<16xf32>
    %swap3A_570 = arith.constant 11 : i32
    %swap3A_571 = arith.index_cast %swap3A_570 : i32 to index
    %swap3A_572 = arith.constant 48 : index
    %swap3A_573 = tpu.vector_load %arg8[%swap3A_571, %swap3A_572] {strides = array<i32>} : memref<16x64xf32, #tpu.memory_space<vmem>>, vector<16xf32>,
    tpu.vector_store %arg8[%swap3A_571, %swap3A_572], %mul3A_569 {strides = array<i32>} : memref<16x64xf32, #tpu.memory_space<vmem>>, vector<16xf32>,
    %scan3A_574 = arith.constant 0 : i32
    %scan3A_575 = arith.constant 32 : i32
    %scan3A_576 = arith.addi %scan3A_574, %scan3A_575 : i32
    %scan3A_577 = arith.constant 1 : i32
    %scan3A_578:4 = scf.for %scan3A_678 = %scan3A_574 to %scan3A_576 step %scan3A_577 iter_args(%scan3A_679 = %broadcast_in_dim3A_5, %scan3A_680 = %broadcast_in_dim3A_5, %scan3A_681 = %broadcast_in_dim3A_5, %scan3A_682 = %broadcast_in_dim3A_5) -> (vector<16xf32>, vector<16xf32>, vector<16xf32>, vector<16xf32>)  : i32 {
      %mul3A_683 = arith.constant 2 : i32
      %mul3A_684 = arith.muli %scan3A_678, %mul3A_683 : i32
      %add3A_685 = arith.constant 0 : i32
      %add3A_686 = arith.addi %mul3A_684, %add3A_685 : i32
      %broadcast_in_dim3A_687 = arith.constant 768 : i32
      %broadcast_in_dim3A_688 = vector.broadcast %broadcast_in_dim3A_687 : i32 to vector<16xi32>
      %add3A_689 = vector.broadcast %add3A_686 : i32 to vector<16xi32>
      %add3A_690 = arith.addi %broadcast_in_dim3A_688, %add3A_689 : vector<16xi32>
      %gather3A = tpu.vector_load_idx %arg7[%add3A_690] : memref<1024xf32, #tpu.memory_space<vmem>>[vector<16xi32>], vector<16xf32>,
      %get3A = arith.index_cast %add3A_686 : i32 to index
      %get3A_691 = arith.constant 0 : index
      %get3A_692 = tpu.vector_load %arg6[%get3A, %get3A_691] {strides = array<i32>} : memref<64x64xf32, #tpu.memory_space<vmem>>, vector<16xf32>,
      %mul3A_693 = arith.mulf %gather3A, %get3A_692 : vector<16xf32>
      %add3A_694 = arith.addf %scan3A_679, %mul3A_693 : vector<16xf32>
      %get3A_695 = arith.index_cast %add3A_686 : i32 to index
      %get3A_696 = arith.constant 16 : index
      %get3A_697 = tpu.vector_load %arg6[%get3A_695, %get3A_696] {strides = array<i32>} : memref<64x64xf32, #tpu.memory_space<vmem>>, vector<16xf32>,
      %mul3A_698 = arith.mulf %gather3A, %get3A_697 : vector<16xf32>
      %add3A_699 = arith.addf %scan3A_680, %mul3A_698 : vector<16xf32>
      %get3A_700 = arith.index_cast %add3A_686 : i32 to index
      %get3A_701 = arith.constant 32 : index
      %get3A_702 = tpu.vector_load %arg6[%get3A_700, %get3A_701] {strides = array<i32>} : memref<64x64xf32, #tpu.memory_space<vmem>>, vector<16xf32>,
      %mul3A_703 = arith.mulf %gather3A, %get3A_702 : vector<16xf32>
      %add3A_704 = arith.addf %scan3A_681, %mul3A_703 : vector<16xf32>
      %get3A_705 = arith.index_cast %add3A_686 : i32 to index
      %get3A_706 = arith.constant 48 : index
      %get3A_707 = tpu.vector_load %arg6[%get3A_705, %get3A_706] {strides = array<i32>} : memref<64x64xf32, #tpu.memory_space<vmem>>, vector<16xf32>,
      %mul3A_708 = arith.mulf %gather3A, %get3A_707 : vector<16xf32>
      %add3A_709 = arith.addf %scan3A_682, %mul3A_708 : vector<16xf32>
      %mul3A_710 = arith.constant 2 : i32
      %mul3A_711 = arith.muli %scan3A_678, %mul3A_710 : i32
      %add3A_712 = arith.constant 1 : i32
      %add3A_713 = arith.addi %mul3A_711, %add3A_712 : i32
      %broadcast_in_dim3A_714 = arith.constant 768 : i32
      %broadcast_in_dim3A_715 = vector.broadcast %broadcast_in_dim3A_714 : i32 to vector<16xi32>
      %add3A_716 = vector.broadcast %add3A_713 : i32 to vector<16xi32>
      %add3A_717 = arith.addi %broadcast_in_dim3A_715, %add3A_716 : vector<16xi32>
      %gather3A_718 = tpu.vector_load_idx %arg7[%add3A_717] : memref<1024xf32, #tpu.memory_space<vmem>>[vector<16xi32>], vector<16xf32>,
      %get3A_719 = arith.index_cast %add3A_713 : i32 to index
      %get3A_720 = arith.constant 0 : index
      %get3A_721 = tpu.vector_load %arg6[%get3A_719, %get3A_720] {strides = array<i32>} : memref<64x64xf32, #tpu.memory_space<vmem>>, vector<16xf32>,
      %mul3A_722 = arith.mulf %gather3A_718, %get3A_721 : vector<16xf32>
      %add3A_723 = arith.addf %add3A_694, %mul3A_722 : vector<16xf32>
      %get3A_724 = arith.index_cast %add3A_713 : i32 to index
      %get3A_725 = arith.constant 16 : index
      %get3A_726 = tpu.vector_load %arg6[%get3A_724, %get3A_725] {strides = array<i32>} : memref<64x64xf32, #tpu.memory_space<vmem>>, vector<16xf32>,
      %mul3A_727 = arith.mulf %gather3A_718, %get3A_726 : vector<16xf32>
      %add3A_728 = arith.addf %add3A_699, %mul3A_727 : vector<16xf32>
      %get3A_729 = arith.index_cast %add3A_713 : i32 to index
      %get3A_730 = arith.constant 32 : index
      %get3A_731 = tpu.vector_load %arg6[%get3A_729, %get3A_730] {strides = array<i32>} : memref<64x64xf32, #tpu.memory_space<vmem>>, vector<16xf32>,
      %mul3A_732 = arith.mulf %gather3A_718, %get3A_731 : vector<16xf32>
      %add3A_733 = arith.addf %add3A_704, %mul3A_732 : vector<16xf32>
      %get3A_734 = arith.index_cast %add3A_713 : i32 to index
      %get3A_735 = arith.constant 48 : index
      %get3A_736 = tpu.vector_load %arg6[%get3A_734, %get3A_735] {strides = array<i32>} : memref<64x64xf32, #tpu.memory_space<vmem>>, vector<16xf32>,
      %mul3A_737 = arith.mulf %gather3A_718, %get3A_736 : vector<16xf32>
      %add3A_738 = arith.addf %add3A_709, %mul3A_737 : vector<16xf32>
      scf.yield %add3A_723, %add3A_728, %add3A_733, %add3A_738 : vector<16xf32>, vector<16xf32>, vector<16xf32>, vector<16xf32>
    }
    %scan3A_579 = arith.constant 32 : i32
    %mul3A_580 = arith.mulf %scan3A_578#0, %broadcast_in_dim3A_7 : vector<16xf32>
    %swap3A_581 = arith.constant 12 : i32
    %swap3A_582 = arith.index_cast %swap3A_581 : i32 to index
    %swap3A_583 = arith.constant 0 : index
    %swap3A_584 = tpu.vector_load %arg8[%swap3A_582, %swap3A_583] {strides = array<i32>} : memref<16x64xf32, #tpu.memory_space<vmem>>, vector<16xf32>,
    tpu.vector_store %arg8[%swap3A_582, %swap3A_583], %mul3A_580 {strides = array<i32>} : memref<16x64xf32, #tpu.memory_space<vmem>>, vector<16xf32>,
    %mul3A_585 = arith.mulf %scan3A_578#1, %broadcast_in_dim3A_7 : vector<16xf32>
    %swap3A_586 = arith.constant 12 : i32
    %swap3A_587 = arith.index_cast %swap3A_586 : i32 to index
    %swap3A_588 = arith.constant 16 : index
    %swap3A_589 = tpu.vector_load %arg8[%swap3A_587, %swap3A_588] {strides = array<i32>} : memref<16x64xf32, #tpu.memory_space<vmem>>, vector<16xf32>,
    tpu.vector_store %arg8[%swap3A_587, %swap3A_588], %mul3A_585 {strides = array<i32>} : memref<16x64xf32, #tpu.memory_space<vmem>>, vector<16xf32>,
    %mul3A_590 = arith.mulf %scan3A_578#2, %broadcast_in_dim3A_7 : vector<16xf32>
    %swap3A_591 = arith.constant 12 : i32
    %swap3A_592 = arith.index_cast %swap3A_591 : i32 to index
    %swap3A_593 = arith.constant 32 : index
    %swap3A_594 = tpu.vector_load %arg8[%swap3A_592, %swap3A_593] {strides = array<i32>} : memref<16x64xf32, #tpu.memory_space<vmem>>, vector<16xf32>,
    tpu.vector_store %arg8[%swap3A_592, %swap3A_593], %mul3A_590 {strides = array<i32>} : memref<16x64xf32, #tpu.memory_space<vmem>>, vector<16xf32>,
    %mul3A_595 = arith.mulf %scan3A_578#3, %broadcast_in_dim3A_7 : vector<16xf32>
    %swap3A_596 = arith.constant 12 : i32
    %swap3A_597 = arith.index_cast %swap3A_596 : i32 to index
    %swap3A_598 = arith.constant 48 : index
    %swap3A_599 = tpu.vector_load %arg8[%swap3A_597, %swap3A_598] {strides = array<i32>} : memref<16x64xf32, #tpu.memory_space<vmem>>, vector<16xf32>,
    tpu.vector_store %arg8[%swap3A_597, %swap3A_598], %mul3A_595 {strides = array<i32>} : memref<16x64xf32, #tpu.memory_space<vmem>>, vector<16xf32>,
    %scan3A_600 = arith.constant 0 : i32
    %scan3A_601 = arith.constant 32 : i32
    %scan3A_602 = arith.addi %scan3A_600, %scan3A_601 : i32
    %scan3A_603 = arith.constant 1 : i32
    %scan3A_604:4 = scf.for %scan3A_678 = %scan3A_600 to %scan3A_602 step %scan3A_603 iter_args(%scan3A_679 = %broadcast_in_dim3A_5, %scan3A_680 = %broadcast_in_dim3A_5, %scan3A_681 = %broadcast_in_dim3A_5, %scan3A_682 = %broadcast_in_dim3A_5) -> (vector<16xf32>, vector<16xf32>, vector<16xf32>, vector<16xf32>)  : i32 {
      %mul3A_683 = arith.constant 2 : i32
      %mul3A_684 = arith.muli %scan3A_678, %mul3A_683 : i32
      %add3A_685 = arith.constant 0 : i32
      %add3A_686 = arith.addi %mul3A_684, %add3A_685 : i32
      %broadcast_in_dim3A_687 = arith.constant 832 : i32
      %broadcast_in_dim3A_688 = vector.broadcast %broadcast_in_dim3A_687 : i32 to vector<16xi32>
      %add3A_689 = vector.broadcast %add3A_686 : i32 to vector<16xi32>
      %add3A_690 = arith.addi %broadcast_in_dim3A_688, %add3A_689 : vector<16xi32>
      %gather3A = tpu.vector_load_idx %arg7[%add3A_690] : memref<1024xf32, #tpu.memory_space<vmem>>[vector<16xi32>], vector<16xf32>,
      %get3A = arith.index_cast %add3A_686 : i32 to index
      %get3A_691 = arith.constant 0 : index
      %get3A_692 = tpu.vector_load %arg6[%get3A, %get3A_691] {strides = array<i32>} : memref<64x64xf32, #tpu.memory_space<vmem>>, vector<16xf32>,
      %mul3A_693 = arith.mulf %gather3A, %get3A_692 : vector<16xf32>
      %add3A_694 = arith.addf %scan3A_679, %mul3A_693 : vector<16xf32>
      %get3A_695 = arith.index_cast %add3A_686 : i32 to index
      %get3A_696 = arith.constant 16 : index
      %get3A_697 = tpu.vector_load %arg6[%get3A_695, %get3A_696] {strides = array<i32>} : memref<64x64xf32, #tpu.memory_space<vmem>>, vector<16xf32>,
      %mul3A_698 = arith.mulf %gather3A, %get3A_697 : vector<16xf32>
      %add3A_699 = arith.addf %scan3A_680, %mul3A_698 : vector<16xf32>
      %get3A_700 = arith.index_cast %add3A_686 : i32 to index
      %get3A_701 = arith.constant 32 : index
      %get3A_702 = tpu.vector_load %arg6[%get3A_700, %get3A_701] {strides = array<i32>} : memref<64x64xf32, #tpu.memory_space<vmem>>, vector<16xf32>,
      %mul3A_703 = arith.mulf %gather3A, %get3A_702 : vector<16xf32>
      %add3A_704 = arith.addf %scan3A_681, %mul3A_703 : vector<16xf32>
      %get3A_705 = arith.index_cast %add3A_686 : i32 to index
      %get3A_706 = arith.constant 48 : index
      %get3A_707 = tpu.vector_load %arg6[%get3A_705, %get3A_706] {strides = array<i32>} : memref<64x64xf32, #tpu.memory_space<vmem>>, vector<16xf32>,
      %mul3A_708 = arith.mulf %gather3A, %get3A_707 : vector<16xf32>
      %add3A_709 = arith.addf %scan3A_682, %mul3A_708 : vector<16xf32>
      %mul3A_710 = arith.constant 2 : i32
      %mul3A_711 = arith.muli %scan3A_678, %mul3A_710 : i32
      %add3A_712 = arith.constant 1 : i32
      %add3A_713 = arith.addi %mul3A_711, %add3A_712 : i32
      %broadcast_in_dim3A_714 = arith.constant 832 : i32
      %broadcast_in_dim3A_715 = vector.broadcast %broadcast_in_dim3A_714 : i32 to vector<16xi32>
      %add3A_716 = vector.broadcast %add3A_713 : i32 to vector<16xi32>
      %add3A_717 = arith.addi %broadcast_in_dim3A_715, %add3A_716 : vector<16xi32>
      %gather3A_718 = tpu.vector_load_idx %arg7[%add3A_717] : memref<1024xf32, #tpu.memory_space<vmem>>[vector<16xi32>], vector<16xf32>,
      %get3A_719 = arith.index_cast %add3A_713 : i32 to index
      %get3A_720 = arith.constant 0 : index
      %get3A_721 = tpu.vector_load %arg6[%get3A_719, %get3A_720] {strides = array<i32>} : memref<64x64xf32, #tpu.memory_space<vmem>>, vector<16xf32>,
      %mul3A_722 = arith.mulf %gather3A_718, %get3A_721 : vector<16xf32>
      %add3A_723 = arith.addf %add3A_694, %mul3A_722 : vector<16xf32>
      %get3A_724 = arith.index_cast %add3A_713 : i32 to index
      %get3A_725 = arith.constant 16 : index
      %get3A_726 = tpu.vector_load %arg6[%get3A_724, %get3A_725] {strides = array<i32>} : memref<64x64xf32, #tpu.memory_space<vmem>>, vector<16xf32>,
      %mul3A_727 = arith.mulf %gather3A_718, %get3A_726 : vector<16xf32>
      %add3A_728 = arith.addf %add3A_699, %mul3A_727 : vector<16xf32>
      %get3A_729 = arith.index_cast %add3A_713 : i32 to index
      %get3A_730 = arith.constant 32 : index
      %get3A_731 = tpu.vector_load %arg6[%get3A_729, %get3A_730] {strides = array<i32>} : memref<64x64xf32, #tpu.memory_space<vmem>>, vector<16xf32>,
      %mul3A_732 = arith.mulf %gather3A_718, %get3A_731 : vector<16xf32>
      %add3A_733 = arith.addf %add3A_704, %mul3A_732 : vector<16xf32>
      %get3A_734 = arith.index_cast %add3A_713 : i32 to index
      %get3A_735 = arith.constant 48 : index
      %get3A_736 = tpu.vector_load %arg6[%get3A_734, %get3A_735] {strides = array<i32>} : memref<64x64xf32, #tpu.memory_space<vmem>>, vector<16xf32>,
      %mul3A_737 = arith.mulf %gather3A_718, %get3A_736 : vector<16xf32>
      %add3A_738 = arith.addf %add3A_709, %mul3A_737 : vector<16xf32>
      scf.yield %add3A_723, %add3A_728, %add3A_733, %add3A_738 : vector<16xf32>, vector<16xf32>, vector<16xf32>, vector<16xf32>
    }
    %scan3A_605 = arith.constant 32 : i32
    %mul3A_606 = arith.mulf %scan3A_604#0, %broadcast_in_dim3A_7 : vector<16xf32>
    %swap3A_607 = arith.constant 13 : i32
    %swap3A_608 = arith.index_cast %swap3A_607 : i32 to index
    %swap3A_609 = arith.constant 0 : index
    %swap3A_610 = tpu.vector_load %arg8[%swap3A_608, %swap3A_609] {strides = array<i32>} : memref<16x64xf32, #tpu.memory_space<vmem>>, vector<16xf32>,
    tpu.vector_store %arg8[%swap3A_608, %swap3A_609], %mul3A_606 {strides = array<i32>} : memref<16x64xf32, #tpu.memory_space<vmem>>, vector<16xf32>,
    %mul3A_611 = arith.mulf %scan3A_604#1, %broadcast_in_dim3A_7 : vector<16xf32>
    %swap3A_612 = arith.constant 13 : i32
    %swap3A_613 = arith.index_cast %swap3A_612 : i32 to index
    %swap3A_614 = arith.constant 16 : index
    %swap3A_615 = tpu.vector_load %arg8[%swap3A_613, %swap3A_614] {strides = array<i32>} : memref<16x64xf32, #tpu.memory_space<vmem>>, vector<16xf32>,
    tpu.vector_store %arg8[%swap3A_613, %swap3A_614], %mul3A_611 {strides = array<i32>} : memref<16x64xf32, #tpu.memory_space<vmem>>, vector<16xf32>,
    %mul3A_616 = arith.mulf %scan3A_604#2, %broadcast_in_dim3A_7 : vector<16xf32>
    %swap3A_617 = arith.constant 13 : i32
    %swap3A_618 = arith.index_cast %swap3A_617 : i32 to index
    %swap3A_619 = arith.constant 32 : index
    %swap3A_620 = tpu.vector_load %arg8[%swap3A_618, %swap3A_619] {strides = array<i32>} : memref<16x64xf32, #tpu.memory_space<vmem>>, vector<16xf32>,
    tpu.vector_store %arg8[%swap3A_618, %swap3A_619], %mul3A_616 {strides = array<i32>} : memref<16x64xf32, #tpu.memory_space<vmem>>, vector<16xf32>,
    %mul3A_621 = arith.mulf %scan3A_604#3, %broadcast_in_dim3A_7 : vector<16xf32>
    %swap3A_622 = arith.constant 13 : i32
    %swap3A_623 = arith.index_cast %swap3A_622 : i32 to index
    %swap3A_624 = arith.constant 48 : index
    %swap3A_625 = tpu.vector_load %arg8[%swap3A_623, %swap3A_624] {strides = array<i32>} : memref<16x64xf32, #tpu.memory_space<vmem>>, vector<16xf32>,
    tpu.vector_store %arg8[%swap3A_623, %swap3A_624], %mul3A_621 {strides = array<i32>} : memref<16x64xf32, #tpu.memory_space<vmem>>, vector<16xf32>,
    %scan3A_626 = arith.constant 0 : i32
    %scan3A_627 = arith.constant 32 : i32
    %scan3A_628 = arith.addi %scan3A_626, %scan3A_627 : i32
    %scan3A_629 = arith.constant 1 : i32
    %scan3A_630:4 = scf.for %scan3A_678 = %scan3A_626 to %scan3A_628 step %scan3A_629 iter_args(%scan3A_679 = %broadcast_in_dim3A_5, %scan3A_680 = %broadcast_in_dim3A_5, %scan3A_681 = %broadcast_in_dim3A_5, %scan3A_682 = %broadcast_in_dim3A_5) -> (vector<16xf32>, vector<16xf32>, vector<16xf32>, vector<16xf32>)  : i32 {
      %mul3A_683 = arith.constant 2 : i32
      %mul3A_684 = arith.muli %scan3A_678, %mul3A_683 : i32
      %add3A_685 = arith.constant 0 : i32
      %add3A_686 = arith.addi %mul3A_684, %add3A_685 : i32
      %broadcast_in_dim3A_687 = arith.constant 896 : i32
      %broadcast_in_dim3A_688 = vector.broadcast %broadcast_in_dim3A_687 : i32 to vector<16xi32>
      %add3A_689 = vector.broadcast %add3A_686 : i32 to vector<16xi32>
      %add3A_690 = arith.addi %broadcast_in_dim3A_688, %add3A_689 : vector<16xi32>
      %gather3A = tpu.vector_load_idx %arg7[%add3A_690] : memref<1024xf32, #tpu.memory_space<vmem>>[vector<16xi32>], vector<16xf32>,
      %get3A = arith.index_cast %add3A_686 : i32 to index
      %get3A_691 = arith.constant 0 : index
      %get3A_692 = tpu.vector_load %arg6[%get3A, %get3A_691] {strides = array<i32>} : memref<64x64xf32, #tpu.memory_space<vmem>>, vector<16xf32>,
      %mul3A_693 = arith.mulf %gather3A, %get3A_692 : vector<16xf32>
      %add3A_694 = arith.addf %scan3A_679, %mul3A_693 : vector<16xf32>
      %get3A_695 = arith.index_cast %add3A_686 : i32 to index
      %get3A_696 = arith.constant 16 : index
      %get3A_697 = tpu.vector_load %arg6[%get3A_695, %get3A_696] {strides = array<i32>} : memref<64x64xf32, #tpu.memory_space<vmem>>, vector<16xf32>,
      %mul3A_698 = arith.mulf %gather3A, %get3A_697 : vector<16xf32>
      %add3A_699 = arith.addf %scan3A_680, %mul3A_698 : vector<16xf32>
      %get3A_700 = arith.index_cast %add3A_686 : i32 to index
      %get3A_701 = arith.constant 32 : index
      %get3A_702 = tpu.vector_load %arg6[%get3A_700, %get3A_701] {strides = array<i32>} : memref<64x64xf32, #tpu.memory_space<vmem>>, vector<16xf32>,
      %mul3A_703 = arith.mulf %gather3A, %get3A_702 : vector<16xf32>
      %add3A_704 = arith.addf %scan3A_681, %mul3A_703 : vector<16xf32>
      %get3A_705 = arith.index_cast %add3A_686 : i32 to index
      %get3A_706 = arith.constant 48 : index
      %get3A_707 = tpu.vector_load %arg6[%get3A_705, %get3A_706] {strides = array<i32>} : memref<64x64xf32, #tpu.memory_space<vmem>>, vector<16xf32>,
      %mul3A_708 = arith.mulf %gather3A, %get3A_707 : vector<16xf32>
      %add3A_709 = arith.addf %scan3A_682, %mul3A_708 : vector<16xf32>
      %mul3A_710 = arith.constant 2 : i32
      %mul3A_711 = arith.muli %scan3A_678, %mul3A_710 : i32
      %add3A_712 = arith.constant 1 : i32
      %add3A_713 = arith.addi %mul3A_711, %add3A_712 : i32
      %broadcast_in_dim3A_714 = arith.constant 896 : i32
      %broadcast_in_dim3A_715 = vector.broadcast %broadcast_in_dim3A_714 : i32 to vector<16xi32>
      %add3A_716 = vector.broadcast %add3A_713 : i32 to vector<16xi32>
      %add3A_717 = arith.addi %broadcast_in_dim3A_715, %add3A_716 : vector<16xi32>
      %gather3A_718 = tpu.vector_load_idx %arg7[%add3A_717] : memref<1024xf32, #tpu.memory_space<vmem>>[vector<16xi32>], vector<16xf32>,
      %get3A_719 = arith.index_cast %add3A_713 : i32 to index
      %get3A_720 = arith.constant 0 : index
      %get3A_721 = tpu.vector_load %arg6[%get3A_719, %get3A_720] {strides = array<i32>} : memref<64x64xf32, #tpu.memory_space<vmem>>, vector<16xf32>,
      %mul3A_722 = arith.mulf %gather3A_718, %get3A_721 : vector<16xf32>
      %add3A_723 = arith.addf %add3A_694, %mul3A_722 : vector<16xf32>
      %get3A_724 = arith.index_cast %add3A_713 : i32 to index
      %get3A_725 = arith.constant 16 : index
      %get3A_726 = tpu.vector_load %arg6[%get3A_724, %get3A_725] {strides = array<i32>} : memref<64x64xf32, #tpu.memory_space<vmem>>, vector<16xf32>,
      %mul3A_727 = arith.mulf %gather3A_718, %get3A_726 : vector<16xf32>
      %add3A_728 = arith.addf %add3A_699, %mul3A_727 : vector<16xf32>
      %get3A_729 = arith.index_cast %add3A_713 : i32 to index
      %get3A_730 = arith.constant 32 : index
      %get3A_731 = tpu.vector_load %arg6[%get3A_729, %get3A_730] {strides = array<i32>} : memref<64x64xf32, #tpu.memory_space<vmem>>, vector<16xf32>,
      %mul3A_732 = arith.mulf %gather3A_718, %get3A_731 : vector<16xf32>
      %add3A_733 = arith.addf %add3A_704, %mul3A_732 : vector<16xf32>
      %get3A_734 = arith.index_cast %add3A_713 : i32 to index
      %get3A_735 = arith.constant 48 : index
      %get3A_736 = tpu.vector_load %arg6[%get3A_734, %get3A_735] {strides = array<i32>} : memref<64x64xf32, #tpu.memory_space<vmem>>, vector<16xf32>,
      %mul3A_737 = arith.mulf %gather3A_718, %get3A_736 : vector<16xf32>
      %add3A_738 = arith.addf %add3A_709, %mul3A_737 : vector<16xf32>
      scf.yield %add3A_723, %add3A_728, %add3A_733, %add3A_738 : vector<16xf32>, vector<16xf32>, vector<16xf32>, vector<16xf32>
    }
    %scan3A_631 = arith.constant 32 : i32
    %mul3A_632 = arith.mulf %scan3A_630#0, %broadcast_in_dim3A_7 : vector<16xf32>
    %swap3A_633 = arith.constant 14 : i32
    %swap3A_634 = arith.index_cast %swap3A_633 : i32 to index
    %swap3A_635 = arith.constant 0 : index
    %swap3A_636 = tpu.vector_load %arg8[%swap3A_634, %swap3A_635] {strides = array<i32>} : memref<16x64xf32, #tpu.memory_space<vmem>>, vector<16xf32>,
    tpu.vector_store %arg8[%swap3A_634, %swap3A_635], %mul3A_632 {strides = array<i32>} : memref<16x64xf32, #tpu.memory_space<vmem>>, vector<16xf32>,
    %mul3A_637 = arith.mulf %scan3A_630#1, %broadcast_in_dim3A_7 : vector<16xf32>
    %swap3A_638 = arith.constant 14 : i32
    %swap3A_639 = arith.index_cast %swap3A_638 : i32 to index
    %swap3A_640 = arith.constant 16 : index
    %swap3A_641 = tpu.vector_load %arg8[%swap3A_639, %swap3A_640] {strides = array<i32>} : memref<16x64xf32, #tpu.memory_space<vmem>>, vector<16xf32>,
    tpu.vector_store %arg8[%swap3A_639, %swap3A_640], %mul3A_637 {strides = array<i32>} : memref<16x64xf32, #tpu.memory_space<vmem>>, vector<16xf32>,
    %mul3A_642 = arith.mulf %scan3A_630#2, %broadcast_in_dim3A_7 : vector<16xf32>
    %swap3A_643 = arith.constant 14 : i32
    %swap3A_644 = arith.index_cast %swap3A_643 : i32 to index
    %swap3A_645 = arith.constant 32 : index
    %swap3A_646 = tpu.vector_load %arg8[%swap3A_644, %swap3A_645] {strides = array<i32>} : memref<16x64xf32, #tpu.memory_space<vmem>>, vector<16xf32>,
    tpu.vector_store %arg8[%swap3A_644, %swap3A_645], %mul3A_642 {strides = array<i32>} : memref<16x64xf32, #tpu.memory_space<vmem>>, vector<16xf32>,
    %mul3A_647 = arith.mulf %scan3A_630#3, %broadcast_in_dim3A_7 : vector<16xf32>
    %swap3A_648 = arith.constant 14 : i32
    %swap3A_649 = arith.index_cast %swap3A_648 : i32 to index
    %swap3A_650 = arith.constant 48 : index
    %swap3A_651 = tpu.vector_load %arg8[%swap3A_649, %swap3A_650] {strides = array<i32>} : memref<16x64xf32, #tpu.memory_space<vmem>>, vector<16xf32>,
    tpu.vector_store %arg8[%swap3A_649, %swap3A_650], %mul3A_647 {strides = array<i32>} : memref<16x64xf32, #tpu.memory_space<vmem>>, vector<16xf32>,
    %scan3A_652 = arith.constant 0 : i32
    %scan3A_653 = arith.constant 32 : i32
    %scan3A_654 = arith.addi %scan3A_652, %scan3A_653 : i32
    %scan3A_655 = arith.constant 1 : i32
    %scan3A_656:4 = scf.for %scan3A_678 = %scan3A_652 to %scan3A_654 step %scan3A_655 iter_args(%scan3A_679 = %broadcast_in_dim3A_5, %scan3A_680 = %broadcast_in_dim3A_5, %scan3A_681 = %broadcast_in_dim3A_5, %scan3A_682 = %broadcast_in_dim3A_5) -> (vector<16xf32>, vector<16xf32>, vector<16xf32>, vector<16xf32>)  : i32 {
      %mul3A_683 = arith.constant 2 : i32
      %mul3A_684 = arith.muli %scan3A_678, %mul3A_683 : i32
      %add3A_685 = arith.constant 0 : i32
      %add3A_686 = arith.addi %mul3A_684, %add3A_685 : i32
      %broadcast_in_dim3A_687 = arith.constant 960 : i32
      %broadcast_in_dim3A_688 = vector.broadcast %broadcast_in_dim3A_687 : i32 to vector<16xi32>
      %add3A_689 = vector.broadcast %add3A_686 : i32 to vector<16xi32>
      %add3A_690 = arith.addi %broadcast_in_dim3A_688, %add3A_689 : vector<16xi32>
      %gather3A = tpu.vector_load_idx %arg7[%add3A_690] : memref<1024xf32, #tpu.memory_space<vmem>>[vector<16xi32>], vector<16xf32>,
      %get3A = arith.index_cast %add3A_686 : i32 to index
      %get3A_691 = arith.constant 0 : index
      %get3A_692 = tpu.vector_load %arg6[%get3A, %get3A_691] {strides = array<i32>} : memref<64x64xf32, #tpu.memory_space<vmem>>, vector<16xf32>,
      %mul3A_693 = arith.mulf %gather3A, %get3A_692 : vector<16xf32>
      %add3A_694 = arith.addf %scan3A_679, %mul3A_693 : vector<16xf32>
      %get3A_695 = arith.index_cast %add3A_686 : i32 to index
      %get3A_696 = arith.constant 16 : index
      %get3A_697 = tpu.vector_load %arg6[%get3A_695, %get3A_696] {strides = array<i32>} : memref<64x64xf32, #tpu.memory_space<vmem>>, vector<16xf32>,
      %mul3A_698 = arith.mulf %gather3A, %get3A_697 : vector<16xf32>
      %add3A_699 = arith.addf %scan3A_680, %mul3A_698 : vector<16xf32>
      %get3A_700 = arith.index_cast %add3A_686 : i32 to index
      %get3A_701 = arith.constant 32 : index
      %get3A_702 = tpu.vector_load %arg6[%get3A_700, %get3A_701] {strides = array<i32>} : memref<64x64xf32, #tpu.memory_space<vmem>>, vector<16xf32>,
      %mul3A_703 = arith.mulf %gather3A, %get3A_702 : vector<16xf32>
      %add3A_704 = arith.addf %scan3A_681, %mul3A_703 : vector<16xf32>
      %get3A_705 = arith.index_cast %add3A_686 : i32 to index
      %get3A_706 = arith.constant 48 : index
      %get3A_707 = tpu.vector_load %arg6[%get3A_705, %get3A_706] {strides = array<i32>} : memref<64x64xf32, #tpu.memory_space<vmem>>, vector<16xf32>,
      %mul3A_708 = arith.mulf %gather3A, %get3A_707 : vector<16xf32>
      %add3A_709 = arith.addf %scan3A_682, %mul3A_708 : vector<16xf32>
      %mul3A_710 = arith.constant 2 : i32
      %mul3A_711 = arith.muli %scan3A_678, %mul3A_710 : i32
      %add3A_712 = arith.constant 1 : i32
      %add3A_713 = arith.addi %mul3A_711, %add3A_712 : i32
      %broadcast_in_dim3A_714 = arith.constant 960 : i32
      %broadcast_in_dim3A_715 = vector.broadcast %broadcast_in_dim3A_714 : i32 to vector<16xi32>
      %add3A_716 = vector.broadcast %add3A_713 : i32 to vector<16xi32>
      %add3A_717 = arith.addi %broadcast_in_dim3A_715, %add3A_716 : vector<16xi32>
      %gather3A_718 = tpu.vector_load_idx %arg7[%add3A_717] : memref<1024xf32, #tpu.memory_space<vmem>>[vector<16xi32>], vector<16xf32>,
      %get3A_719 = arith.index_cast %add3A_713 : i32 to index
      %get3A_720 = arith.constant 0 : index
      %get3A_721 = tpu.vector_load %arg6[%get3A_719, %get3A_720] {strides = array<i32>} : memref<64x64xf32, #tpu.memory_space<vmem>>, vector<16xf32>,
      %mul3A_722 = arith.mulf %gather3A_718, %get3A_721 : vector<16xf32>
      %add3A_723 = arith.addf %add3A_694, %mul3A_722 : vector<16xf32>
      %get3A_724 = arith.index_cast %add3A_713 : i32 to index
      %get3A_725 = arith.constant 16 : index
      %get3A_726 = tpu.vector_load %arg6[%get3A_724, %get3A_725] {strides = array<i32>} : memref<64x64xf32, #tpu.memory_space<vmem>>, vector<16xf32>,
      %mul3A_727 = arith.mulf %gather3A_718, %get3A_726 : vector<16xf32>
      %add3A_728 = arith.addf %add3A_699, %mul3A_727 : vector<16xf32>
      %get3A_729 = arith.index_cast %add3A_713 : i32 to index
      %get3A_730 = arith.constant 32 : index
      %get3A_731 = tpu.vector_load %arg6[%get3A_729, %get3A_730] {strides = array<i32>} : memref<64x64xf32, #tpu.memory_space<vmem>>, vector<16xf32>,
      %mul3A_732 = arith.mulf %gather3A_718, %get3A_731 : vector<16xf32>
      %add3A_733 = arith.addf %add3A_704, %mul3A_732 : vector<16xf32>
      %get3A_734 = arith.index_cast %add3A_713 : i32 to index
      %get3A_735 = arith.constant 48 : index
      %get3A_736 = tpu.vector_load %arg6[%get3A_734, %get3A_735] {strides = array<i32>} : memref<64x64xf32, #tpu.memory_space<vmem>>, vector<16xf32>,
      %mul3A_737 = arith.mulf %gather3A_718, %get3A_736 : vector<16xf32>
      %add3A_738 = arith.addf %add3A_709, %mul3A_737 : vector<16xf32>
      scf.yield %add3A_723, %add3A_728, %add3A_733, %add3A_738 : vector<16xf32>, vector<16xf32>, vector<16xf32>, vector<16xf32>
    }
    %scan3A_657 = arith.constant 32 : i32
    %mul3A_658 = arith.mulf %scan3A_656#0, %broadcast_in_dim3A_7 : vector<16xf32>
    %swap3A_659 = arith.constant 15 : i32
    %swap3A_660 = arith.index_cast %swap3A_659 : i32 to index
    %swap3A_661 = arith.constant 0 : index
    %swap3A_662 = tpu.vector_load %arg8[%swap3A_660, %swap3A_661] {strides = array<i32>} : memref<16x64xf32, #tpu.memory_space<vmem>>, vector<16xf32>,
    tpu.vector_store %arg8[%swap3A_660, %swap3A_661], %mul3A_658 {strides = array<i32>} : memref<16x64xf32, #tpu.memory_space<vmem>>, vector<16xf32>,
    %mul3A_663 = arith.mulf %scan3A_656#1, %broadcast_in_dim3A_7 : vector<16xf32>
    %swap3A_664 = arith.constant 15 : i32
    %swap3A_665 = arith.index_cast %swap3A_664 : i32 to index
    %swap3A_666 = arith.constant 16 : index
    %swap3A_667 = tpu.vector_load %arg8[%swap3A_665, %swap3A_666] {strides = array<i32>} : memref<16x64xf32, #tpu.memory_space<vmem>>, vector<16xf32>,
    tpu.vector_store %arg8[%swap3A_665, %swap3A_666], %mul3A_663 {strides = array<i32>} : memref<16x64xf32, #tpu.memory_space<vmem>>, vector<16xf32>,
    %mul3A_668 = arith.mulf %scan3A_656#2, %broadcast_in_dim3A_7 : vector<16xf32>
    %swap3A_669 = arith.constant 15 : i32
    %swap3A_670 = arith.index_cast %swap3A_669 : i32 to index
    %swap3A_671 = arith.constant 32 : index
    %swap3A_672 = tpu.vector_load %arg8[%swap3A_670, %swap3A_671] {strides = array<i32>} : memref<16x64xf32, #tpu.memory_space<vmem>>, vector<16xf32>,
    tpu.vector_store %arg8[%swap3A_670, %swap3A_671], %mul3A_668 {strides = array<i32>} : memref<16x64xf32, #tpu.memory_space<vmem>>, vector<16xf32>,
    %mul3A_673 = arith.mulf %scan3A_656#3, %broadcast_in_dim3A_7 : vector<16xf32>
    %swap3A_674 = arith.constant 15 : i32
    %swap3A_675 = arith.index_cast %swap3A_674 : i32 to index
    %swap3A_676 = arith.constant 48 : index
    %swap3A_677 = tpu.vector_load %arg8[%swap3A_675, %swap3A_676] {strides = array<i32>} : memref<16x64xf32, #tpu.memory_space<vmem>>, vector<16xf32>,
    tpu.vector_store %arg8[%swap3A_675, %swap3A_676], %mul3A_673 {strides = array<i32>} : memref<16x64xf32, #tpu.memory_space<vmem>>, vector<16xf32>,
    "tpu.region"() ({
      %run_scoped3A = tpu.sem_alloc : memref<!tpu.dma_semaphore, #tpu.memory_space<semaphore_mem>>
      %dma_start3A = arith.constant 0 : i32
      %dma_start3A_678 = tpu.memref_slice %arg4[%mul3A_2, %dma_start3A] : memref<512x64xf32, #tpu.memory_space<hbm>> -> memref<16x64xf32, #tpu.memory_space<hbm>>
      %dma_start3A_679 = arith.constant 0 : i32
      %dma_start3A_680 = tpu.memref_slice %arg4[%mul3A_2, %dma_start3A_679] : memref<512x64xf32, #tpu.memory_space<hbm>> -> memref<16x64xf32, #tpu.memory_space<hbm>>
      tpu.enqueue_dma source(%arg8 : memref<16x64xf32, #tpu.memory_space<vmem>>) target(%dma_start3A_680 : memref<16x64xf32, #tpu.memory_space<hbm>>) target_semaphore(%run_scoped3A : memref<!tpu.dma_semaphore, #tpu.memory_space<semaphore_mem>>)
      %dma_wait3A = arith.constant 0 : i32
      %dma_wait3A_681 = tpu.memref_slice %arg4[%mul3A_2, %dma_wait3A] : memref<512x64xf32, #tpu.memory_space<hbm>> -> memref<16x64xf32, #tpu.memory_space<hbm>>
      %dma_wait3A_682 = arith.constant 0 : i32
      %dma_wait3A_683 = tpu.memref_slice %arg4[%mul3A_2, %dma_wait3A_682] : memref<512x64xf32, #tpu.memory_space<hbm>> -> memref<16x64xf32, #tpu.memory_space<hbm>>
      tpu.wait_dma2 semaphore(%run_scoped3A : memref<!tpu.dma_semaphore, #tpu.memory_space<semaphore_mem>>) src(%arg8 : memref<16x64xf32, #tpu.memory_space<vmem>>) dst(%dma_wait3A_683 : memref<16x64xf32, #tpu.memory_space<hbm>>)
      tpu.yield
    }) : () -> ()
    return
  }
}

</mosaic_0001>

<sc_bundles>
// kernel: kernel.3.cloned.1.call-start
scs
__scs_entry_jumppad:
0x0: {  	(pc) =	sbr.rel $0x88, $3  }
0x1: {  	(tag) =	ssettag $0x0;
	lr =	simm.s32 $0x1  }
0x2: {  	[smem:$0x3F9F] =	sst lr;
	_ =	strace $0xD0000000  }
0x3: {  	_ = 	snop  }
0x4: {  	_ = 	snop  }
0x5: {  	_ = 	snop  }
0x6: {  	_ = 	snop  }
0x7: {  	_ = 	snop  }
__scs_overlays_trampoline_lowered:
0x8: {  	[smem:$0x3FAE] =	sst s0  }
0x9: {  	[smem:$0x3FAF] =	sst s1  }
0xa: {  	[smem:$0x3FB0] =	sst s2  }
0xb: {  	[smem:$0x3FB1] =	sst s3  }
0xc: {  	[smem:$0x3FB2] =	sst s4  }
0xd: {  	[smem:$0x3FB3] =	sst s5  }
0xe: {  	[smem:$0x3FB4] =	sst s6  }
0xf: {  	[smem:$0x3FB5] =	sst s7  }
0x10: {  	[smem:$0x3FB6] =	sst s8  }
0x11: {  	[smem:$0x3FB7] =	sst s9;
	s0 =	simm.s32 @!p0 $0x0  }
0x12: {  	s1 =	sld [smem:$0x3F9D];
	s0 =	simm.s32 @p0 $0x1  }
0x13: {  	[smem:$0x3FB8] =	sst s0;
	s0 =	simm.s32 @!p1 $0x0  }
0x14: {  	s2 =	sld [smem:$0x3F9C];
	s0 =	simm.s32 @p1 $0x1  }
0x15: {  	[smem:$0x3FB9] =	sst s0;
	s0 =	simm.s32 @!p2 $0x0  }
0x16: {  	s3 =	sld [smem:$0x3FDB];
	s0 =	simm.s32 @p2 $0x1  }
0x17: {  	s4 =	simm.s32 $0x1BF5;
	[smem:$0x3FBB] =	sst s0  }
0x18: {  	s0 =	sld [smem:$0x3F9E];
	_ =	swait.ge [sflag:s4], $0x0  }
0x19: {  	s7 =	sld [smem:$0x3F9F]  }
0x1a: {  	s8 =	sadd.s32 $0xFFFFE003, lr  }
0x1b: {  	s9 =	sadd.s32 $0xFFFFFEF7, lr;
	s5 =	simm.s32 $0xFFFFFFFF;
	p2 =	slt.u32 s8, $0xFFFFF086  }
0x1c: {  	p1 =	slt.u32 s9, $0xF7A;
	s5 =	simm.s32 @!p2 $0x0  }
0x1d: {  	s5 =	simm.s32 @p1 $0x1;
	p0 =	seq.s32 s7, s2  }
0x1e: {  	s7 =	smul.u32 @!p0 $0xF7A, s2;
	p2 =	seq.s32 @!p0 s5, $0x0  }
0x1f: {  	s9 =	smul.u32 $0xF7A, s1;
	s8 =	simm.s32 @!p0 $0x1BF5;
	p2 =	por !p2, p0  }
0x20: {  	[sflag:s8] =	ssyncset.s32 @!p0 $0xFFFFF086;
	s6 =	sadd.s32 @!p0 s3, s7;
	s7 =	simm.s32 @!p0 $0x108  }
0x21: {  	s3 =	sadd.s32 s3, s9;
	s6 =	sadd.s32 @!p0 $0x88, s6;
	s7 =	simm.s32 @p2 $0x1082  }
0x22: {  	[simem:s7], [sflag:s8] =	dma.local @!p0 [hbm:s6], $0xF7A  }
0x23: {  	s9 =	sor.u32 $0xD0000000, s2;
	s6 =	simm.s32 $0x108;
	_ =	swait.ge @!p0 [sflag:s8], $0x0  }
0x24: {  	s3 =	sadd.s32 $0x88, s3;
	s6 =	simm.s32 @!p1 $0x1082;
	[sflag:s4] =	ssyncset.s32 $0xFFFFF086  }
0x25: {  	[simem:s6], [sflag:s4] =	dma.local [hbm:s3], $0xF7A  }
0x26: {  	[smem:$0x3F9F] =	sst s1;
	(tag) =	ssettag s2;
	_ =	strace s9  }
0x27: {  	s1 =	sld [smem:$0x3FAF]  }
0x28: {  	s2 =	sld [smem:$0x3FB0]  }
0x29: {  	s4 =	sld [smem:$0x3FB2]  }
0x2a: {  	p0 =	seq.s32 s5, $0x0;
	s5 =	sld [smem:$0x3FB3]  }
0x2b: {  	s6 =	sld [smem:$0x3FB4]  }
0x2c: {  	s7 =	sld [smem:$0x3FB5]  }
0x2d: {  	s3 =	simm.s32 $0x108;
	s8 =	sld [smem:$0x3FB6]  }
0x2e: {  	s3 =	simm.s32 @!p0 $0x1082;
	s9 =	sld [smem:$0x3FB7]  }
0x2f: {  	lr =	sadd.s32 s0, s3;
	s0 =	sld [smem:$0x3FAE]  }
0x30: {  	s3 =	sld [smem:$0x3FB1]  }
0x31: {  	[smem:$0x3FBA] =	sst s10  }
0x32: {  	s10 =	sld [smem:$0x3FB8];
	_ =	sdelay $0x3  }
0x33: {  	p0 =	seq.s32 s10, $0x1;
	s10 =	sld [smem:$0x3FBA];
	_ =	sdelay $0x3  }
0x34: {  	[smem:$0x3FBA] =	sst s10  }
0x35: {  	s10 =	sld [smem:$0x3FB9];
	_ =	sdelay $0x3  }
0x36: {  	p1 =	seq.s32 s10, $0x1;
	s10 =	sld [smem:$0x3FBA];
	_ =	sdelay $0x3  }
0x37: {  	[smem:$0x3FBA] =	sst s10  }
0x38: {  	s10 =	sld [smem:$0x3FBB]  }
0x39: {  	_ = 	snop;
	(pc) =	sbr.ind lr, $3  }
0x3a: {  	_ = 	snop  }
0x3b: {  	_ = 	snop  }
0x3c: {  	p2 =	seq.s32 s10, $0x1;
	s10 =	sld [smem:$0x3FBA]  }
0x3d: {  	_ =	shalt  }
0x3e: {  	_ =	shalt  }
0x3f: {  	_ =	shalt  }
0x40: {  	_ =	shalt  }
0x41: {  	_ =	shalt  }
0x42: {  	_ =	shalt  }
0x43: {  	_ =	shalt  }
0x44: {  	_ =	shalt  }
0x45: {  	_ =	shalt  }
0x46: {  	_ =	shalt  }
0x47: {  	_ =	shalt  }
0x48: {  	_ =	shalt  }
0x49: {  	_ =	shalt  }
0x4a: {  	_ =	shalt  }
0x4b: {  	_ =	shalt  }
0x4c: {  	_ =	shalt  }
0x4d: {  	_ =	shalt  }
0x4e: {  	_ =	shalt  }
0x4f: {  	_ =	shalt  }
0x50: {  	_ =	shalt  }
0x51: {  	_ =	shalt  }
0x52: {  	_ =	shalt  }
0x53: {  	_ =	shalt  }
0x54: {  	_ =	shalt  }
0x55: {  	_ =	shalt  }
0x56: {  	_ =	shalt  }
0x57: {  	_ =	shalt  }
0x58: {  	_ =	shalt  }
0x59: {  	_ =	shalt  }
0x5a: {  	_ =	shalt  }
0x5b: {  	_ =	shalt  }
0x5c: {  	_ =	shalt  }
0x5d: {  	_ =	shalt  }
0x5e: {  	_ =	shalt  }
0x5f: {  	_ =	shalt  }
0x60: {  	_ =	shalt  }
0x61: {  	_ =	shalt  }
0x62: {  	_ =	shalt  }
0x63: {  	_ =	shalt  }
0x64: {  	_ =	shalt  }
0x65: {  	_ =	shalt  }
0x66: {  	_ =	shalt  }
0x67: {  	_ =	shalt  }
0x68: {  	_ =	shalt  }
0x69: {  	_ =	shalt  }
0x6a: {  	_ =	shalt  }
0x6b: {  	_ =	shalt  }
0x6c: {  	_ =	shalt  }
0x6d: {  	_ =	shalt  }
0x6e: {  	_ =	shalt  }
0x6f: {  	_ =	shalt  }
0x70: {  	_ =	shalt  }
0x71: {  	_ =	shalt  }
0x72: {  	_ =	shalt  }
0x73: {  	_ =	shalt  }
0x74: {  	_ =	shalt  }
0x75: {  	_ =	shalt  }
0x76: {  	_ =	shalt  }
0x77: {  	_ =	shalt  }
0x78: {  	_ =	shalt  }
0x79: {  	_ =	shalt  }
0x7a: {  	_ =	shalt  }
0x7b: {  	_ =	shalt  }
0x7c: {  	_ =	shalt  }
0x7d: {  	_ =	shalt  }
0x7e: {  	_ =	shalt  }
0x7f: {  	_ =	shalt  }
0x80: {  	_ =	shalt  }
0x81: {  	_ =	shalt  }
0x82: {  	_ =	shalt  }
0x83: {  	_ =	shalt  }
0x84: {  	_ =	shalt  }
0x85: {  	_ =	shalt  }
0x86: {  	_ =	shalt  }
0x87: {  	_ =	shalt  }
.Lfunc_end0:
.L_simem_size_0:
called_computation_lowered:
.L_overlay_start_0:
0x88: {  	s2 =	sld [smem:$0x3FD9]  }
0x89: {  	s3 =	sld [smem:$0x3FFE];
	_ =	sdelay $0x1  }
0x8a: {  	s1 =	srdreg.scid  }
0x8b: {  	s0 =	sand.u32 $0x1, s1  }
0x8c: {  	s17 =	sshll.u32 s0, $0xA;
	s2 =	sadd.s32 s3, s2  }
0x8d: {  	s2 =	sadd.s32 s2, s17  }
0x8e: {  	[smem:$0x3FC6] =	sst s2  }
0x8f: {  	_ = 	snop  }
0x90: {  	s2 =	sld [smem:$0x3FC9]  }
0x91: {  	s18 =	sld [smem:$0x3FC8];
	(tm) =	ssettm $0x1  }
0x92: {  	s4 =	sld [smem:$0x3FFB];
	_ =	sdelay $0x3  }
0x93: {  	_ =	strace s4  }
0x94: {  	s4 =	sld [smem:$0x3FFC];
	_ =	sdelay $0x3  }
0x95: {  	_ =	strace s4  }
0x96: {  	s4 =	sld [smem:$0x3FFD];
	_ =	sdelay $0x3  }
0x97: {  	_ =	strace s4  }
0x98: {  	_ =	strace $0x8FFFFFFF  }
0x99: {  	s19 =	sld [smem:$0x3FDB];
	_ =	sdelay $0x1  }
0x9a: {  	s5 =	simm.s32 $_scs_section_size  }
0x9b: {  	s6 =	simm.s32 $_size__tile_overlayer_lowered;
	s7 =	simm.s32 $_tile_overlayer_lowered  }
0x9c: {  	s22 =	simm.s32 $0x1BFF;
	s21 =	sshll.u32 s7, $0x1;
	s4 =	sadd.s32 s5, s19  }
0x9d: {  	s8 =	simm.s32 $0x0;
	s20 =	sshll.u32 s6, $0x1;
	s6 =	sadd.s32 s21, s4  }
0x9e: {  	[timem:s8], [sflag:s22] =	dma.local [hbm:s6], s20  }
0x9f: {  	_ =	swait.ge [sflag:s22], s20  }
0xa0: {  	s5 =	ssub.s32 $0x0, s20;
	[sflag:s22] =	ssyncset.done $0x0  }
0xa1: {  	[sflag:s22] =	ssyncadd.s32 s5;
	_ =	sdelay $0x1  }
0xa2: {  	s23 =	simm.s32 $0x1B8B  }
0xa3: {  	_ =	swait.ge [sflag:s23], $0x1  }
0xa4: {  	[sflag:s23] =	ssyncset.done $0x0  }
0xa5: {  	s25 =	simm.s32 $0x1B8E;
	s24 =	sld [smem:$0x3FFE];
	[sflag:s23] =	ssyncadd.s32 $0xFFFFFFFF  }
0xa6: {  	s26 =	simm.s32 $execute0_lowered;
	[smem:$0x3FD2] =	sst s25  }
0xa7: {  	s6 =	sshll.u32 s26, $0x1;
	_ =	strace $0x80000046;
	[dreg:$0x1] =	wrdreg $0xFFFFFFFF  }
0xa8: {  	s28 =	simm.s32 $_size_execute0_lowered;
	s4 =	sadd.s32 s4, s6;
	[dreg:$0x0] =	wrdreg $0x0  }
0xa9: {  	s6 =	sshll.u32 s28, $0x1;
	[dreg:$0x2] =	wrdreg s4  }
0xaa: {  	[dreg:$0x3] =	wrdreg s6  }
0xab: {  	[dreg:$0x4] =	wrdreg $0xC0  }
0xac: {  	_ =	task [dreg:s8], $0x5FFFF  }
0xad: {  	[dreg:$0x1] =	wrdreg $0xFFFFFFFF  }
0xae: {  	[dreg:$0x0] =	wrdreg $0x60  }
0xaf: {  	[dreg:$0x2] =	wrdreg s2  }
0xb0: {  	[dreg:$0x3] =	wrdreg s18  }
0xb1: {  	[dreg:$0x4] =	wrdreg s24  }
0xb2: {  	[dreg:$0x5] =	wrdreg $0x9  }
0xb3: {  	_ =	task.clear_ibuf [dreg:s8], $0x6FFFF;
	_ =	strace $0x90000046  }
0xb4: {  	s29 =	simm.s32 $0x9;
	_ =	strace $0x80000048  }
0xb5: {  	_ =	swait.ge [sflag:s29], $0x1  }
0xb6: {  	[sflag:s29] =	ssyncadd.s32 $0xFFFFFFFF  }
0xb7: {  	_ =	strace $0x90000048  }
0xb8: {  	_ =	sfence  }
0xb9: {  	s30 =	sld [smem:$0x0];
	_ =	sdelay $0x2  }
0xba: {  	s31 =	sshll.u32 s1, $0xD;
	s1 =	sshrl.u32 s1, $0x2  }
0xbb: {  	s3 =	sand.u32 $0x4000, s31;
	s1 =	sadd.s32 s1, s30  }
0xbc: {  	s0 =	sor.u32 s3, s0;
	s1 =	sshll.u32 s1, $0x11  }
0xbd: {  	s0 =	sor.u32 s1, s0  }
0xbe: {  	s0 =	sadd.s32 $0x8F2B, s0  }
0xbf: {  	[sflag:s0] =	ssyncadd.remote.s32 $0x1  }
0xc0: {  	_ =	sfence.sel $0xFFFF  }
0xc1: {  	[dreg:$0x0] =	wrdreg $0xFFFFFFFF;
	(pc) =	sbr.abs _section_cstart, $3  }
0xc2: {  	[dreg:$0x1] =	wrdreg $0xFFFFFFFF  }
0xc3: {  	_ =	task.clear_ibuf [dreg:s8], $0x2FFFF;
	_ =	strace $0x9FFFFFFF  }
0xc4: {  	(tm) =	ssettm $0x7FFFFFFF  }
0xc5: {  	_ =	shalt  }
tec
execute0_lowered:
.L_overlay_start_1:
0x0: {  	(tag) =	ssettag $0x1  }
0x1: {  	s4 =	rddreg [dreg:$0x0]  }
0x2: {  	s2 =	rddreg [dreg:$0x1]  }
0x3: {  	s5 =	rddreg [dreg:$0x2];
	s3 =	srdreg.scid  }
0x4: {  	s0 =	rddreg [dreg:$0x3];
	s1 =	stileid.u32  }
0x5: {  	s9 =	simm.s32 $0xA000;
	s10 =	simm.s32 $0xA400;
	s11 =	simm.s32 $0x0  }
0x6: {  	s6 =	sand.u32 $0x1, s3;
	s3 =	simm.s32 $0x0;
	s7 =	sshll.u32 s1, $0x5  }
0x7: {  	s8 =	sshll.u32 s6, $0x4;
	[smem:$0x7FF] =	sst s3;
	s6 =	ssub.s32 $0x2, s6  }
0x8: {  	s7 =	sor.u32 s8, s7;
	_ =	strace $0x80000047;
	s31 =	sshrl.u32 s6, $0x1  }
0x9: {  	s8 =	sshll.u32 s7, $0x4;
	s7 =	sshll.u32 s7, $0x8;
	s6 =	ssub.s32 s6, s31  }
0xa: {  	s5 =	sadd.s32 s8, s5;
	s4 =	sadd.s32 s4, s7;
	s6 =	smax.u32 s6, $0x1  }
0xb: {  	v0 =	vimm.f32 $0.0e+00;
	v1 =	vimm.f32 $1.000000000e+00;
	s7 =	simm.s32 $0x1;
	s8 =	simm.s32 $0x8000;
	s5 =	sadd.s32 $0x400, s5  }
.LBB2_1:
0xc: {  	[tilespmem:s3], [sflag:$0x1] =	stream.linear.gather [hbm4b:s4+s3], $0x8000, $0x38;
	[tilespmem:$0xAC00] =	vst v63  }
0xd: {  	_ =	swait.ge [sflag:s7], $0x8000  }
0xe: {  	[sflag:s7] =	ssyncset.done $0x0  }
0xf: {  	[sflag:s7] =	ssyncadd.s32 $0xFFFF8000  }
0x10: {  	[tilespmem:s8], [sflag:$0x1] =	stream.linear.gather [hbm4b:s2+s3], $0x2000, $0x38;
	[tilespmem:$0xAC00] =	vst v63  }
0x11: {  	_ =	swait.ge [sflag:s7], $0x2000  }
0x12: {  	[sflag:s7] =	ssyncset.done $0x0  }
0x13: {  	[sflag:s7] =	ssyncadd.s32 $0xFFFFE000  }
0x14: {  	[tilespmem:$0xA000] =	vst v0  }
0x15: {  	[tilespmem:$0xA010] =	vst v0  }
0x16: {  	[tilespmem:$0xA020] =	vst v0  }
0x17: {  	[tilespmem:$0xA030] =	vst v0  }
0x18: {  	[tilespmem:$0xA040] =	vst v0  }
0x19: {  	[tilespmem:$0xA050] =	vst v0  }
0x1a: {  	[tilespmem:$0xA060] =	vst v0  }
0x1b: {  	[tilespmem:$0xA070] =	vst v0  }
0x1c: {  	[tilespmem:$0xA080] =	vst v0  }
0x1d: {  	[tilespmem:$0xA090] =	vst v0  }
0x1e: {  	[tilespmem:$0xA0A0] =	vst v0  }
0x1f: {  	[tilespmem:$0xA0B0] =	vst v0  }
0x20: {  	[tilespmem:$0xA0C0] =	vst v0  }
0x21: {  	[tilespmem:$0xA0D0] =	vst v0  }
0x22: {  	[tilespmem:$0xA0E0] =	vst v0  }
0x23: {  	[tilespmem:$0xA0F0] =	vst v0  }
0x24: {  	[tilespmem:$0xA100] =	vst v0  }
0x25: {  	[tilespmem:$0xA110] =	vst v0  }
0x26: {  	[tilespmem:$0xA120] =	vst v0  }
0x27: {  	[tilespmem:$0xA130] =	vst v0  }
0x28: {  	[tilespmem:$0xA140] =	vst v0  }
0x29: {  	[tilespmem:$0xA150] =	vst v0  }
0x2a: {  	[tilespmem:$0xA160] =	vst v0  }
0x2b: {  	[tilespmem:$0xA170] =	vst v0  }
0x2c: {  	[tilespmem:$0xA180] =	vst v0  }
0x2d: {  	[tilespmem:$0xA190] =	vst v0  }
0x2e: {  	[tilespmem:$0xA1A0] =	vst v0  }
0x2f: {  	[tilespmem:$0xA1B0] =	vst v0  }
0x30: {  	[tilespmem:$0xA1C0] =	vst v0  }
0x31: {  	[tilespmem:$0xA1D0] =	vst v0  }
0x32: {  	[tilespmem:$0xA1E0] =	vst v0  }
0x33: {  	[tilespmem:$0xA1F0] =	vst v0  }
0x34: {  	[tilespmem:$0xA200] =	vst v0  }
0x35: {  	[tilespmem:$0xA210] =	vst v0  }
0x36: {  	[tilespmem:$0xA220] =	vst v0  }
0x37: {  	[tilespmem:$0xA230] =	vst v0  }
0x38: {  	[tilespmem:$0xA240] =	vst v0  }
0x39: {  	[tilespmem:$0xA250] =	vst v0  }
0x3a: {  	[tilespmem:$0xA260] =	vst v0  }
0x3b: {  	[tilespmem:$0xA270] =	vst v0  }
0x3c: {  	[tilespmem:$0xA280] =	vst v0  }
0x3d: {  	[tilespmem:$0xA290] =	vst v0  }
0x3e: {  	[tilespmem:$0xA2A0] =	vst v0  }
0x3f: {  	[tilespmem:$0xA2B0] =	vst v0  }
0x40: {  	[tilespmem:$0xA2C0] =	vst v0  }
0x41: {  	[tilespmem:$0xA2D0] =	vst v0  }
0x42: {  	[tilespmem:$0xA2E0] =	vst v0  }
0x43: {  	[tilespmem:$0xA2F0] =	vst v0  }
0x44: {  	[tilespmem:$0xA300] =	vst v0  }
0x45: {  	[tilespmem:$0xA310] =	vst v0  }
0x46: {  	[tilespmem:$0xA320] =	vst v0  }
0x47: {  	[tilespmem:$0xA330] =	vst v0  }
0x48: {  	[tilespmem:$0xA340] =	vst v0  }
0x49: {  	[tilespmem:$0xA350] =	vst v0  }
0x4a: {  	[tilespmem:$0xA360] =	vst v0  }
0x4b: {  	[tilespmem:$0xA370] =	vst v0  }
0x4c: {  	[tilespmem:$0xA380] =	vst v0  }
0x4d: {  	[tilespmem:$0xA390] =	vst v0  }
0x4e: {  	[tilespmem:$0xA3A0] =	vst v0  }
0x4f: {  	[tilespmem:$0xA3B0] =	vst v0  }
0x50: {  	[tilespmem:$0xA3C0] =	vst v0  }
0x51: {  	[tilespmem:$0xA3D0] =	vst v0  }
0x52: {  	[tilespmem:$0xA3E0] =	vst v0  }
0x53: {  	s13 =	simm.s32 $0x0;
	[tilespmem:$0xA3F0] =	vst v0  }
.LBB2_2:
0x54: {  	s12 =	sshra.s32 s13, $0x2  }
0x55: {  	v2 =	vld [tilespmem:s12+$0x0];
	_ =	sdelay $0x7  }
0x56: {  	[tilespmem:v2+s9+$0x0] =	vst.idx.add.f32.msk $0xffff, v1  }
0x57: {  	v2 =	vld [tilespmem:s12+$0x10];
	_ =	sdelay $0x7  }
0x58: {  	[tilespmem:v2+s9+$0x0] =	vst.idx.add.f32.msk $0xffff, v1  }
0x59: {  	v2 =	vld [tilespmem:s12+$0x20];
	_ =	sdelay $0x7  }
0x5a: {  	[tilespmem:v2+s9+$0x0] =	vst.idx.add.f32.msk $0xffff, v1  }
0x5b: {  	v2 =	vld [tilespmem:s12+$0x30];
	_ =	sdelay $0x7  }
0x5c: {  	[tilespmem:v2+s9+$0x0] =	vst.idx.add.f32.msk $0xffff, v1  }
0x5d: {  	v2 =	vld [tilespmem:s12+$0x40];
	_ =	sdelay $0x7  }
0x5e: {  	[tilespmem:v2+s9+$0x0] =	vst.idx.add.f32.msk $0xffff, v1  }
0x5f: {  	v2 =	vld [tilespmem:s12+$0x50];
	_ =	sdelay $0x7  }
0x60: {  	[tilespmem:v2+s9+$0x0] =	vst.idx.add.f32.msk $0xffff, v1  }
0x61: {  	v2 =	vld [tilespmem:s12+$0x60];
	_ =	sdelay $0x7  }
0x62: {  	[tilespmem:v2+s9+$0x0] =	vst.idx.add.f32.msk $0xffff, v1  }
0x63: {  	v2 =	vld [tilespmem:s12+$0x70];
	_ =	sdelay $0x2  }
0x64: {  	p0 =	sne.s32 s13, $0xF000  }
.Ltmp0:
0x65: {  	_ = 	snop;
	(pc) =	sbr.rel @p0 .LBB2_2-.Ltmp0, $2  }
0x66: {  	_ =	sdelay $0x2  }
0x67: {  	s13 =	sadd.s32 $0x1000, s13;
	s12 =	simm.s32 $0x0;
	[tilespmem:v2+s9+$0x0] =	vst.idx.add.f32.msk $0xffff, v1  }
0x68: {  	s13 =	simm.s32 $0x0  }
.LBB2_4:
0x69: {  	s14 =	sshra.s32 s13, $0x2  }
0x6a: {  	v2 =	vld [tilespmem:s14+$0x80];
	_ =	sdelay $0x4  }
0x6b: {  	v2 =	vadd.s32 $0x40, v2;
	_ =	sdelay $0x4  }
0x6c: {  	[tilespmem:v2+s9+$0x0] =	vst.idx.add.f32.msk $0xffff, v1  }
0x6d: {  	v2 =	vld [tilespmem:s14+$0x90];
	_ =	sdelay $0x4  }
0x6e: {  	v2 =	vadd.s32 $0x40, v2;
	_ =	sdelay $0x4  }
0x6f: {  	[tilespmem:v2+s9+$0x0] =	vst.idx.add.f32.msk $0xffff, v1  }
0x70: {  	v2 =	vld [tilespmem:s14+$0xA0];
	_ =	sdelay $0x4  }
0x71: {  	v2 =	vadd.s32 $0x40, v2;
	_ =	sdelay $0x4  }
0x72: {  	[tilespmem:v2+s9+$0x0] =	vst.idx.add.f32.msk $0xffff, v1  }
0x73: {  	v2 =	vld [tilespmem:s14+$0xB0];
	_ =	sdelay $0x4  }
0x74: {  	v2 =	vadd.s32 $0x40, v2;
	_ =	sdelay $0x4  }
0x75: {  	[tilespmem:v2+s9+$0x0] =	vst.idx.add.f32.msk $0xffff, v1  }
0x76: {  	v2 =	vld [tilespmem:s14+$0xC0];
	_ =	sdelay $0x4  }
0x77: {  	v2 =	vadd.s32 $0x40, v2;
	_ =	sdelay $0x4  }
0x78: {  	[tilespmem:v2+s9+$0x0] =	vst.idx.add.f32.msk $0xffff, v1  }
0x79: {  	v2 =	vld [tilespmem:s14+$0xD0];
	_ =	sdelay $0x4  }
0x7a: {  	v2 =	vadd.s32 $0x40, v2;
	_ =	sdelay $0x4  }
0x7b: {  	[tilespmem:v2+s9+$0x0] =	vst.idx.add.f32.msk $0xffff, v1  }
0x7c: {  	v2 =	vld [tilespmem:s14+$0xE0];
	_ =	sdelay $0x4  }
0x7d: {  	v2 =	vadd.s32 $0x40, v2;
	_ =	sdelay $0x4  }
0x7e: {  	[tilespmem:v2+s9+$0x0] =	vst.idx.add.f32.msk $0xffff, v1  }
0x7f: {  	v2 =	vld [tilespmem:s14+$0xF0];
	_ =	sdelay $0x4  }
0x80: {  	p0 =	sne.s32 s13, $0xF000;
	v2 =	vadd.s32 $0x40, v2  }
.Ltmp1:
0x81: {  	_ = 	snop;
	(pc) =	sbr.rel @p0 .LBB2_4-.Ltmp1, $2  }
0x82: {  	_ =	sdelay $0x2  }
0x83: {  	s13 =	sadd.s32 $0x1000, s13;
	[tilespmem:v2+s9+$0x0] =	vst.idx.add.f32.msk $0xffff, v1  }
.LBB2_5:
0x84: {  	s13 =	sshra.s32 s12, $0x2  }
0x85: {  	v2 =	vld [tilespmem:s13+$0x100];
	_ =	sdelay $0x4  }
0x86: {  	v2 =	vadd.s32 $0x80, v2;
	_ =	sdelay $0x4  }
0x87: {  	[tilespmem:v2+s9+$0x0] =	vst.idx.add.f32.msk $0xffff, v1  }
0x88: {  	v2 =	vld [tilespmem:s13+$0x110];
	_ =	sdelay $0x4  }
0x89: {  	v2 =	vadd.s32 $0x80, v2;
	_ =	sdelay $0x4  }
0x8a: {  	[tilespmem:v2+s9+$0x0] =	vst.idx.add.f32.msk $0xffff, v1  }
0x8b: {  	v2 =	vld [tilespmem:s13+$0x120];
	_ =	sdelay $0x4  }
0x8c: {  	v2 =	vadd.s32 $0x80, v2;
	_ =	sdelay $0x4  }
0x8d: {  	[tilespmem:v2+s9+$0x0] =	vst.idx.add.f32.msk $0xffff, v1  }
0x8e: {  	v2 =	vld [tilespmem:s13+$0x130];
	_ =	sdelay $0x4  }
0x8f: {  	v2 =	vadd.s32 $0x80, v2;
	_ =	sdelay $0x4  }
0x90: {  	[tilespmem:v2+s9+$0x0] =	vst.idx.add.f32.msk $0xffff, v1  }
0x91: {  	v2 =	vld [tilespmem:s13+$0x140];
	_ =	sdelay $0x4  }
0x92: {  	v2 =	vadd.s32 $0x80, v2;
	_ =	sdelay $0x4  }
0x93: {  	[tilespmem:v2+s9+$0x0] =	vst.idx.add.f32.msk $0xffff, v1  }
0x94: {  	v2 =	vld [tilespmem:s13+$0x150];
	_ =	sdelay $0x4  }
0x95: {  	v2 =	vadd.s32 $0x80, v2;
	_ =	sdelay $0x4  }
0x96: {  	[tilespmem:v2+s9+$0x0] =	vst.idx.add.f32.msk $0xffff, v1  }
0x97: {  	v2 =	vld [tilespmem:s13+$0x160];
	_ =	sdelay $0x4  }
0x98: {  	v2 =	vadd.s32 $0x80, v2;
	_ =	sdelay $0x4  }
0x99: {  	[tilespmem:v2+s9+$0x0] =	vst.idx.add.f32.msk $0xffff, v1  }
0x9a: {  	v2 =	vld [tilespmem:s13+$0x170];
	_ =	sdelay $0x4  }
0x9b: {  	p0 =	sne.s32 s12, $0xF000;
	v2 =	vadd.s32 $0x80, v2  }
.Ltmp2:
0x9c: {  	_ = 	snop;
	(pc) =	sbr.rel @p0 .LBB2_5-.Ltmp2, $2  }
0x9d: {  	_ =	sdelay $0x2  }
0x9e: {  	s12 =	sadd.s32 $0x1000, s12;
	s13 =	simm.s32 $0x0;
	[tilespmem:v2+s9+$0x0] =	vst.idx.add.f32.msk $0xffff, v1  }
0x9f: {  	s12 =	simm.s32 $0x0  }
.LBB2_7:
0xa0: {  	s14 =	sshra.s32 s12, $0x2  }
0xa1: {  	v2 =	vld [tilespmem:s14+$0x180];
	_ =	sdelay $0x4  }
0xa2: {  	v2 =	vadd.s32 $0xC0, v2;
	_ =	sdelay $0x4  }
0xa3: {  	[tilespmem:v2+s9+$0x0] =	vst.idx.add.f32.msk $0xffff, v1  }
0xa4: {  	v2 =	vld [tilespmem:s14+$0x190];
	_ =	sdelay $0x4  }
0xa5: {  	v2 =	vadd.s32 $0xC0, v2;
	_ =	sdelay $0x4  }
0xa6: {  	[tilespmem:v2+s9+$0x0] =	vst.idx.add.f32.msk $0xffff, v1  }
0xa7: {  	v2 =	vld [tilespmem:s14+$0x1A0];
	_ =	sdelay $0x4  }
0xa8: {  	v2 =	vadd.s32 $0xC0, v2;
	_ =	sdelay $0x4  }
0xa9: {  	[tilespmem:v2+s9+$0x0] =	vst.idx.add.f32.msk $0xffff, v1  }
0xaa: {  	v2 =	vld [tilespmem:s14+$0x1B0];
	_ =	sdelay $0x4  }
0xab: {  	v2 =	vadd.s32 $0xC0, v2;
	_ =	sdelay $0x4  }
0xac: {  	[tilespmem:v2+s9+$0x0] =	vst.idx.add.f32.msk $0xffff, v1  }
0xad: {  	v2 =	vld [tilespmem:s14+$0x1C0];
	_ =	sdelay $0x4  }
0xae: {  	v2 =	vadd.s32 $0xC0, v2;
	_ =	sdelay $0x4  }
0xaf: {  	[tilespmem:v2+s9+$0x0] =	vst.idx.add.f32.msk $0xffff, v1  }
0xb0: {  	v2 =	vld [tilespmem:s14+$0x1D0];
	_ =	sdelay $0x4  }
0xb1: {  	v2 =	vadd.s32 $0xC0, v2;
	_ =	sdelay $0x4  }
0xb2: {  	[tilespmem:v2+s9+$0x0] =	vst.idx.add.f32.msk $0xffff, v1  }
0xb3: {  	v2 =	vld [tilespmem:s14+$0x1E0];
	_ =	sdelay $0x4  }
0xb4: {  	v2 =	vadd.s32 $0xC0, v2;
	_ =	sdelay $0x4  }
0xb5: {  	[tilespmem:v2+s9+$0x0] =	vst.idx.add.f32.msk $0xffff, v1  }
0xb6: {  	v2 =	vld [tilespmem:s14+$0x1F0];
	_ =	sdelay $0x4  }
0xb7: {  	p0 =	sne.s32 s12, $0xF000;
	v2 =	vadd.s32 $0xC0, v2  }
.Ltmp3:
0xb8: {  	_ = 	snop;
	(pc) =	sbr.rel @p0 .LBB2_7-.Ltmp3, $2  }
0xb9: {  	_ =	sdelay $0x2  }
0xba: {  	s12 =	sadd.s32 $0x1000, s12;
	[tilespmem:v2+s9+$0x0] =	vst.idx.add.f32.msk $0xffff, v1  }
.LBB2_8:
0xbb: {  	s12 =	sshra.s32 s13, $0x2  }
0xbc: {  	v2 =	vld [tilespmem:s12+$0x200];
	_ =	sdelay $0x4  }
0xbd: {  	v2 =	vadd.s32 $0x100, v2;
	_ =	sdelay $0x4  }
0xbe: {  	[tilespmem:v2+s9+$0x0] =	vst.idx.add.f32.msk $0xffff, v1  }
0xbf: {  	v2 =	vld [tilespmem:s12+$0x210];
	_ =	sdelay $0x4  }
0xc0: {  	v2 =	vadd.s32 $0x100, v2;
	_ =	sdelay $0x4  }
0xc1: {  	[tilespmem:v2+s9+$0x0] =	vst.idx.add.f32.msk $0xffff, v1  }
0xc2: {  	v2 =	vld [tilespmem:s12+$0x220];
	_ =	sdelay $0x4  }
0xc3: {  	v2 =	vadd.s32 $0x100, v2;
	_ =	sdelay $0x4  }
0xc4: {  	[tilespmem:v2+s9+$0x0] =	vst.idx.add.f32.msk $0xffff, v1  }
0xc5: {  	v2 =	vld [tilespmem:s12+$0x230];
	_ =	sdelay $0x4  }
0xc6: {  	v2 =	vadd.s32 $0x100, v2;
	_ =	sdelay $0x4  }
0xc7: {  	[tilespmem:v2+s9+$0x0] =	vst.idx.add.f32.msk $0xffff, v1  }
0xc8: {  	v2 =	vld [tilespmem:s12+$0x240];
	_ =	sdelay $0x4  }
0xc9: {  	v2 =	vadd.s32 $0x100, v2;
	_ =	sdelay $0x4  }
0xca: {  	[tilespmem:v2+s9+$0x0] =	vst.idx.add.f32.msk $0xffff, v1  }
0xcb: {  	v2 =	vld [tilespmem:s12+$0x250];
	_ =	sdelay $0x4  }
0xcc: {  	v2 =	vadd.s32 $0x100, v2;
	_ =	sdelay $0x4  }
0xcd: {  	[tilespmem:v2+s9+$0x0] =	vst.idx.add.f32.msk $0xffff, v1  }
0xce: {  	v2 =	vld [tilespmem:s12+$0x260];
	_ =	sdelay $0x4  }
0xcf: {  	v2 =	vadd.s32 $0x100, v2;
	_ =	sdelay $0x4  }
0xd0: {  	[tilespmem:v2+s9+$0x0] =	vst.idx.add.f32.msk $0xffff, v1  }
0xd1: {  	v2 =	vld [tilespmem:s12+$0x270];
	_ =	sdelay $0x4  }
0xd2: {  	p0 =	sne.s32 s13, $0xF000;
	v2 =	vadd.s32 $0x100, v2  }
.Ltmp4:
0xd3: {  	_ = 	snop;
	(pc) =	sbr.rel @p0 .LBB2_8-.Ltmp4, $2  }
0xd4: {  	_ =	sdelay $0x2  }
0xd5: {  	s13 =	sadd.s32 $0x1000, s13;
	s12 =	simm.s32 $0x0;
	[tilespmem:v2+s9+$0x0] =	vst.idx.add.f32.msk $0xffff, v1  }
0xd6: {  	s13 =	simm.s32 $0x0  }
.LBB2_10:
0xd7: {  	s14 =	sshra.s32 s13, $0x2  }
0xd8: {  	v2 =	vld [tilespmem:s14+$0x280];
	_ =	sdelay $0x4  }
0xd9: {  	v2 =	vadd.s32 $0x140, v2;
	_ =	sdelay $0x4  }
0xda: {  	[tilespmem:v2+s9+$0x0] =	vst.idx.add.f32.msk $0xffff, v1  }
0xdb: {  	v2 =	vld [tilespmem:s14+$0x290];
	_ =	sdelay $0x4  }
0xdc: {  	v2 =	vadd.s32 $0x140, v2;
	_ =	sdelay $0x4  }
0xdd: {  	[tilespmem:v2+s9+$0x0] =	vst.idx.add.f32.msk $0xffff, v1  }
0xde: {  	v2 =	vld [tilespmem:s14+$0x2A0];
	_ =	sdelay $0x4  }
0xdf: {  	v2 =	vadd.s32 $0x140, v2;
	_ =	sdelay $0x4  }
0xe0: {  	[tilespmem:v2+s9+$0x0] =	vst.idx.add.f32.msk $0xffff, v1  }
0xe1: {  	v2 =	vld [tilespmem:s14+$0x2B0];
	_ =	sdelay $0x4  }
0xe2: {  	v2 =	vadd.s32 $0x140, v2;
	_ =	sdelay $0x4  }
0xe3: {  	[tilespmem:v2+s9+$0x0] =	vst.idx.add.f32.msk $0xffff, v1  }
0xe4: {  	v2 =	vld [tilespmem:s14+$0x2C0];
	_ =	sdelay $0x4  }
0xe5: {  	v2 =	vadd.s32 $0x140, v2;
	_ =	sdelay $0x4  }
0xe6: {  	[tilespmem:v2+s9+$0x0] =	vst.idx.add.f32.msk $0xffff, v1  }
0xe7: {  	v2 =	vld [tilespmem:s14+$0x2D0];
	_ =	sdelay $0x4  }
0xe8: {  	v2 =	vadd.s32 $0x140, v2;
	_ =	sdelay $0x4  }
0xe9: {  	[tilespmem:v2+s9+$0x0] =	vst.idx.add.f32.msk $0xffff, v1  }
0xea: {  	v2 =	vld [tilespmem:s14+$0x2E0];
	_ =	sdelay $0x4  }
0xeb: {  	v2 =	vadd.s32 $0x140, v2;
	_ =	sdelay $0x4  }
0xec: {  	[tilespmem:v2+s9+$0x0] =	vst.idx.add.f32.msk $0xffff, v1  }
0xed: {  	v2 =	vld [tilespmem:s14+$0x2F0];
	_ =	sdelay $0x4  }
0xee: {  	p0 =	sne.s32 s13, $0xF000;
	v2 =	vadd.s32 $0x140, v2  }
.Ltmp5:
0xef: {  	_ = 	snop;
	(pc) =	sbr.rel @p0 .LBB2_10-.Ltmp5, $2  }
0xf0: {  	_ =	sdelay $0x2  }
0xf1: {  	s13 =	sadd.s32 $0x1000, s13;
	[tilespmem:v2+s9+$0x0] =	vst.idx.add.f32.msk $0xffff, v1  }
.LBB2_11:
0xf2: {  	s13 =	sshra.s32 s12, $0x2  }
0xf3: {  	v2 =	vld [tilespmem:s13+$0x300];
	_ =	sdelay $0x4  }
0xf4: {  	v2 =	vadd.s32 $0x180, v2;
	_ =	sdelay $0x4  }
0xf5: {  	[tilespmem:v2+s9+$0x0] =	vst.idx.add.f32.msk $0xffff, v1  }
0xf6: {  	v2 =	vld [tilespmem:s13+$0x310];
	_ =	sdelay $0x4  }
0xf7: {  	v2 =	vadd.s32 $0x180, v2;
	_ =	sdelay $0x4  }
0xf8: {  	[tilespmem:v2+s9+$0x0] =	vst.idx.add.f32.msk $0xffff, v1  }
0xf9: {  	v2 =	vld [tilespmem:s13+$0x320];
	_ =	sdelay $0x4  }
0xfa: {  	v2 =	vadd.s32 $0x180, v2;
	_ =	sdelay $0x4  }
0xfb: {  	[tilespmem:v2+s9+$0x0] =	vst.idx.add.f32.msk $0xffff, v1  }
0xfc: {  	v2 =	vld [tilespmem:s13+$0x330];
	_ =	sdelay $0x4  }
0xfd: {  	v2 =	vadd.s32 $0x180, v2;
	_ =	sdelay $0x4  }
0xfe: {  	[tilespmem:v2+s9+$0x0] =	vst.idx.add.f32.msk $0xffff, v1  }
0xff: {  	v2 =	vld [tilespmem:s13+$0x340];
	_ =	sdelay $0x4  }
0x100: {  	v2 =	vadd.s32 $0x180, v2;
	_ =	sdelay $0x4  }
0x101: {  	[tilespmem:v2+s9+$0x0] =	vst.idx.add.f32.msk $0xffff, v1  }
0x102: {  	v2 =	vld [tilespmem:s13+$0x350];
	_ =	sdelay $0x4  }
0x103: {  	v2 =	vadd.s32 $0x180, v2;
	_ =	sdelay $0x4  }
0x104: {  	[tilespmem:v2+s9+$0x0] =	vst.idx.add.f32.msk $0xffff, v1  }
0x105: {  	v2 =	vld [tilespmem:s13+$0x360];
	_ =	sdelay $0x4  }
0x106: {  	v2 =	vadd.s32 $0x180, v2;
	_ =	sdelay $0x4  }
0x107: {  	[tilespmem:v2+s9+$0x0] =	vst.idx.add.f32.msk $0xffff, v1  }
0x108: {  	v2 =	vld [tilespmem:s13+$0x370];
	_ =	sdelay $0x4  }
0x109: {  	p0 =	sne.s32 s12, $0xF000;
	v2 =	vadd.s32 $0x180, v2  }
.Ltmp6:
0x10a: {  	_ = 	snop;
	(pc) =	sbr.rel @p0 .LBB2_11-.Ltmp6, $2  }
0x10b: {  	_ =	sdelay $0x2  }
0x10c: {  	s12 =	sadd.s32 $0x1000, s12;
	s13 =	simm.s32 $0x0;
	[tilespmem:v2+s9+$0x0] =	vst.idx.add.f32.msk $0xffff, v1  }
0x10d: {  	s12 =	simm.s32 $0x0  }
.LBB2_13:
0x10e: {  	s14 =	sshra.s32 s12, $0x2  }
0x10f: {  	v2 =	vld [tilespmem:s14+$0x380];
	_ =	sdelay $0x4  }
0x110: {  	v2 =	vadd.s32 $0x1C0, v2;
	_ =	sdelay $0x4  }
0x111: {  	[tilespmem:v2+s9+$0x0] =	vst.idx.add.f32.msk $0xffff, v1  }
0x112: {  	v2 =	vld [tilespmem:s14+$0x390];
	_ =	sdelay $0x4  }
0x113: {  	v2 =	vadd.s32 $0x1C0, v2;
	_ =	sdelay $0x4  }
0x114: {  	[tilespmem:v2+s9+$0x0] =	vst.idx.add.f32.msk $0xffff, v1  }
0x115: {  	v2 =	vld [tilespmem:s14+$0x3A0];
	_ =	sdelay $0x4  }
0x116: {  	v2 =	vadd.s32 $0x1C0, v2;
	_ =	sdelay $0x4  }
0x117: {  	[tilespmem:v2+s9+$0x0] =	vst.idx.add.f32.msk $0xffff, v1  }
0x118: {  	v2 =	vld [tilespmem:s14+$0x3B0];
	_ =	sdelay $0x4  }
0x119: {  	v2 =	vadd.s32 $0x1C0, v2;
	_ =	sdelay $0x4  }
0x11a: {  	[tilespmem:v2+s9+$0x0] =	vst.idx.add.f32.msk $0xffff, v1  }
0x11b: {  	v2 =	vld [tilespmem:s14+$0x3C0];
	_ =	sdelay $0x4  }
0x11c: {  	v2 =	vadd.s32 $0x1C0, v2;
	_ =	sdelay $0x4  }
0x11d: {  	[tilespmem:v2+s9+$0x0] =	vst.idx.add.f32.msk $0xffff, v1  }
0x11e: {  	v2 =	vld [tilespmem:s14+$0x3D0];
	_ =	sdelay $0x4  }
0x11f: {  	v2 =	vadd.s32 $0x1C0, v2;
	_ =	sdelay $0x4  }
0x120: {  	[tilespmem:v2+s9+$0x0] =	vst.idx.add.f32.msk $0xffff, v1  }
0x121: {  	v2 =	vld [tilespmem:s14+$0x3E0];
	_ =	sdelay $0x4  }
0x122: {  	v2 =	vadd.s32 $0x1C0, v2;
	_ =	sdelay $0x4  }
0x123: {  	[tilespmem:v2+s9+$0x0] =	vst.idx.add.f32.msk $0xffff, v1  }
0x124: {  	v2 =	vld [tilespmem:s14+$0x3F0];
	_ =	sdelay $0x4  }
0x125: {  	p0 =	sne.s32 s12, $0xF000;
	v2 =	vadd.s32 $0x1C0, v2  }
.Ltmp7:
0x126: {  	_ = 	snop;
	(pc) =	sbr.rel @p0 .LBB2_13-.Ltmp7, $2  }
0x127: {  	_ =	sdelay $0x2  }
0x128: {  	s12 =	sadd.s32 $0x1000, s12;
	[tilespmem:v2+s9+$0x0] =	vst.idx.add.f32.msk $0xffff, v1  }
.LBB2_14:
0x129: {  	s12 =	sshra.s32 s13, $0x2  }
0x12a: {  	v2 =	vld [tilespmem:s12+$0x4000];
	_ =	sdelay $0x4  }
0x12b: {  	v2 =	vadd.s32 $0x200, v2;
	_ =	sdelay $0x4  }
0x12c: {  	[tilespmem:v2+s9+$0x0] =	vst.idx.add.f32.msk $0xffff, v1  }
0x12d: {  	v2 =	vld [tilespmem:s12+$0x4010];
	_ =	sdelay $0x4  }
0x12e: {  	v2 =	vadd.s32 $0x200, v2;
	_ =	sdelay $0x4  }
0x12f: {  	[tilespmem:v2+s9+$0x0] =	vst.idx.add.f32.msk $0xffff, v1  }
0x130: {  	v2 =	vld [tilespmem:s12+$0x4020];
	_ =	sdelay $0x4  }
0x131: {  	v2 =	vadd.s32 $0x200, v2;
	_ =	sdelay $0x4  }
0x132: {  	[tilespmem:v2+s9+$0x0] =	vst.idx.add.f32.msk $0xffff, v1  }
0x133: {  	v2 =	vld [tilespmem:s12+$0x4030];
	_ =	sdelay $0x4  }
0x134: {  	v2 =	vadd.s32 $0x200, v2;
	_ =	sdelay $0x4  }
0x135: {  	[tilespmem:v2+s9+$0x0] =	vst.idx.add.f32.msk $0xffff, v1  }
0x136: {  	v2 =	vld [tilespmem:s12+$0x4040];
	_ =	sdelay $0x4  }
0x137: {  	v2 =	vadd.s32 $0x200, v2;
	_ =	sdelay $0x4  }
0x138: {  	[tilespmem:v2+s9+$0x0] =	vst.idx.add.f32.msk $0xffff, v1  }
0x139: {  	v2 =	vld [tilespmem:s12+$0x4050];
	_ =	sdelay $0x4  }
0x13a: {  	v2 =	vadd.s32 $0x200, v2;
	_ =	sdelay $0x4  }
0x13b: {  	[tilespmem:v2+s9+$0x0] =	vst.idx.add.f32.msk $0xffff, v1  }
0x13c: {  	v2 =	vld [tilespmem:s12+$0x4060];
	_ =	sdelay $0x4  }
0x13d: {  	v2 =	vadd.s32 $0x200, v2;
	_ =	sdelay $0x4  }
0x13e: {  	[tilespmem:v2+s9+$0x0] =	vst.idx.add.f32.msk $0xffff, v1  }
0x13f: {  	v2 =	vld [tilespmem:s12+$0x4070];
	_ =	sdelay $0x4  }
0x140: {  	p0 =	sne.s32 s13, $0xF000;
	v2 =	vadd.s32 $0x200, v2  }
.Ltmp8:
0x141: {  	_ = 	snop;
	(pc) =	sbr.rel @p0 .LBB2_14-.Ltmp8, $2  }
0x142: {  	_ =	sdelay $0x2  }
0x143: {  	s13 =	sadd.s32 $0x1000, s13;
	s12 =	simm.s32 $0x0;
	[tilespmem:v2+s9+$0x0] =	vst.idx.add.f32.msk $0xffff, v1  }
0x144: {  	s13 =	simm.s32 $0x0  }
.LBB2_16:
0x145: {  	s14 =	sshra.s32 s13, $0x2  }
0x146: {  	v2 =	vld [tilespmem:s14+$0x4080];
	_ =	sdelay $0x4  }
0x147: {  	v2 =	vadd.s32 $0x240, v2;
	_ =	sdelay $0x4  }
0x148: {  	[tilespmem:v2+s9+$0x0] =	vst.idx.add.f32.msk $0xffff, v1  }
0x149: {  	v2 =	vld [tilespmem:s14+$0x4090];
	_ =	sdelay $0x4  }
0x14a: {  	v2 =	vadd.s32 $0x240, v2;
	_ =	sdelay $0x4  }
0x14b: {  	[tilespmem:v2+s9+$0x0] =	vst.idx.add.f32.msk $0xffff, v1  }
0x14c: {  	v2 =	vld [tilespmem:s14+$0x40A0];
	_ =	sdelay $0x4  }
0x14d: {  	v2 =	vadd.s32 $0x240, v2;
	_ =	sdelay $0x4  }
0x14e: {  	[tilespmem:v2+s9+$0x0] =	vst.idx.add.f32.msk $0xffff, v1  }
0x14f: {  	v2 =	vld [tilespmem:s14+$0x40B0];
	_ =	sdelay $0x4  }
0x150: {  	v2 =	vadd.s32 $0x240, v2;
	_ =	sdelay $0x4  }
0x151: {  	[tilespmem:v2+s9+$0x0] =	vst.idx.add.f32.msk $0xffff, v1  }
0x152: {  	v2 =	vld [tilespmem:s14+$0x40C0];
	_ =	sdelay $0x4  }
0x153: {  	v2 =	vadd.s32 $0x240, v2;
	_ =	sdelay $0x4  }
0x154: {  	[tilespmem:v2+s9+$0x0] =	vst.idx.add.f32.msk $0xffff, v1  }
0x155: {  	v2 =	vld [tilespmem:s14+$0x40D0];
	_ =	sdelay $0x4  }
0x156: {  	v2 =	vadd.s32 $0x240, v2;
	_ =	sdelay $0x4  }
0x157: {  	[tilespmem:v2+s9+$0x0] =	vst.idx.add.f32.msk $0xffff, v1  }
0x158: {  	v2 =	vld [tilespmem:s14+$0x40E0];
	_ =	sdelay $0x4  }
0x159: {  	v2 =	vadd.s32 $0x240, v2;
	_ =	sdelay $0x4  }
0x15a: {  	[tilespmem:v2+s9+$0x0] =	vst.idx.add.f32.msk $0xffff, v1  }
0x15b: {  	v2 =	vld [tilespmem:s14+$0x40F0];
	_ =	sdelay $0x4  }
0x15c: {  	p0 =	sne.s32 s13, $0xF000;
	v2 =	vadd.s32 $0x240, v2  }
.Ltmp9:
0x15d: {  	_ = 	snop;
	(pc) =	sbr.rel @p0 .LBB2_16-.Ltmp9, $2  }
0x15e: {  	_ =	sdelay $0x2  }
0x15f: {  	s13 =	sadd.s32 $0x1000, s13;
	[tilespmem:v2+s9+$0x0] =	vst.idx.add.f32.msk $0xffff, v1  }
.LBB2_17:
0x160: {  	s13 =	sshra.s32 s12, $0x2  }
0x161: {  	v2 =	vld [tilespmem:s13+$0x4100];
	_ =	sdelay $0x4  }
0x162: {  	v2 =	vadd.s32 $0x280, v2;
	_ =	sdelay $0x4  }
0x163: {  	[tilespmem:v2+s9+$0x0] =	vst.idx.add.f32.msk $0xffff, v1  }
0x164: {  	v2 =	vld [tilespmem:s13+$0x4110];
	_ =	sdelay $0x4  }
0x165: {  	v2 =	vadd.s32 $0x280, v2;
	_ =	sdelay $0x4  }
0x166: {  	[tilespmem:v2+s9+$0x0] =	vst.idx.add.f32.msk $0xffff, v1  }
0x167: {  	v2 =	vld [tilespmem:s13+$0x4120];
	_ =	sdelay $0x4  }
0x168: {  	v2 =	vadd.s32 $0x280, v2;
	_ =	sdelay $0x4  }
0x169: {  	[tilespmem:v2+s9+$0x0] =	vst.idx.add.f32.msk $0xffff, v1  }
0x16a: {  	v2 =	vld [tilespmem:s13+$0x4130];
	_ =	sdelay $0x4  }
0x16b: {  	v2 =	vadd.s32 $0x280, v2;
	_ =	sdelay $0x4  }
0x16c: {  	[tilespmem:v2+s9+$0x0] =	vst.idx.add.f32.msk $0xffff, v1  }
0x16d: {  	v2 =	vld [tilespmem:s13+$0x4140];
	_ =	sdelay $0x4  }
0x16e: {  	v2 =	vadd.s32 $0x280, v2;
	_ =	sdelay $0x4  }
0x16f: {  	[tilespmem:v2+s9+$0x0] =	vst.idx.add.f32.msk $0xffff, v1  }
0x170: {  	v2 =	vld [tilespmem:s13+$0x4150];
	_ =	sdelay $0x4  }
0x171: {  	v2 =	vadd.s32 $0x280, v2;
	_ =	sdelay $0x4  }
0x172: {  	[tilespmem:v2+s9+$0x0] =	vst.idx.add.f32.msk $0xffff, v1  }
0x173: {  	v2 =	vld [tilespmem:s13+$0x4160];
	_ =	sdelay $0x4  }
0x174: {  	v2 =	vadd.s32 $0x280, v2;
	_ =	sdelay $0x4  }
0x175: {  	[tilespmem:v2+s9+$0x0] =	vst.idx.add.f32.msk $0xffff, v1  }
0x176: {  	v2 =	vld [tilespmem:s13+$0x4170];
	_ =	sdelay $0x4  }
0x177: {  	p0 =	sne.s32 s12, $0xF000;
	v2 =	vadd.s32 $0x280, v2  }
.Ltmp10:
0x178: {  	_ = 	snop;
	(pc) =	sbr.rel @p0 .LBB2_17-.Ltmp10, $2  }
0x179: {  	_ =	sdelay $0x2  }
0x17a: {  	s12 =	sadd.s32 $0x1000, s12;
	s13 =	simm.s32 $0x0;
	[tilespmem:v2+s9+$0x0] =	vst.idx.add.f32.msk $0xffff, v1  }
0x17b: {  	s12 =	simm.s32 $0x0  }
.LBB2_19:
0x17c: {  	s14 =	sshra.s32 s12, $0x2  }
0x17d: {  	v2 =	vld [tilespmem:s14+$0x4180];
	_ =	sdelay $0x4  }
0x17e: {  	v2 =	vadd.s32 $0x2C0, v2;
	_ =	sdelay $0x4  }
0x17f: {  	[tilespmem:v2+s9+$0x0] =	vst.idx.add.f32.msk $0xffff, v1  }
0x180: {  	v2 =	vld [tilespmem:s14+$0x4190];
	_ =	sdelay $0x4  }
0x181: {  	v2 =	vadd.s32 $0x2C0, v2;
	_ =	sdelay $0x4  }
0x182: {  	[tilespmem:v2+s9+$0x0] =	vst.idx.add.f32.msk $0xffff, v1  }
0x183: {  	v2 =	vld [tilespmem:s14+$0x41A0];
	_ =	sdelay $0x4  }
0x184: {  	v2 =	vadd.s32 $0x2C0, v2;
	_ =	sdelay $0x4  }
0x185: {  	[tilespmem:v2+s9+$0x0] =	vst.idx.add.f32.msk $0xffff, v1  }
0x186: {  	v2 =	vld [tilespmem:s14+$0x41B0];
	_ =	sdelay $0x4  }
0x187: {  	v2 =	vadd.s32 $0x2C0, v2;
	_ =	sdelay $0x4  }
0x188: {  	[tilespmem:v2+s9+$0x0] =	vst.idx.add.f32.msk $0xffff, v1  }
0x189: {  	v2 =	vld [tilespmem:s14+$0x41C0];
	_ =	sdelay $0x4  }
0x18a: {  	v2 =	vadd.s32 $0x2C0, v2;
	_ =	sdelay $0x4  }
0x18b: {  	[tilespmem:v2+s9+$0x0] =	vst.idx.add.f32.msk $0xffff, v1  }
0x18c: {  	v2 =	vld [tilespmem:s14+$0x41D0];
	_ =	sdelay $0x4  }
0x18d: {  	v2 =	vadd.s32 $0x2C0, v2;
	_ =	sdelay $0x4  }
0x18e: {  	[tilespmem:v2+s9+$0x0] =	vst.idx.add.f32.msk $0xffff, v1  }
0x18f: {  	v2 =	vld [tilespmem:s14+$0x41E0];
	_ =	sdelay $0x4  }
0x190: {  	v2 =	vadd.s32 $0x2C0, v2;
	_ =	sdelay $0x4  }
0x191: {  	[tilespmem:v2+s9+$0x0] =	vst.idx.add.f32.msk $0xffff, v1  }
0x192: {  	v2 =	vld [tilespmem:s14+$0x41F0];
	_ =	sdelay $0x4  }
0x193: {  	p0 =	sne.s32 s12, $0xF000;
	v2 =	vadd.s32 $0x2C0, v2  }
.Ltmp11:
0x194: {  	_ = 	snop;
	(pc) =	sbr.rel @p0 .LBB2_19-.Ltmp11, $2  }
0x195: {  	_ =	sdelay $0x2  }
0x196: {  	s12 =	sadd.s32 $0x1000, s12;
	[tilespmem:v2+s9+$0x0] =	vst.idx.add.f32.msk $0xffff, v1  }
.LBB2_20:
0x197: {  	s12 =	sshra.s32 s13, $0x2  }
0x198: {  	v2 =	vld [tilespmem:s12+$0x4200];
	_ =	sdelay $0x4  }
0x199: {  	v2 =	vadd.s32 $0x300, v2;
	_ =	sdelay $0x4  }
0x19a: {  	[tilespmem:v2+s9+$0x0] =	vst.idx.add.f32.msk $0xffff, v1  }
0x19b: {  	v2 =	vld [tilespmem:s12+$0x4210];
	_ =	sdelay $0x4  }
0x19c: {  	v2 =	vadd.s32 $0x300, v2;
	_ =	sdelay $0x4  }
0x19d: {  	[tilespmem:v2+s9+$0x0] =	vst.idx.add.f32.msk $0xffff, v1  }
0x19e: {  	v2 =	vld [tilespmem:s12+$0x4220];
	_ =	sdelay $0x4  }
0x19f: {  	v2 =	vadd.s32 $0x300, v2;
	_ =	sdelay $0x4  }
0x1a0: {  	[tilespmem:v2+s9+$0x0] =	vst.idx.add.f32.msk $0xffff, v1  }
0x1a1: {  	v2 =	vld [tilespmem:s12+$0x4230];
	_ =	sdelay $0x4  }
0x1a2: {  	v2 =	vadd.s32 $0x300, v2;
	_ =	sdelay $0x4  }
0x1a3: {  	[tilespmem:v2+s9+$0x0] =	vst.idx.add.f32.msk $0xffff, v1  }
0x1a4: {  	v2 =	vld [tilespmem:s12+$0x4240];
	_ =	sdelay $0x4  }
0x1a5: {  	v2 =	vadd.s32 $0x300, v2;
	_ =	sdelay $0x4  }
0x1a6: {  	[tilespmem:v2+s9+$0x0] =	vst.idx.add.f32.msk $0xffff, v1  }
0x1a7: {  	v2 =	vld [tilespmem:s12+$0x4250];
	_ =	sdelay $0x4  }
0x1a8: {  	v2 =	vadd.s32 $0x300, v2;
	_ =	sdelay $0x4  }
0x1a9: {  	[tilespmem:v2+s9+$0x0] =	vst.idx.add.f32.msk $0xffff, v1  }
0x1aa: {  	v2 =	vld [tilespmem:s12+$0x4260];
	_ =	sdelay $0x4  }
0x1ab: {  	v2 =	vadd.s32 $0x300, v2;
	_ =	sdelay $0x4  }
0x1ac: {  	[tilespmem:v2+s9+$0x0] =	vst.idx.add.f32.msk $0xffff, v1  }
0x1ad: {  	v2 =	vld [tilespmem:s12+$0x4270];
	_ =	sdelay $0x4  }
0x1ae: {  	p0 =	sne.s32 s13, $0xF000;
	v2 =	vadd.s32 $0x300, v2  }
.Ltmp12:
0x1af: {  	_ = 	snop;
	(pc) =	sbr.rel @p0 .LBB2_20-.Ltmp12, $2  }
0x1b0: {  	_ =	sdelay $0x2  }
0x1b1: {  	s13 =	sadd.s32 $0x1000, s13;
	s12 =	simm.s32 $0x0;
	[tilespmem:v2+s9+$0x0] =	vst.idx.add.f32.msk $0xffff, v1  }
0x1b2: {  	s13 =	simm.s32 $0x0  }
.LBB2_22:
0x1b3: {  	s14 =	sshra.s32 s13, $0x2  }
0x1b4: {  	v2 =	vld [tilespmem:s14+$0x4280];
	_ =	sdelay $0x4  }
0x1b5: {  	v2 =	vadd.s32 $0x340, v2;
	_ =	sdelay $0x4  }
0x1b6: {  	[tilespmem:v2+s9+$0x0] =	vst.idx.add.f32.msk $0xffff, v1  }
0x1b7: {  	v2 =	vld [tilespmem:s14+$0x4290];
	_ =	sdelay $0x4  }
0x1b8: {  	v2 =	vadd.s32 $0x340, v2;
	_ =	sdelay $0x4  }
0x1b9: {  	[tilespmem:v2+s9+$0x0] =	vst.idx.add.f32.msk $0xffff, v1  }
0x1ba: {  	v2 =	vld [tilespmem:s14+$0x42A0];
	_ =	sdelay $0x4  }
0x1bb: {  	v2 =	vadd.s32 $0x340, v2;
	_ =	sdelay $0x4  }
0x1bc: {  	[tilespmem:v2+s9+$0x0] =	vst.idx.add.f32.msk $0xffff, v1  }
0x1bd: {  	v2 =	vld [tilespmem:s14+$0x42B0];
	_ =	sdelay $0x4  }
0x1be: {  	v2 =	vadd.s32 $0x340, v2;
	_ =	sdelay $0x4  }
0x1bf: {  	[tilespmem:v2+s9+$0x0] =	vst.idx.add.f32.msk $0xffff, v1  }
0x1c0: {  	v2 =	vld [tilespmem:s14+$0x42C0];
	_ =	sdelay $0x4  }
0x1c1: {  	v2 =	vadd.s32 $0x340, v2;
	_ =	sdelay $0x4  }
0x1c2: {  	[tilespmem:v2+s9+$0x0] =	vst.idx.add.f32.msk $0xffff, v1  }
0x1c3: {  	v2 =	vld [tilespmem:s14+$0x42D0];
	_ =	sdelay $0x4  }
0x1c4: {  	v2 =	vadd.s32 $0x340, v2;
	_ =	sdelay $0x4  }
0x1c5: {  	[tilespmem:v2+s9+$0x0] =	vst.idx.add.f32.msk $0xffff, v1  }
0x1c6: {  	v2 =	vld [tilespmem:s14+$0x42E0];
	_ =	sdelay $0x4  }
0x1c7: {  	v2 =	vadd.s32 $0x340, v2;
	_ =	sdelay $0x4  }
0x1c8: {  	[tilespmem:v2+s9+$0x0] =	vst.idx.add.f32.msk $0xffff, v1  }
0x1c9: {  	v2 =	vld [tilespmem:s14+$0x42F0];
	_ =	sdelay $0x4  }
0x1ca: {  	p0 =	sne.s32 s13, $0xF000;
	v2 =	vadd.s32 $0x340, v2  }
.Ltmp13:
0x1cb: {  	_ = 	snop;
	(pc) =	sbr.rel @p0 .LBB2_22-.Ltmp13, $2  }
0x1cc: {  	_ =	sdelay $0x2  }
0x1cd: {  	s13 =	sadd.s32 $0x1000, s13;
	[tilespmem:v2+s9+$0x0] =	vst.idx.add.f32.msk $0xffff, v1  }
.LBB2_23:
0x1ce: {  	s13 =	sshra.s32 s12, $0x2  }
0x1cf: {  	v2 =	vld [tilespmem:s13+$0x4300];
	_ =	sdelay $0x4  }
0x1d0: {  	v2 =	vadd.s32 $0x380, v2;
	_ =	sdelay $0x4  }
0x1d1: {  	[tilespmem:v2+s9+$0x0] =	vst.idx.add.f32.msk $0xffff, v1  }
0x1d2: {  	v2 =	vld [tilespmem:s13+$0x4310];
	_ =	sdelay $0x4  }
0x1d3: {  	v2 =	vadd.s32 $0x380, v2;
	_ =	sdelay $0x4  }
0x1d4: {  	[tilespmem:v2+s9+$0x0] =	vst.idx.add.f32.msk $0xffff, v1  }
0x1d5: {  	v2 =	vld [tilespmem:s13+$0x4320];
	_ =	sdelay $0x4  }
0x1d6: {  	v2 =	vadd.s32 $0x380, v2;
	_ =	sdelay $0x4  }
0x1d7: {  	[tilespmem:v2+s9+$0x0] =	vst.idx.add.f32.msk $0xffff, v1  }
0x1d8: {  	v2 =	vld [tilespmem:s13+$0x4330];
	_ =	sdelay $0x4  }
0x1d9: {  	v2 =	vadd.s32 $0x380, v2;
	_ =	sdelay $0x4  }
0x1da: {  	[tilespmem:v2+s9+$0x0] =	vst.idx.add.f32.msk $0xffff, v1  }
0x1db: {  	v2 =	vld [tilespmem:s13+$0x4340];
	_ =	sdelay $0x4  }
0x1dc: {  	v2 =	vadd.s32 $0x380, v2;
	_ =	sdelay $0x4  }
0x1dd: {  	[tilespmem:v2+s9+$0x0] =	vst.idx.add.f32.msk $0xffff, v1  }
0x1de: {  	v2 =	vld [tilespmem:s13+$0x4350];
	_ =	sdelay $0x4  }
0x1df: {  	v2 =	vadd.s32 $0x380, v2;
	_ =	sdelay $0x4  }
0x1e0: {  	[tilespmem:v2+s9+$0x0] =	vst.idx.add.f32.msk $0xffff, v1  }
0x1e1: {  	v2 =	vld [tilespmem:s13+$0x4360];
	_ =	sdelay $0x4  }
0x1e2: {  	v2 =	vadd.s32 $0x380, v2;
	_ =	sdelay $0x4  }
0x1e3: {  	[tilespmem:v2+s9+$0x0] =	vst.idx.add.f32.msk $0xffff, v1  }
0x1e4: {  	v2 =	vld [tilespmem:s13+$0x4370];
	_ =	sdelay $0x4  }
0x1e5: {  	p0 =	sne.s32 s12, $0xF000;
	v2 =	vadd.s32 $0x380, v2  }
.Ltmp14:
0x1e6: {  	_ = 	snop;
	(pc) =	sbr.rel @p0 .LBB2_23-.Ltmp14, $2  }
0x1e7: {  	_ =	sdelay $0x2  }
0x1e8: {  	s12 =	sadd.s32 $0x1000, s12;
	s13 =	simm.s32 $0x0;
	[tilespmem:v2+s9+$0x0] =	vst.idx.add.f32.msk $0xffff, v1  }
0x1e9: {  	s12 =	simm.s32 $0x0  }
.LBB2_25:
0x1ea: {  	s14 =	sshra.s32 s12, $0x2  }
0x1eb: {  	v2 =	vld [tilespmem:s14+$0x4380];
	_ =	sdelay $0x4  }
0x1ec: {  	v2 =	vadd.s32 $0x3C0, v2;
	_ =	sdelay $0x4  }
0x1ed: {  	[tilespmem:v2+s9+$0x0] =	vst.idx.add.f32.msk $0xffff, v1  }
0x1ee: {  	v2 =	vld [tilespmem:s14+$0x4390];
	_ =	sdelay $0x4  }
0x1ef: {  	v2 =	vadd.s32 $0x3C0, v2;
	_ =	sdelay $0x4  }
0x1f0: {  	[tilespmem:v2+s9+$0x0] =	vst.idx.add.f32.msk $0xffff, v1  }
0x1f1: {  	v2 =	vld [tilespmem:s14+$0x43A0];
	_ =	sdelay $0x4  }
0x1f2: {  	v2 =	vadd.s32 $0x3C0, v2;
	_ =	sdelay $0x4  }
0x1f3: {  	[tilespmem:v2+s9+$0x0] =	vst.idx.add.f32.msk $0xffff, v1  }
0x1f4: {  	v2 =	vld [tilespmem:s14+$0x43B0];
	_ =	sdelay $0x4  }
0x1f5: {  	v2 =	vadd.s32 $0x3C0, v2;
	_ =	sdelay $0x4  }
0x1f6: {  	[tilespmem:v2+s9+$0x0] =	vst.idx.add.f32.msk $0xffff, v1  }
0x1f7: {  	v2 =	vld [tilespmem:s14+$0x43C0];
	_ =	sdelay $0x4  }
0x1f8: {  	v2 =	vadd.s32 $0x3C0, v2;
	_ =	sdelay $0x4  }
0x1f9: {  	[tilespmem:v2+s9+$0x0] =	vst.idx.add.f32.msk $0xffff, v1  }
0x1fa: {  	v2 =	vld [tilespmem:s14+$0x43D0];
	_ =	sdelay $0x4  }
0x1fb: {  	v2 =	vadd.s32 $0x3C0, v2;
	_ =	sdelay $0x4  }
0x1fc: {  	[tilespmem:v2+s9+$0x0] =	vst.idx.add.f32.msk $0xffff, v1  }
0x1fd: {  	v2 =	vld [tilespmem:s14+$0x43E0];
	_ =	sdelay $0x4  }
0x1fe: {  	v2 =	vadd.s32 $0x3C0, v2;
	_ =	sdelay $0x4  }
0x1ff: {  	[tilespmem:v2+s9+$0x0] =	vst.idx.add.f32.msk $0xffff, v1  }
0x200: {  	v2 =	vld [tilespmem:s14+$0x43F0];
	_ =	sdelay $0x4  }
0x201: {  	p0 =	sne.s32 s12, $0xF000;
	v2 =	vadd.s32 $0x3C0, v2  }
.Ltmp15:
0x202: {  	_ = 	snop;
	(pc) =	sbr.rel @p0 .LBB2_25-.Ltmp15, $2  }
0x203: {  	_ =	sdelay $0x2  }
0x204: {  	s12 =	sadd.s32 $0x1000, s12;
	[tilespmem:v2+s9+$0x0] =	vst.idx.add.f32.msk $0xffff, v1  }
0x205: {  	v2 =	vmov s13  }
0x206: {  	s30 =	simm.s32 $0x1;
	s12 =	simm.s32 $0x8080;
	v2 =	vand.u32 $0xFFFFFFFE, v2  }
0x207: {  	v4 =	vld [tilespmem:s12+$0x0];
	v7 =	vbroadcast v2, $0x0;
	v2 =	vmov s30  }
0x208: {  	v3 =	vld [tilespmem:s12+$0x10]  }
0x209: {  	v5 =	vld [tilespmem:s12+$0xFFFFFF80]  }
0x20a: {  	v6 =	vld [tilespmem:s12+$0xFFFFFF90]  }
0x20b: {  	v12 =	vld [tilespmem:s12+$0xFFFFFFA0]  }
0x20c: {  	v2 =	vld.idx.msk [tilespmem:v2+s9+$0x0], $0xffff  }
0x20d: {  	s31 =	simm.s32 $0x2;
	v8 =	vld.idx.msk [tilespmem:v7+s9+$0x0], $0xffff  }
0x20e: {  	v11 =	vimm.f32 $0.0e+00;
	v10 =	vimm.f32 $0.0e+00;
	v9 =	vmov s31;
	v14 =	vld [tilespmem:s12+$0xFFFFFFB0]  }
0x20f: {  	s14 =	simm.s32 $0x3;
	s13 =	simm.s32 $0x4;
	v13 =	vld [tilespmem:s12+$0x20];
	v15 =	vand.u32 $0xFFFFFFFE, v9;
	v9 =	vimm.f32 $0.0e+00;
	v7 =	vimm.f32 $0.0e+00  }
.LBB2_27:
0x210: {  	p0 =	sne.s32 s13, $0x3E;
	v15 =	vbroadcast v15, $0x0;
	v16 =	vmov s14;
	v17 =	vld [tilespmem:s12+$0x30];
	s12 =	sadd.s32 $0x100, s12  }
0x211: {  	v18 =	vmul.f32 v4, v2;
	v19 =	vmul.f32 v3, v2;
	v4 =	vld [tilespmem:s12+$0x0]  }
0x212: {  	v20 =	vmul.f32 v5, v8;
	v21 =	vmul.f32 v6, v8;
	v3 =	vld [tilespmem:s12+$0x10]  }
0x213: {  	v12 =	vmul.f32 v12, v8;
	v5 =	vld [tilespmem:s12+$0xFFFFFF80];
	v8 =	vmul.f32 v14, v8  }
0x214: {  	v7 =	vadd.f32 v20, v7;
	v11 =	vadd.f32 v21, v11;
	v6 =	vld [tilespmem:s12+$0xFFFFFF90];
	v13 =	vmul.f32 v13, v2  }
.Ltmp16:
0x215: {  	v9 =	vadd.f32 v12, v9;
	v10 =	vadd.f32 v8, v10;
	v14 =	vmul.f32 v17, v2;
	v2 =	vld.idx.msk [tilespmem:v16+s9+$0x0], $0xffff;
	(pc) =	sbr.rel @p0 .LBB2_27-.Ltmp16, $4  }
0x216: {  	v7 =	vadd.f32 v18, v7;
	v11 =	vadd.f32 v19, v11;
	v8 =	vld.idx.msk [tilespmem:v15+s9+$0x0], $0xffff  }
0x217: {  	v9 =	vadd.f32 v13, v9;
	v12 =	vld [tilespmem:s12+$0xFFFFFFA0];
	v10 =	vadd.f32 v14, v10  }
0x218: {  	v13 =	vmov s13;
	v14 =	vld [tilespmem:s12+$0xFFFFFFB0]  }
0x219: {  	s14 =	sadd.s32 $0x1, s13;
	s13 =	sadd.s32 $0x2, s13;
	v15 =	vand.u32 $0xFFFFFFFE, v13;
	v13 =	vld [tilespmem:s12+$0x20]  }
0x21a: {  	v15 =	vbroadcast v15, $0x0  }
0x21b: {  	v16 =	vld [tilespmem:s12+$0x30];
	s28 =	sadd.s32 $0x100, s12  }
0x21c: {  	v18 =	vld [tilespmem:s28+$0x0]  }
0x21d: {  	v17 =	vmov s14;
	v19 =	vld [tilespmem:s28+$0x10]  }
0x21e: {  	v20 =	vld [tilespmem:s28+$0xFFFFFF80]  }
0x21f: {  	v21 =	vld [tilespmem:s28+$0xFFFFFF90];
	v6 =	vmul.f32 v6, v8  }
0x220: {  	v5 =	vmul.f32 v5, v8;
	v15 =	vld.idx.msk [tilespmem:v15+s9+$0x0], $0xffff  }
0x221: {  	v12 =	vmul.f32 v12, v8;
	v6 =	vadd.f32 v6, v11;
	v11 =	vmul.f32 v13, v2;
	v13 =	vld [tilespmem:s28+$0xFFFFFFB0]  }
0x222: {  	v4 =	vmul.f32 v4, v2;
	v8 =	vmul.f32 v14, v8;
	v5 =	vadd.f32 v5, v7;
	v17 =	vld.idx.msk [tilespmem:v17+s9+$0x0], $0xffff  }
0x223: {  	v3 =	vmul.f32 v3, v2;
	v7 =	vld [tilespmem:s28+$0xFFFFFFA0];
	v9 =	vadd.f32 v12, v9  }
0x224: {  	v8 =	vadd.f32 v8, v10;
	v2 =	vmul.f32 v16, v2;
	v4 =	vadd.f32 v4, v5;
	v5 =	vld [tilespmem:s28+$0x30]  }
0x225: {  	v10 =	vld [tilespmem:s28+$0x20];
	v3 =	vadd.f32 v3, v6;
	v6 =	vmul.f32 v20, v15  }
0x226: {  	v9 =	vadd.f32 v11, v9;
	v2 =	vadd.f32 v2, v8;
	v8 =	vmul.f32 v21, v15  }
0x227: {  	v11 =	vmul.f32 v18, v17;
	v12 =	vmul.f32 v13, v15;
	v4 =	vadd.f32 v6, v4  }
0x228: {  	v7 =	vmul.f32 v7, v15;
	v6 =	vmul.f32 v19, v17;
	v3 =	vadd.f32 v8, v3  }
0x229: {  	v5 =	vmul.f32 v5, v17;
	v2 =	vadd.f32 v12, v2;
	v4 =	vadd.f32 v11, v4  }
0x22a: {  	v8 =	vmul.f32 v10, v17;
	v7 =	vadd.f32 v7, v9;
	v3 =	vadd.f32 v6, v3  }
0x22b: {  	v2 =	vadd.f32 v5, v2;
	v4 =	vmul.f32 $4.882812500e-04, v4  }
0x22c: {  	v6 =	vadd.f32 v8, v7;
	v3 =	vmul.f32 $4.882812500e-04, v3  }
0x22d: {  	s29 =	simm.s32 $0x0;
	s13 =	simm.s32 $0x1;
	v2 =	vmul.f32 $4.882812500e-04, v2;
	[tilespmem:$0xA400] =	vst v4  }
0x22e: {  	v5 =	vmov s29;
	v4 =	vmul.f32 $4.882812500e-04, v6;
	v6 =	vmov s13;
	[tilespmem:$0xA410] =	vst v3  }
0x22f: {  	v3 =	vadd.s32 $0x40, v5;
	[tilespmem:$0xA430] =	vst v2;
	v5 =	vadd.s32 $0x40, v6  }
0x230: {  	s12 =	simm.s32 $0x8080;
	v3 =	vand.u32 $0xFFFFFFFE, v3;
	[tilespmem:$0xA420] =	vst v4;
	v7 =	vbroadcast v5, $0x0  }
0x231: {  	v8 =	vbroadcast v3, $0x0;
	v4 =	vld [tilespmem:s12+$0x0]  }
0x232: {  	v3 =	vld [tilespmem:s12+$0x10]  }
0x233: {  	v5 =	vld [tilespmem:s12+$0xFFFFFF80]  }
0x234: {  	v6 =	vld [tilespmem:s12+$0xFFFFFF90]  }
0x235: {  	s30 =	simm.s32 $0x2;
	s31 =	simm.s32 $0x3;
	v12 =	vld [tilespmem:s12+$0xFFFFFFA0]  }
0x236: {  	v9 =	vmov s30;
	v10 =	vmov s31;
	v2 =	vld.idx.msk [tilespmem:v7+s9+$0x0], $0xffff  }
0x237: {  	v15 =	vadd.s32 $0x40, v9;
	v14 =	vadd.s32 $0x40, v10;
	v9 =	vimm.f32 $0.0e+00;
	v8 =	vld.idx.msk [tilespmem:v8+s9+$0x0], $0xffff  }
0x238: {  	v10 =	vimm.f32 $0.0e+00;
	v11 =	vimm.f32 $0.0e+00;
	s13 =	simm.s32 $0x4;
	v13 =	vld [tilespmem:s12+$0xFFFFFFB0];
	v7 =	vimm.f32 $0.0e+00  }
.LBB2_29:
0x239: {  	p0 =	sne.s32 s13, $0x3E;
	v15 =	vand.u32 $0xFFFFFFFE, v15;
	v14 =	vbroadcast v14, $0x0;
	v16 =	vld [tilespmem:s12+$0x20]  }
0x23a: {  	v15 =	vbroadcast v15, $0x0;
	v17 =	vld [tilespmem:s12+$0x30];
	s12 =	sadd.s32 $0x100, s12  }
0x23b: {  	v18 =	vmul.f32 v4, v2;
	v19 =	vmul.f32 v3, v2;
	v4 =	vld [tilespmem:s12+$0x0]  }
0x23c: {  	v20 =	vmul.f32 v5, v8;
	v21 =	vmul.f32 v6, v8;
	v3 =	vld [tilespmem:s12+$0x10]  }
0x23d: {  	v12 =	vmul.f32 v12, v8;
	v5 =	vld [tilespmem:s12+$0xFFFFFF80];
	v8 =	vmul.f32 v13, v8  }
.Ltmp17:
0x23e: {  	v7 =	vadd.f32 v20, v7;
	v11 =	vadd.f32 v21, v11;
	v6 =	vld [tilespmem:s12+$0xFFFFFF90];
	v13 =	vmul.f32 v16, v2;
	(pc) =	sbr.rel @p0 .LBB2_29-.Ltmp17, $4  }
0x23f: {  	v9 =	vadd.f32 v12, v9;
	v10 =	vadd.f32 v8, v10;
	v16 =	vmul.f32 v17, v2;
	v2 =	vld.idx.msk [tilespmem:v14+s9+$0x0], $0xffff  }
0x240: {  	s14 =	sadd.s32 $0x1, s13;
	v14 =	vmov s13;
	v7 =	vadd.f32 v18, v7;
	v11 =	vadd.f32 v19, v11;
	v8 =	vld.idx.msk [tilespmem:v15+s9+$0x0], $0xffff  }
0x241: {  	v17 =	vmov s14;
	v9 =	vadd.f32 v13, v9;
	v12 =	vld [tilespmem:s12+$0xFFFFFFA0];
	v10 =	vadd.f32 v16, v10  }
0x242: {  	s13 =	sadd.s32 $0x2, s13;
	v15 =	vadd.s32 $0x40, v14;
	v14 =	vadd.s32 $0x40, v17;
	v13 =	vld [tilespmem:s12+$0xFFFFFFB0]  }
0x243: {  	v15 =	vand.u32 $0xFFFFFFFE, v15  }
0x244: {  	v16 =	vld [tilespmem:s12+$0x20];
	v15 =	vbroadcast v15, $0x0  }
0x245: {  	v17 =	vld [tilespmem:s12+$0x30];
	s29 =	sadd.s32 $0x100, s12  }
0x246: {  	v14 =	vbroadcast v14, $0x0;
	v18 =	vld [tilespmem:s29+$0x0]  }
0x247: {  	v19 =	vld [tilespmem:s29+$0x10]  }
0x248: {  	v20 =	vld [tilespmem:s29+$0xFFFFFF80]  }
0x249: {  	v21 =	vld [tilespmem:s29+$0xFFFFFF90]  }
0x24a: {  	v5 =	vmul.f32 v5, v8;
	v6 =	vmul.f32 v6, v8;
	v15 =	vld.idx.msk [tilespmem:v15+s9+$0x0], $0xffff  }
0x24b: {  	v12 =	vmul.f32 v12, v8;
	v8 =	vmul.f32 v13, v8;
	v13 =	vld [tilespmem:s29+$0xFFFFFFB0]  }
0x24c: {  	v4 =	vmul.f32 v4, v2;
	v3 =	vmul.f32 v3, v2;
	v5 =	vadd.f32 v5, v7;
	v14 =	vld.idx.msk [tilespmem:v14+s9+$0x0], $0xffff  }
0x24d: {  	v7 =	vld [tilespmem:s29+$0xFFFFFFA0];
	v6 =	vadd.f32 v6, v11;
	v11 =	vmul.f32 v16, v2;
	v9 =	vadd.f32 v12, v9  }
0x24e: {  	v2 =	vmul.f32 v17, v2;
	v8 =	vadd.f32 v8, v10;
	v4 =	vadd.f32 v4, v5;
	v5 =	vld [tilespmem:s29+$0x30]  }
0x24f: {  	v10 =	vld [tilespmem:s29+$0x20];
	v3 =	vadd.f32 v3, v6;
	v6 =	vmul.f32 v20, v15  }
0x250: {  	v9 =	vadd.f32 v11, v9;
	v2 =	vadd.f32 v2, v8;
	v8 =	vmul.f32 v21, v15  }
0x251: {  	v11 =	vmul.f32 v18, v14;
	v12 =	vmul.f32 v13, v15;
	v4 =	vadd.f32 v6, v4  }
0x252: {  	v7 =	vmul.f32 v7, v15;
	v6 =	vmul.f32 v19, v14;
	v3 =	vadd.f32 v8, v3  }
0x253: {  	v5 =	vmul.f32 v5, v14;
	v2 =	vadd.f32 v12, v2;
	v4 =	vadd.f32 v11, v4  }
0x254: {  	v8 =	vmul.f32 v10, v14;
	v7 =	vadd.f32 v7, v9;
	v3 =	vadd.f32 v6, v3  }
0x255: {  	v2 =	vadd.f32 v5, v2;
	v4 =	vmul.f32 $4.882812500e-04, v4  }
0x256: {  	v6 =	vadd.f32 v8, v7;
	v3 =	vmul.f32 $4.882812500e-04, v3  }
0x257: {  	s30 =	simm.s32 $0x0;
	s13 =	simm.s32 $0x1;
	v2 =	vmul.f32 $4.882812500e-04, v2;
	[tilespmem:$0xA480] =	vst v4  }
0x258: {  	v5 =	vmov s30;
	v4 =	vmul.f32 $4.882812500e-04, v6;
	v6 =	vmov s13;
	[tilespmem:$0xA490] =	vst v3  }
0x259: {  	v3 =	vadd.s32 $0x80, v5;
	[tilespmem:$0xA4B0] =	vst v2;
	v5 =	vadd.s32 $0x80, v6  }
0x25a: {  	s12 =	simm.s32 $0x8080;
	v3 =	vand.u32 $0xFFFFFFFE, v3;
	[tilespmem:$0xA4A0] =	vst v4;
	v7 =	vbroadcast v5, $0x0  }
0x25b: {  	v8 =	vbroadcast v3, $0x0;
	v4 =	vld [tilespmem:s12+$0x0]  }
0x25c: {  	v3 =	vld [tilespmem:s12+$0x10]  }
0x25d: {  	v5 =	vld [tilespmem:s12+$0xFFFFFF80]  }
0x25e: {  	v6 =	vld [tilespmem:s12+$0xFFFFFF90]  }
0x25f: {  	s31 =	simm.s32 $0x2;
	s14 =	simm.s32 $0x3;
	v12 =	vld [tilespmem:s12+$0xFFFFFFA0]  }
0x260: {  	v9 =	vmov s31;
	v10 =	vmov s14;
	v2 =	vld.idx.msk [tilespmem:v7+s9+$0x0], $0xffff  }
0x261: {  	v15 =	vadd.s32 $0x80, v9;
	v14 =	vadd.s32 $0x80, v10;
	v9 =	vimm.f32 $0.0e+00;
	v8 =	vld.idx.msk [tilespmem:v8+s9+$0x0], $0xffff  }
0x262: {  	v10 =	vimm.f32 $0.0e+00;
	v11 =	vimm.f32 $0.0e+00;
	s13 =	simm.s32 $0x4;
	v13 =	vld [tilespmem:s12+$0xFFFFFFB0];
	v7 =	vimm.f32 $0.0e+00  }
.LBB2_31:
0x263: {  	p0 =	sne.s32 s13, $0x3E;
	v15 =	vand.u32 $0xFFFFFFFE, v15;
	v14 =	vbroadcast v14, $0x0;
	v16 =	vld [tilespmem:s12+$0x20]  }
0x264: {  	v15 =	vbroadcast v15, $0x0;
	v17 =	vld [tilespmem:s12+$0x30];
	s12 =	sadd.s32 $0x100, s12  }
0x265: {  	v18 =	vmul.f32 v4, v2;
	v19 =	vmul.f32 v3, v2;
	v4 =	vld [tilespmem:s12+$0x0]  }
0x266: {  	v20 =	vmul.f32 v5, v8;
	v21 =	vmul.f32 v6, v8;
	v3 =	vld [tilespmem:s12+$0x10]  }
0x267: {  	v12 =	vmul.f32 v12, v8;
	v5 =	vld [tilespmem:s12+$0xFFFFFF80];
	v8 =	vmul.f32 v13, v8  }
.Ltmp18:
0x268: {  	v7 =	vadd.f32 v20, v7;
	v11 =	vadd.f32 v21, v11;
	v6 =	vld [tilespmem:s12+$0xFFFFFF90];
	v13 =	vmul.f32 v16, v2;
	(pc) =	sbr.rel @p0 .LBB2_31-.Ltmp18, $4  }
0x269: {  	v9 =	vadd.f32 v12, v9;
	v10 =	vadd.f32 v8, v10;
	v16 =	vmul.f32 v17, v2;
	v2 =	vld.idx.msk [tilespmem:v14+s9+$0x0], $0xffff  }
0x26a: {  	s14 =	sadd.s32 $0x1, s13;
	v14 =	vmov s13;
	v7 =	vadd.f32 v18, v7;
	v11 =	vadd.f32 v19, v11;
	v8 =	vld.idx.msk [tilespmem:v15+s9+$0x0], $0xffff  }
0x26b: {  	v17 =	vmov s14;
	v9 =	vadd.f32 v13, v9;
	v12 =	vld [tilespmem:s12+$0xFFFFFFA0];
	v10 =	vadd.f32 v16, v10  }
0x26c: {  	s13 =	sadd.s32 $0x2, s13;
	v15 =	vadd.s32 $0x80, v14;
	v14 =	vadd.s32 $0x80, v17;
	v13 =	vld [tilespmem:s12+$0xFFFFFFB0]  }
0x26d: {  	v15 =	vand.u32 $0xFFFFFFFE, v15  }
0x26e: {  	v16 =	vld [tilespmem:s12+$0x20];
	v15 =	vbroadcast v15, $0x0  }
0x26f: {  	v17 =	vld [tilespmem:s12+$0x30];
	s29 =	sadd.s32 $0x100, s12  }
0x270: {  	v14 =	vbroadcast v14, $0x0;
	v18 =	vld [tilespmem:s29+$0x0]  }
0x271: {  	v19 =	vld [tilespmem:s29+$0x10]  }
0x272: {  	v20 =	vld [tilespmem:s29+$0xFFFFFF80]  }
0x273: {  	v21 =	vld [tilespmem:s29+$0xFFFFFF90]  }
0x274: {  	v5 =	vmul.f32 v5, v8;
	v6 =	vmul.f32 v6, v8;
	v15 =	vld.idx.msk [tilespmem:v15+s9+$0x0], $0xffff  }
0x275: {  	v12 =	vmul.f32 v12, v8;
	v8 =	vmul.f32 v13, v8;
	v13 =	vld [tilespmem:s29+$0xFFFFFFB0]  }
0x276: {  	v4 =	vmul.f32 v4, v2;
	v3 =	vmul.f32 v3, v2;
	v5 =	vadd.f32 v5, v7;
	v14 =	vld.idx.msk [tilespmem:v14+s9+$0x0], $0xffff  }
0x277: {  	v7 =	vld [tilespmem:s29+$0xFFFFFFA0];
	v6 =	vadd.f32 v6, v11;
	v11 =	vmul.f32 v16, v2;
	v9 =	vadd.f32 v12, v9  }
0x278: {  	v2 =	vmul.f32 v17, v2;
	v8 =	vadd.f32 v8, v10;
	v4 =	vadd.f32 v4, v5;
	v5 =	vld [tilespmem:s29+$0x30]  }
0x279: {  	v10 =	vld [tilespmem:s29+$0x20];
	v3 =	vadd.f32 v3, v6;
	v6 =	vmul.f32 v20, v15  }
0x27a: {  	v9 =	vadd.f32 v11, v9;
	v2 =	vadd.f32 v2, v8;
	v8 =	vmul.f32 v21, v15  }
0x27b: {  	v11 =	vmul.f32 v18, v14;
	v12 =	vmul.f32 v13, v15;
	v4 =	vadd.f32 v6, v4  }
0x27c: {  	v7 =	vmul.f32 v7, v15;
	v6 =	vmul.f32 v19, v14;
	v3 =	vadd.f32 v8, v3  }
0x27d: {  	v5 =	vmul.f32 v5, v14;
	v2 =	vadd.f32 v12, v2;
	v4 =	vadd.f32 v11, v4  }
0x27e: {  	v8 =	vmul.f32 v10, v14;
	v7 =	vadd.f32 v7, v9;
	v3 =	vadd.f32 v6, v3  }
0x27f: {  	v2 =	vadd.f32 v5, v2;
	v4 =	vmul.f32 $4.882812500e-04, v4  }
0x280: {  	v6 =	vadd.f32 v8, v7;
	v3 =	vmul.f32 $4.882812500e-04, v3  }
0x281: {  	s30 =	simm.s32 $0x0;
	s13 =	simm.s32 $0x1;
	v2 =	vmul.f32 $4.882812500e-04, v2;
	[tilespmem:$0xA500] =	vst v4  }
0x282: {  	v5 =	vmov s30;
	v4 =	vmul.f32 $4.882812500e-04, v6;
	v6 =	vmov s13;
	[tilespmem:$0xA510] =	vst v3  }
0x283: {  	v3 =	vadd.s32 $0xC0, v5;
	[tilespmem:$0xA530] =	vst v2;
	v5 =	vadd.s32 $0xC0, v6  }
0x284: {  	s12 =	simm.s32 $0x8080;
	v3 =	vand.u32 $0xFFFFFFFE, v3;
	[tilespmem:$0xA520] =	vst v4;
	v7 =	vbroadcast v5, $0x0  }
0x285: {  	v8 =	vbroadcast v3, $0x0;
	v4 =	vld [tilespmem:s12+$0x0]  }
0x286: {  	v3 =	vld [tilespmem:s12+$0x10]  }
0x287: {  	v5 =	vld [tilespmem:s12+$0xFFFFFF80]  }
0x288: {  	v6 =	vld [tilespmem:s12+$0xFFFFFF90]  }
0x289: {  	s31 =	simm.s32 $0x2;
	s14 =	simm.s32 $0x3;
	v12 =	vld [tilespmem:s12+$0xFFFFFFA0]  }
0x28a: {  	v9 =	vmov s31;
	v10 =	vmov s14;
	v2 =	vld.idx.msk [tilespmem:v7+s9+$0x0], $0xffff  }
0x28b: {  	v15 =	vadd.s32 $0xC0, v9;
	v14 =	vadd.s32 $0xC0, v10;
	v9 =	vimm.f32 $0.0e+00;
	v8 =	vld.idx.msk [tilespmem:v8+s9+$0x0], $0xffff  }
0x28c: {  	v10 =	vimm.f32 $0.0e+00;
	v11 =	vimm.f32 $0.0e+00;
	s13 =	simm.s32 $0x4;
	v13 =	vld [tilespmem:s12+$0xFFFFFFB0];
	v7 =	vimm.f32 $0.0e+00  }
.LBB2_33:
0x28d: {  	p0 =	sne.s32 s13, $0x3E;
	v15 =	vand.u32 $0xFFFFFFFE, v15;
	v14 =	vbroadcast v14, $0x0;
	v16 =	vld [tilespmem:s12+$0x20]  }
0x28e: {  	v15 =	vbroadcast v15, $0x0;
	v17 =	vld [tilespmem:s12+$0x30];
	s12 =	sadd.s32 $0x100, s12  }
0x28f: {  	v18 =	vmul.f32 v4, v2;
	v19 =	vmul.f32 v3, v2;
	v4 =	vld [tilespmem:s12+$0x0]  }
0x290: {  	v20 =	vmul.f32 v5, v8;
	v21 =	vmul.f32 v6, v8;
	v3 =	vld [tilespmem:s12+$0x10]  }
0x291: {  	v12 =	vmul.f32 v12, v8;
	v5 =	vld [tilespmem:s12+$0xFFFFFF80];
	v8 =	vmul.f32 v13, v8  }
.Ltmp19:
0x292: {  	v7 =	vadd.f32 v20, v7;
	v11 =	vadd.f32 v21, v11;
	v6 =	vld [tilespmem:s12+$0xFFFFFF90];
	v13 =	vmul.f32 v16, v2;
	(pc) =	sbr.rel @p0 .LBB2_33-.Ltmp19, $4  }
0x293: {  	v9 =	vadd.f32 v12, v9;
	v10 =	vadd.f32 v8, v10;
	v16 =	vmul.f32 v17, v2;
	v2 =	vld.idx.msk [tilespmem:v14+s9+$0x0], $0xffff  }
0x294: {  	s14 =	sadd.s32 $0x1, s13;
	v14 =	vmov s13;
	v7 =	vadd.f32 v18, v7;
	v11 =	vadd.f32 v19, v11;
	v8 =	vld.idx.msk [tilespmem:v15+s9+$0x0], $0xffff  }
0x295: {  	v17 =	vmov s14;
	v9 =	vadd.f32 v13, v9;
	v12 =	vld [tilespmem:s12+$0xFFFFFFA0];
	v10 =	vadd.f32 v16, v10  }
0x296: {  	s13 =	sadd.s32 $0x2, s13;
	v15 =	vadd.s32 $0xC0, v14;
	v14 =	vadd.s32 $0xC0, v17;
	v13 =	vld [tilespmem:s12+$0xFFFFFFB0]  }
0x297: {  	v15 =	vand.u32 $0xFFFFFFFE, v15  }
0x298: {  	v16 =	vld [tilespmem:s12+$0x20];
	v15 =	vbroadcast v15, $0x0  }
0x299: {  	v17 =	vld [tilespmem:s12+$0x30];
	s29 =	sadd.s32 $0x100, s12  }
0x29a: {  	v14 =	vbroadcast v14, $0x0;
	v18 =	vld [tilespmem:s29+$0x0]  }
0x29b: {  	v19 =	vld [tilespmem:s29+$0x10]  }
0x29c: {  	v20 =	vld [tilespmem:s29+$0xFFFFFF80]  }
0x29d: {  	v21 =	vld [tilespmem:s29+$0xFFFFFF90]  }
0x29e: {  	v5 =	vmul.f32 v5, v8;
	v6 =	vmul.f32 v6, v8;
	v15 =	vld.idx.msk [tilespmem:v15+s9+$0x0], $0xffff  }
0x29f: {  	v12 =	vmul.f32 v12, v8;
	v8 =	vmul.f32 v13, v8;
	v13 =	vld [tilespmem:s29+$0xFFFFFFB0]  }
0x2a0: {  	v4 =	vmul.f32 v4, v2;
	v3 =	vmul.f32 v3, v2;
	v5 =	vadd.f32 v5, v7;
	v14 =	vld.idx.msk [tilespmem:v14+s9+$0x0], $0xffff  }
0x2a1: {  	v7 =	vld [tilespmem:s29+$0xFFFFFFA0];
	v6 =	vadd.f32 v6, v11;
	v11 =	vmul.f32 v16, v2;
	v9 =	vadd.f32 v12, v9  }
0x2a2: {  	v2 =	vmul.f32 v17, v2;
	v8 =	vadd.f32 v8, v10;
	v4 =	vadd.f32 v4, v5;
	v5 =	vld [tilespmem:s29+$0x30]  }
0x2a3: {  	v10 =	vld [tilespmem:s29+$0x20];
	v3 =	vadd.f32 v3, v6;
	v6 =	vmul.f32 v20, v15  }
0x2a4: {  	v9 =	vadd.f32 v11, v9;
	v2 =	vadd.f32 v2, v8;
	v8 =	vmul.f32 v21, v15  }
0x2a5: {  	v11 =	vmul.f32 v18, v14;
	v12 =	vmul.f32 v13, v15;
	v4 =	vadd.f32 v6, v4  }
0x2a6: {  	v7 =	vmul.f32 v7, v15;
	v6 =	vmul.f32 v19, v14;
	v3 =	vadd.f32 v8, v3  }
0x2a7: {  	v5 =	vmul.f32 v5, v14;
	v2 =	vadd.f32 v12, v2;
	v4 =	vadd.f32 v11, v4  }
0x2a8: {  	v8 =	vmul.f32 v10, v14;
	v7 =	vadd.f32 v7, v9;
	v3 =	vadd.f32 v6, v3  }
0x2a9: {  	v2 =	vadd.f32 v5, v2;
	v4 =	vmul.f32 $4.882812500e-04, v4  }
0x2aa: {  	v6 =	vadd.f32 v8, v7;
	v3 =	vmul.f32 $4.882812500e-04, v3  }
0x2ab: {  	s30 =	simm.s32 $0x0;
	s13 =	simm.s32 $0x1;
	v2 =	vmul.f32 $4.882812500e-04, v2;
	[tilespmem:$0xA580] =	vst v4  }
0x2ac: {  	v5 =	vmov s30;
	v4 =	vmul.f32 $4.882812500e-04, v6;
	v6 =	vmov s13;
	[tilespmem:$0xA590] =	vst v3  }
0x2ad: {  	v3 =	vadd.s32 $0x100, v5;
	[tilespmem:$0xA5B0] =	vst v2;
	v5 =	vadd.s32 $0x100, v6  }
0x2ae: {  	s12 =	simm.s32 $0x8080;
	v3 =	vand.u32 $0xFFFFFFFE, v3;
	[tilespmem:$0xA5A0] =	vst v4;
	v7 =	vbroadcast v5, $0x0  }
0x2af: {  	v8 =	vbroadcast v3, $0x0;
	v4 =	vld [tilespmem:s12+$0x0]  }
0x2b0: {  	v3 =	vld [tilespmem:s12+$0x10]  }
0x2b1: {  	v5 =	vld [tilespmem:s12+$0xFFFFFF80]  }
0x2b2: {  	v6 =	vld [tilespmem:s12+$0xFFFFFF90]  }
0x2b3: {  	s31 =	simm.s32 $0x2;
	s14 =	simm.s32 $0x3;
	v12 =	vld [tilespmem:s12+$0xFFFFFFA0]  }
0x2b4: {  	v9 =	vmov s31;
	v10 =	vmov s14;
	v2 =	vld.idx.msk [tilespmem:v7+s9+$0x0], $0xffff  }
0x2b5: {  	v15 =	vadd.s32 $0x100, v9;
	v14 =	vadd.s32 $0x100, v10;
	v9 =	vimm.f32 $0.0e+00;
	v8 =	vld.idx.msk [tilespmem:v8+s9+$0x0], $0xffff  }
0x2b6: {  	v10 =	vimm.f32 $0.0e+00;
	v11 =	vimm.f32 $0.0e+00;
	s13 =	simm.s32 $0x4;
	v13 =	vld [tilespmem:s12+$0xFFFFFFB0];
	v7 =	vimm.f32 $0.0e+00  }
.LBB2_35:
0x2b7: {  	p0 =	sne.s32 s13, $0x3E;
	v15 =	vand.u32 $0xFFFFFFFE, v15;
	v14 =	vbroadcast v14, $0x0;
	v16 =	vld [tilespmem:s12+$0x20]  }
0x2b8: {  	v15 =	vbroadcast v15, $0x0;
	v17 =	vld [tilespmem:s12+$0x30];
	s12 =	sadd.s32 $0x100, s12  }
0x2b9: {  	v18 =	vmul.f32 v4, v2;
	v19 =	vmul.f32 v3, v2;
	v4 =	vld [tilespmem:s12+$0x0]  }
0x2ba: {  	v20 =	vmul.f32 v5, v8;
	v21 =	vmul.f32 v6, v8;
	v3 =	vld [tilespmem:s12+$0x10]  }
0x2bb: {  	v12 =	vmul.f32 v12, v8;
	v5 =	vld [tilespmem:s12+$0xFFFFFF80];
	v8 =	vmul.f32 v13, v8  }
.Ltmp20:
0x2bc: {  	v7 =	vadd.f32 v20, v7;
	v11 =	vadd.f32 v21, v11;
	v6 =	vld [tilespmem:s12+$0xFFFFFF90];
	v13 =	vmul.f32 v16, v2;
	(pc) =	sbr.rel @p0 .LBB2_35-.Ltmp20, $4  }
0x2bd: {  	v9 =	vadd.f32 v12, v9;
	v10 =	vadd.f32 v8, v10;
	v16 =	vmul.f32 v17, v2;
	v2 =	vld.idx.msk [tilespmem:v14+s9+$0x0], $0xffff  }
0x2be: {  	s14 =	sadd.s32 $0x1, s13;
	v14 =	vmov s13;
	v7 =	vadd.f32 v18, v7;
	v11 =	vadd.f32 v19, v11;
	v8 =	vld.idx.msk [tilespmem:v15+s9+$0x0], $0xffff  }
0x2bf: {  	v17 =	vmov s14;
	v9 =	vadd.f32 v13, v9;
	v12 =	vld [tilespmem:s12+$0xFFFFFFA0];
	v10 =	vadd.f32 v16, v10  }
0x2c0: {  	s13 =	sadd.s32 $0x2, s13;
	v15 =	vadd.s32 $0x100, v14;
	v14 =	vadd.s32 $0x100, v17;
	v13 =	vld [tilespmem:s12+$0xFFFFFFB0]  }
0x2c1: {  	v15 =	vand.u32 $0xFFFFFFFE, v15  }
0x2c2: {  	v16 =	vld [tilespmem:s12+$0x20];
	v15 =	vbroadcast v15, $0x0  }
0x2c3: {  	v17 =	vld [tilespmem:s12+$0x30];
	s29 =	sadd.s32 $0x100, s12  }
0x2c4: {  	v14 =	vbroadcast v14, $0x0;
	v18 =	vld [tilespmem:s29+$0x0]  }
0x2c5: {  	v19 =	vld [tilespmem:s29+$0x10]  }
0x2c6: {  	v20 =	vld [tilespmem:s29+$0xFFFFFF80]  }
0x2c7: {  	v21 =	vld [tilespmem:s29+$0xFFFFFF90]  }
0x2c8: {  	v5 =	vmul.f32 v5, v8;
	v6 =	vmul.f32 v6, v8;
	v15 =	vld.idx.msk [tilespmem:v15+s9+$0x0], $0xffff  }
0x2c9: {  	v12 =	vmul.f32 v12, v8;
	v8 =	vmul.f32 v13, v8;
	v13 =	vld [tilespmem:s29+$0xFFFFFFB0]  }
0x2ca: {  	v4 =	vmul.f32 v4, v2;
	v3 =	vmul.f32 v3, v2;
	v5 =	vadd.f32 v5, v7;
	v14 =	vld.idx.msk [tilespmem:v14+s9+$0x0], $0xffff  }
0x2cb: {  	v7 =	vld [tilespmem:s29+$0xFFFFFFA0];
	v6 =	vadd.f32 v6, v11;
	v11 =	vmul.f32 v16, v2;
	v9 =	vadd.f32 v12, v9  }
0x2cc: {  	v2 =	vmul.f32 v17, v2;
	v8 =	vadd.f32 v8, v10;
	v4 =	vadd.f32 v4, v5;
	v5 =	vld [tilespmem:s29+$0x30]  }
0x2cd: {  	v10 =	vld [tilespmem:s29+$0x20];
	v3 =	vadd.f32 v3, v6;
	v6 =	vmul.f32 v20, v15  }
0x2ce: {  	v9 =	vadd.f32 v11, v9;
	v2 =	vadd.f32 v2, v8;
	v8 =	vmul.f32 v21, v15  }
0x2cf: {  	v11 =	vmul.f32 v18, v14;
	v12 =	vmul.f32 v13, v15;
	v4 =	vadd.f32 v6, v4  }
0x2d0: {  	v7 =	vmul.f32 v7, v15;
	v6 =	vmul.f32 v19, v14;
	v3 =	vadd.f32 v8, v3  }
0x2d1: {  	v5 =	vmul.f32 v5, v14;
	v2 =	vadd.f32 v12, v2;
	v4 =	vadd.f32 v11, v4  }
0x2d2: {  	v8 =	vmul.f32 v10, v14;
	v7 =	vadd.f32 v7, v9;
	v3 =	vadd.f32 v6, v3  }
0x2d3: {  	v2 =	vadd.f32 v5, v2;
	v4 =	vmul.f32 $4.882812500e-04, v4  }
0x2d4: {  	v6 =	vadd.f32 v8, v7;
	v3 =	vmul.f32 $4.882812500e-04, v3  }
0x2d5: {  	s30 =	simm.s32 $0x0;
	s13 =	simm.s32 $0x1;
	v2 =	vmul.f32 $4.882812500e-04, v2;
	[tilespmem:$0xA600] =	vst v4  }
0x2d6: {  	v5 =	vmov s30;
	v4 =	vmul.f32 $4.882812500e-04, v6;
	v6 =	vmov s13;
	[tilespmem:$0xA610] =	vst v3  }
0x2d7: {  	v3 =	vadd.s32 $0x140, v5;
	[tilespmem:$0xA630] =	vst v2;
	v5 =	vadd.s32 $0x140, v6  }
0x2d8: {  	s12 =	simm.s32 $0x8080;
	v3 =	vand.u32 $0xFFFFFFFE, v3;
	[tilespmem:$0xA620] =	vst v4;
	v7 =	vbroadcast v5, $0x0  }
0x2d9: {  	v8 =	vbroadcast v3, $0x0;
	v4 =	vld [tilespmem:s12+$0x0]  }
0x2da: {  	v3 =	vld [tilespmem:s12+$0x10]  }
0x2db: {  	v5 =	vld [tilespmem:s12+$0xFFFFFF80]  }
0x2dc: {  	v6 =	vld [tilespmem:s12+$0xFFFFFF90]  }
0x2dd: {  	s31 =	simm.s32 $0x2;
	s14 =	simm.s32 $0x3;
	v12 =	vld [tilespmem:s12+$0xFFFFFFA0]  }
0x2de: {  	v9 =	vmov s31;
	v10 =	vmov s14;
	v2 =	vld.idx.msk [tilespmem:v7+s9+$0x0], $0xffff  }
0x2df: {  	v15 =	vadd.s32 $0x140, v9;
	v14 =	vadd.s32 $0x140, v10;
	v9 =	vimm.f32 $0.0e+00;
	v8 =	vld.idx.msk [tilespmem:v8+s9+$0x0], $0xffff  }
0x2e0: {  	v10 =	vimm.f32 $0.0e+00;
	v11 =	vimm.f32 $0.0e+00;
	s13 =	simm.s32 $0x4;
	v13 =	vld [tilespmem:s12+$0xFFFFFFB0];
	v7 =	vimm.f32 $0.0e+00  }
.LBB2_37:
0x2e1: {  	p0 =	sne.s32 s13, $0x3E;
	v15 =	vand.u32 $0xFFFFFFFE, v15;
	v14 =	vbroadcast v14, $0x0;
	v16 =	vld [tilespmem:s12+$0x20]  }
0x2e2: {  	v15 =	vbroadcast v15, $0x0;
	v17 =	vld [tilespmem:s12+$0x30];
	s12 =	sadd.s32 $0x100, s12  }
0x2e3: {  	v18 =	vmul.f32 v4, v2;
	v19 =	vmul.f32 v3, v2;
	v4 =	vld [tilespmem:s12+$0x0]  }
0x2e4: {  	v20 =	vmul.f32 v5, v8;
	v21 =	vmul.f32 v6, v8;
	v3 =	vld [tilespmem:s12+$0x10]  }
0x2e5: {  	v12 =	vmul.f32 v12, v8;
	v5 =	vld [tilespmem:s12+$0xFFFFFF80];
	v8 =	vmul.f32 v13, v8  }
.Ltmp21:
0x2e6: {  	v7 =	vadd.f32 v20, v7;
	v11 =	vadd.f32 v21, v11;
	v6 =	vld [tilespmem:s12+$0xFFFFFF90];
	v13 =	vmul.f32 v16, v2;
	(pc) =	sbr.rel @p0 .LBB2_37-.Ltmp21, $4  }
0x2e7: {  	v9 =	vadd.f32 v12, v9;
	v10 =	vadd.f32 v8, v10;
	v16 =	vmul.f32 v17, v2;
	v2 =	vld.idx.msk [tilespmem:v14+s9+$0x0], $0xffff  }
0x2e8: {  	s14 =	sadd.s32 $0x1, s13;
	v14 =	vmov s13;
	v7 =	vadd.f32 v18, v7;
	v11 =	vadd.f32 v19, v11;
	v8 =	vld.idx.msk [tilespmem:v15+s9+$0x0], $0xffff  }
0x2e9: {  	v17 =	vmov s14;
	v9 =	vadd.f32 v13, v9;
	v12 =	vld [tilespmem:s12+$0xFFFFFFA0];
	v10 =	vadd.f32 v16, v10  }
0x2ea: {  	s13 =	sadd.s32 $0x2, s13;
	v15 =	vadd.s32 $0x140, v14;
	v14 =	vadd.s32 $0x140, v17;
	v13 =	vld [tilespmem:s12+$0xFFFFFFB0]  }
0x2eb: {  	v15 =	vand.u32 $0xFFFFFFFE, v15  }
0x2ec: {  	v16 =	vld [tilespmem:s12+$0x20];
	v15 =	vbroadcast v15, $0x0  }
0x2ed: {  	v17 =	vld [tilespmem:s12+$0x30];
	s29 =	sadd.s32 $0x100, s12  }
0x2ee: {  	v14 =	vbroadcast v14, $0x0;
	v18 =	vld [tilespmem:s29+$0x0]  }
0x2ef: {  	v19 =	vld [tilespmem:s29+$0x10]  }
0x2f0: {  	v20 =	vld [tilespmem:s29+$0xFFFFFF80]  }
0x2f1: {  	v21 =	vld [tilespmem:s29+$0xFFFFFF90]  }
0x2f2: {  	v5 =	vmul.f32 v5, v8;
	v6 =	vmul.f32 v6, v8;
	v15 =	vld.idx.msk [tilespmem:v15+s9+$0x0], $0xffff  }
0x2f3: {  	v12 =	vmul.f32 v12, v8;
	v8 =	vmul.f32 v13, v8;
	v13 =	vld [tilespmem:s29+$0xFFFFFFB0]  }
0x2f4: {  	v4 =	vmul.f32 v4, v2;
	v3 =	vmul.f32 v3, v2;
	v5 =	vadd.f32 v5, v7;
	v14 =	vld.idx.msk [tilespmem:v14+s9+$0x0], $0xffff  }
0x2f5: {  	v7 =	vld [tilespmem:s29+$0xFFFFFFA0];
	v6 =	vadd.f32 v6, v11;
	v11 =	vmul.f32 v16, v2;
	v9 =	vadd.f32 v12, v9  }
0x2f6: {  	v2 =	vmul.f32 v17, v2;
	v8 =	vadd.f32 v8, v10;
	v4 =	vadd.f32 v4, v5;
	v5 =	vld [tilespmem:s29+$0x30]  }
0x2f7: {  	v10 =	vld [tilespmem:s29+$0x20];
	v3 =	vadd.f32 v3, v6;
	v6 =	vmul.f32 v20, v15  }
0x2f8: {  	v9 =	vadd.f32 v11, v9;
	v2 =	vadd.f32 v2, v8;
	v8 =	vmul.f32 v21, v15  }
0x2f9: {  	v11 =	vmul.f32 v18, v14;
	v12 =	vmul.f32 v13, v15;
	v4 =	vadd.f32 v6, v4  }
0x2fa: {  	v7 =	vmul.f32 v7, v15;
	v6 =	vmul.f32 v19, v14;
	v3 =	vadd.f32 v8, v3  }
0x2fb: {  	v5 =	vmul.f32 v5, v14;
	v2 =	vadd.f32 v12, v2;
	v4 =	vadd.f32 v11, v4  }
0x2fc: {  	v8 =	vmul.f32 v10, v14;
	v7 =	vadd.f32 v7, v9;
	v3 =	vadd.f32 v6, v3  }
0x2fd: {  	v2 =	vadd.f32 v5, v2;
	v4 =	vmul.f32 $4.882812500e-04, v4  }
0x2fe: {  	v6 =	vadd.f32 v8, v7;
	v3 =	vmul.f32 $4.882812500e-04, v3  }
0x2ff: {  	s30 =	simm.s32 $0x0;
	s13 =	simm.s32 $0x1;
	v2 =	vmul.f32 $4.882812500e-04, v2;
	[tilespmem:$0xA680] =	vst v4  }
0x300: {  	v5 =	vmov s30;
	v4 =	vmul.f32 $4.882812500e-04, v6;
	v6 =	vmov s13;
	[tilespmem:$0xA690] =	vst v3  }
0x301: {  	v3 =	vadd.s32 $0x180, v5;
	[tilespmem:$0xA6B0] =	vst v2;
	v5 =	vadd.s32 $0x180, v6  }
0x302: {  	s12 =	simm.s32 $0x8080;
	v3 =	vand.u32 $0xFFFFFFFE, v3;
	[tilespmem:$0xA6A0] =	vst v4;
	v7 =	vbroadcast v5, $0x0  }
0x303: {  	v8 =	vbroadcast v3, $0x0;
	v4 =	vld [tilespmem:s12+$0x0]  }
0x304: {  	v3 =	vld [tilespmem:s12+$0x10]  }
0x305: {  	v5 =	vld [tilespmem:s12+$0xFFFFFF80]  }
0x306: {  	v6 =	vld [tilespmem:s12+$0xFFFFFF90]  }
0x307: {  	s31 =	simm.s32 $0x2;
	s14 =	simm.s32 $0x3;
	v12 =	vld [tilespmem:s12+$0xFFFFFFA0]  }
0x308: {  	v9 =	vmov s31;
	v10 =	vmov s14;
	v2 =	vld.idx.msk [tilespmem:v7+s9+$0x0], $0xffff  }
0x309: {  	v15 =	vadd.s32 $0x180, v9;
	v14 =	vadd.s32 $0x180, v10;
	v9 =	vimm.f32 $0.0e+00;
	v8 =	vld.idx.msk [tilespmem:v8+s9+$0x0], $0xffff  }
0x30a: {  	v10 =	vimm.f32 $0.0e+00;
	v11 =	vimm.f32 $0.0e+00;
	s13 =	simm.s32 $0x4;
	v13 =	vld [tilespmem:s12+$0xFFFFFFB0];
	v7 =	vimm.f32 $0.0e+00  }
.LBB2_39:
0x30b: {  	p0 =	sne.s32 s13, $0x3E;
	v15 =	vand.u32 $0xFFFFFFFE, v15;
	v14 =	vbroadcast v14, $0x0;
	v16 =	vld [tilespmem:s12+$0x20]  }
0x30c: {  	v15 =	vbroadcast v15, $0x0;
	v17 =	vld [tilespmem:s12+$0x30];
	s12 =	sadd.s32 $0x100, s12  }
0x30d: {  	v18 =	vmul.f32 v4, v2;
	v19 =	vmul.f32 v3, v2;
	v4 =	vld [tilespmem:s12+$0x0]  }
0x30e: {  	v20 =	vmul.f32 v5, v8;
	v21 =	vmul.f32 v6, v8;
	v3 =	vld [tilespmem:s12+$0x10]  }
0x30f: {  	v12 =	vmul.f32 v12, v8;
	v5 =	vld [tilespmem:s12+$0xFFFFFF80];
	v8 =	vmul.f32 v13, v8  }
.Ltmp22:
0x310: {  	v7 =	vadd.f32 v20, v7;
	v11 =	vadd.f32 v21, v11;
	v6 =	vld [tilespmem:s12+$0xFFFFFF90];
	v13 =	vmul.f32 v16, v2;
	(pc) =	sbr.rel @p0 .LBB2_39-.Ltmp22, $4  }
0x311: {  	v9 =	vadd.f32 v12, v9;
	v10 =	vadd.f32 v8, v10;
	v16 =	vmul.f32 v17, v2;
	v2 =	vld.idx.msk [tilespmem:v14+s9+$0x0], $0xffff  }
0x312: {  	s14 =	sadd.s32 $0x1, s13;
	v14 =	vmov s13;
	v7 =	vadd.f32 v18, v7;
	v11 =	vadd.f32 v19, v11;
	v8 =	vld.idx.msk [tilespmem:v15+s9+$0x0], $0xffff  }
0x313: {  	v17 =	vmov s14;
	v9 =	vadd.f32 v13, v9;
	v12 =	vld [tilespmem:s12+$0xFFFFFFA0];
	v10 =	vadd.f32 v16, v10  }
0x314: {  	s13 =	sadd.s32 $0x2, s13;
	v15 =	vadd.s32 $0x180, v14;
	v14 =	vadd.s32 $0x180, v17;
	v13 =	vld [tilespmem:s12+$0xFFFFFFB0]  }
0x315: {  	v15 =	vand.u32 $0xFFFFFFFE, v15  }
0x316: {  	v16 =	vld [tilespmem:s12+$0x20];
	v15 =	vbroadcast v15, $0x0  }
0x317: {  	v17 =	vld [tilespmem:s12+$0x30];
	s29 =	sadd.s32 $0x100, s12  }
0x318: {  	v14 =	vbroadcast v14, $0x0;
	v18 =	vld [tilespmem:s29+$0x0]  }
0x319: {  	v19 =	vld [tilespmem:s29+$0x10]  }
0x31a: {  	v20 =	vld [tilespmem:s29+$0xFFFFFF80]  }
0x31b: {  	v21 =	vld [tilespmem:s29+$0xFFFFFF90]  }
0x31c: {  	v5 =	vmul.f32 v5, v8;
	v6 =	vmul.f32 v6, v8;
	v15 =	vld.idx.msk [tilespmem:v15+s9+$0x0], $0xffff  }
0x31d: {  	v12 =	vmul.f32 v12, v8;
	v8 =	vmul.f32 v13, v8;
	v13 =	vld [tilespmem:s29+$0xFFFFFFB0]  }
0x31e: {  	v4 =	vmul.f32 v4, v2;
	v3 =	vmul.f32 v3, v2;
	v5 =	vadd.f32 v5, v7;
	v14 =	vld.idx.msk [tilespmem:v14+s9+$0x0], $0xffff  }
0x31f: {  	v7 =	vld [tilespmem:s29+$0xFFFFFFA0];
	v6 =	vadd.f32 v6, v11;
	v11 =	vmul.f32 v16, v2;
	v9 =	vadd.f32 v12, v9  }
0x320: {  	v2 =	vmul.f32 v17, v2;
	v8 =	vadd.f32 v8, v10;
	v4 =	vadd.f32 v4, v5;
	v5 =	vld [tilespmem:s29+$0x30]  }
0x321: {  	v10 =	vld [tilespmem:s29+$0x20];
	v3 =	vadd.f32 v3, v6;
	v6 =	vmul.f32 v20, v15  }
0x322: {  	v9 =	vadd.f32 v11, v9;
	v2 =	vadd.f32 v2, v8;
	v8 =	vmul.f32 v21, v15  }
0x323: {  	v11 =	vmul.f32 v18, v14;
	v12 =	vmul.f32 v13, v15;
	v4 =	vadd.f32 v6, v4  }
0x324: {  	v7 =	vmul.f32 v7, v15;
	v6 =	vmul.f32 v19, v14;
	v3 =	vadd.f32 v8, v3  }
0x325: {  	v5 =	vmul.f32 v5, v14;
	v2 =	vadd.f32 v12, v2;
	v4 =	vadd.f32 v11, v4  }
0x326: {  	v8 =	vmul.f32 v10, v14;
	v7 =	vadd.f32 v7, v9;
	v3 =	vadd.f32 v6, v3  }
0x327: {  	v2 =	vadd.f32 v5, v2;
	v4 =	vmul.f32 $4.882812500e-04, v4  }
0x328: {  	v6 =	vadd.f32 v8, v7;
	v3 =	vmul.f32 $4.882812500e-04, v3  }
0x329: {  	s30 =	simm.s32 $0x0;
	s13 =	simm.s32 $0x1;
	v2 =	vmul.f32 $4.882812500e-04, v2;
	[tilespmem:$0xA700] =	vst v4  }
0x32a: {  	v5 =	vmov s30;
	v4 =	vmul.f32 $4.882812500e-04, v6;
	v6 =	vmov s13;
	[tilespmem:$0xA710] =	vst v3  }
0x32b: {  	v3 =	vadd.s32 $0x1C0, v5;
	[tilespmem:$0xA730] =	vst v2;
	v5 =	vadd.s32 $0x1C0, v6  }
0x32c: {  	s12 =	simm.s32 $0x8080;
	v3 =	vand.u32 $0xFFFFFFFE, v3;
	[tilespmem:$0xA720] =	vst v4;
	v7 =	vbroadcast v5, $0x0  }
0x32d: {  	v8 =	vbroadcast v3, $0x0;
	v4 =	vld [tilespmem:s12+$0x0]  }
0x32e: {  	v3 =	vld [tilespmem:s12+$0x10]  }
0x32f: {  	v5 =	vld [tilespmem:s12+$0xFFFFFF80]  }
0x330: {  	v6 =	vld [tilespmem:s12+$0xFFFFFF90]  }
0x331: {  	s31 =	simm.s32 $0x2;
	s14 =	simm.s32 $0x3;
	v12 =	vld [tilespmem:s12+$0xFFFFFFA0]  }
0x332: {  	v9 =	vmov s31;
	v10 =	vmov s14;
	v2 =	vld.idx.msk [tilespmem:v7+s9+$0x0], $0xffff  }
0x333: {  	v15 =	vadd.s32 $0x1C0, v9;
	v14 =	vadd.s32 $0x1C0, v10;
	v9 =	vimm.f32 $0.0e+00;
	v8 =	vld.idx.msk [tilespmem:v8+s9+$0x0], $0xffff  }
0x334: {  	v10 =	vimm.f32 $0.0e+00;
	v11 =	vimm.f32 $0.0e+00;
	s13 =	simm.s32 $0x4;
	v13 =	vld [tilespmem:s12+$0xFFFFFFB0];
	v7 =	vimm.f32 $0.0e+00  }
.LBB2_41:
0x335: {  	p0 =	sne.s32 s13, $0x3E;
	v15 =	vand.u32 $0xFFFFFFFE, v15;
	v14 =	vbroadcast v14, $0x0;
	v16 =	vld [tilespmem:s12+$0x20]  }
0x336: {  	v15 =	vbroadcast v15, $0x0;
	v17 =	vld [tilespmem:s12+$0x30];
	s12 =	sadd.s32 $0x100, s12  }
0x337: {  	v18 =	vmul.f32 v4, v2;
	v19 =	vmul.f32 v3, v2;
	v4 =	vld [tilespmem:s12+$0x0]  }
0x338: {  	v20 =	vmul.f32 v5, v8;
	v21 =	vmul.f32 v6, v8;
	v3 =	vld [tilespmem:s12+$0x10]  }
0x339: {  	v12 =	vmul.f32 v12, v8;
	v5 =	vld [tilespmem:s12+$0xFFFFFF80];
	v8 =	vmul.f32 v13, v8  }
.Ltmp23:
0x33a: {  	v7 =	vadd.f32 v20, v7;
	v11 =	vadd.f32 v21, v11;
	v6 =	vld [tilespmem:s12+$0xFFFFFF90];
	v13 =	vmul.f32 v16, v2;
	(pc) =	sbr.rel @p0 .LBB2_41-.Ltmp23, $4  }
0x33b: {  	v9 =	vadd.f32 v12, v9;
	v10 =	vadd.f32 v8, v10;
	v16 =	vmul.f32 v17, v2;
	v2 =	vld.idx.msk [tilespmem:v14+s9+$0x0], $0xffff  }
0x33c: {  	s14 =	sadd.s32 $0x1, s13;
	v14 =	vmov s13;
	v7 =	vadd.f32 v18, v7;
	v11 =	vadd.f32 v19, v11;
	v8 =	vld.idx.msk [tilespmem:v15+s9+$0x0], $0xffff  }
0x33d: {  	v17 =	vmov s14;
	v9 =	vadd.f32 v13, v9;
	v12 =	vld [tilespmem:s12+$0xFFFFFFA0];
	v10 =	vadd.f32 v16, v10  }
0x33e: {  	s13 =	sadd.s32 $0x2, s13;
	v15 =	vadd.s32 $0x1C0, v14;
	v14 =	vadd.s32 $0x1C0, v17;
	v13 =	vld [tilespmem:s12+$0xFFFFFFB0]  }
0x33f: {  	v15 =	vand.u32 $0xFFFFFFFE, v15  }
0x340: {  	v16 =	vld [tilespmem:s12+$0x20];
	v15 =	vbroadcast v15, $0x0  }
0x341: {  	v17 =	vld [tilespmem:s12+$0x30];
	s29 =	sadd.s32 $0x100, s12  }
0x342: {  	v14 =	vbroadcast v14, $0x0;
	v18 =	vld [tilespmem:s29+$0x0]  }
0x343: {  	v19 =	vld [tilespmem:s29+$0x10]  }
0x344: {  	v20 =	vld [tilespmem:s29+$0xFFFFFF80]  }
0x345: {  	v21 =	vld [tilespmem:s29+$0xFFFFFF90]  }
0x346: {  	v5 =	vmul.f32 v5, v8;
	v6 =	vmul.f32 v6, v8;
	v15 =	vld.idx.msk [tilespmem:v15+s9+$0x0], $0xffff  }
0x347: {  	v12 =	vmul.f32 v12, v8;
	v8 =	vmul.f32 v13, v8;
	v13 =	vld [tilespmem:s29+$0xFFFFFFB0]  }
0x348: {  	v4 =	vmul.f32 v4, v2;
	v3 =	vmul.f32 v3, v2;
	v5 =	vadd.f32 v5, v7;
	v14 =	vld.idx.msk [tilespmem:v14+s9+$0x0], $0xffff  }
0x349: {  	v7 =	vld [tilespmem:s29+$0xFFFFFFA0];
	v6 =	vadd.f32 v6, v11;
	v11 =	vmul.f32 v16, v2;
	v9 =	vadd.f32 v12, v9  }
0x34a: {  	v2 =	vmul.f32 v17, v2;
	v8 =	vadd.f32 v8, v10;
	v4 =	vadd.f32 v4, v5;
	v5 =	vld [tilespmem:s29+$0x30]  }
0x34b: {  	v10 =	vld [tilespmem:s29+$0x20];
	v3 =	vadd.f32 v3, v6;
	v6 =	vmul.f32 v20, v15  }
0x34c: {  	v9 =	vadd.f32 v11, v9;
	v2 =	vadd.f32 v2, v8;
	v8 =	vmul.f32 v21, v15  }
0x34d: {  	v11 =	vmul.f32 v18, v14;
	v12 =	vmul.f32 v13, v15;
	v4 =	vadd.f32 v6, v4  }
0x34e: {  	v7 =	vmul.f32 v7, v15;
	v6 =	vmul.f32 v19, v14;
	v3 =	vadd.f32 v8, v3  }
0x34f: {  	v5 =	vmul.f32 v5, v14;
	v2 =	vadd.f32 v12, v2;
	v4 =	vadd.f32 v11, v4  }
0x350: {  	v8 =	vmul.f32 v10, v14;
	v7 =	vadd.f32 v7, v9;
	v3 =	vadd.f32 v6, v3  }
0x351: {  	v2 =	vadd.f32 v5, v2;
	v4 =	vmul.f32 $4.882812500e-04, v4  }
0x352: {  	v6 =	vadd.f32 v8, v7;
	v3 =	vmul.f32 $4.882812500e-04, v3  }
0x353: {  	s30 =	simm.s32 $0x0;
	s13 =	simm.s32 $0x1;
	v2 =	vmul.f32 $4.882812500e-04, v2;
	[tilespmem:$0xA780] =	vst v4  }
0x354: {  	v5 =	vmov s30;
	v4 =	vmul.f32 $4.882812500e-04, v6;
	v6 =	vmov s13;
	[tilespmem:$0xA790] =	vst v3  }
0x355: {  	v3 =	vadd.s32 $0x200, v5;
	[tilespmem:$0xA7B0] =	vst v2;
	v5 =	vadd.s32 $0x200, v6  }
0x356: {  	s12 =	simm.s32 $0x8080;
	v3 =	vand.u32 $0xFFFFFFFE, v3;
	[tilespmem:$0xA7A0] =	vst v4;
	v7 =	vbroadcast v5, $0x0  }
0x357: {  	v8 =	vbroadcast v3, $0x0;
	v4 =	vld [tilespmem:s12+$0x0]  }
0x358: {  	v3 =	vld [tilespmem:s12+$0x10]  }
0x359: {  	v5 =	vld [tilespmem:s12+$0xFFFFFF80]  }
0x35a: {  	v6 =	vld [tilespmem:s12+$0xFFFFFF90]  }
0x35b: {  	s31 =	simm.s32 $0x2;
	s14 =	simm.s32 $0x3;
	v12 =	vld [tilespmem:s12+$0xFFFFFFA0]  }
0x35c: {  	v9 =	vmov s31;
	v10 =	vmov s14;
	v2 =	vld.idx.msk [tilespmem:v7+s9+$0x0], $0xffff  }
0x35d: {  	v15 =	vadd.s32 $0x200, v9;
	v14 =	vadd.s32 $0x200, v10;
	v9 =	vimm.f32 $0.0e+00;
	v8 =	vld.idx.msk [tilespmem:v8+s9+$0x0], $0xffff  }
0x35e: {  	v10 =	vimm.f32 $0.0e+00;
	v11 =	vimm.f32 $0.0e+00;
	s13 =	simm.s32 $0x4;
	v13 =	vld [tilespmem:s12+$0xFFFFFFB0];
	v7 =	vimm.f32 $0.0e+00  }
.LBB2_43:
0x35f: {  	p0 =	sne.s32 s13, $0x3E;
	v15 =	vand.u32 $0xFFFFFFFE, v15;
	v14 =	vbroadcast v14, $0x0;
	v16 =	vld [tilespmem:s12+$0x20]  }
0x360: {  	v15 =	vbroadcast v15, $0x0;
	v17 =	vld [tilespmem:s12+$0x30];
	s12 =	sadd.s32 $0x100, s12  }
0x361: {  	v18 =	vmul.f32 v4, v2;
	v19 =	vmul.f32 v3, v2;
	v4 =	vld [tilespmem:s12+$0x0]  }
0x362: {  	v20 =	vmul.f32 v5, v8;
	v21 =	vmul.f32 v6, v8;
	v3 =	vld [tilespmem:s12+$0x10]  }
0x363: {  	v12 =	vmul.f32 v12, v8;
	v5 =	vld [tilespmem:s12+$0xFFFFFF80];
	v8 =	vmul.f32 v13, v8  }
.Ltmp24:
0x364: {  	v7 =	vadd.f32 v20, v7;
	v11 =	vadd.f32 v21, v11;
	v6 =	vld [tilespmem:s12+$0xFFFFFF90];
	v13 =	vmul.f32 v16, v2;
	(pc) =	sbr.rel @p0 .LBB2_43-.Ltmp24, $4  }
0x365: {  	v9 =	vadd.f32 v12, v9;
	v10 =	vadd.f32 v8, v10;
	v16 =	vmul.f32 v17, v2;
	v2 =	vld.idx.msk [tilespmem:v14+s9+$0x0], $0xffff  }
0x366: {  	s14 =	sadd.s32 $0x1, s13;
	v14 =	vmov s13;
	v7 =	vadd.f32 v18, v7;
	v11 =	vadd.f32 v19, v11;
	v8 =	vld.idx.msk [tilespmem:v15+s9+$0x0], $0xffff  }
0x367: {  	v17 =	vmov s14;
	v9 =	vadd.f32 v13, v9;
	v12 =	vld [tilespmem:s12+$0xFFFFFFA0];
	v10 =	vadd.f32 v16, v10  }
0x368: {  	s13 =	sadd.s32 $0x2, s13;
	v15 =	vadd.s32 $0x200, v14;
	v14 =	vadd.s32 $0x200, v17;
	v13 =	vld [tilespmem:s12+$0xFFFFFFB0]  }
0x369: {  	v15 =	vand.u32 $0xFFFFFFFE, v15  }
0x36a: {  	v16 =	vld [tilespmem:s12+$0x20];
	v15 =	vbroadcast v15, $0x0  }
0x36b: {  	v17 =	vld [tilespmem:s12+$0x30];
	s29 =	sadd.s32 $0x100, s12  }
0x36c: {  	v14 =	vbroadcast v14, $0x0;
	v18 =	vld [tilespmem:s29+$0x0]  }
0x36d: {  	v19 =	vld [tilespmem:s29+$0x10]  }
0x36e: {  	v20 =	vld [tilespmem:s29+$0xFFFFFF80]  }
0x36f: {  	v21 =	vld [tilespmem:s29+$0xFFFFFF90]  }
0x370: {  	v5 =	vmul.f32 v5, v8;
	v6 =	vmul.f32 v6, v8;
	v15 =	vld.idx.msk [tilespmem:v15+s9+$0x0], $0xffff  }
0x371: {  	v12 =	vmul.f32 v12, v8;
	v8 =	vmul.f32 v13, v8;
	v13 =	vld [tilespmem:s29+$0xFFFFFFB0]  }
0x372: {  	v4 =	vmul.f32 v4, v2;
	v3 =	vmul.f32 v3, v2;
	v5 =	vadd.f32 v5, v7;
	v14 =	vld.idx.msk [tilespmem:v14+s9+$0x0], $0xffff  }
0x373: {  	v7 =	vld [tilespmem:s29+$0xFFFFFFA0];
	v6 =	vadd.f32 v6, v11;
	v11 =	vmul.f32 v16, v2;
	v9 =	vadd.f32 v12, v9  }
0x374: {  	v2 =	vmul.f32 v17, v2;
	v8 =	vadd.f32 v8, v10;
	v4 =	vadd.f32 v4, v5;
	v5 =	vld [tilespmem:s29+$0x30]  }
0x375: {  	v10 =	vld [tilespmem:s29+$0x20];
	v3 =	vadd.f32 v3, v6;
	v6 =	vmul.f32 v20, v15  }
0x376: {  	v9 =	vadd.f32 v11, v9;
	v2 =	vadd.f32 v2, v8;
	v8 =	vmul.f32 v21, v15  }
0x377: {  	v11 =	vmul.f32 v18, v14;
	v12 =	vmul.f32 v13, v15;
	v4 =	vadd.f32 v6, v4  }
0x378: {  	v7 =	vmul.f32 v7, v15;
	v6 =	vmul.f32 v19, v14;
	v3 =	vadd.f32 v8, v3  }
0x379: {  	v5 =	vmul.f32 v5, v14;
	v2 =	vadd.f32 v12, v2;
	v4 =	vadd.f32 v11, v4  }
0x37a: {  	v8 =	vmul.f32 v10, v14;
	v7 =	vadd.f32 v7, v9;
	v3 =	vadd.f32 v6, v3  }
0x37b: {  	v2 =	vadd.f32 v5, v2;
	v4 =	vmul.f32 $4.882812500e-04, v4  }
0x37c: {  	v6 =	vadd.f32 v8, v7;
	v3 =	vmul.f32 $4.882812500e-04, v3  }
0x37d: {  	s30 =	simm.s32 $0x0;
	s13 =	simm.s32 $0x1;
	v2 =	vmul.f32 $4.882812500e-04, v2;
	[tilespmem:$0xA800] =	vst v4  }
0x37e: {  	v5 =	vmov s30;
	v4 =	vmul.f32 $4.882812500e-04, v6;
	v6 =	vmov s13;
	[tilespmem:$0xA810] =	vst v3  }
0x37f: {  	v3 =	vadd.s32 $0x240, v5;
	[tilespmem:$0xA830] =	vst v2;
	v5 =	vadd.s32 $0x240, v6  }
0x380: {  	s12 =	simm.s32 $0x8080;
	v3 =	vand.u32 $0xFFFFFFFE, v3;
	[tilespmem:$0xA820] =	vst v4;
	v7 =	vbroadcast v5, $0x0  }
0x381: {  	v8 =	vbroadcast v3, $0x0;
	v4 =	vld [tilespmem:s12+$0x0]  }
0x382: {  	v3 =	vld [tilespmem:s12+$0x10]  }
0x383: {  	v5 =	vld [tilespmem:s12+$0xFFFFFF80]  }
0x384: {  	v6 =	vld [tilespmem:s12+$0xFFFFFF90]  }
0x385: {  	s31 =	simm.s32 $0x2;
	s14 =	simm.s32 $0x3;
	v12 =	vld [tilespmem:s12+$0xFFFFFFA0]  }
0x386: {  	v9 =	vmov s31;
	v10 =	vmov s14;
	v2 =	vld.idx.msk [tilespmem:v7+s9+$0x0], $0xffff  }
0x387: {  	v15 =	vadd.s32 $0x240, v9;
	v14 =	vadd.s32 $0x240, v10;
	v9 =	vimm.f32 $0.0e+00;
	v8 =	vld.idx.msk [tilespmem:v8+s9+$0x0], $0xffff  }
0x388: {  	v10 =	vimm.f32 $0.0e+00;
	v11 =	vimm.f32 $0.0e+00;
	s13 =	simm.s32 $0x4;
	v13 =	vld [tilespmem:s12+$0xFFFFFFB0];
	v7 =	vimm.f32 $0.0e+00  }
.LBB2_45:
0x389: {  	p0 =	sne.s32 s13, $0x3E;
	v15 =	vand.u32 $0xFFFFFFFE, v15;
	v14 =	vbroadcast v14, $0x0;
	v16 =	vld [tilespmem:s12+$0x20]  }
0x38a: {  	v15 =	vbroadcast v15, $0x0;
	v17 =	vld [tilespmem:s12+$0x30];
	s12 =	sadd.s32 $0x100, s12  }
0x38b: {  	v18 =	vmul.f32 v4, v2;
	v19 =	vmul.f32 v3, v2;
	v4 =	vld [tilespmem:s12+$0x0]  }
0x38c: {  	v20 =	vmul.f32 v5, v8;
	v21 =	vmul.f32 v6, v8;
	v3 =	vld [tilespmem:s12+$0x10]  }
0x38d: {  	v12 =	vmul.f32 v12, v8;
	v5 =	vld [tilespmem:s12+$0xFFFFFF80];
	v8 =	vmul.f32 v13, v8  }
.Ltmp25:
0x38e: {  	v7 =	vadd.f32 v20, v7;
	v11 =	vadd.f32 v21, v11;
	v6 =	vld [tilespmem:s12+$0xFFFFFF90];
	v13 =	vmul.f32 v16, v2;
	(pc) =	sbr.rel @p0 .LBB2_45-.Ltmp25, $4  }
0x38f: {  	v9 =	vadd.f32 v12, v9;
	v10 =	vadd.f32 v8, v10;
	v16 =	vmul.f32 v17, v2;
	v2 =	vld.idx.msk [tilespmem:v14+s9+$0x0], $0xffff  }
0x390: {  	s14 =	sadd.s32 $0x1, s13;
	v14 =	vmov s13;
	v7 =	vadd.f32 v18, v7;
	v11 =	vadd.f32 v19, v11;
	v8 =	vld.idx.msk [tilespmem:v15+s9+$0x0], $0xffff  }
0x391: {  	v17 =	vmov s14;
	v9 =	vadd.f32 v13, v9;
	v12 =	vld [tilespmem:s12+$0xFFFFFFA0];
	v10 =	vadd.f32 v16, v10  }
0x392: {  	s13 =	sadd.s32 $0x2, s13;
	v15 =	vadd.s32 $0x240, v14;
	v14 =	vadd.s32 $0x240, v17;
	v13 =	vld [tilespmem:s12+$0xFFFFFFB0]  }
0x393: {  	v15 =	vand.u32 $0xFFFFFFFE, v15  }
0x394: {  	v16 =	vld [tilespmem:s12+$0x20];
	v15 =	vbroadcast v15, $0x0  }
0x395: {  	v17 =	vld [tilespmem:s12+$0x30];
	s29 =	sadd.s32 $0x100, s12  }
0x396: {  	v14 =	vbroadcast v14, $0x0;
	v18 =	vld [tilespmem:s29+$0x0]  }
0x397: {  	v19 =	vld [tilespmem:s29+$0x10]  }
0x398: {  	v20 =	vld [tilespmem:s29+$0xFFFFFF80]  }
0x399: {  	v21 =	vld [tilespmem:s29+$0xFFFFFF90]  }
0x39a: {  	v5 =	vmul.f32 v5, v8;
	v6 =	vmul.f32 v6, v8;
	v15 =	vld.idx.msk [tilespmem:v15+s9+$0x0], $0xffff  }
0x39b: {  	v12 =	vmul.f32 v12, v8;
	v8 =	vmul.f32 v13, v8;
	v13 =	vld [tilespmem:s29+$0xFFFFFFB0]  }
0x39c: {  	v4 =	vmul.f32 v4, v2;
	v3 =	vmul.f32 v3, v2;
	v5 =	vadd.f32 v5, v7;
	v14 =	vld.idx.msk [tilespmem:v14+s9+$0x0], $0xffff  }
0x39d: {  	v7 =	vld [tilespmem:s29+$0xFFFFFFA0];
	v6 =	vadd.f32 v6, v11;
	v11 =	vmul.f32 v16, v2;
	v9 =	vadd.f32 v12, v9  }
0x39e: {  	v2 =	vmul.f32 v17, v2;
	v8 =	vadd.f32 v8, v10;
	v4 =	vadd.f32 v4, v5;
	v5 =	vld [tilespmem:s29+$0x30]  }
0x39f: {  	v10 =	vld [tilespmem:s29+$0x20];
	v3 =	vadd.f32 v3, v6;
	v6 =	vmul.f32 v20, v15  }
0x3a0: {  	v9 =	vadd.f32 v11, v9;
	v2 =	vadd.f32 v2, v8;
	v8 =	vmul.f32 v21, v15  }
0x3a1: {  	v11 =	vmul.f32 v18, v14;
	v12 =	vmul.f32 v13, v15;
	v4 =	vadd.f32 v6, v4  }
0x3a2: {  	v7 =	vmul.f32 v7, v15;
	v6 =	vmul.f32 v19, v14;
	v3 =	vadd.f32 v8, v3  }
0x3a3: {  	v5 =	vmul.f32 v5, v14;
	v2 =	vadd.f32 v12, v2;
	v4 =	vadd.f32 v11, v4  }
0x3a4: {  	v8 =	vmul.f32 v10, v14;
	v7 =	vadd.f32 v7, v9;
	v3 =	vadd.f32 v6, v3  }
0x3a5: {  	v2 =	vadd.f32 v5, v2;
	v4 =	vmul.f32 $4.882812500e-04, v4  }
0x3a6: {  	v6 =	vadd.f32 v8, v7;
	v3 =	vmul.f32 $4.882812500e-04, v3  }
0x3a7: {  	s30 =	simm.s32 $0x0;
	s13 =	simm.s32 $0x1;
	v2 =	vmul.f32 $4.882812500e-04, v2;
	[tilespmem:$0xA880] =	vst v4  }
0x3a8: {  	v5 =	vmov s30;
	v4 =	vmul.f32 $4.882812500e-04, v6;
	v6 =	vmov s13;
	[tilespmem:$0xA890] =	vst v3  }
0x3a9: {  	v3 =	vadd.s32 $0x280, v5;
	[tilespmem:$0xA8B0] =	vst v2;
	v5 =	vadd.s32 $0x280, v6  }
0x3aa: {  	s12 =	simm.s32 $0x8080;
	v3 =	vand.u32 $0xFFFFFFFE, v3;
	[tilespmem:$0xA8A0] =	vst v4;
	v7 =	vbroadcast v5, $0x0  }
0x3ab: {  	v8 =	vbroadcast v3, $0x0;
	v4 =	vld [tilespmem:s12+$0x0]  }
0x3ac: {  	v3 =	vld [tilespmem:s12+$0x10]  }
0x3ad: {  	v5 =	vld [tilespmem:s12+$0xFFFFFF80]  }
0x3ae: {  	v6 =	vld [tilespmem:s12+$0xFFFFFF90]  }
0x3af: {  	s31 =	simm.s32 $0x2;
	s14 =	simm.s32 $0x3;
	v12 =	vld [tilespmem:s12+$0xFFFFFFA0]  }
0x3b0: {  	v9 =	vmov s31;
	v10 =	vmov s14;
	v2 =	vld.idx.msk [tilespmem:v7+s9+$0x0], $0xffff  }
0x3b1: {  	v15 =	vadd.s32 $0x280, v9;
	v14 =	vadd.s32 $0x280, v10;
	v9 =	vimm.f32 $0.0e+00;
	v8 =	vld.idx.msk [tilespmem:v8+s9+$0x0], $0xffff  }
0x3b2: {  	v10 =	vimm.f32 $0.0e+00;
	v11 =	vimm.f32 $0.0e+00;
	s13 =	simm.s32 $0x4;
	v13 =	vld [tilespmem:s12+$0xFFFFFFB0];
	v7 =	vimm.f32 $0.0e+00  }
.LBB2_47:
0x3b3: {  	p0 =	sne.s32 s13, $0x3E;
	v15 =	vand.u32 $0xFFFFFFFE, v15;
	v14 =	vbroadcast v14, $0x0;
	v16 =	vld [tilespmem:s12+$0x20]  }
0x3b4: {  	v15 =	vbroadcast v15, $0x0;
	v17 =	vld [tilespmem:s12+$0x30];
	s12 =	sadd.s32 $0x100, s12  }
0x3b5: {  	v18 =	vmul.f32 v4, v2;
	v19 =	vmul.f32 v3, v2;
	v4 =	vld [tilespmem:s12+$0x0]  }
0x3b6: {  	v20 =	vmul.f32 v5, v8;
	v21 =	vmul.f32 v6, v8;
	v3 =	vld [tilespmem:s12+$0x10]  }
0x3b7: {  	v12 =	vmul.f32 v12, v8;
	v5 =	vld [tilespmem:s12+$0xFFFFFF80];
	v8 =	vmul.f32 v13, v8  }
.Ltmp26:
0x3b8: {  	v7 =	vadd.f32 v20, v7;
	v11 =	vadd.f32 v21, v11;
	v6 =	vld [tilespmem:s12+$0xFFFFFF90];
	v13 =	vmul.f32 v16, v2;
	(pc) =	sbr.rel @p0 .LBB2_47-.Ltmp26, $4  }
0x3b9: {  	v9 =	vadd.f32 v12, v9;
	v10 =	vadd.f32 v8, v10;
	v16 =	vmul.f32 v17, v2;
	v2 =	vld.idx.msk [tilespmem:v14+s9+$0x0], $0xffff  }
0x3ba: {  	s14 =	sadd.s32 $0x1, s13;
	v14 =	vmov s13;
	v7 =	vadd.f32 v18, v7;
	v11 =	vadd.f32 v19, v11;
	v8 =	vld.idx.msk [tilespmem:v15+s9+$0x0], $0xffff  }
0x3bb: {  	v17 =	vmov s14;
	v9 =	vadd.f32 v13, v9;
	v12 =	vld [tilespmem:s12+$0xFFFFFFA0];
	v10 =	vadd.f32 v16, v10  }
0x3bc: {  	s13 =	sadd.s32 $0x2, s13;
	v15 =	vadd.s32 $0x280, v14;
	v14 =	vadd.s32 $0x280, v17;
	v13 =	vld [tilespmem:s12+$0xFFFFFFB0]  }
0x3bd: {  	v15 =	vand.u32 $0xFFFFFFFE, v15  }
0x3be: {  	v16 =	vld [tilespmem:s12+$0x20];
	v15 =	vbroadcast v15, $0x0  }
0x3bf: {  	v17 =	vld [tilespmem:s12+$0x30];
	s29 =	sadd.s32 $0x100, s12  }
0x3c0: {  	v14 =	vbroadcast v14, $0x0;
	v18 =	vld [tilespmem:s29+$0x0]  }
0x3c1: {  	v19 =	vld [tilespmem:s29+$0x10]  }
0x3c2: {  	v20 =	vld [tilespmem:s29+$0xFFFFFF80]  }
0x3c3: {  	v21 =	vld [tilespmem:s29+$0xFFFFFF90]  }
0x3c4: {  	v5 =	vmul.f32 v5, v8;
	v6 =	vmul.f32 v6, v8;
	v15 =	vld.idx.msk [tilespmem:v15+s9+$0x0], $0xffff  }
0x3c5: {  	v12 =	vmul.f32 v12, v8;
	v8 =	vmul.f32 v13, v8;
	v13 =	vld [tilespmem:s29+$0xFFFFFFB0]  }
0x3c6: {  	v4 =	vmul.f32 v4, v2;
	v3 =	vmul.f32 v3, v2;
	v5 =	vadd.f32 v5, v7;
	v14 =	vld.idx.msk [tilespmem:v14+s9+$0x0], $0xffff  }
0x3c7: {  	v7 =	vld [tilespmem:s29+$0xFFFFFFA0];
	v6 =	vadd.f32 v6, v11;
	v11 =	vmul.f32 v16, v2;
	v9 =	vadd.f32 v12, v9  }
0x3c8: {  	v2 =	vmul.f32 v17, v2;
	v8 =	vadd.f32 v8, v10;
	v4 =	vadd.f32 v4, v5;
	v5 =	vld [tilespmem:s29+$0x30]  }
0x3c9: {  	v10 =	vld [tilespmem:s29+$0x20];
	v3 =	vadd.f32 v3, v6;
	v6 =	vmul.f32 v20, v15  }
0x3ca: {  	v9 =	vadd.f32 v11, v9;
	v2 =	vadd.f32 v2, v8;
	v8 =	vmul.f32 v21, v15  }
0x3cb: {  	v11 =	vmul.f32 v18, v14;
	v12 =	vmul.f32 v13, v15;
	v4 =	vadd.f32 v6, v4  }
0x3cc: {  	v7 =	vmul.f32 v7, v15;
	v6 =	vmul.f32 v19, v14;
	v3 =	vadd.f32 v8, v3  }
0x3cd: {  	v5 =	vmul.f32 v5, v14;
	v2 =	vadd.f32 v12, v2;
	v4 =	vadd.f32 v11, v4  }
0x3ce: {  	v8 =	vmul.f32 v10, v14;
	v7 =	vadd.f32 v7, v9;
	v3 =	vadd.f32 v6, v3  }
0x3cf: {  	v2 =	vadd.f32 v5, v2;
	v4 =	vmul.f32 $4.882812500e-04, v4  }
0x3d0: {  	v6 =	vadd.f32 v8, v7;
	v3 =	vmul.f32 $4.882812500e-04, v3  }
0x3d1: {  	s30 =	simm.s32 $0x0;
	s13 =	simm.s32 $0x1;
	v2 =	vmul.f32 $4.882812500e-04, v2;
	[tilespmem:$0xA900] =	vst v4  }
0x3d2: {  	v5 =	vmov s30;
	v4 =	vmul.f32 $4.882812500e-04, v6;
	v6 =	vmov s13;
	[tilespmem:$0xA910] =	vst v3  }
0x3d3: {  	v3 =	vadd.s32 $0x2C0, v5;
	[tilespmem:$0xA930] =	vst v2;
	v5 =	vadd.s32 $0x2C0, v6  }
0x3d4: {  	s12 =	simm.s32 $0x8080;
	v3 =	vand.u32 $0xFFFFFFFE, v3;
	[tilespmem:$0xA920] =	vst v4;
	v7 =	vbroadcast v5, $0x0  }
0x3d5: {  	v8 =	vbroadcast v3, $0x0;
	v4 =	vld [tilespmem:s12+$0x0]  }
0x3d6: {  	v3 =	vld [tilespmem:s12+$0x10]  }
0x3d7: {  	v5 =	vld [tilespmem:s12+$0xFFFFFF80]  }
0x3d8: {  	v6 =	vld [tilespmem:s12+$0xFFFFFF90]  }
0x3d9: {  	s31 =	simm.s32 $0x2;
	s14 =	simm.s32 $0x3;
	v12 =	vld [tilespmem:s12+$0xFFFFFFA0]  }
0x3da: {  	v9 =	vmov s31;
	v10 =	vmov s14;
	v2 =	vld.idx.msk [tilespmem:v7+s9+$0x0], $0xffff  }
0x3db: {  	v15 =	vadd.s32 $0x2C0, v9;
	v14 =	vadd.s32 $0x2C0, v10;
	v9 =	vimm.f32 $0.0e+00;
	v8 =	vld.idx.msk [tilespmem:v8+s9+$0x0], $0xffff  }
0x3dc: {  	v10 =	vimm.f32 $0.0e+00;
	v11 =	vimm.f32 $0.0e+00;
	s13 =	simm.s32 $0x4;
	v13 =	vld [tilespmem:s12+$0xFFFFFFB0];
	v7 =	vimm.f32 $0.0e+00  }
.LBB2_49:
0x3dd: {  	p0 =	sne.s32 s13, $0x3E;
	v15 =	vand.u32 $0xFFFFFFFE, v15;
	v14 =	vbroadcast v14, $0x0;
	v16 =	vld [tilespmem:s12+$0x20]  }
0x3de: {  	v15 =	vbroadcast v15, $0x0;
	v17 =	vld [tilespmem:s12+$0x30];
	s12 =	sadd.s32 $0x100, s12  }
0x3df: {  	v18 =	vmul.f32 v4, v2;
	v19 =	vmul.f32 v3, v2;
	v4 =	vld [tilespmem:s12+$0x0]  }
0x3e0: {  	v20 =	vmul.f32 v5, v8;
	v21 =	vmul.f32 v6, v8;
	v3 =	vld [tilespmem:s12+$0x10]  }
0x3e1: {  	v12 =	vmul.f32 v12, v8;
	v5 =	vld [tilespmem:s12+$0xFFFFFF80];
	v8 =	vmul.f32 v13, v8  }
.Ltmp27:
0x3e2: {  	v7 =	vadd.f32 v20, v7;
	v11 =	vadd.f32 v21, v11;
	v6 =	vld [tilespmem:s12+$0xFFFFFF90];
	v13 =	vmul.f32 v16, v2;
	(pc) =	sbr.rel @p0 .LBB2_49-.Ltmp27, $4  }
0x3e3: {  	v9 =	vadd.f32 v12, v9;
	v10 =	vadd.f32 v8, v10;
	v16 =	vmul.f32 v17, v2;
	v2 =	vld.idx.msk [tilespmem:v14+s9+$0x0], $0xffff  }
0x3e4: {  	s14 =	sadd.s32 $0x1, s13;
	v14 =	vmov s13;
	v7 =	vadd.f32 v18, v7;
	v11 =	vadd.f32 v19, v11;
	v8 =	vld.idx.msk [tilespmem:v15+s9+$0x0], $0xffff  }
0x3e5: {  	v17 =	vmov s14;
	v9 =	vadd.f32 v13, v9;
	v12 =	vld [tilespmem:s12+$0xFFFFFFA0];
	v10 =	vadd.f32 v16, v10  }
0x3e6: {  	s13 =	sadd.s32 $0x2, s13;
	v15 =	vadd.s32 $0x2C0, v14;
	v14 =	vadd.s32 $0x2C0, v17;
	v13 =	vld [tilespmem:s12+$0xFFFFFFB0]  }
0x3e7: {  	v15 =	vand.u32 $0xFFFFFFFE, v15  }
0x3e8: {  	v16 =	vld [tilespmem:s12+$0x20];
	v15 =	vbroadcast v15, $0x0  }
0x3e9: {  	v17 =	vld [tilespmem:s12+$0x30];
	s29 =	sadd.s32 $0x100, s12  }
0x3ea: {  	v14 =	vbroadcast v14, $0x0;
	v18 =	vld [tilespmem:s29+$0x0]  }
0x3eb: {  	v19 =	vld [tilespmem:s29+$0x10]  }
0x3ec: {  	v20 =	vld [tilespmem:s29+$0xFFFFFF80]  }
0x3ed: {  	v21 =	vld [tilespmem:s29+$0xFFFFFF90]  }
0x3ee: {  	v5 =	vmul.f32 v5, v8;
	v6 =	vmul.f32 v6, v8;
	v15 =	vld.idx.msk [tilespmem:v15+s9+$0x0], $0xffff  }
0x3ef: {  	v12 =	vmul.f32 v12, v8;
	v8 =	vmul.f32 v13, v8;
	v13 =	vld [tilespmem:s29+$0xFFFFFFB0]  }
0x3f0: {  	v4 =	vmul.f32 v4, v2;
	v3 =	vmul.f32 v3, v2;
	v5 =	vadd.f32 v5, v7;
	v14 =	vld.idx.msk [tilespmem:v14+s9+$0x0], $0xffff  }
0x3f1: {  	v7 =	vld [tilespmem:s29+$0xFFFFFFA0];
	v6 =	vadd.f32 v6, v11;
	v11 =	vmul.f32 v16, v2;
	v9 =	vadd.f32 v12, v9  }
0x3f2: {  	v2 =	vmul.f32 v17, v2;
	v8 =	vadd.f32 v8, v10;
	v4 =	vadd.f32 v4, v5;
	v5 =	vld [tilespmem:s29+$0x30]  }
0x3f3: {  	v10 =	vld [tilespmem:s29+$0x20];
	v3 =	vadd.f32 v3, v6;
	v6 =	vmul.f32 v20, v15  }
0x3f4: {  	v9 =	vadd.f32 v11, v9;
	v2 =	vadd.f32 v2, v8;
	v8 =	vmul.f32 v21, v15  }
0x3f5: {  	v11 =	vmul.f32 v18, v14;
	v12 =	vmul.f32 v13, v15;
	v4 =	vadd.f32 v6, v4  }
0x3f6: {  	v7 =	vmul.f32 v7, v15;
	v6 =	vmul.f32 v19, v14;
	v3 =	vadd.f32 v8, v3  }
0x3f7: {  	v5 =	vmul.f32 v5, v14;
	v2 =	vadd.f32 v12, v2;
	v4 =	vadd.f32 v11, v4  }
0x3f8: {  	v8 =	vmul.f32 v10, v14;
	v7 =	vadd.f32 v7, v9;
	v3 =	vadd.f32 v6, v3  }
0x3f9: {  	v2 =	vadd.f32 v5, v2;
	v4 =	vmul.f32 $4.882812500e-04, v4  }
0x3fa: {  	v6 =	vadd.f32 v8, v7;
	v3 =	vmul.f32 $4.882812500e-04, v3  }
0x3fb: {  	s30 =	simm.s32 $0x0;
	s13 =	simm.s32 $0x1;
	v2 =	vmul.f32 $4.882812500e-04, v2;
	[tilespmem:$0xA980] =	vst v4  }
0x3fc: {  	v5 =	vmov s30;
	v4 =	vmul.f32 $4.882812500e-04, v6;
	v6 =	vmov s13;
	[tilespmem:$0xA990] =	vst v3  }
0x3fd: {  	v3 =	vadd.s32 $0x300, v5;
	[tilespmem:$0xA9B0] =	vst v2;
	v5 =	vadd.s32 $0x300, v6  }
0x3fe: {  	s12 =	simm.s32 $0x8080;
	v3 =	vand.u32 $0xFFFFFFFE, v3;
	[tilespmem:$0xA9A0] =	vst v4;
	v7 =	vbroadcast v5, $0x0  }
0x3ff: {  	v8 =	vbroadcast v3, $0x0;
	v4 =	vld [tilespmem:s12+$0x0]  }
0x400: {  	v3 =	vld [tilespmem:s12+$0x10]  }
0x401: {  	v5 =	vld [tilespmem:s12+$0xFFFFFF80]  }
0x402: {  	v6 =	vld [tilespmem:s12+$0xFFFFFF90]  }
0x403: {  	s31 =	simm.s32 $0x2;
	s14 =	simm.s32 $0x3;
	v12 =	vld [tilespmem:s12+$0xFFFFFFA0]  }
0x404: {  	v9 =	vmov s31;
	v10 =	vmov s14;
	v2 =	vld.idx.msk [tilespmem:v7+s9+$0x0], $0xffff  }
0x405: {  	v15 =	vadd.s32 $0x300, v9;
	v14 =	vadd.s32 $0x300, v10;
	v9 =	vimm.f32 $0.0e+00;
	v8 =	vld.idx.msk [tilespmem:v8+s9+$0x0], $0xffff  }
0x406: {  	v10 =	vimm.f32 $0.0e+00;
	v11 =	vimm.f32 $0.0e+00;
	s13 =	simm.s32 $0x4;
	v13 =	vld [tilespmem:s12+$0xFFFFFFB0];
	v7 =	vimm.f32 $0.0e+00  }
.LBB2_51:
0x407: {  	p0 =	sne.s32 s13, $0x3E;
	v15 =	vand.u32 $0xFFFFFFFE, v15;
	v14 =	vbroadcast v14, $0x0;
	v16 =	vld [tilespmem:s12+$0x20]  }
0x408: {  	v15 =	vbroadcast v15, $0x0;
	v17 =	vld [tilespmem:s12+$0x30];
	s12 =	sadd.s32 $0x100, s12  }
0x409: {  	v18 =	vmul.f32 v4, v2;
	v19 =	vmul.f32 v3, v2;
	v4 =	vld [tilespmem:s12+$0x0]  }
0x40a: {  	v20 =	vmul.f32 v5, v8;
	v21 =	vmul.f32 v6, v8;
	v3 =	vld [tilespmem:s12+$0x10]  }
0x40b: {  	v12 =	vmul.f32 v12, v8;
	v5 =	vld [tilespmem:s12+$0xFFFFFF80];
	v8 =	vmul.f32 v13, v8  }
.Ltmp28:
0x40c: {  	v7 =	vadd.f32 v20, v7;
	v11 =	vadd.f32 v21, v11;
	v6 =	vld [tilespmem:s12+$0xFFFFFF90];
	v13 =	vmul.f32 v16, v2;
	(pc) =	sbr.rel @p0 .LBB2_51-.Ltmp28, $4  }
0x40d: {  	v9 =	vadd.f32 v12, v9;
	v10 =	vadd.f32 v8, v10;
	v16 =	vmul.f32 v17, v2;
	v2 =	vld.idx.msk [tilespmem:v14+s9+$0x0], $0xffff  }
0x40e: {  	s14 =	sadd.s32 $0x1, s13;
	v14 =	vmov s13;
	v7 =	vadd.f32 v18, v7;
	v11 =	vadd.f32 v19, v11;
	v8 =	vld.idx.msk [tilespmem:v15+s9+$0x0], $0xffff  }
0x40f: {  	v17 =	vmov s14;
	v9 =	vadd.f32 v13, v9;
	v12 =	vld [tilespmem:s12+$0xFFFFFFA0];
	v10 =	vadd.f32 v16, v10  }
0x410: {  	s13 =	sadd.s32 $0x2, s13;
	v15 =	vadd.s32 $0x300, v14;
	v14 =	vadd.s32 $0x300, v17;
	v13 =	vld [tilespmem:s12+$0xFFFFFFB0]  }
0x411: {  	v15 =	vand.u32 $0xFFFFFFFE, v15  }
0x412: {  	v16 =	vld [tilespmem:s12+$0x20];
	v15 =	vbroadcast v15, $0x0  }
0x413: {  	v17 =	vld [tilespmem:s12+$0x30];
	s29 =	sadd.s32 $0x100, s12  }
0x414: {  	v14 =	vbroadcast v14, $0x0;
	v18 =	vld [tilespmem:s29+$0x0]  }
0x415: {  	v19 =	vld [tilespmem:s29+$0x10]  }
0x416: {  	v20 =	vld [tilespmem:s29+$0xFFFFFF80]  }
0x417: {  	v21 =	vld [tilespmem:s29+$0xFFFFFF90]  }
0x418: {  	v5 =	vmul.f32 v5, v8;
	v6 =	vmul.f32 v6, v8;
	v15 =	vld.idx.msk [tilespmem:v15+s9+$0x0], $0xffff  }
0x419: {  	v12 =	vmul.f32 v12, v8;
	v8 =	vmul.f32 v13, v8;
	v13 =	vld [tilespmem:s29+$0xFFFFFFB0]  }
0x41a: {  	v4 =	vmul.f32 v4, v2;
	v3 =	vmul.f32 v3, v2;
	v5 =	vadd.f32 v5, v7;
	v14 =	vld.idx.msk [tilespmem:v14+s9+$0x0], $0xffff  }
0x41b: {  	v7 =	vld [tilespmem:s29+$0xFFFFFFA0];
	v6 =	vadd.f32 v6, v11;
	v11 =	vmul.f32 v16, v2;
	v9 =	vadd.f32 v12, v9  }
0x41c: {  	v2 =	vmul.f32 v17, v2;
	v8 =	vadd.f32 v8, v10;
	v4 =	vadd.f32 v4, v5;
	v5 =	vld [tilespmem:s29+$0x30]  }
0x41d: {  	v10 =	vld [tilespmem:s29+$0x20];
	v3 =	vadd.f32 v3, v6;
	v6 =	vmul.f32 v20, v15  }
0x41e: {  	v9 =	vadd.f32 v11, v9;
	v2 =	vadd.f32 v2, v8;
	v8 =	vmul.f32 v21, v15  }
0x41f: {  	v11 =	vmul.f32 v18, v14;
	v12 =	vmul.f32 v13, v15;
	v4 =	vadd.f32 v6, v4  }
0x420: {  	v7 =	vmul.f32 v7, v15;
	v6 =	vmul.f32 v19, v14;
	v3 =	vadd.f32 v8, v3  }
0x421: {  	v5 =	vmul.f32 v5, v14;
	v2 =	vadd.f32 v12, v2;
	v4 =	vadd.f32 v11, v4  }
0x422: {  	v8 =	vmul.f32 v10, v14;
	v7 =	vadd.f32 v7, v9;
	v3 =	vadd.f32 v6, v3  }
0x423: {  	v2 =	vadd.f32 v5, v2;
	v4 =	vmul.f32 $4.882812500e-04, v4  }
0x424: {  	v6 =	vadd.f32 v8, v7;
	v3 =	vmul.f32 $4.882812500e-04, v3  }
0x425: {  	s30 =	simm.s32 $0x0;
	s13 =	simm.s32 $0x1;
	v2 =	vmul.f32 $4.882812500e-04, v2;
	[tilespmem:$0xAA00] =	vst v4  }
0x426: {  	v5 =	vmov s30;
	v4 =	vmul.f32 $4.882812500e-04, v6;
	v6 =	vmov s13;
	[tilespmem:$0xAA10] =	vst v3  }
0x427: {  	v3 =	vadd.s32 $0x340, v5;
	[tilespmem:$0xAA30] =	vst v2;
	v5 =	vadd.s32 $0x340, v6  }
0x428: {  	s12 =	simm.s32 $0x8080;
	v3 =	vand.u32 $0xFFFFFFFE, v3;
	[tilespmem:$0xAA20] =	vst v4;
	v7 =	vbroadcast v5, $0x0  }
0x429: {  	v8 =	vbroadcast v3, $0x0;
	v4 =	vld [tilespmem:s12+$0x0]  }
0x42a: {  	v3 =	vld [tilespmem:s12+$0x10]  }
0x42b: {  	v5 =	vld [tilespmem:s12+$0xFFFFFF80]  }
0x42c: {  	v6 =	vld [tilespmem:s12+$0xFFFFFF90]  }
0x42d: {  	s31 =	simm.s32 $0x2;
	s14 =	simm.s32 $0x3;
	v12 =	vld [tilespmem:s12+$0xFFFFFFA0]  }
0x42e: {  	v9 =	vmov s31;
	v10 =	vmov s14;
	v2 =	vld.idx.msk [tilespmem:v7+s9+$0x0], $0xffff  }
0x42f: {  	v15 =	vadd.s32 $0x340, v9;
	v14 =	vadd.s32 $0x340, v10;
	v9 =	vimm.f32 $0.0e+00;
	v8 =	vld.idx.msk [tilespmem:v8+s9+$0x0], $0xffff  }
0x430: {  	v10 =	vimm.f32 $0.0e+00;
	v11 =	vimm.f32 $0.0e+00;
	s13 =	simm.s32 $0x4;
	v13 =	vld [tilespmem:s12+$0xFFFFFFB0];
	v7 =	vimm.f32 $0.0e+00  }
.LBB2_53:
0x431: {  	p0 =	sne.s32 s13, $0x3E;
	v15 =	vand.u32 $0xFFFFFFFE, v15;
	v14 =	vbroadcast v14, $0x0;
	v16 =	vld [tilespmem:s12+$0x20]  }
0x432: {  	v15 =	vbroadcast v15, $0x0;
	v17 =	vld [tilespmem:s12+$0x30];
	s12 =	sadd.s32 $0x100, s12  }
0x433: {  	v18 =	vmul.f32 v4, v2;
	v19 =	vmul.f32 v3, v2;
	v4 =	vld [tilespmem:s12+$0x0]  }
0x434: {  	v20 =	vmul.f32 v5, v8;
	v21 =	vmul.f32 v6, v8;
	v3 =	vld [tilespmem:s12+$0x10]  }
0x435: {  	v12 =	vmul.f32 v12, v8;
	v5 =	vld [tilespmem:s12+$0xFFFFFF80];
	v8 =	vmul.f32 v13, v8  }
.Ltmp29:
0x436: {  	v7 =	vadd.f32 v20, v7;
	v11 =	vadd.f32 v21, v11;
	v6 =	vld [tilespmem:s12+$0xFFFFFF90];
	v13 =	vmul.f32 v16, v2;
	(pc) =	sbr.rel @p0 .LBB2_53-.Ltmp29, $4  }
0x437: {  	v9 =	vadd.f32 v12, v9;
	v10 =	vadd.f32 v8, v10;
	v16 =	vmul.f32 v17, v2;
	v2 =	vld.idx.msk [tilespmem:v14+s9+$0x0], $0xffff  }
0x438: {  	s14 =	sadd.s32 $0x1, s13;
	v14 =	vmov s13;
	v7 =	vadd.f32 v18, v7;
	v11 =	vadd.f32 v19, v11;
	v8 =	vld.idx.msk [tilespmem:v15+s9+$0x0], $0xffff  }
0x439: {  	v17 =	vmov s14;
	v9 =	vadd.f32 v13, v9;
	v12 =	vld [tilespmem:s12+$0xFFFFFFA0];
	v10 =	vadd.f32 v16, v10  }
0x43a: {  	s13 =	sadd.s32 $0x2, s13;
	v15 =	vadd.s32 $0x340, v14;
	v14 =	vadd.s32 $0x340, v17;
	v13 =	vld [tilespmem:s12+$0xFFFFFFB0]  }
0x43b: {  	v15 =	vand.u32 $0xFFFFFFFE, v15  }
0x43c: {  	v16 =	vld [tilespmem:s12+$0x20];
	v15 =	vbroadcast v15, $0x0  }
0x43d: {  	v17 =	vld [tilespmem:s12+$0x30];
	s29 =	sadd.s32 $0x100, s12  }
0x43e: {  	v14 =	vbroadcast v14, $0x0;
	v18 =	vld [tilespmem:s29+$0x0]  }
0x43f: {  	v19 =	vld [tilespmem:s29+$0x10]  }
0x440: {  	v20 =	vld [tilespmem:s29+$0xFFFFFF80]  }
0x441: {  	v21 =	vld [tilespmem:s29+$0xFFFFFF90]  }
0x442: {  	v5 =	vmul.f32 v5, v8;
	v6 =	vmul.f32 v6, v8;
	v15 =	vld.idx.msk [tilespmem:v15+s9+$0x0], $0xffff  }
0x443: {  	v12 =	vmul.f32 v12, v8;
	v8 =	vmul.f32 v13, v8;
	v13 =	vld [tilespmem:s29+$0xFFFFFFB0]  }
0x444: {  	v4 =	vmul.f32 v4, v2;
	v3 =	vmul.f32 v3, v2;
	v5 =	vadd.f32 v5, v7;
	v14 =	vld.idx.msk [tilespmem:v14+s9+$0x0], $0xffff  }
0x445: {  	v7 =	vld [tilespmem:s29+$0xFFFFFFA0];
	v6 =	vadd.f32 v6, v11;
	v11 =	vmul.f32 v16, v2;
	v9 =	vadd.f32 v12, v9  }
0x446: {  	v2 =	vmul.f32 v17, v2;
	v8 =	vadd.f32 v8, v10;
	v4 =	vadd.f32 v4, v5;
	v5 =	vld [tilespmem:s29+$0x30]  }
0x447: {  	v10 =	vld [tilespmem:s29+$0x20];
	v3 =	vadd.f32 v3, v6;
	v6 =	vmul.f32 v20, v15  }
0x448: {  	v9 =	vadd.f32 v11, v9;
	v2 =	vadd.f32 v2, v8;
	v8 =	vmul.f32 v21, v15  }
0x449: {  	v11 =	vmul.f32 v18, v14;
	v12 =	vmul.f32 v13, v15;
	v4 =	vadd.f32 v6, v4  }
0x44a: {  	v7 =	vmul.f32 v7, v15;
	v6 =	vmul.f32 v19, v14;
	v3 =	vadd.f32 v8, v3  }
0x44b: {  	v5 =	vmul.f32 v5, v14;
	v2 =	vadd.f32 v12, v2;
	v4 =	vadd.f32 v11, v4  }
0x44c: {  	v8 =	vmul.f32 v10, v14;
	v7 =	vadd.f32 v7, v9;
	v3 =	vadd.f32 v6, v3  }
0x44d: {  	v2 =	vadd.f32 v5, v2;
	v4 =	vmul.f32 $4.882812500e-04, v4  }
0x44e: {  	v6 =	vadd.f32 v8, v7;
	v3 =	vmul.f32 $4.882812500e-04, v3  }
0x44f: {  	s30 =	simm.s32 $0x0;
	s13 =	simm.s32 $0x1;
	v2 =	vmul.f32 $4.882812500e-04, v2;
	[tilespmem:$0xAA80] =	vst v4  }
0x450: {  	v5 =	vmov s30;
	v4 =	vmul.f32 $4.882812500e-04, v6;
	v6 =	vmov s13;
	[tilespmem:$0xAA90] =	vst v3  }
0x451: {  	v3 =	vadd.s32 $0x380, v5;
	[tilespmem:$0xAAB0] =	vst v2;
	v5 =	vadd.s32 $0x380, v6  }
0x452: {  	s12 =	simm.s32 $0x8080;
	v3 =	vand.u32 $0xFFFFFFFE, v3;
	[tilespmem:$0xAAA0] =	vst v4;
	v7 =	vbroadcast v5, $0x0  }
0x453: {  	v8 =	vbroadcast v3, $0x0;
	v4 =	vld [tilespmem:s12+$0x0]  }
0x454: {  	v3 =	vld [tilespmem:s12+$0x10]  }
0x455: {  	v5 =	vld [tilespmem:s12+$0xFFFFFF80]  }
0x456: {  	v6 =	vld [tilespmem:s12+$0xFFFFFF90]  }
0x457: {  	s31 =	simm.s32 $0x2;
	s14 =	simm.s32 $0x3;
	v12 =	vld [tilespmem:s12+$0xFFFFFFA0]  }
0x458: {  	v9 =	vmov s31;
	v10 =	vmov s14;
	v2 =	vld.idx.msk [tilespmem:v7+s9+$0x0], $0xffff  }
0x459: {  	v15 =	vadd.s32 $0x380, v9;
	v14 =	vadd.s32 $0x380, v10;
	v9 =	vimm.f32 $0.0e+00;
	v8 =	vld.idx.msk [tilespmem:v8+s9+$0x0], $0xffff  }
0x45a: {  	v10 =	vimm.f32 $0.0e+00;
	v11 =	vimm.f32 $0.0e+00;
	s13 =	simm.s32 $0x4;
	v13 =	vld [tilespmem:s12+$0xFFFFFFB0];
	v7 =	vimm.f32 $0.0e+00  }
.LBB2_55:
0x45b: {  	p0 =	sne.s32 s13, $0x3E;
	v15 =	vand.u32 $0xFFFFFFFE, v15;
	v14 =	vbroadcast v14, $0x0;
	v16 =	vld [tilespmem:s12+$0x20]  }
0x45c: {  	v15 =	vbroadcast v15, $0x0;
	v17 =	vld [tilespmem:s12+$0x30];
	s12 =	sadd.s32 $0x100, s12  }
0x45d: {  	v18 =	vmul.f32 v4, v2;
	v19 =	vmul.f32 v3, v2;
	v4 =	vld [tilespmem:s12+$0x0]  }
0x45e: {  	v20 =	vmul.f32 v5, v8;
	v21 =	vmul.f32 v6, v8;
	v3 =	vld [tilespmem:s12+$0x10]  }
0x45f: {  	v12 =	vmul.f32 v12, v8;
	v5 =	vld [tilespmem:s12+$0xFFFFFF80];
	v8 =	vmul.f32 v13, v8  }
.Ltmp30:
0x460: {  	v7 =	vadd.f32 v20, v7;
	v11 =	vadd.f32 v21, v11;
	v6 =	vld [tilespmem:s12+$0xFFFFFF90];
	v13 =	vmul.f32 v16, v2;
	(pc) =	sbr.rel @p0 .LBB2_55-.Ltmp30, $4  }
0x461: {  	v9 =	vadd.f32 v12, v9;
	v10 =	vadd.f32 v8, v10;
	v16 =	vmul.f32 v17, v2;
	v2 =	vld.idx.msk [tilespmem:v14+s9+$0x0], $0xffff  }
0x462: {  	s14 =	sadd.s32 $0x1, s13;
	v14 =	vmov s13;
	v7 =	vadd.f32 v18, v7;
	v11 =	vadd.f32 v19, v11;
	v8 =	vld.idx.msk [tilespmem:v15+s9+$0x0], $0xffff  }
0x463: {  	v17 =	vmov s14;
	v9 =	vadd.f32 v13, v9;
	v12 =	vld [tilespmem:s12+$0xFFFFFFA0];
	v10 =	vadd.f32 v16, v10  }
0x464: {  	s13 =	sadd.s32 $0x2, s13;
	v15 =	vadd.s32 $0x380, v14;
	v14 =	vadd.s32 $0x380, v17;
	v13 =	vld [tilespmem:s12+$0xFFFFFFB0]  }
0x465: {  	v15 =	vand.u32 $0xFFFFFFFE, v15  }
0x466: {  	v16 =	vld [tilespmem:s12+$0x20];
	v15 =	vbroadcast v15, $0x0  }
0x467: {  	v17 =	vld [tilespmem:s12+$0x30];
	s29 =	sadd.s32 $0x100, s12  }
0x468: {  	v14 =	vbroadcast v14, $0x0;
	v18 =	vld [tilespmem:s29+$0x0]  }
0x469: {  	v19 =	vld [tilespmem:s29+$0x10]  }
0x46a: {  	v20 =	vld [tilespmem:s29+$0xFFFFFF80]  }
0x46b: {  	v21 =	vld [tilespmem:s29+$0xFFFFFF90]  }
0x46c: {  	v5 =	vmul.f32 v5, v8;
	v6 =	vmul.f32 v6, v8;
	v15 =	vld.idx.msk [tilespmem:v15+s9+$0x0], $0xffff  }
0x46d: {  	v12 =	vmul.f32 v12, v8;
	v8 =	vmul.f32 v13, v8;
	v13 =	vld [tilespmem:s29+$0xFFFFFFB0]  }
0x46e: {  	v4 =	vmul.f32 v4, v2;
	v3 =	vmul.f32 v3, v2;
	v5 =	vadd.f32 v5, v7;
	v14 =	vld.idx.msk [tilespmem:v14+s9+$0x0], $0xffff  }
0x46f: {  	v7 =	vld [tilespmem:s29+$0xFFFFFFA0];
	v6 =	vadd.f32 v6, v11;
	v11 =	vmul.f32 v16, v2;
	v9 =	vadd.f32 v12, v9  }
0x470: {  	v2 =	vmul.f32 v17, v2;
	v8 =	vadd.f32 v8, v10;
	v4 =	vadd.f32 v4, v5;
	v5 =	vld [tilespmem:s29+$0x30]  }
0x471: {  	v10 =	vld [tilespmem:s29+$0x20];
	v3 =	vadd.f32 v3, v6;
	v6 =	vmul.f32 v20, v15  }
0x472: {  	v9 =	vadd.f32 v11, v9;
	v2 =	vadd.f32 v2, v8;
	v8 =	vmul.f32 v21, v15  }
0x473: {  	v11 =	vmul.f32 v18, v14;
	v12 =	vmul.f32 v13, v15;
	v4 =	vadd.f32 v6, v4  }
0x474: {  	v7 =	vmul.f32 v7, v15;
	v6 =	vmul.f32 v19, v14;
	v3 =	vadd.f32 v8, v3  }
0x475: {  	v5 =	vmul.f32 v5, v14;
	v2 =	vadd.f32 v12, v2;
	v4 =	vadd.f32 v11, v4  }
0x476: {  	v8 =	vmul.f32 v10, v14;
	v7 =	vadd.f32 v7, v9;
	v3 =	vadd.f32 v6, v3  }
0x477: {  	v2 =	vadd.f32 v5, v2;
	v4 =	vmul.f32 $4.882812500e-04, v4  }
0x478: {  	v6 =	vadd.f32 v8, v7;
	v3 =	vmul.f32 $4.882812500e-04, v3  }
0x479: {  	s30 =	simm.s32 $0x0;
	s13 =	simm.s32 $0x1;
	v2 =	vmul.f32 $4.882812500e-04, v2;
	[tilespmem:$0xAB00] =	vst v4  }
0x47a: {  	v5 =	vmov s30;
	v4 =	vmul.f32 $4.882812500e-04, v6;
	v6 =	vmov s13;
	[tilespmem:$0xAB10] =	vst v3  }
0x47b: {  	v3 =	vadd.s32 $0x3C0, v5;
	[tilespmem:$0xAB30] =	vst v2;
	v5 =	vadd.s32 $0x3C0, v6  }
0x47c: {  	s12 =	simm.s32 $0x8080;
	v3 =	vand.u32 $0xFFFFFFFE, v3;
	[tilespmem:$0xAB20] =	vst v4;
	v7 =	vbroadcast v5, $0x0  }
0x47d: {  	v8 =	vbroadcast v3, $0x0;
	v4 =	vld [tilespmem:s12+$0x0]  }
0x47e: {  	v3 =	vld [tilespmem:s12+$0x10]  }
0x47f: {  	v5 =	vld [tilespmem:s12+$0xFFFFFF80]  }
0x480: {  	v6 =	vld [tilespmem:s12+$0xFFFFFF90]  }
0x481: {  	s31 =	simm.s32 $0x2;
	s14 =	simm.s32 $0x3;
	v12 =	vld [tilespmem:s12+$0xFFFFFFA0]  }
0x482: {  	v9 =	vmov s31;
	v10 =	vmov s14;
	v2 =	vld.idx.msk [tilespmem:v7+s9+$0x0], $0xffff  }
0x483: {  	v15 =	vadd.s32 $0x3C0, v9;
	v14 =	vadd.s32 $0x3C0, v10;
	v9 =	vimm.f32 $0.0e+00;
	v8 =	vld.idx.msk [tilespmem:v8+s9+$0x0], $0xffff  }
0x484: {  	v10 =	vimm.f32 $0.0e+00;
	v11 =	vimm.f32 $0.0e+00;
	s13 =	simm.s32 $0x4;
	v13 =	vld [tilespmem:s12+$0xFFFFFFB0];
	v7 =	vimm.f32 $0.0e+00  }
.LBB2_57:
0x485: {  	p0 =	sne.s32 s13, $0x3E;
	v15 =	vand.u32 $0xFFFFFFFE, v15;
	v14 =	vbroadcast v14, $0x0;
	v16 =	vld [tilespmem:s12+$0x20]  }
0x486: {  	v15 =	vbroadcast v15, $0x0;
	v17 =	vld [tilespmem:s12+$0x30];
	s12 =	sadd.s32 $0x100, s12  }
0x487: {  	v18 =	vmul.f32 v4, v2;
	v19 =	vmul.f32 v3, v2;
	v4 =	vld [tilespmem:s12+$0x0]  }
0x488: {  	v20 =	vmul.f32 v5, v8;
	v21 =	vmul.f32 v6, v8;
	v3 =	vld [tilespmem:s12+$0x10]  }
0x489: {  	v12 =	vmul.f32 v12, v8;
	v5 =	vld [tilespmem:s12+$0xFFFFFF80];
	v8 =	vmul.f32 v13, v8  }
.Ltmp31:
0x48a: {  	v7 =	vadd.f32 v20, v7;
	v11 =	vadd.f32 v21, v11;
	v6 =	vld [tilespmem:s12+$0xFFFFFF90];
	v13 =	vmul.f32 v16, v2;
	(pc) =	sbr.rel @p0 .LBB2_57-.Ltmp31, $4  }
0x48b: {  	v9 =	vadd.f32 v12, v9;
	v10 =	vadd.f32 v8, v10;
	v16 =	vmul.f32 v17, v2;
	v2 =	vld.idx.msk [tilespmem:v14+s9+$0x0], $0xffff  }
0x48c: {  	s14 =	sadd.s32 $0x1, s13;
	v14 =	vmov s13;
	v7 =	vadd.f32 v18, v7;
	v11 =	vadd.f32 v19, v11;
	v8 =	vld.idx.msk [tilespmem:v15+s9+$0x0], $0xffff  }
0x48d: {  	v17 =	vmov s14;
	v9 =	vadd.f32 v13, v9;
	v12 =	vld [tilespmem:s12+$0xFFFFFFA0];
	v10 =	vadd.f32 v16, v10  }
0x48e: {  	s13 =	sadd.s32 $0x2, s13;
	v15 =	vadd.s32 $0x3C0, v14;
	v14 =	vadd.s32 $0x3C0, v17;
	v13 =	vld [tilespmem:s12+$0xFFFFFFB0]  }
0x48f: {  	v15 =	vand.u32 $0xFFFFFFFE, v15  }
0x490: {  	v16 =	vld [tilespmem:s12+$0x20];
	v15 =	vbroadcast v15, $0x0  }
0x491: {  	v17 =	vld [tilespmem:s12+$0x30];
	s31 =	sadd.s32 $0x100, s12  }
0x492: {  	v14 =	vbroadcast v14, $0x0;
	v18 =	vld [tilespmem:s31+$0x0]  }
0x493: {  	v19 =	vld [tilespmem:s31+$0x10]  }
0x494: {  	v20 =	vld [tilespmem:s31+$0xFFFFFF80]  }
0x495: {  	v21 =	vld [tilespmem:s31+$0xFFFFFF90]  }
0x496: {  	v4 =	vmul.f32 v4, v2;
	v3 =	vmul.f32 v3, v2;
	v15 =	vld.idx.msk [tilespmem:v15+s9+$0x0], $0xffff  }
0x497: {  	v51 =	vld [tilespmem:s31+$0xFFFFFFA0];
	v5 =	vmul.f32 v5, v8;
	v6 =	vmul.f32 v6, v8  }
0x498: {  	v12 =	vmul.f32 v12, v8;
	v50 =	vmul.f32 v13, v8;
	v14 =	vld.idx.msk [tilespmem:v14+s9+$0x0], $0xffff  }
0x499: {  	v53 =	vld [tilespmem:s31+$0xFFFFFFB0];
	v5 =	vadd.f32 v5, v7;
	v6 =	vadd.f32 v6, v11;
	v52 =	vmul.f32 v16, v2  }
0x49a: {  	v54 =	vld [tilespmem:s31+$0x20];
	v9 =	vadd.f32 v12, v9;
	v2 =	vmul.f32 v17, v2;
	v8 =	vadd.f32 v50, v10  }
0x49b: {  	v55 =	vld [tilespmem:s31+$0x30];
	v4 =	vadd.f32 v4, v5;
	v3 =	vadd.f32 v3, v6;
	v56 =	vmul.f32 v20, v15  }
0x49c: {  	v9 =	vadd.f32 v52, v9;
	v2 =	vadd.f32 v2, v8;
	v57 =	vmul.f32 v21, v15  }
0x49d: {  	v58 =	vmul.f32 v18, v14;
	v7 =	vmul.f32 v51, v15;
	v4 =	vadd.f32 v56, v4  }
0x49e: {  	v59 =	vmul.f32 v19, v14;
	v60 =	vmul.f32 v53, v15;
	v3 =	vadd.f32 v57, v3  }
0x49f: {  	v61 =	vmul.f32 v54, v14;
	v7 =	vadd.f32 v7, v9;
	v4 =	vadd.f32 v58, v4  }
0x4a0: {  	v5 =	vmul.f32 v55, v14;
	v2 =	vadd.f32 v60, v2;
	v3 =	vadd.f32 v59, v3  }
0x4a1: {  	v62 =	vadd.f32 v61, v7;
	v4 =	vmul.f32 $4.882812500e-04, v4  }
0x4a2: {  	v2 =	vadd.f32 v5, v2;
	v3 =	vmul.f32 $4.882812500e-04, v3  }
0x4a3: {  	v63 =	vmul.f32 $4.882812500e-04, v62;
	[tilespmem:$0xAB80] =	vst v4  }
0x4a4: {  	s11 =	sadd.s32 $0x1, s11;
	v2 =	vmul.f32 $4.882812500e-04, v2;
	[tilespmem:$0xAB90] =	vst v3  }
0x4a5: {  	p0 =	sne.s32 s11, s6;
	[tilespmem:$0xABA0] =	vst v63  }
.Ltmp32:
0x4a6: {  	[tilespmem:$0xABB0] =	vst v2;
	(pc) =	sbr.rel @p0 .LBB2_1-.Ltmp32, $4  }
0x4a7: {  	[hbm4b:s5+s3] =	stream.linear.scatter [tilespmem:s10], [sflag:$0x1], $0x800, $0x38;
	[tilespmem:$0xAC00] =	vst v63  }
0x4a8: {  	_ =	swait.ge [sflag:s7], $0x800  }
0x4a9: {  	[sflag:s7] =	ssyncset.done $0x0  }
0x4aa: {  	[sflag:s7] =	ssyncadd.s32 $0xFFFFF800  }
0x4ab: {  	_ =	sfence.sel $0x180000  }
0x4ac: {  	[bflag:$0x0] =	sbarrier.arrive $0xFFFF  }
0x4ad: {  	p0 =	sne.s32 s1, $0x0;
	_ =	strace $0x90000047  }
0x4ae: {  	s0 =	sadd.s32 @!p0 $0x100000, s0;
	[bflag:$0x2] =	sbarrier.arrive $0xFFFF  }
0x4af: {  	[sflag:s0] =	ssyncadd.tile.s32 @!p0 $0x1;
	_ =	shalt  }
.Lfunc_end2:
_tile_overlayer_lowered:
.L_overlay_start_2:
0x4b0: {  	(tag) =	ssettag $0x2  }
0x4b1: {  	s0 =	rddreg [dreg:$0x0];
	s2 =	stileid.u32  }
0x4b2: {  	s1 =	rddreg [dreg:$0x1];
	p0 =	sne.s32 s2, $0x0  }
0x4b3: {  	s3 =	rddreg [dreg:$0x2];
	[bflag:$0x3] =	sbarrier.arrive $0xFFFF;
	s2 =	simm.s32 @!p0 $0x1C01  }
0x4b4: {  	[timem:s3], [sflag:s2] =	dma.local @!p0 [hbm:s0], s1  }
0x4b5: {  	s0 =	simm.s32 @!p0 $0x1  }
0x4b6: {  	_ =	swait.ge @!p0 [sflag:s0], s1  }
0x4b7: {  	s1 =	ssub.s32 @!p0 $0x0, s1;
	[sflag:s0] =	ssyncset.done @!p0 $0x0  }
0x4b8: {  	[sflag:s0] =	ssyncadd.s32 @!p0 s1  }
0x4b9: {  	[bflag:$0x3] =	sbarrier.arrive $0xFFFF  }
0x4ba: {  	_ =	shalt  }

</sc_bundles>
